<compile_context>
chip_gen: v7x
topology: tpu7x:2x2x1
jax: 0.10.2.dev20260603
libtpu: 0.0.44.dev20260713+nightly
codegen_flags: <defaults>
</compile_context>

<pallas_src>
import functools

import jax
import jax.numpy as jnp
from jax import lax
from jax.experimental import pallas as pl
from jax.experimental.pallas import tpu as pltpu
from jax.experimental.pallas import tpu_sc as plsc

_N = 10000
_E = 320000
_D = 128
_H = 8
_HF = 16

_NC = 2
_NS = 16
_NW = _NC * _NS
_EPW = _E // _NW
_C = 40
_NCHUNK = _EPW // _C
_UNROLL = 4
_RPW = _N // _NS

_BN = 1000


def _embed_body(x_ref, wt_ref, l_ref, r_ref, emb_ref, s_ref, t_ref):
    emb = jnp.dot(x_ref[...], wt_ref[...], preferred_element_type=jnp.float32)
    emb_ref[...] = emb
    s_ref[...] = jnp.dot(emb, l_ref[...], preferred_element_type=jnp.float32)
    t_ref[...] = jnp.dot(emb, r_ref[...], preferred_element_type=jnp.float32)


def _combine_body(num_ref, sums_ref, eexp_ref, bias_ref, out_ref):
    n = num_ref[0] + num_ref[1]
    s = sums_ref[0] + sums_ref[1]
    denom = jnp.dot(s, eexp_ref[...], preferred_element_type=jnp.float32)
    out_ref[...] = n / (denom + 1e-16) + bias_ref[...]


def _sc_body(s16_hbm, t16_hbm, emb_hbm, src3_hbm, trg3_hbm, z128, z16,
             num_hbm, sums_hbm,
             sidx_all, tidx_all,
             sts0, stt0, expb0, embb0, sts1, stt1, expb1, embb1,
             num_sp, sums_sp,
             sem_e0, sem_s0, sem_t0, sem_an0, sem_ae0,
             sem_e1, sem_s1, sem_t1, sem_an1, sem_ae1):
    cid = lax.axis_index("c")
    sid = lax.axis_index("s")
    wid = sid * _NC + cid

    bufs = ((sts0, stt0, expb0, embb0, sem_e0, sem_s0, sem_t0, sem_an0, sem_ae0),
            (sts1, stt1, expb1, embb1, sem_e1, sem_s1, sem_t1, sem_an1, sem_ae1))

    rbase = sid * 624

    def row_copy(src_ref, dst_ref):
        @pl.when(sid < _NS - 1)
        def _():
            pltpu.sync_copy(src_ref.at[pl.ds(rbase, 624)],
                            dst_ref.at[pl.ds(rbase, 624)])

        @pl.when(sid == _NS - 1)
        def _():
            pltpu.sync_copy(src_ref.at[pl.ds(9360, 640)],
                            dst_ref.at[pl.ds(9360, 640)])

    row_copy(z128, num_sp)
    row_copy(z16, sums_sp)
    pltpu.sync_copy(src3_hbm.at[wid], sidx_all)
    pltpu.sync_copy(trg3_hbm.at[wid], tidx_all)
    plsc.subcore_barrier()

    def issue(k, b):
        sts, stt, expb, embb, sem_e, sem_s, sem_t, _, _ = bufs[b]
        pltpu.async_copy(emb_hbm.at[sidx_all.at[k]], embb, sem_e)
        pltpu.async_copy(s16_hbm.at[sidx_all.at[k]], sts, sem_s)
        pltpu.async_copy(t16_hbm.at[tidx_all.at[k]], stt, sem_t)

    def compute(k, b):
        sts, stt, expb, embb, sem_e, sem_s, sem_t, sem_an, sem_ae = bufs[b]
        pltpu.make_async_copy(s16_hbm.at[sidx_all.at[k]], sts, sem_s).wait()
        pltpu.make_async_copy(t16_hbm.at[tidx_all.at[k]], stt, sem_t).wait()

        def score_body(j, _):
            for u in range(_UNROLL):
                i = j * _UNROLL + u
                s = sts[i, :] + stt[i, :]
                s = jnp.maximum(s, s * 0.2)
                expb[i, :] = jnp.exp(s)
            return 0
        lax.fori_loop(0, _C // _UNROLL, score_body, 0)
        pltpu.make_async_copy(emb_hbm.at[sidx_all.at[k]], embb, sem_e).wait()

        gdn = lax.GatherDimensionNumbers(
            offset_dims=(), collapsed_slice_dims=(0,), start_index_map=(0,))

        def mul_body(j, _):
            for u in range(_UNROLL):
                i = j * _UNROLL + u
                row = expb[i, :]
                for h in range(_H):
                    w = lax.gather(row, jnp.full((16, 1), h, jnp.int32), gdn,
                                   (1,),
                                   mode=lax.GatherScatterMode.PROMISE_IN_BOUNDS)
                    embb[i, pl.ds(h * _HF, _HF)] = (
                        embb[i, pl.ds(h * _HF, _HF)] * w)
            return 0
        lax.fori_loop(0, _C // _UNROLL, mul_body, 0)
        pltpu.async_copy(embb, num_sp.at[tidx_all.at[k]], sem_an, add=True)
        pltpu.async_copy(expb, sums_sp.at[tidx_all.at[k]], sem_ae, add=True)

    def wait_adds(k, b):
        _, _, expb, embb, _, _, _, sem_an, sem_ae = bufs[b]
        pltpu.make_async_copy(embb, num_sp.at[tidx_all.at[k]], sem_an).wait()
        pltpu.make_async_copy(expb, sums_sp.at[tidx_all.at[k]], sem_ae).wait()

    issue(0, 0)

    def pair_body(i, _):
        a = 2 * i

        @pl.when(i > 0)
        def _():
            wait_adds(a - 1, 1)
        issue(a + 1, 1)
        compute(a, 0)
        compute(a + 1, 1)
        wait_adds(a, 0)
        issue(a + 2, 0)
        return 0

    lax.fori_loop(0, _NCHUNK // 2 - 1, pair_body, 0)
    wait_adds(_NCHUNK - 3, 1)
    issue(_NCHUNK - 1, 1)
    compute(_NCHUNK - 2, 0)
    compute(_NCHUNK - 1, 1)
    wait_adds(_NCHUNK - 2, 0)
    wait_adds(_NCHUNK - 1, 1)
    plsc.subcore_barrier()

    @pl.when(sid < _NS - 1)
    def _():
        pltpu.sync_copy(num_sp.at[pl.ds(rbase, 624)],
                        num_hbm.at[cid, pl.ds(rbase, 624)])
        pltpu.sync_copy(sums_sp.at[pl.ds(rbase, 624)],
                        sums_hbm.at[cid, pl.ds(rbase, 624)])

    @pl.when(sid == _NS - 1)
    def _():
        pltpu.sync_copy(num_sp.at[pl.ds(9360, 640)],
                        num_hbm.at[cid, pl.ds(9360, 640)])
        pltpu.sync_copy(sums_sp.at[pl.ds(9360, 640)],
                        sums_hbm.at[cid, pl.ds(9360, 640)])


_sc_edge_pass = functools.partial(
    pl.kernel,
    out_type=[
        jax.ShapeDtypeStruct((_NC, _N, _D), jnp.float32),
        jax.ShapeDtypeStruct((_NC, _N, _HF), jnp.float32),
    ],
    mesh=plsc.VectorSubcoreMesh(core_axis_name="c", subcore_axis_name="s"),
    compiler_params=pltpu.CompilerParams(use_tc_tiling_on_sc=False),
    scratch_types=[
        pltpu.VMEM((_NCHUNK, _C), jnp.int32),
        pltpu.VMEM((_NCHUNK, _C), jnp.int32),
        pltpu.VMEM((_C, 16), jnp.float32),
        pltpu.VMEM((_C, 16), jnp.float32),
        pltpu.VMEM((_C, 16), jnp.float32),
        pltpu.VMEM((_C, _D), jnp.float32),
        pltpu.VMEM((_C, 16), jnp.float32),
        pltpu.VMEM((_C, 16), jnp.float32),
        pltpu.VMEM((_C, 16), jnp.float32),
        pltpu.VMEM((_C, _D), jnp.float32),
        pltpu.VMEM_SHARED((_N, _D), jnp.float32),
        pltpu.VMEM_SHARED((_N, _HF), jnp.float32),
    ] + [pltpu.SemaphoreType.DMA] * 10,
)(_sc_body)


@jax.jit
def kernel(node_features, edge_index, emb_w, a_left, a_right, bias):
    x = node_features.astype(jnp.float32)
    wt = emb_w.T.astype(jnp.float32)
    al = a_left[:, :, 0].astype(jnp.float32)
    ar = a_right[:, :, 0].astype(jnp.float32)
    d = jnp.arange(_D)
    heads = jnp.arange(_H)
    sel = (d[:, None] // _HF == heads[None, :]).astype(jnp.float32)
    zpad = jnp.zeros((_D, _H), jnp.float32)
    lmat = jnp.concatenate([sel * al.T.reshape(-1)[:, None], zpad], axis=1)
    rmat = jnp.concatenate([sel * ar.T.reshape(-1)[:, None], zpad], axis=1)
    eexp = ((jnp.arange(_HF)[:, None]) == (d[None, :] // _HF)).astype(
        jnp.float32)
    src = edge_index[0].astype(jnp.int32).reshape(_NW, _NCHUNK, _C)
    trg = edge_index[1].astype(jnp.int32).reshape(_NW, _NCHUNK, _C)
    z128 = jnp.zeros((_N, _D), jnp.float32)
    z16 = jnp.zeros((_N, _HF), jnp.float32)

    emb, s16, t16 = pl.pallas_call(
        _embed_body,
        grid=(_N // _BN,),
        in_specs=[
            pl.BlockSpec((_BN, _D), lambda i: (i, 0)),
            pl.BlockSpec((_D, _D), lambda i: (0, 0)),
            pl.BlockSpec((_D, _HF), lambda i: (0, 0)),
            pl.BlockSpec((_D, _HF), lambda i: (0, 0)),
        ],
        out_specs=[
            pl.BlockSpec((_BN, _D), lambda i: (i, 0)),
            pl.BlockSpec((_BN, _HF), lambda i: (i, 0)),
            pl.BlockSpec((_BN, _HF), lambda i: (i, 0)),
        ],
        out_shape=[
            jax.ShapeDtypeStruct((_N, _D), jnp.float32),
            jax.ShapeDtypeStruct((_N, _HF), jnp.float32),
            jax.ShapeDtypeStruct((_N, _HF), jnp.float32),
        ],
    )(x, wt, lmat, rmat)

    num, sums = _sc_edge_pass(s16, t16, emb, src, trg, z128, z16)

    out = pl.pallas_call(
        _combine_body,
        grid=(_N // _BN,),
        in_specs=[
            pl.BlockSpec((_NC, _BN, _D), lambda i: (0, i, 0)),
            pl.BlockSpec((_NC, _BN, _HF), lambda i: (0, i, 0)),
            pl.BlockSpec((_HF, _D), lambda i: (0, 0)),
            pl.BlockSpec((1, _D), lambda i: (0, 0)),
        ],
        out_specs=pl.BlockSpec((_BN, _D), lambda i: (i, 0)),
        out_shape=jax.ShapeDtypeStruct((_N, _D), jnp.float32),
    )(num, sums, eexp, bias.reshape(1, _D).astype(jnp.float32))

    return out

# --- scband reference (transcript-rebuilt; emitter-appended) ---
"""Pipeline reference for scband-gatmodel-59081570124183 (READ-ONLY COPY).

The authoritative reference and input builder live on the scoring server;
editing this copy changes nothing except your own understanding.
"""

import jax, jax.numpy as jnp
import numpy as np

N = 10000
E = 320000
D_IN = 128
D_OUT = 128
HEADS = 8
HF = D_OUT // HEADS  # 16


def setup_inputs(seed: int = 0) -> dict:
    key = jax.random.key(seed)
    k1, k2, k3, k4, k5, k6 = jax.random.split(key, 6)
    node_features = jax.random.normal(k1, (N, D_IN), dtype=jnp.float32)
    edge_index = jax.random.randint(k2, (2, E), 0, N, dtype=jnp.int64)
    # embedding: nn.Linear(in, out, bias=False) -> weight [out, in], y = x @ W.T
    emb_w = jax.random.normal(k3, (D_OUT, D_IN), dtype=jnp.float32) * 0.05
    a_left = jax.random.normal(k4, (HF, HEADS, 1), dtype=jnp.float32) * 0.1
    a_right = jax.random.normal(k5, (HF, HEADS, 1), dtype=jnp.float32) * 0.1
    bias = jnp.zeros((D_OUT,), dtype=jnp.float32)
    return {"node_features": node_features, "edge_index": edge_index,
            "emb_w": emb_w, "a_left": a_left, "a_right": a_right, "bias": bias}


def reference(node_features, edge_index, emb_w, a_left, a_right, bias):
    # EfficientGATLayer.forward (eval mode: dropout = identity)
    emb = node_features @ emb_w.T                      # [N, out]
    emb = emb.reshape(N, HEADS, HF)                    # n h c
    src_scores = jnp.einsum('nhc,chi->nh', emb, a_left)
    tgt_scores = jnp.einsum('nhc,chi->nh', emb, a_right)
    src_idx = edge_index[0]
    trg_idx = edge_index[1]
    # lift: N -> E via gather
    src_lift = jnp.take(src_scores, src_idx, axis=0)   # [E, h]
    tgt_lift = jnp.take(tgt_scores, trg_idx, axis=0)   # [E, h]
    emb_lift = jnp.take(emb, src_idx, axis=0)          # [E, h, c]
    edge_scores = jax.nn.leaky_relu(src_lift + tgt_lift, negative_slope=0.2)
    exp_scores = jnp.exp(edge_scores)                  # [E, h]
    # neighbourhood softmax via scatter-add then gather
    neigh_sums = jax.ops.segment_sum(exp_scores, trg_idx, num_segments=N)  # [N, h]
    denom = jnp.take(neigh_sums, trg_idx, axis=0)      # [E, h]
    attn = (exp_scores / (denom + 1e-16))[..., None]   # [E, h, 1]
    weighted = emb_lift * attn                         # [E, h, c]
    out = jax.ops.segment_sum(weighted, trg_idx, num_segments=N)  # [N, h, c]
    # concat heads + bias
    out = out.reshape(N, HEADS * HF)
    out = out + bias
    return out

if __name__ == "__main__":
    import jax
    _d = setup_inputs()
    print(jax.jit(kernel)(*tuple(_d.values())))

</pallas_src>

<mosaic_0001>
#map = affine_map<(d0, d1) -> (0, 0)>
#map1 = affine_map<(d0, d1) -> (0, 0, 0)>
module attributes {stable_mosaic.version = 14 : i64} {
  func.func @_sc_body(%arg0: i32, %arg1: i32, %arg2: memref<10000x16xf32, #tpu.memory_space<hbm>>, %arg3: memref<10000x16xf32, #tpu.memory_space<hbm>>, %arg4: memref<10000x128xf32, #tpu.memory_space<hbm>>, %arg5: memref<32x250x40xi32, #tpu.memory_space<hbm>>, %arg6: memref<32x250x40xi32, #tpu.memory_space<hbm>>, %arg7: memref<10000x128xf32, #tpu.memory_space<hbm>>, %arg8: memref<10000x16xf32, #tpu.memory_space<hbm>>, %arg9: memref<2x10000x128xf32, #tpu.memory_space<hbm>>, %arg10: memref<2x10000x16xf32, #tpu.memory_space<hbm>>, %arg11: memref<250x40xi32, #tpu.memory_space<vmem>>, %arg12: memref<250x40xi32, #tpu.memory_space<vmem>>, %arg13: memref<40x16xf32, #tpu.memory_space<vmem>>, %arg14: memref<40x16xf32, #tpu.memory_space<vmem>>, %arg15: memref<40x16xf32, #tpu.memory_space<vmem>>, %arg16: memref<40x128xf32, #tpu.memory_space<vmem>>, %arg17: memref<40x16xf32, #tpu.memory_space<vmem>>, %arg18: memref<40x16xf32, #tpu.memory_space<vmem>>, %arg19: memref<40x16xf32, #tpu.memory_space<vmem>>, %arg20: memref<40x128xf32, #tpu.memory_space<vmem>>, %arg21: memref<10000x128xf32, #tpu.memory_space<vmem_shared>>, %arg22: memref<10000x16xf32, #tpu.memory_space<vmem_shared>>, %arg23: memref<!tpu.dma_semaphore, #tpu.memory_space<semaphore_mem>>, %arg24: memref<!tpu.dma_semaphore, #tpu.memory_space<semaphore_mem>>, %arg25: memref<!tpu.dma_semaphore, #tpu.memory_space<semaphore_mem>>, %arg26: memref<!tpu.dma_semaphore, #tpu.memory_space<semaphore_mem>>, %arg27: memref<!tpu.dma_semaphore, #tpu.memory_space<semaphore_mem>>, %arg28: memref<!tpu.dma_semaphore, #tpu.memory_space<semaphore_mem>>, %arg29: memref<!tpu.dma_semaphore, #tpu.memory_space<semaphore_mem>>, %arg30: memref<!tpu.dma_semaphore, #tpu.memory_space<semaphore_mem>>, %arg31: memref<!tpu.dma_semaphore, #tpu.memory_space<semaphore_mem>>, %arg32: memref<!tpu.dma_semaphore, #tpu.memory_space<semaphore_mem>>) attributes {dimension_semantics = [#tpu.dimension_semantics<core_parallel>, #tpu.dimension_semantics<subcore_parallel>], iteration_bounds = array<i64: 2, 16>, scalar_prefetch = 0 : i64, scratch_operands = 22 : i64, tpu.core_type = #tpu.core_type<sc_vector_subcore>, window_params = [{transform_indices = #map}, {transform_indices = #map}, {transform_indices = #map}, {transform_indices = #map1}, {transform_indices = #map1}, {transform_indices = #map}, {transform_indices = #map}, {transform_indices = #map1}, {transform_indices = #map1}]} {
    %mul3A = arith.constant 2 : i32
    %mul3A_0 = arith.muli %arg1, %mul3A : i32
    %add3A = arith.addi %mul3A_0, %arg0 : i32
    %mul3A_1 = arith.constant 624 : i32
    %mul3A_2 = arith.muli %arg1, %mul3A_1 : i32
    %lt3A = arith.constant 15 : i32
    %lt3A_3 = arith.cmpi slt, %arg1, %lt3A : i32
    %convert_element_type3A = arith.extui %lt3A_3 : i1 to i32
    %cond3A = arith.constant 0 : i32
    %cond3A_4 = arith.cmpi ne, %convert_element_type3A, %cond3A : i32
    scf.if %cond3A_4 {
      "tpu.region"() ({
        %run_scoped3A = tpu.sem_alloc : memref<!tpu.dma_semaphore, #tpu.memory_space<semaphore_mem>>
        %dma_start3A_216 = arith.constant 0 : i32
        %dma_start3A_217 = tpu.memref_slice %arg21[%mul3A_2, %dma_start3A_216] : memref<10000x128xf32, #tpu.memory_space<vmem_shared>> -> memref<624x128xf32, #tpu.memory_space<vmem_shared>>
        %dma_start3A_218 = arith.constant 0 : i32
        %dma_start3A_219 = tpu.memref_slice %arg7[%mul3A_2, %dma_start3A_218] : memref<10000x128xf32, #tpu.memory_space<hbm>> -> memref<624x128xf32, #tpu.memory_space<hbm>>
        tpu.enqueue_dma source(%dma_start3A_219 : memref<624x128xf32, #tpu.memory_space<hbm>>) target(%dma_start3A_217 : memref<624x128xf32, #tpu.memory_space<vmem_shared>>) target_semaphore(%run_scoped3A : memref<!tpu.dma_semaphore, #tpu.memory_space<semaphore_mem>>)
        %dma_wait3A_220 = arith.constant 0 : i32
        %dma_wait3A_221 = tpu.memref_slice %arg21[%mul3A_2, %dma_wait3A_220] : memref<10000x128xf32, #tpu.memory_space<vmem_shared>> -> memref<624x128xf32, #tpu.memory_space<vmem_shared>>
        %dma_wait3A_222 = arith.constant 0 : i32
        %dma_wait3A_223 = tpu.memref_slice %arg7[%mul3A_2, %dma_wait3A_222] : memref<10000x128xf32, #tpu.memory_space<hbm>> -> memref<624x128xf32, #tpu.memory_space<hbm>>
        tpu.wait_dma2 semaphore(%run_scoped3A : memref<!tpu.dma_semaphore, #tpu.memory_space<semaphore_mem>>) src(%dma_wait3A_223 : memref<624x128xf32, #tpu.memory_space<hbm>>) dst(%dma_wait3A_221 : memref<624x128xf32, #tpu.memory_space<vmem_shared>>)
        tpu.yield
      }) : () -> ()
    } else {
    }
    %eq3A = arith.constant 15 : i32
    %eq3A_5 = arith.cmpi eq, %arg1, %eq3A : i32
    %convert_element_type3A_6 = arith.extui %eq3A_5 : i1 to i32
    %cond3A_7 = arith.constant 0 : i32
    %cond3A_8 = arith.cmpi ne, %convert_element_type3A_6, %cond3A_7 : i32
    scf.if %cond3A_8 {
      "tpu.region"() ({
        %run_scoped3A = tpu.sem_alloc : memref<!tpu.dma_semaphore, #tpu.memory_space<semaphore_mem>>
        %dma_start3A_216 = arith.constant 9360 : i32
        %dma_start3A_217 = arith.constant 0 : i32
        %dma_start3A_218 = tpu.memref_slice %arg21[%dma_start3A_216, %dma_start3A_217] : memref<10000x128xf32, #tpu.memory_space<vmem_shared>> -> memref<640x128xf32, #tpu.memory_space<vmem_shared>>
        %dma_start3A_219 = arith.constant 9360 : i32
        %dma_start3A_220 = arith.constant 0 : i32
        %dma_start3A_221 = tpu.memref_slice %arg7[%dma_start3A_219, %dma_start3A_220] : memref<10000x128xf32, #tpu.memory_space<hbm>> -> memref<640x128xf32, #tpu.memory_space<hbm>>
        tpu.enqueue_dma source(%dma_start3A_221 : memref<640x128xf32, #tpu.memory_space<hbm>>) target(%dma_start3A_218 : memref<640x128xf32, #tpu.memory_space<vmem_shared>>) target_semaphore(%run_scoped3A : memref<!tpu.dma_semaphore, #tpu.memory_space<semaphore_mem>>)
        %dma_wait3A_222 = arith.constant 9360 : i32
        %dma_wait3A_223 = arith.constant 0 : i32
        %dma_wait3A_224 = tpu.memref_slice %arg21[%dma_wait3A_222, %dma_wait3A_223] : memref<10000x128xf32, #tpu.memory_space<vmem_shared>> -> memref<640x128xf32, #tpu.memory_space<vmem_shared>>
        %dma_wait3A_225 = arith.constant 9360 : i32
        %dma_wait3A_226 = arith.constant 0 : i32
        %dma_wait3A_227 = tpu.memref_slice %arg7[%dma_wait3A_225, %dma_wait3A_226] : memref<10000x128xf32, #tpu.memory_space<hbm>> -> memref<640x128xf32, #tpu.memory_space<hbm>>
        tpu.wait_dma2 semaphore(%run_scoped3A : memref<!tpu.dma_semaphore, #tpu.memory_space<semaphore_mem>>) src(%dma_wait3A_227 : memref<640x128xf32, #tpu.memory_space<hbm>>) dst(%dma_wait3A_224 : memref<640x128xf32, #tpu.memory_space<vmem_shared>>)
        tpu.yield
      }) : () -> ()
    } else {
    }
    %lt3A_9 = arith.constant 15 : i32
    %lt3A_10 = arith.cmpi slt, %arg1, %lt3A_9 : i32
    %convert_element_type3A_11 = arith.extui %lt3A_10 : i1 to i32
    %cond3A_12 = arith.constant 0 : i32
    %cond3A_13 = arith.cmpi ne, %convert_element_type3A_11, %cond3A_12 : i32
    scf.if %cond3A_13 {
      "tpu.region"() ({
        %run_scoped3A = tpu.sem_alloc : memref<!tpu.dma_semaphore, #tpu.memory_space<semaphore_mem>>
        %dma_start3A_216 = arith.constant 0 : i32
        %dma_start3A_217 = tpu.memref_slice %arg22[%mul3A_2, %dma_start3A_216] : memref<10000x16xf32, #tpu.memory_space<vmem_shared>> -> memref<624x16xf32, #tpu.memory_space<vmem_shared>>
        %dma_start3A_218 = arith.constant 0 : i32
        %dma_start3A_219 = tpu.memref_slice %arg8[%mul3A_2, %dma_start3A_218] : memref<10000x16xf32, #tpu.memory_space<hbm>> -> memref<624x16xf32, #tpu.memory_space<hbm>>
        tpu.enqueue_dma source(%dma_start3A_219 : memref<624x16xf32, #tpu.memory_space<hbm>>) target(%dma_start3A_217 : memref<624x16xf32, #tpu.memory_space<vmem_shared>>) target_semaphore(%run_scoped3A : memref<!tpu.dma_semaphore, #tpu.memory_space<semaphore_mem>>)
        %dma_wait3A_220 = arith.constant 0 : i32
        %dma_wait3A_221 = tpu.memref_slice %arg22[%mul3A_2, %dma_wait3A_220] : memref<10000x16xf32, #tpu.memory_space<vmem_shared>> -> memref<624x16xf32, #tpu.memory_space<vmem_shared>>
        %dma_wait3A_222 = arith.constant 0 : i32
        %dma_wait3A_223 = tpu.memref_slice %arg8[%mul3A_2, %dma_wait3A_222] : memref<10000x16xf32, #tpu.memory_space<hbm>> -> memref<624x16xf32, #tpu.memory_space<hbm>>
        tpu.wait_dma2 semaphore(%run_scoped3A : memref<!tpu.dma_semaphore, #tpu.memory_space<semaphore_mem>>) src(%dma_wait3A_223 : memref<624x16xf32, #tpu.memory_space<hbm>>) dst(%dma_wait3A_221 : memref<624x16xf32, #tpu.memory_space<vmem_shared>>)
        tpu.yield
      }) : () -> ()
    } else {
    }
    %eq3A_14 = arith.constant 15 : i32
    %eq3A_15 = arith.cmpi eq, %arg1, %eq3A_14 : i32
    %convert_element_type3A_16 = arith.extui %eq3A_15 : i1 to i32
    %cond3A_17 = arith.constant 0 : i32
    %cond3A_18 = arith.cmpi ne, %convert_element_type3A_16, %cond3A_17 : i32
    scf.if %cond3A_18 {
      "tpu.region"() ({
        %run_scoped3A = tpu.sem_alloc : memref<!tpu.dma_semaphore, #tpu.memory_space<semaphore_mem>>
        %dma_start3A_216 = arith.constant 9360 : i32
        %dma_start3A_217 = arith.constant 0 : i32
        %dma_start3A_218 = tpu.memref_slice %arg22[%dma_start3A_216, %dma_start3A_217] : memref<10000x16xf32, #tpu.memory_space<vmem_shared>> -> memref<640x16xf32, #tpu.memory_space<vmem_shared>>
        %dma_start3A_219 = arith.constant 9360 : i32
        %dma_start3A_220 = arith.constant 0 : i32
        %dma_start3A_221 = tpu.memref_slice %arg8[%dma_start3A_219, %dma_start3A_220] : memref<10000x16xf32, #tpu.memory_space<hbm>> -> memref<640x16xf32, #tpu.memory_space<hbm>>
        tpu.enqueue_dma source(%dma_start3A_221 : memref<640x16xf32, #tpu.memory_space<hbm>>) target(%dma_start3A_218 : memref<640x16xf32, #tpu.memory_space<vmem_shared>>) target_semaphore(%run_scoped3A : memref<!tpu.dma_semaphore, #tpu.memory_space<semaphore_mem>>)
        %dma_wait3A_222 = arith.constant 9360 : i32
        %dma_wait3A_223 = arith.constant 0 : i32
        %dma_wait3A_224 = tpu.memref_slice %arg22[%dma_wait3A_222, %dma_wait3A_223] : memref<10000x16xf32, #tpu.memory_space<vmem_shared>> -> memref<640x16xf32, #tpu.memory_space<vmem_shared>>
        %dma_wait3A_225 = arith.constant 9360 : i32
        %dma_wait3A_226 = arith.constant 0 : i32
        %dma_wait3A_227 = tpu.memref_slice %arg8[%dma_wait3A_225, %dma_wait3A_226] : memref<10000x16xf32, #tpu.memory_space<hbm>> -> memref<640x16xf32, #tpu.memory_space<hbm>>
        tpu.wait_dma2 semaphore(%run_scoped3A : memref<!tpu.dma_semaphore, #tpu.memory_space<semaphore_mem>>) src(%dma_wait3A_227 : memref<640x16xf32, #tpu.memory_space<hbm>>) dst(%dma_wait3A_224 : memref<640x16xf32, #tpu.memory_space<vmem_shared>>)
        tpu.yield
      }) : () -> ()
    } else {
    }
    "tpu.region"() ({
      %run_scoped3A = tpu.sem_alloc : memref<!tpu.dma_semaphore, #tpu.memory_space<semaphore_mem>>
      %dma_start3A_216 = arith.constant 0 : i32
      %dma_start3A_217 = arith.constant 0 : i32
      %dma_start3A_218 = tpu.memref_slice %arg5[%add3A, %dma_start3A_216, %dma_start3A_217] : memref<32x250x40xi32, #tpu.memory_space<hbm>> -> memref<1x250x40xi32, #tpu.memory_space<hbm>>
      %dma_start3A_219 = tpu.memref_squeeze %dma_start3A_218 : memref<1x250x40xi32, #tpu.memory_space<hbm>> -> memref<250x40xi32, #tpu.memory_space<hbm>>
      %dma_start3A_220 = arith.constant 0 : i32
      %dma_start3A_221 = arith.constant 0 : i32
      %dma_start3A_222 = tpu.memref_slice %arg5[%add3A, %dma_start3A_220, %dma_start3A_221] : memref<32x250x40xi32, #tpu.memory_space<hbm>> -> memref<1x250x40xi32, #tpu.memory_space<hbm>>
      %dma_start3A_223 = tpu.memref_squeeze %dma_start3A_222 : memref<1x250x40xi32, #tpu.memory_space<hbm>> -> memref<250x40xi32, #tpu.memory_space<hbm>>
      tpu.enqueue_dma source(%dma_start3A_223 : memref<250x40xi32, #tpu.memory_space<hbm>>) target(%arg11 : memref<250x40xi32, #tpu.memory_space<vmem>>) target_semaphore(%run_scoped3A : memref<!tpu.dma_semaphore, #tpu.memory_space<semaphore_mem>>)
      %dma_wait3A_224 = arith.constant 0 : i32
      %dma_wait3A_225 = arith.constant 0 : i32
      %dma_wait3A_226 = tpu.memref_slice %arg5[%add3A, %dma_wait3A_224, %dma_wait3A_225] : memref<32x250x40xi32, #tpu.memory_space<hbm>> -> memref<1x250x40xi32, #tpu.memory_space<hbm>>
      %dma_wait3A_227 = tpu.memref_squeeze %dma_wait3A_226 : memref<1x250x40xi32, #tpu.memory_space<hbm>> -> memref<250x40xi32, #tpu.memory_space<hbm>>
      %dma_wait3A_228 = arith.constant 0 : i32
      %dma_wait3A_229 = arith.constant 0 : i32
      %dma_wait3A_230 = tpu.memref_slice %arg5[%add3A, %dma_wait3A_228, %dma_wait3A_229] : memref<32x250x40xi32, #tpu.memory_space<hbm>> -> memref<1x250x40xi32, #tpu.memory_space<hbm>>
      %dma_wait3A_231 = tpu.memref_squeeze %dma_wait3A_230 : memref<1x250x40xi32, #tpu.memory_space<hbm>> -> memref<250x40xi32, #tpu.memory_space<hbm>>
      tpu.wait_dma2 semaphore(%run_scoped3A : memref<!tpu.dma_semaphore, #tpu.memory_space<semaphore_mem>>) src(%dma_wait3A_231 : memref<250x40xi32, #tpu.memory_space<hbm>>) dst(%arg11 : memref<250x40xi32, #tpu.memory_space<vmem>>)
      tpu.yield
    }) : () -> ()
    "tpu.region"() ({
      %run_scoped3A = tpu.sem_alloc : memref<!tpu.dma_semaphore, #tpu.memory_space<semaphore_mem>>
      %dma_start3A_216 = arith.constant 0 : i32
      %dma_start3A_217 = arith.constant 0 : i32
      %dma_start3A_218 = tpu.memref_slice %arg6[%add3A, %dma_start3A_216, %dma_start3A_217] : memref<32x250x40xi32, #tpu.memory_space<hbm>> -> memref<1x250x40xi32, #tpu.memory_space<hbm>>
      %dma_start3A_219 = tpu.memref_squeeze %dma_start3A_218 : memref<1x250x40xi32, #tpu.memory_space<hbm>> -> memref<250x40xi32, #tpu.memory_space<hbm>>
      %dma_start3A_220 = arith.constant 0 : i32
      %dma_start3A_221 = arith.constant 0 : i32
      %dma_start3A_222 = tpu.memref_slice %arg6[%add3A, %dma_start3A_220, %dma_start3A_221] : memref<32x250x40xi32, #tpu.memory_space<hbm>> -> memref<1x250x40xi32, #tpu.memory_space<hbm>>
      %dma_start3A_223 = tpu.memref_squeeze %dma_start3A_222 : memref<1x250x40xi32, #tpu.memory_space<hbm>> -> memref<250x40xi32, #tpu.memory_space<hbm>>
      tpu.enqueue_dma source(%dma_start3A_223 : memref<250x40xi32, #tpu.memory_space<hbm>>) target(%arg12 : memref<250x40xi32, #tpu.memory_space<vmem>>) target_semaphore(%run_scoped3A : memref<!tpu.dma_semaphore, #tpu.memory_space<semaphore_mem>>)
      %dma_wait3A_224 = arith.constant 0 : i32
      %dma_wait3A_225 = arith.constant 0 : i32
      %dma_wait3A_226 = tpu.memref_slice %arg6[%add3A, %dma_wait3A_224, %dma_wait3A_225] : memref<32x250x40xi32, #tpu.memory_space<hbm>> -> memref<1x250x40xi32, #tpu.memory_space<hbm>>
      %dma_wait3A_227 = tpu.memref_squeeze %dma_wait3A_226 : memref<1x250x40xi32, #tpu.memory_space<hbm>> -> memref<250x40xi32, #tpu.memory_space<hbm>>
      %dma_wait3A_228 = arith.constant 0 : i32
      %dma_wait3A_229 = arith.constant 0 : i32
      %dma_wait3A_230 = tpu.memref_slice %arg6[%add3A, %dma_wait3A_228, %dma_wait3A_229] : memref<32x250x40xi32, #tpu.memory_space<hbm>> -> memref<1x250x40xi32, #tpu.memory_space<hbm>>
      %dma_wait3A_231 = tpu.memref_squeeze %dma_wait3A_230 : memref<1x250x40xi32, #tpu.memory_space<hbm>> -> memref<250x40xi32, #tpu.memory_space<hbm>>
      tpu.wait_dma2 semaphore(%run_scoped3A : memref<!tpu.dma_semaphore, #tpu.memory_space<semaphore_mem>>) src(%dma_wait3A_231 : memref<250x40xi32, #tpu.memory_space<hbm>>) dst(%arg12 : memref<250x40xi32, #tpu.memory_space<vmem>>)
      tpu.yield
    }) : () -> ()
    %barrier3A = arith.constant 0 : index
    tpu.barrier barrier_id(%barrier3A)
    %dma_start3A = arith.constant 0 : i32
    %dma_start3A_19 = arith.constant 0 : i32
    %dma_start3A_20 = tpu.memref_slice %arg11[%dma_start3A, %dma_start3A_19] : memref<250x40xi32, #tpu.memory_space<vmem>> -> memref<1x40xi32, #tpu.memory_space<vmem>>
    %dma_start3A_21 = tpu.memref_squeeze %dma_start3A_20 : memref<1x40xi32, #tpu.memory_space<vmem>> -> memref<40xi32, #tpu.memory_space<vmem>>
    %dma_start3A_22 = arith.constant 0 : i32
    %dma_start3A_23 = arith.constant 0 : i32
    %dma_start3A_24 = tpu.memref_slice %arg4[%dma_start3A_22, %dma_start3A_23] : memref<10000x128xf32, #tpu.memory_space<hbm>> -> memref<10000x128xf32, #tpu.memory_space<hbm>>
    tpu.enqueue_indirect_dma source(%dma_start3A_24 : memref<10000x128xf32, #tpu.memory_space<hbm>>) target(%arg16 : memref<40x128xf32, #tpu.memory_space<vmem>>) offsets(%dma_start3A_21 : memref<40xi32, #tpu.memory_space<vmem>>) semaphore(%arg23 : memref<!tpu.dma_semaphore, #tpu.memory_space<semaphore_mem>>)
    %dma_start3A_25 = arith.constant 0 : i32
    %dma_start3A_26 = arith.constant 0 : i32
    %dma_start3A_27 = tpu.memref_slice %arg11[%dma_start3A_25, %dma_start3A_26] : memref<250x40xi32, #tpu.memory_space<vmem>> -> memref<1x40xi32, #tpu.memory_space<vmem>>
    %dma_start3A_28 = tpu.memref_squeeze %dma_start3A_27 : memref<1x40xi32, #tpu.memory_space<vmem>> -> memref<40xi32, #tpu.memory_space<vmem>>
    %dma_start3A_29 = arith.constant 0 : i32
    %dma_start3A_30 = arith.constant 0 : i32
    %dma_start3A_31 = tpu.memref_slice %arg2[%dma_start3A_29, %dma_start3A_30] : memref<10000x16xf32, #tpu.memory_space<hbm>> -> memref<10000x16xf32, #tpu.memory_space<hbm>>
    tpu.enqueue_indirect_dma source(%dma_start3A_31 : memref<10000x16xf32, #tpu.memory_space<hbm>>) target(%arg13 : memref<40x16xf32, #tpu.memory_space<vmem>>) offsets(%dma_start3A_28 : memref<40xi32, #tpu.memory_space<vmem>>) semaphore(%arg24 : memref<!tpu.dma_semaphore, #tpu.memory_space<semaphore_mem>>)
    %dma_start3A_32 = arith.constant 0 : i32
    %dma_start3A_33 = arith.constant 0 : i32
    %dma_start3A_34 = tpu.memref_slice %arg12[%dma_start3A_32, %dma_start3A_33] : memref<250x40xi32, #tpu.memory_space<vmem>> -> memref<1x40xi32, #tpu.memory_space<vmem>>
    %dma_start3A_35 = tpu.memref_squeeze %dma_start3A_34 : memref<1x40xi32, #tpu.memory_space<vmem>> -> memref<40xi32, #tpu.memory_space<vmem>>
    %dma_start3A_36 = arith.constant 0 : i32
    %dma_start3A_37 = arith.constant 0 : i32
    %dma_start3A_38 = tpu.memref_slice %arg3[%dma_start3A_36, %dma_start3A_37] : memref<10000x16xf32, #tpu.memory_space<hbm>> -> memref<10000x16xf32, #tpu.memory_space<hbm>>
    tpu.enqueue_indirect_dma source(%dma_start3A_38 : memref<10000x16xf32, #tpu.memory_space<hbm>>) target(%arg14 : memref<40x16xf32, #tpu.memory_space<vmem>>) offsets(%dma_start3A_35 : memref<40xi32, #tpu.memory_space<vmem>>) semaphore(%arg25 : memref<!tpu.dma_semaphore, #tpu.memory_space<semaphore_mem>>)
    %scan3A = arith.constant 0 : i32
    %scan3A_39 = arith.constant 0 : i32
    %scan3A_40 = arith.constant 124 : i32
    %scan3A_41 = arith.addi %scan3A_39, %scan3A_40 : i32
    %scan3A_42 = arith.constant 1 : i32
    %scan3A_43 = scf.for %scan3A_216 = %scan3A_39 to %scan3A_41 step %scan3A_42 iter_args(%scan3A_217 = %scan3A) -> (i32)  : i32 {
      %mul3A_218 = arith.constant 2 : i32
      %mul3A_219 = arith.muli %mul3A_218, %scan3A_216 : i32
      %gt3A = arith.constant 0 : i32
      %gt3A_220 = arith.cmpi sgt, %scan3A_216, %gt3A : i32
      %convert_element_type3A_221 = arith.extui %gt3A_220 : i1 to i32
      %cond3A_222 = arith.constant 0 : i32
      %cond3A_223 = arith.cmpi ne, %convert_element_type3A_221, %cond3A_222 : i32
      scf.if %cond3A_223 {
        %sub3A = arith.constant 1 : i32
        %sub3A_367 = arith.subi %mul3A_219, %sub3A : i32
        %dma_wait3A_368 = arith.constant 0 : i32
        %dma_wait3A_369 = tpu.memref_slice %arg12[%sub3A_367, %dma_wait3A_368] : memref<250x40xi32, #tpu.memory_space<vmem>> -> memref<1x40xi32, #tpu.memory_space<vmem>>
        %dma_wait3A_370 = tpu.memref_squeeze %dma_wait3A_369 : memref<1x40xi32, #tpu.memory_space<vmem>> -> memref<40xi32, #tpu.memory_space<vmem>>
        %dma_wait3A_371 = arith.constant 0 : i32
        %dma_wait3A_372 = arith.constant 0 : i32
        %dma_wait3A_373 = tpu.memref_slice %arg21[%dma_wait3A_371, %dma_wait3A_372] : memref<10000x128xf32, #tpu.memory_space<vmem_shared>> -> memref<10000x128xf32, #tpu.memory_space<vmem_shared>>
        tpu.wait_indirect_dma semaphore(%arg31 : memref<!tpu.dma_semaphore, #tpu.memory_space<semaphore_mem>>) src(%arg20 : memref<40x128xf32, #tpu.memory_space<vmem>>) dst(%dma_wait3A_373 : memref<10000x128xf32, #tpu.memory_space<vmem_shared>>)
        %dma_wait3A_374 = arith.constant 0 : i32
        %dma_wait3A_375 = tpu.memref_slice %arg12[%sub3A_367, %dma_wait3A_374] : memref<250x40xi32, #tpu.memory_space<vmem>> -> memref<1x40xi32, #tpu.memory_space<vmem>>
        %dma_wait3A_376 = tpu.memref_squeeze %dma_wait3A_375 : memref<1x40xi32, #tpu.memory_space<vmem>> -> memref<40xi32, #tpu.memory_space<vmem>>
        %dma_wait3A_377 = arith.constant 0 : i32
        %dma_wait3A_378 = arith.constant 0 : i32
        %dma_wait3A_379 = tpu.memref_slice %arg22[%dma_wait3A_377, %dma_wait3A_378] : memref<10000x16xf32, #tpu.memory_space<vmem_shared>> -> memref<10000x16xf32, #tpu.memory_space<vmem_shared>>
        tpu.wait_indirect_dma semaphore(%arg32 : memref<!tpu.dma_semaphore, #tpu.memory_space<semaphore_mem>>) src(%arg19 : memref<40x16xf32, #tpu.memory_space<vmem>>) dst(%dma_wait3A_379 : memref<10000x16xf32, #tpu.memory_space<vmem_shared>>)
      } else {
      }
      %add3A_224 = arith.constant 1 : i32
      %add3A_225 = arith.addi %mul3A_219, %add3A_224 : i32
      %dma_start3A_226 = arith.constant 0 : i32
      %dma_start3A_227 = tpu.memref_slice %arg11[%add3A_225, %dma_start3A_226] : memref<250x40xi32, #tpu.memory_space<vmem>> -> memref<1x40xi32, #tpu.memory_space<vmem>>
      %dma_start3A_228 = tpu.memref_squeeze %dma_start3A_227 : memref<1x40xi32, #tpu.memory_space<vmem>> -> memref<40xi32, #tpu.memory_space<vmem>>
      %dma_start3A_229 = arith.constant 0 : i32
      %dma_start3A_230 = arith.constant 0 : i32
      %dma_start3A_231 = tpu.memref_slice %arg4[%dma_start3A_229, %dma_start3A_230] : memref<10000x128xf32, #tpu.memory_space<hbm>> -> memref<10000x128xf32, #tpu.memory_space<hbm>>
      tpu.enqueue_indirect_dma source(%dma_start3A_231 : memref<10000x128xf32, #tpu.memory_space<hbm>>) target(%arg20 : memref<40x128xf32, #tpu.memory_space<vmem>>) offsets(%dma_start3A_228 : memref<40xi32, #tpu.memory_space<vmem>>) semaphore(%arg28 : memref<!tpu.dma_semaphore, #tpu.memory_space<semaphore_mem>>)
      %dma_start3A_232 = arith.constant 0 : i32
      %dma_start3A_233 = tpu.memref_slice %arg11[%add3A_225, %dma_start3A_232] : memref<250x40xi32, #tpu.memory_space<vmem>> -> memref<1x40xi32, #tpu.memory_space<vmem>>
      %dma_start3A_234 = tpu.memref_squeeze %dma_start3A_233 : memref<1x40xi32, #tpu.memory_space<vmem>> -> memref<40xi32, #tpu.memory_space<vmem>>
      %dma_start3A_235 = arith.constant 0 : i32
      %dma_start3A_236 = arith.constant 0 : i32
      %dma_start3A_237 = tpu.memref_slice %arg2[%dma_start3A_235, %dma_start3A_236] : memref<10000x16xf32, #tpu.memory_space<hbm>> -> memref<10000x16xf32, #tpu.memory_space<hbm>>
      tpu.enqueue_indirect_dma source(%dma_start3A_237 : memref<10000x16xf32, #tpu.memory_space<hbm>>) target(%arg17 : memref<40x16xf32, #tpu.memory_space<vmem>>) offsets(%dma_start3A_234 : memref<40xi32, #tpu.memory_space<vmem>>) semaphore(%arg29 : memref<!tpu.dma_semaphore, #tpu.memory_space<semaphore_mem>>)
      %dma_start3A_238 = arith.constant 0 : i32
      %dma_start3A_239 = tpu.memref_slice %arg12[%add3A_225, %dma_start3A_238] : memref<250x40xi32, #tpu.memory_space<vmem>> -> memref<1x40xi32, #tpu.memory_space<vmem>>
      %dma_start3A_240 = tpu.memref_squeeze %dma_start3A_239 : memref<1x40xi32, #tpu.memory_space<vmem>> -> memref<40xi32, #tpu.memory_space<vmem>>
      %dma_start3A_241 = arith.constant 0 : i32
      %dma_start3A_242 = arith.constant 0 : i32
      %dma_start3A_243 = tpu.memref_slice %arg3[%dma_start3A_241, %dma_start3A_242] : memref<10000x16xf32, #tpu.memory_space<hbm>> -> memref<10000x16xf32, #tpu.memory_space<hbm>>
      tpu.enqueue_indirect_dma source(%dma_start3A_243 : memref<10000x16xf32, #tpu.memory_space<hbm>>) target(%arg18 : memref<40x16xf32, #tpu.memory_space<vmem>>) offsets(%dma_start3A_240 : memref<40xi32, #tpu.memory_space<vmem>>) semaphore(%arg30 : memref<!tpu.dma_semaphore, #tpu.memory_space<semaphore_mem>>)
      %dma_wait3A_244 = arith.constant 0 : i32
      %dma_wait3A_245 = tpu.memref_slice %arg11[%mul3A_219, %dma_wait3A_244] : memref<250x40xi32, #tpu.memory_space<vmem>> -> memref<1x40xi32, #tpu.memory_space<vmem>>
      %dma_wait3A_246 = tpu.memref_squeeze %dma_wait3A_245 : memref<1x40xi32, #tpu.memory_space<vmem>> -> memref<40xi32, #tpu.memory_space<vmem>>
      %dma_wait3A_247 = arith.constant 0 : i32
      %dma_wait3A_248 = arith.constant 0 : i32
      %dma_wait3A_249 = tpu.memref_slice %arg2[%dma_wait3A_247, %dma_wait3A_248] : memref<10000x16xf32, #tpu.memory_space<hbm>> -> memref<10000x16xf32, #tpu.memory_space<hbm>>
      tpu.wait_indirect_dma semaphore(%arg24 : memref<!tpu.dma_semaphore, #tpu.memory_space<semaphore_mem>>) src(%dma_wait3A_249 : memref<10000x16xf32, #tpu.memory_space<hbm>>) dst(%arg13 : memref<40x16xf32, #tpu.memory_space<vmem>>)
      %dma_wait3A_250 = arith.constant 0 : i32
      %dma_wait3A_251 = tpu.memref_slice %arg12[%mul3A_219, %dma_wait3A_250] : memref<250x40xi32, #tpu.memory_space<vmem>> -> memref<1x40xi32, #tpu.memory_space<vmem>>
      %dma_wait3A_252 = tpu.memref_squeeze %dma_wait3A_251 : memref<1x40xi32, #tpu.memory_space<vmem>> -> memref<40xi32, #tpu.memory_space<vmem>>
      %dma_wait3A_253 = arith.constant 0 : i32
      %dma_wait3A_254 = arith.constant 0 : i32
      %dma_wait3A_255 = tpu.memref_slice %arg3[%dma_wait3A_253, %dma_wait3A_254] : memref<10000x16xf32, #tpu.memory_space<hbm>> -> memref<10000x16xf32, #tpu.memory_space<hbm>>
      tpu.wait_indirect_dma semaphore(%arg25 : memref<!tpu.dma_semaphore, #tpu.memory_space<semaphore_mem>>) src(%dma_wait3A_255 : memref<10000x16xf32, #tpu.memory_space<hbm>>) dst(%arg14 : memref<40x16xf32, #tpu.memory_space<vmem>>)
      %scan3A_256 = arith.constant 0 : i32
      %scan3A_257 = arith.constant 0 : i32
      %scan3A_258 = arith.constant 10 : i32
      %scan3A_259 = arith.addi %scan3A_257, %scan3A_258 : i32
      %scan3A_260 = arith.constant 1 : i32
      %scan3A_261 = scf.for %scan3A_367 = %scan3A_257 to %scan3A_259 step %scan3A_260 iter_args(%scan3A_368 = %scan3A_256) -> (i32)  : i32 {
        %mul3A_369 = arith.constant 4 : i32
        %mul3A_370 = arith.muli %scan3A_367, %mul3A_369 : i32
        %add3A_371 = arith.constant 0 : i32
        %add3A_372 = arith.addi %mul3A_370, %add3A_371 : i32
        %get3A = arith.index_cast %add3A_372 : i32 to index
        %get3A_373 = arith.constant 0 : index
        %get3A_374 = tpu.vector_load %arg13[%get3A, %get3A_373] {strides = array<i32>} : memref<40x16xf32, #tpu.memory_space<vmem>>, vector<1x16xf32>,
        %get3A_375 = vector.shape_cast %get3A_374 : vector<1x16xf32> to vector<16xf32>
        %get3A_376 = arith.index_cast %add3A_372 : i32 to index
        %get3A_377 = arith.constant 0 : index
        %get3A_378 = tpu.vector_load %arg14[%get3A_376, %get3A_377] {strides = array<i32>} : memref<40x16xf32, #tpu.memory_space<vmem>>, vector<1x16xf32>,
        %get3A_379 = vector.shape_cast %get3A_378 : vector<1x16xf32> to vector<16xf32>
        %add3A_380 = arith.addf %get3A_375, %get3A_379 : vector<16xf32>
        %mul3A_381 = arith.constant 2.000000e-01 : f32
        %mul3A_382 = vector.broadcast %mul3A_381 : f32 to vector<16xf32>
        %mul3A_383 = arith.mulf %add3A_380, %mul3A_382 : vector<16xf32>
        %max3A = arith.maximumf %add3A_380, %mul3A_383 : vector<16xf32>
        %exp3A = math.exp %max3A : vector<16xf32>
        %swap3A = arith.index_cast %add3A_372 : i32 to index
        %swap3A_384 = arith.constant 0 : index
        %swap3A_385 = tpu.vector_load %arg15[%swap3A, %swap3A_384] {strides = array<i32>} : memref<40x16xf32, #tpu.memory_space<vmem>>, vector<1x16xf32>,
        %swap3A_386 = vector.shape_cast %swap3A_385 : vector<1x16xf32> to vector<16xf32>
        %swap3A_387 = vector.shape_cast %exp3A : vector<16xf32> to vector<1x16xf32>
        tpu.vector_store %arg15[%swap3A, %swap3A_384], %swap3A_387 {strides = array<i32>} : memref<40x16xf32, #tpu.memory_space<vmem>>, vector<1x16xf32>,
        %mul3A_388 = arith.constant 4 : i32
        %mul3A_389 = arith.muli %scan3A_367, %mul3A_388 : i32
        %add3A_390 = arith.constant 1 : i32
        %add3A_391 = arith.addi %mul3A_389, %add3A_390 : i32
        %get3A_392 = arith.index_cast %add3A_391 : i32 to index
        %get3A_393 = arith.constant 0 : index
        %get3A_394 = tpu.vector_load %arg13[%get3A_392, %get3A_393] {strides = array<i32>} : memref<40x16xf32, #tpu.memory_space<vmem>>, vector<1x16xf32>,
        %get3A_395 = vector.shape_cast %get3A_394 : vector<1x16xf32> to vector<16xf32>
        %get3A_396 = arith.index_cast %add3A_391 : i32 to index
        %get3A_397 = arith.constant 0 : index
        %get3A_398 = tpu.vector_load %arg14[%get3A_396, %get3A_397] {strides = array<i32>} : memref<40x16xf32, #tpu.memory_space<vmem>>, vector<1x16xf32>,
        %get3A_399 = vector.shape_cast %get3A_398 : vector<1x16xf32> to vector<16xf32>
        %add3A_400 = arith.addf %get3A_395, %get3A_399 : vector<16xf32>
        %mul3A_401 = arith.constant 2.000000e-01 : f32
        %mul3A_402 = vector.broadcast %mul3A_401 : f32 to vector<16xf32>
        %mul3A_403 = arith.mulf %add3A_400, %mul3A_402 : vector<16xf32>
        %max3A_404 = arith.maximumf %add3A_400, %mul3A_403 : vector<16xf32>
        %exp3A_405 = math.exp %max3A_404 : vector<16xf32>
        %swap3A_406 = arith.index_cast %add3A_391 : i32 to index
        %swap3A_407 = arith.constant 0 : index
        %swap3A_408 = tpu.vector_load %arg15[%swap3A_406, %swap3A_407] {strides = array<i32>} : memref<40x16xf32, #tpu.memory_space<vmem>>, vector<1x16xf32>,
        %swap3A_409 = vector.shape_cast %swap3A_408 : vector<1x16xf32> to vector<16xf32>
        %swap3A_410 = vector.shape_cast %exp3A_405 : vector<16xf32> to vector<1x16xf32>
        tpu.vector_store %arg15[%swap3A_406, %swap3A_407], %swap3A_410 {strides = array<i32>} : memref<40x16xf32, #tpu.memory_space<vmem>>, vector<1x16xf32>,
        %mul3A_411 = arith.constant 4 : i32
        %mul3A_412 = arith.muli %scan3A_367, %mul3A_411 : i32
        %add3A_413 = arith.constant 2 : i32
        %add3A_414 = arith.addi %mul3A_412, %add3A_413 : i32
        %get3A_415 = arith.index_cast %add3A_414 : i32 to index
        %get3A_416 = arith.constant 0 : index
        %get3A_417 = tpu.vector_load %arg13[%get3A_415, %get3A_416] {strides = array<i32>} : memref<40x16xf32, #tpu.memory_space<vmem>>, vector<1x16xf32>,
        %get3A_418 = vector.shape_cast %get3A_417 : vector<1x16xf32> to vector<16xf32>
        %get3A_419 = arith.index_cast %add3A_414 : i32 to index
        %get3A_420 = arith.constant 0 : index
        %get3A_421 = tpu.vector_load %arg14[%get3A_419, %get3A_420] {strides = array<i32>} : memref<40x16xf32, #tpu.memory_space<vmem>>, vector<1x16xf32>,
        %get3A_422 = vector.shape_cast %get3A_421 : vector<1x16xf32> to vector<16xf32>
        %add3A_423 = arith.addf %get3A_418, %get3A_422 : vector<16xf32>
        %mul3A_424 = arith.constant 2.000000e-01 : f32
        %mul3A_425 = vector.broadcast %mul3A_424 : f32 to vector<16xf32>
        %mul3A_426 = arith.mulf %add3A_423, %mul3A_425 : vector<16xf32>
        %max3A_427 = arith.maximumf %add3A_423, %mul3A_426 : vector<16xf32>
        %exp3A_428 = math.exp %max3A_427 : vector<16xf32>
        %swap3A_429 = arith.index_cast %add3A_414 : i32 to index
        %swap3A_430 = arith.constant 0 : index
        %swap3A_431 = tpu.vector_load %arg15[%swap3A_429, %swap3A_430] {strides = array<i32>} : memref<40x16xf32, #tpu.memory_space<vmem>>, vector<1x16xf32>,
        %swap3A_432 = vector.shape_cast %swap3A_431 : vector<1x16xf32> to vector<16xf32>
        %swap3A_433 = vector.shape_cast %exp3A_428 : vector<16xf32> to vector<1x16xf32>
        tpu.vector_store %arg15[%swap3A_429, %swap3A_430], %swap3A_433 {strides = array<i32>} : memref<40x16xf32, #tpu.memory_space<vmem>>, vector<1x16xf32>,
        %mul3A_434 = arith.constant 4 : i32
        %mul3A_435 = arith.muli %scan3A_367, %mul3A_434 : i32
        %add3A_436 = arith.constant 3 : i32
        %add3A_437 = arith.addi %mul3A_435, %add3A_436 : i32
        %get3A_438 = arith.index_cast %add3A_437 : i32 to index
        %get3A_439 = arith.constant 0 : index
        %get3A_440 = tpu.vector_load %arg13[%get3A_438, %get3A_439] {strides = array<i32>} : memref<40x16xf32, #tpu.memory_space<vmem>>, vector<1x16xf32>,
        %get3A_441 = vector.shape_cast %get3A_440 : vector<1x16xf32> to vector<16xf32>
        %get3A_442 = arith.index_cast %add3A_437 : i32 to index
        %get3A_443 = arith.constant 0 : index
        %get3A_444 = tpu.vector_load %arg14[%get3A_442, %get3A_443] {strides = array<i32>} : memref<40x16xf32, #tpu.memory_space<vmem>>, vector<1x16xf32>,
        %get3A_445 = vector.shape_cast %get3A_444 : vector<1x16xf32> to vector<16xf32>
        %add3A_446 = arith.addf %get3A_441, %get3A_445 : vector<16xf32>
        %mul3A_447 = arith.constant 2.000000e-01 : f32
        %mul3A_448 = vector.broadcast %mul3A_447 : f32 to vector<16xf32>
        %mul3A_449 = arith.mulf %add3A_446, %mul3A_448 : vector<16xf32>
        %max3A_450 = arith.maximumf %add3A_446, %mul3A_449 : vector<16xf32>
        %exp3A_451 = math.exp %max3A_450 : vector<16xf32>
        %swap3A_452 = arith.index_cast %add3A_437 : i32 to index
        %swap3A_453 = arith.constant 0 : index
        %swap3A_454 = tpu.vector_load %arg15[%swap3A_452, %swap3A_453] {strides = array<i32>} : memref<40x16xf32, #tpu.memory_space<vmem>>, vector<1x16xf32>,
        %swap3A_455 = vector.shape_cast %swap3A_454 : vector<1x16xf32> to vector<16xf32>
        %swap3A_456 = vector.shape_cast %exp3A_451 : vector<16xf32> to vector<1x16xf32>
        tpu.vector_store %arg15[%swap3A_452, %swap3A_453], %swap3A_456 {strides = array<i32>} : memref<40x16xf32, #tpu.memory_space<vmem>>, vector<1x16xf32>,
        %scan3A_457 = arith.constant 0 : i32
        scf.yield %scan3A_457 : i32
      }
      %scan3A_262 = arith.constant 10 : i32
      %dma_wait3A_263 = arith.constant 0 : i32
      %dma_wait3A_264 = tpu.memref_slice %arg11[%mul3A_219, %dma_wait3A_263] : memref<250x40xi32, #tpu.memory_space<vmem>> -> memref<1x40xi32, #tpu.memory_space<vmem>>
      %dma_wait3A_265 = tpu.memref_squeeze %dma_wait3A_264 : memref<1x40xi32, #tpu.memory_space<vmem>> -> memref<40xi32, #tpu.memory_space<vmem>>
      %dma_wait3A_266 = arith.constant 0 : i32
      %dma_wait3A_267 = arith.constant 0 : i32
      %dma_wait3A_268 = tpu.memref_slice %arg4[%dma_wait3A_266, %dma_wait3A_267] : memref<10000x128xf32, #tpu.memory_space<hbm>> -> memref<10000x128xf32, #tpu.memory_space<hbm>>
      tpu.wait_indirect_dma semaphore(%arg23 : memref<!tpu.dma_semaphore, #tpu.memory_space<semaphore_mem>>) src(%dma_wait3A_268 : memref<10000x128xf32, #tpu.memory_space<hbm>>) dst(%arg16 : memref<40x128xf32, #tpu.memory_space<vmem>>)
      %scan3A_269 = arith.constant 0 : i32
      %scan3A_270 = arith.constant 0 : i32
      %scan3A_271 = arith.constant 10 : i32
      %scan3A_272 = arith.addi %scan3A_270, %scan3A_271 : i32
      %scan3A_273 = arith.constant 1 : i32
      %scan3A_274 = scf.for %scan3A_367 = %scan3A_270 to %scan3A_272 step %scan3A_273 iter_args(%scan3A_368 = %scan3A_269) -> (i32)  : i32 {
        %mul3A_369 = arith.constant 4 : i32
        %mul3A_370 = arith.muli %scan3A_367, %mul3A_369 : i32
        %add3A_371 = arith.constant 0 : i32
        %add3A_372 = arith.addi %mul3A_370, %add3A_371 : i32
        %get3A = arith.index_cast %add3A_372 : i32 to index
        %get3A_373 = arith.constant 0 : index
        %get3A_374 = tpu.vector_load %arg15[%get3A, %get3A_373] {strides = array<i32>} : memref<40x16xf32, #tpu.memory_space<vmem>>, vector<1x16xf32>,
        %get3A_375 = vector.shape_cast %get3A_374 : vector<1x16xf32> to vector<16xf32>
        %broadcast_in_dim3A = arith.constant 0 : i32
        %broadcast_in_dim3A_376 = vector.broadcast %broadcast_in_dim3A : i32 to vector<16x1xi32>
        %gather3A = vector.shape_cast %broadcast_in_dim3A_376 : vector<16x1xi32> to vector<16xi32>
        %gather3A_377 = tpu.dynamic_gather %get3A_375[%gather3A] in [0] : vector<16xf32>, vector<16xi32> -> vector<16xf32>
        %get3A_378 = arith.index_cast %add3A_372 : i32 to index
        %get3A_379 = arith.constant 0 : index
        %get3A_380 = tpu.vector_load %arg16[%get3A_378, %get3A_379] {strides = array<i32>} : memref<40x128xf32, #tpu.memory_space<vmem>>, vector<1x16xf32>,
        %get3A_381 = vector.shape_cast %get3A_380 : vector<1x16xf32> to vector<16xf32>
        %mul3A_382 = arith.mulf %get3A_381, %gather3A_377 : vector<16xf32>
        %swap3A = arith.index_cast %add3A_372 : i32 to index
        %swap3A_383 = arith.constant 0 : index
        %swap3A_384 = tpu.vector_load %arg16[%swap3A, %swap3A_383] {strides = array<i32>} : memref<40x128xf32, #tpu.memory_space<vmem>>, vector<1x16xf32>,
        %swap3A_385 = vector.shape_cast %swap3A_384 : vector<1x16xf32> to vector<16xf32>
        %swap3A_386 = vector.shape_cast %mul3A_382 : vector<16xf32> to vector<1x16xf32>
        tpu.vector_store %arg16[%swap3A, %swap3A_383], %swap3A_386 {strides = array<i32>} : memref<40x128xf32, #tpu.memory_space<vmem>>, vector<1x16xf32>,
        %broadcast_in_dim3A_387 = arith.constant 1 : i32
        %broadcast_in_dim3A_388 = vector.broadcast %broadcast_in_dim3A_387 : i32 to vector<16x1xi32>
        %gather3A_389 = vector.shape_cast %broadcast_in_dim3A_388 : vector<16x1xi32> to vector<16xi32>
        %gather3A_390 = tpu.dynamic_gather %get3A_375[%gather3A_389] in [0] : vector<16xf32>, vector<16xi32> -> vector<16xf32>
        %get3A_391 = arith.index_cast %add3A_372 : i32 to index
        %get3A_392 = arith.constant 16 : index
        %get3A_393 = tpu.vector_load %arg16[%get3A_391, %get3A_392] {strides = array<i32>} : memref<40x128xf32, #tpu.memory_space<vmem>>, vector<1x16xf32>,
        %get3A_394 = vector.shape_cast %get3A_393 : vector<1x16xf32> to vector<16xf32>
        %mul3A_395 = arith.mulf %get3A_394, %gather3A_390 : vector<16xf32>
        %swap3A_396 = arith.index_cast %add3A_372 : i32 to index
        %swap3A_397 = arith.constant 16 : index
        %swap3A_398 = tpu.vector_load %arg16[%swap3A_396, %swap3A_397] {strides = array<i32>} : memref<40x128xf32, #tpu.memory_space<vmem>>, vector<1x16xf32>,
        %swap3A_399 = vector.shape_cast %swap3A_398 : vector<1x16xf32> to vector<16xf32>
        %swap3A_400 = vector.shape_cast %mul3A_395 : vector<16xf32> to vector<1x16xf32>
        tpu.vector_store %arg16[%swap3A_396, %swap3A_397], %swap3A_400 {strides = array<i32>} : memref<40x128xf32, #tpu.memory_space<vmem>>, vector<1x16xf32>,
        %broadcast_in_dim3A_401 = arith.constant 2 : i32
        %broadcast_in_dim3A_402 = vector.broadcast %broadcast_in_dim3A_401 : i32 to vector<16x1xi32>
        %gather3A_403 = vector.shape_cast %broadcast_in_dim3A_402 : vector<16x1xi32> to vector<16xi32>
        %gather3A_404 = tpu.dynamic_gather %get3A_375[%gather3A_403] in [0] : vector<16xf32>, vector<16xi32> -> vector<16xf32>
        %get3A_405 = arith.index_cast %add3A_372 : i32 to index
        %get3A_406 = arith.constant 32 : index
        %get3A_407 = tpu.vector_load %arg16[%get3A_405, %get3A_406] {strides = array<i32>} : memref<40x128xf32, #tpu.memory_space<vmem>>, vector<1x16xf32>,
        %get3A_408 = vector.shape_cast %get3A_407 : vector<1x16xf32> to vector<16xf32>
        %mul3A_409 = arith.mulf %get3A_408, %gather3A_404 : vector<16xf32>
        %swap3A_410 = arith.index_cast %add3A_372 : i32 to index
        %swap3A_411 = arith.constant 32 : index
        %swap3A_412 = tpu.vector_load %arg16[%swap3A_410, %swap3A_411] {strides = array<i32>} : memref<40x128xf32, #tpu.memory_space<vmem>>, vector<1x16xf32>,
        %swap3A_413 = vector.shape_cast %swap3A_412 : vector<1x16xf32> to vector<16xf32>
        %swap3A_414 = vector.shape_cast %mul3A_409 : vector<16xf32> to vector<1x16xf32>
        tpu.vector_store %arg16[%swap3A_410, %swap3A_411], %swap3A_414 {strides = array<i32>} : memref<40x128xf32, #tpu.memory_space<vmem>>, vector<1x16xf32>,
        %broadcast_in_dim3A_415 = arith.constant 3 : i32
        %broadcast_in_dim3A_416 = vector.broadcast %broadcast_in_dim3A_415 : i32 to vector<16x1xi32>
        %gather3A_417 = vector.shape_cast %broadcast_in_dim3A_416 : vector<16x1xi32> to vector<16xi32>
        %gather3A_418 = tpu.dynamic_gather %get3A_375[%gather3A_417] in [0] : vector<16xf32>, vector<16xi32> -> vector<16xf32>
        %get3A_419 = arith.index_cast %add3A_372 : i32 to index
        %get3A_420 = arith.constant 48 : index
        %get3A_421 = tpu.vector_load %arg16[%get3A_419, %get3A_420] {strides = array<i32>} : memref<40x128xf32, #tpu.memory_space<vmem>>, vector<1x16xf32>,
        %get3A_422 = vector.shape_cast %get3A_421 : vector<1x16xf32> to vector<16xf32>
        %mul3A_423 = arith.mulf %get3A_422, %gather3A_418 : vector<16xf32>
        %swap3A_424 = arith.index_cast %add3A_372 : i32 to index
        %swap3A_425 = arith.constant 48 : index
        %swap3A_426 = tpu.vector_load %arg16[%swap3A_424, %swap3A_425] {strides = array<i32>} : memref<40x128xf32, #tpu.memory_space<vmem>>, vector<1x16xf32>,
        %swap3A_427 = vector.shape_cast %swap3A_426 : vector<1x16xf32> to vector<16xf32>
        %swap3A_428 = vector.shape_cast %mul3A_423 : vector<16xf32> to vector<1x16xf32>
        tpu.vector_store %arg16[%swap3A_424, %swap3A_425], %swap3A_428 {strides = array<i32>} : memref<40x128xf32, #tpu.memory_space<vmem>>, vector<1x16xf32>,
        %broadcast_in_dim3A_429 = arith.constant 4 : i32
        %broadcast_in_dim3A_430 = vector.broadcast %broadcast_in_dim3A_429 : i32 to vector<16x1xi32>
        %gather3A_431 = vector.shape_cast %broadcast_in_dim3A_430 : vector<16x1xi32> to vector<16xi32>
        %gather3A_432 = tpu.dynamic_gather %get3A_375[%gather3A_431] in [0] : vector<16xf32>, vector<16xi32> -> vector<16xf32>
        %get3A_433 = arith.index_cast %add3A_372 : i32 to index
        %get3A_434 = arith.constant 64 : index
        %get3A_435 = tpu.vector_load %arg16[%get3A_433, %get3A_434] {strides = array<i32>} : memref<40x128xf32, #tpu.memory_space<vmem>>, vector<1x16xf32>,
        %get3A_436 = vector.shape_cast %get3A_435 : vector<1x16xf32> to vector<16xf32>
        %mul3A_437 = arith.mulf %get3A_436, %gather3A_432 : vector<16xf32>
        %swap3A_438 = arith.index_cast %add3A_372 : i32 to index
        %swap3A_439 = arith.constant 64 : index
        %swap3A_440 = tpu.vector_load %arg16[%swap3A_438, %swap3A_439] {strides = array<i32>} : memref<40x128xf32, #tpu.memory_space<vmem>>, vector<1x16xf32>,
        %swap3A_441 = vector.shape_cast %swap3A_440 : vector<1x16xf32> to vector<16xf32>
        %swap3A_442 = vector.shape_cast %mul3A_437 : vector<16xf32> to vector<1x16xf32>
        tpu.vector_store %arg16[%swap3A_438, %swap3A_439], %swap3A_442 {strides = array<i32>} : memref<40x128xf32, #tpu.memory_space<vmem>>, vector<1x16xf32>,
        %broadcast_in_dim3A_443 = arith.constant 5 : i32
        %broadcast_in_dim3A_444 = vector.broadcast %broadcast_in_dim3A_443 : i32 to vector<16x1xi32>
        %gather3A_445 = vector.shape_cast %broadcast_in_dim3A_444 : vector<16x1xi32> to vector<16xi32>
        %gather3A_446 = tpu.dynamic_gather %get3A_375[%gather3A_445] in [0] : vector<16xf32>, vector<16xi32> -> vector<16xf32>
        %get3A_447 = arith.index_cast %add3A_372 : i32 to index
        %get3A_448 = arith.constant 80 : index
        %get3A_449 = tpu.vector_load %arg16[%get3A_447, %get3A_448] {strides = array<i32>} : memref<40x128xf32, #tpu.memory_space<vmem>>, vector<1x16xf32>,
        %get3A_450 = vector.shape_cast %get3A_449 : vector<1x16xf32> to vector<16xf32>
        %mul3A_451 = arith.mulf %get3A_450, %gather3A_446 : vector<16xf32>
        %swap3A_452 = arith.index_cast %add3A_372 : i32 to index
        %swap3A_453 = arith.constant 80 : index
        %swap3A_454 = tpu.vector_load %arg16[%swap3A_452, %swap3A_453] {strides = array<i32>} : memref<40x128xf32, #tpu.memory_space<vmem>>, vector<1x16xf32>,
        %swap3A_455 = vector.shape_cast %swap3A_454 : vector<1x16xf32> to vector<16xf32>
        %swap3A_456 = vector.shape_cast %mul3A_451 : vector<16xf32> to vector<1x16xf32>
        tpu.vector_store %arg16[%swap3A_452, %swap3A_453], %swap3A_456 {strides = array<i32>} : memref<40x128xf32, #tpu.memory_space<vmem>>, vector<1x16xf32>,
        %broadcast_in_dim3A_457 = arith.constant 6 : i32
        %broadcast_in_dim3A_458 = vector.broadcast %broadcast_in_dim3A_457 : i32 to vector<16x1xi32>
        %gather3A_459 = vector.shape_cast %broadcast_in_dim3A_458 : vector<16x1xi32> to vector<16xi32>
        %gather3A_460 = tpu.dynamic_gather %get3A_375[%gather3A_459] in [0] : vector<16xf32>, vector<16xi32> -> vector<16xf32>
        %get3A_461 = arith.index_cast %add3A_372 : i32 to index
        %get3A_462 = arith.constant 96 : index
        %get3A_463 = tpu.vector_load %arg16[%get3A_461, %get3A_462] {strides = array<i32>} : memref<40x128xf32, #tpu.memory_space<vmem>>, vector<1x16xf32>,
        %get3A_464 = vector.shape_cast %get3A_463 : vector<1x16xf32> to vector<16xf32>
        %mul3A_465 = arith.mulf %get3A_464, %gather3A_460 : vector<16xf32>
        %swap3A_466 = arith.index_cast %add3A_372 : i32 to index
        %swap3A_467 = arith.constant 96 : index
        %swap3A_468 = tpu.vector_load %arg16[%swap3A_466, %swap3A_467] {strides = array<i32>} : memref<40x128xf32, #tpu.memory_space<vmem>>, vector<1x16xf32>,
        %swap3A_469 = vector.shape_cast %swap3A_468 : vector<1x16xf32> to vector<16xf32>
        %swap3A_470 = vector.shape_cast %mul3A_465 : vector<16xf32> to vector<1x16xf32>
        tpu.vector_store %arg16[%swap3A_466, %swap3A_467], %swap3A_470 {strides = array<i32>} : memref<40x128xf32, #tpu.memory_space<vmem>>, vector<1x16xf32>,
        %broadcast_in_dim3A_471 = arith.constant 7 : i32
        %broadcast_in_dim3A_472 = vector.broadcast %broadcast_in_dim3A_471 : i32 to vector<16x1xi32>
        %gather3A_473 = vector.shape_cast %broadcast_in_dim3A_472 : vector<16x1xi32> to vector<16xi32>
        %gather3A_474 = tpu.dynamic_gather %get3A_375[%gather3A_473] in [0] : vector<16xf32>, vector<16xi32> -> vector<16xf32>
        %get3A_475 = arith.index_cast %add3A_372 : i32 to index
        %get3A_476 = arith.constant 112 : index
        %get3A_477 = tpu.vector_load %arg16[%get3A_475, %get3A_476] {strides = array<i32>} : memref<40x128xf32, #tpu.memory_space<vmem>>, vector<1x16xf32>,
        %get3A_478 = vector.shape_cast %get3A_477 : vector<1x16xf32> to vector<16xf32>
        %mul3A_479 = arith.mulf %get3A_478, %gather3A_474 : vector<16xf32>
        %swap3A_480 = arith.index_cast %add3A_372 : i32 to index
        %swap3A_481 = arith.constant 112 : index
        %swap3A_482 = tpu.vector_load %arg16[%swap3A_480, %swap3A_481] {strides = array<i32>} : memref<40x128xf32, #tpu.memory_space<vmem>>, vector<1x16xf32>,
        %swap3A_483 = vector.shape_cast %swap3A_482 : vector<1x16xf32> to vector<16xf32>
        %swap3A_484 = vector.shape_cast %mul3A_479 : vector<16xf32> to vector<1x16xf32>
        tpu.vector_store %arg16[%swap3A_480, %swap3A_481], %swap3A_484 {strides = array<i32>} : memref<40x128xf32, #tpu.memory_space<vmem>>, vector<1x16xf32>,
        %mul3A_485 = arith.constant 4 : i32
        %mul3A_486 = arith.muli %scan3A_367, %mul3A_485 : i32
        %add3A_487 = arith.constant 1 : i32
        %add3A_488 = arith.addi %mul3A_486, %add3A_487 : i32
        %get3A_489 = arith.index_cast %add3A_488 : i32 to index
        %get3A_490 = arith.constant 0 : index
        %get3A_491 = tpu.vector_load %arg15[%get3A_489, %get3A_490] {strides = array<i32>} : memref<40x16xf32, #tpu.memory_space<vmem>>, vector<1x16xf32>,
        %get3A_492 = vector.shape_cast %get3A_491 : vector<1x16xf32> to vector<16xf32>
        %broadcast_in_dim3A_493 = arith.constant 0 : i32
        %broadcast_in_dim3A_494 = vector.broadcast %broadcast_in_dim3A_493 : i32 to vector<16x1xi32>
        %gather3A_495 = vector.shape_cast %broadcast_in_dim3A_494 : vector<16x1xi32> to vector<16xi32>
        %gather3A_496 = tpu.dynamic_gather %get3A_492[%gather3A_495] in [0] : vector<16xf32>, vector<16xi32> -> vector<16xf32>
        %get3A_497 = arith.index_cast %add3A_488 : i32 to index
        %get3A_498 = arith.constant 0 : index
        %get3A_499 = tpu.vector_load %arg16[%get3A_497, %get3A_498] {strides = array<i32>} : memref<40x128xf32, #tpu.memory_space<vmem>>, vector<1x16xf32>,
        %get3A_500 = vector.shape_cast %get3A_499 : vector<1x16xf32> to vector<16xf32>
        %mul3A_501 = arith.mulf %get3A_500, %gather3A_496 : vector<16xf32>
        %swap3A_502 = arith.index_cast %add3A_488 : i32 to index
        %swap3A_503 = arith.constant 0 : index
        %swap3A_504 = tpu.vector_load %arg16[%swap3A_502, %swap3A_503] {strides = array<i32>} : memref<40x128xf32, #tpu.memory_space<vmem>>, vector<1x16xf32>,
        %swap3A_505 = vector.shape_cast %swap3A_504 : vector<1x16xf32> to vector<16xf32>
        %swap3A_506 = vector.shape_cast %mul3A_501 : vector<16xf32> to vector<1x16xf32>
        tpu.vector_store %arg16[%swap3A_502, %swap3A_503], %swap3A_506 {strides = array<i32>} : memref<40x128xf32, #tpu.memory_space<vmem>>, vector<1x16xf32>,
        %broadcast_in_dim3A_507 = arith.constant 1 : i32
        %broadcast_in_dim3A_508 = vector.broadcast %broadcast_in_dim3A_507 : i32 to vector<16x1xi32>
        %gather3A_509 = vector.shape_cast %broadcast_in_dim3A_508 : vector<16x1xi32> to vector<16xi32>
        %gather3A_510 = tpu.dynamic_gather %get3A_492[%gather3A_509] in [0] : vector<16xf32>, vector<16xi32> -> vector<16xf32>
        %get3A_511 = arith.index_cast %add3A_488 : i32 to index
        %get3A_512 = arith.constant 16 : index
        %get3A_513 = tpu.vector_load %arg16[%get3A_511, %get3A_512] {strides = array<i32>} : memref<40x128xf32, #tpu.memory_space<vmem>>, vector<1x16xf32>,
        %get3A_514 = vector.shape_cast %get3A_513 : vector<1x16xf32> to vector<16xf32>
        %mul3A_515 = arith.mulf %get3A_514, %gather3A_510 : vector<16xf32>
        %swap3A_516 = arith.index_cast %add3A_488 : i32 to index
        %swap3A_517 = arith.constant 16 : index
        %swap3A_518 = tpu.vector_load %arg16[%swap3A_516, %swap3A_517] {strides = array<i32>} : memref<40x128xf32, #tpu.memory_space<vmem>>, vector<1x16xf32>,
        %swap3A_519 = vector.shape_cast %swap3A_518 : vector<1x16xf32> to vector<16xf32>
        %swap3A_520 = vector.shape_cast %mul3A_515 : vector<16xf32> to vector<1x16xf32>
        tpu.vector_store %arg16[%swap3A_516, %swap3A_517], %swap3A_520 {strides = array<i32>} : memref<40x128xf32, #tpu.memory_space<vmem>>, vector<1x16xf32>,
        %broadcast_in_dim3A_521 = arith.constant 2 : i32
        %broadcast_in_dim3A_522 = vector.broadcast %broadcast_in_dim3A_521 : i32 to vector<16x1xi32>
        %gather3A_523 = vector.shape_cast %broadcast_in_dim3A_522 : vector<16x1xi32> to vector<16xi32>
        %gather3A_524 = tpu.dynamic_gather %get3A_492[%gather3A_523] in [0] : vector<16xf32>, vector<16xi32> -> vector<16xf32>
        %get3A_525 = arith.index_cast %add3A_488 : i32 to index
        %get3A_526 = arith.constant 32 : index
        %get3A_527 = tpu.vector_load %arg16[%get3A_525, %get3A_526] {strides = array<i32>} : memref<40x128xf32, #tpu.memory_space<vmem>>, vector<1x16xf32>,
        %get3A_528 = vector.shape_cast %get3A_527 : vector<1x16xf32> to vector<16xf32>
        %mul3A_529 = arith.mulf %get3A_528, %gather3A_524 : vector<16xf32>
        %swap3A_530 = arith.index_cast %add3A_488 : i32 to index
        %swap3A_531 = arith.constant 32 : index
        %swap3A_532 = tpu.vector_load %arg16[%swap3A_530, %swap3A_531] {strides = array<i32>} : memref<40x128xf32, #tpu.memory_space<vmem>>, vector<1x16xf32>,
        %swap3A_533 = vector.shape_cast %swap3A_532 : vector<1x16xf32> to vector<16xf32>
        %swap3A_534 = vector.shape_cast %mul3A_529 : vector<16xf32> to vector<1x16xf32>
        tpu.vector_store %arg16[%swap3A_530, %swap3A_531], %swap3A_534 {strides = array<i32>} : memref<40x128xf32, #tpu.memory_space<vmem>>, vector<1x16xf32>,
        %broadcast_in_dim3A_535 = arith.constant 3 : i32
        %broadcast_in_dim3A_536 = vector.broadcast %broadcast_in_dim3A_535 : i32 to vector<16x1xi32>
        %gather3A_537 = vector.shape_cast %broadcast_in_dim3A_536 : vector<16x1xi32> to vector<16xi32>
        %gather3A_538 = tpu.dynamic_gather %get3A_492[%gather3A_537] in [0] : vector<16xf32>, vector<16xi32> -> vector<16xf32>
        %get3A_539 = arith.index_cast %add3A_488 : i32 to index
        %get3A_540 = arith.constant 48 : index
        %get3A_541 = tpu.vector_load %arg16[%get3A_539, %get3A_540] {strides = array<i32>} : memref<40x128xf32, #tpu.memory_space<vmem>>, vector<1x16xf32>,
        %get3A_542 = vector.shape_cast %get3A_541 : vector<1x16xf32> to vector<16xf32>
        %mul3A_543 = arith.mulf %get3A_542, %gather3A_538 : vector<16xf32>
        %swap3A_544 = arith.index_cast %add3A_488 : i32 to index
        %swap3A_545 = arith.constant 48 : index
        %swap3A_546 = tpu.vector_load %arg16[%swap3A_544, %swap3A_545] {strides = array<i32>} : memref<40x128xf32, #tpu.memory_space<vmem>>, vector<1x16xf32>,
        %swap3A_547 = vector.shape_cast %swap3A_546 : vector<1x16xf32> to vector<16xf32>
        %swap3A_548 = vector.shape_cast %mul3A_543 : vector<16xf32> to vector<1x16xf32>
        tpu.vector_store %arg16[%swap3A_544, %swap3A_545], %swap3A_548 {strides = array<i32>} : memref<40x128xf32, #tpu.memory_space<vmem>>, vector<1x16xf32>,
        %broadcast_in_dim3A_549 = arith.constant 4 : i32
        %broadcast_in_dim3A_550 = vector.broadcast %broadcast_in_dim3A_549 : i32 to vector<16x1xi32>
        %gather3A_551 = vector.shape_cast %broadcast_in_dim3A_550 : vector<16x1xi32> to vector<16xi32>
        %gather3A_552 = tpu.dynamic_gather %get3A_492[%gather3A_551] in [0] : vector<16xf32>, vector<16xi32> -> vector<16xf32>
        %get3A_553 = arith.index_cast %add3A_488 : i32 to index
        %get3A_554 = arith.constant 64 : index
        %get3A_555 = tpu.vector_load %arg16[%get3A_553, %get3A_554] {strides = array<i32>} : memref<40x128xf32, #tpu.memory_space<vmem>>, vector<1x16xf32>,
        %get3A_556 = vector.shape_cast %get3A_555 : vector<1x16xf32> to vector<16xf32>
        %mul3A_557 = arith.mulf %get3A_556, %gather3A_552 : vector<16xf32>
        %swap3A_558 = arith.index_cast %add3A_488 : i32 to index
        %swap3A_559 = arith.constant 64 : index
        %swap3A_560 = tpu.vector_load %arg16[%swap3A_558, %swap3A_559] {strides = array<i32>} : memref<40x128xf32, #tpu.memory_space<vmem>>, vector<1x16xf32>,
        %swap3A_561 = vector.shape_cast %swap3A_560 : vector<1x16xf32> to vector<16xf32>
        %swap3A_562 = vector.shape_cast %mul3A_557 : vector<16xf32> to vector<1x16xf32>
        tpu.vector_store %arg16[%swap3A_558, %swap3A_559], %swap3A_562 {strides = array<i32>} : memref<40x128xf32, #tpu.memory_space<vmem>>, vector<1x16xf32>,
        %broadcast_in_dim3A_563 = arith.constant 5 : i32
        %broadcast_in_dim3A_564 = vector.broadcast %broadcast_in_dim3A_563 : i32 to vector<16x1xi32>
        %gather3A_565 = vector.shape_cast %broadcast_in_dim3A_564 : vector<16x1xi32> to vector<16xi32>
        %gather3A_566 = tpu.dynamic_gather %get3A_492[%gather3A_565] in [0] : vector<16xf32>, vector<16xi32> -> vector<16xf32>
        %get3A_567 = arith.index_cast %add3A_488 : i32 to index
        %get3A_568 = arith.constant 80 : index
        %get3A_569 = tpu.vector_load %arg16[%get3A_567, %get3A_568] {strides = array<i32>} : memref<40x128xf32, #tpu.memory_space<vmem>>, vector<1x16xf32>,
        %get3A_570 = vector.shape_cast %get3A_569 : vector<1x16xf32> to vector<16xf32>
        %mul3A_571 = arith.mulf %get3A_570, %gather3A_566 : vector<16xf32>
        %swap3A_572 = arith.index_cast %add3A_488 : i32 to index
        %swap3A_573 = arith.constant 80 : index
        %swap3A_574 = tpu.vector_load %arg16[%swap3A_572, %swap3A_573] {strides = array<i32>} : memref<40x128xf32, #tpu.memory_space<vmem>>, vector<1x16xf32>,
        %swap3A_575 = vector.shape_cast %swap3A_574 : vector<1x16xf32> to vector<16xf32>
        %swap3A_576 = vector.shape_cast %mul3A_571 : vector<16xf32> to vector<1x16xf32>
        tpu.vector_store %arg16[%swap3A_572, %swap3A_573], %swap3A_576 {strides = array<i32>} : memref<40x128xf32, #tpu.memory_space<vmem>>, vector<1x16xf32>,
        %broadcast_in_dim3A_577 = arith.constant 6 : i32
        %broadcast_in_dim3A_578 = vector.broadcast %broadcast_in_dim3A_577 : i32 to vector<16x1xi32>
        %gather3A_579 = vector.shape_cast %broadcast_in_dim3A_578 : vector<16x1xi32> to vector<16xi32>
        %gather3A_580 = tpu.dynamic_gather %get3A_492[%gather3A_579] in [0] : vector<16xf32>, vector<16xi32> -> vector<16xf32>
        %get3A_581 = arith.index_cast %add3A_488 : i32 to index
        %get3A_582 = arith.constant 96 : index
        %get3A_583 = tpu.vector_load %arg16[%get3A_581, %get3A_582] {strides = array<i32>} : memref<40x128xf32, #tpu.memory_space<vmem>>, vector<1x16xf32>,
        %get3A_584 = vector.shape_cast %get3A_583 : vector<1x16xf32> to vector<16xf32>
        %mul3A_585 = arith.mulf %get3A_584, %gather3A_580 : vector<16xf32>
        %swap3A_586 = arith.index_cast %add3A_488 : i32 to index
        %swap3A_587 = arith.constant 96 : index
        %swap3A_588 = tpu.vector_load %arg16[%swap3A_586, %swap3A_587] {strides = array<i32>} : memref<40x128xf32, #tpu.memory_space<vmem>>, vector<1x16xf32>,
        %swap3A_589 = vector.shape_cast %swap3A_588 : vector<1x16xf32> to vector<16xf32>
        %swap3A_590 = vector.shape_cast %mul3A_585 : vector<16xf32> to vector<1x16xf32>
        tpu.vector_store %arg16[%swap3A_586, %swap3A_587], %swap3A_590 {strides = array<i32>} : memref<40x128xf32, #tpu.memory_space<vmem>>, vector<1x16xf32>,
        %broadcast_in_dim3A_591 = arith.constant 7 : i32
        %broadcast_in_dim3A_592 = vector.broadcast %broadcast_in_dim3A_591 : i32 to vector<16x1xi32>
        %gather3A_593 = vector.shape_cast %broadcast_in_dim3A_592 : vector<16x1xi32> to vector<16xi32>
        %gather3A_594 = tpu.dynamic_gather %get3A_492[%gather3A_593] in [0] : vector<16xf32>, vector<16xi32> -> vector<16xf32>
        %get3A_595 = arith.index_cast %add3A_488 : i32 to index
        %get3A_596 = arith.constant 112 : index
        %get3A_597 = tpu.vector_load %arg16[%get3A_595, %get3A_596] {strides = array<i32>} : memref<40x128xf32, #tpu.memory_space<vmem>>, vector<1x16xf32>,
        %get3A_598 = vector.shape_cast %get3A_597 : vector<1x16xf32> to vector<16xf32>
        %mul3A_599 = arith.mulf %get3A_598, %gather3A_594 : vector<16xf32>
        %swap3A_600 = arith.index_cast %add3A_488 : i32 to index
        %swap3A_601 = arith.constant 112 : index
        %swap3A_602 = tpu.vector_load %arg16[%swap3A_600, %swap3A_601] {strides = array<i32>} : memref<40x128xf32, #tpu.memory_space<vmem>>, vector<1x16xf32>,
        %swap3A_603 = vector.shape_cast %swap3A_602 : vector<1x16xf32> to vector<16xf32>
        %swap3A_604 = vector.shape_cast %mul3A_599 : vector<16xf32> to vector<1x16xf32>
        tpu.vector_store %arg16[%swap3A_600, %swap3A_601], %swap3A_604 {strides = array<i32>} : memref<40x128xf32, #tpu.memory_space<vmem>>, vector<1x16xf32>,
        %mul3A_605 = arith.constant 4 : i32
        %mul3A_606 = arith.muli %scan3A_367, %mul3A_605 : i32
        %add3A_607 = arith.constant 2 : i32
        %add3A_608 = arith.addi %mul3A_606, %add3A_607 : i32
        %get3A_609 = arith.index_cast %add3A_608 : i32 to index
        %get3A_610 = arith.constant 0 : index
        %get3A_611 = tpu.vector_load %arg15[%get3A_609, %get3A_610] {strides = array<i32>} : memref<40x16xf32, #tpu.memory_space<vmem>>, vector<1x16xf32>,
        %get3A_612 = vector.shape_cast %get3A_611 : vector<1x16xf32> to vector<16xf32>
        %broadcast_in_dim3A_613 = arith.constant 0 : i32
        %broadcast_in_dim3A_614 = vector.broadcast %broadcast_in_dim3A_613 : i32 to vector<16x1xi32>
        %gather3A_615 = vector.shape_cast %broadcast_in_dim3A_614 : vector<16x1xi32> to vector<16xi32>
        %gather3A_616 = tpu.dynamic_gather %get3A_612[%gather3A_615] in [0] : vector<16xf32>, vector<16xi32> -> vector<16xf32>
        %get3A_617 = arith.index_cast %add3A_608 : i32 to index
        %get3A_618 = arith.constant 0 : index
        %get3A_619 = tpu.vector_load %arg16[%get3A_617, %get3A_618] {strides = array<i32>} : memref<40x128xf32, #tpu.memory_space<vmem>>, vector<1x16xf32>,
        %get3A_620 = vector.shape_cast %get3A_619 : vector<1x16xf32> to vector<16xf32>
        %mul3A_621 = arith.mulf %get3A_620, %gather3A_616 : vector<16xf32>
        %swap3A_622 = arith.index_cast %add3A_608 : i32 to index
        %swap3A_623 = arith.constant 0 : index
        %swap3A_624 = tpu.vector_load %arg16[%swap3A_622, %swap3A_623] {strides = array<i32>} : memref<40x128xf32, #tpu.memory_space<vmem>>, vector<1x16xf32>,
        %swap3A_625 = vector.shape_cast %swap3A_624 : vector<1x16xf32> to vector<16xf32>
        %swap3A_626 = vector.shape_cast %mul3A_621 : vector<16xf32> to vector<1x16xf32>
        tpu.vector_store %arg16[%swap3A_622, %swap3A_623], %swap3A_626 {strides = array<i32>} : memref<40x128xf32, #tpu.memory_space<vmem>>, vector<1x16xf32>,
        %broadcast_in_dim3A_627 = arith.constant 1 : i32
        %broadcast_in_dim3A_628 = vector.broadcast %broadcast_in_dim3A_627 : i32 to vector<16x1xi32>
        %gather3A_629 = vector.shape_cast %broadcast_in_dim3A_628 : vector<16x1xi32> to vector<16xi32>
        %gather3A_630 = tpu.dynamic_gather %get3A_612[%gather3A_629] in [0] : vector<16xf32>, vector<16xi32> -> vector<16xf32>
        %get3A_631 = arith.index_cast %add3A_608 : i32 to index
        %get3A_632 = arith.constant 16 : index
        %get3A_633 = tpu.vector_load %arg16[%get3A_631, %get3A_632] {strides = array<i32>} : memref<40x128xf32, #tpu.memory_space<vmem>>, vector<1x16xf32>,
        %get3A_634 = vector.shape_cast %get3A_633 : vector<1x16xf32> to vector<16xf32>
        %mul3A_635 = arith.mulf %get3A_634, %gather3A_630 : vector<16xf32>
        %swap3A_636 = arith.index_cast %add3A_608 : i32 to index
        %swap3A_637 = arith.constant 16 : index
        %swap3A_638 = tpu.vector_load %arg16[%swap3A_636, %swap3A_637] {strides = array<i32>} : memref<40x128xf32, #tpu.memory_space<vmem>>, vector<1x16xf32>,
        %swap3A_639 = vector.shape_cast %swap3A_638 : vector<1x16xf32> to vector<16xf32>
        %swap3A_640 = vector.shape_cast %mul3A_635 : vector<16xf32> to vector<1x16xf32>
        tpu.vector_store %arg16[%swap3A_636, %swap3A_637], %swap3A_640 {strides = array<i32>} : memref<40x128xf32, #tpu.memory_space<vmem>>, vector<1x16xf32>,
        %broadcast_in_dim3A_641 = arith.constant 2 : i32
        %broadcast_in_dim3A_642 = vector.broadcast %broadcast_in_dim3A_641 : i32 to vector<16x1xi32>
        %gather3A_643 = vector.shape_cast %broadcast_in_dim3A_642 : vector<16x1xi32> to vector<16xi32>
        %gather3A_644 = tpu.dynamic_gather %get3A_612[%gather3A_643] in [0] : vector<16xf32>, vector<16xi32> -> vector<16xf32>
        %get3A_645 = arith.index_cast %add3A_608 : i32 to index
        %get3A_646 = arith.constant 32 : index
        %get3A_647 = tpu.vector_load %arg16[%get3A_645, %get3A_646] {strides = array<i32>} : memref<40x128xf32, #tpu.memory_space<vmem>>, vector<1x16xf32>,
        %get3A_648 = vector.shape_cast %get3A_647 : vector<1x16xf32> to vector<16xf32>
        %mul3A_649 = arith.mulf %get3A_648, %gather3A_644 : vector<16xf32>
        %swap3A_650 = arith.index_cast %add3A_608 : i32 to index
        %swap3A_651 = arith.constant 32 : index
        %swap3A_652 = tpu.vector_load %arg16[%swap3A_650, %swap3A_651] {strides = array<i32>} : memref<40x128xf32, #tpu.memory_space<vmem>>, vector<1x16xf32>,
        %swap3A_653 = vector.shape_cast %swap3A_652 : vector<1x16xf32> to vector<16xf32>
        %swap3A_654 = vector.shape_cast %mul3A_649 : vector<16xf32> to vector<1x16xf32>
        tpu.vector_store %arg16[%swap3A_650, %swap3A_651], %swap3A_654 {strides = array<i32>} : memref<40x128xf32, #tpu.memory_space<vmem>>, vector<1x16xf32>,
        %broadcast_in_dim3A_655 = arith.constant 3 : i32
        %broadcast_in_dim3A_656 = vector.broadcast %broadcast_in_dim3A_655 : i32 to vector<16x1xi32>
        %gather3A_657 = vector.shape_cast %broadcast_in_dim3A_656 : vector<16x1xi32> to vector<16xi32>
        %gather3A_658 = tpu.dynamic_gather %get3A_612[%gather3A_657] in [0] : vector<16xf32>, vector<16xi32> -> vector<16xf32>
        %get3A_659 = arith.index_cast %add3A_608 : i32 to index
        %get3A_660 = arith.constant 48 : index
        %get3A_661 = tpu.vector_load %arg16[%get3A_659, %get3A_660] {strides = array<i32>} : memref<40x128xf32, #tpu.memory_space<vmem>>, vector<1x16xf32>,
        %get3A_662 = vector.shape_cast %get3A_661 : vector<1x16xf32> to vector<16xf32>
        %mul3A_663 = arith.mulf %get3A_662, %gather3A_658 : vector<16xf32>
        %swap3A_664 = arith.index_cast %add3A_608 : i32 to index
        %swap3A_665 = arith.constant 48 : index
        %swap3A_666 = tpu.vector_load %arg16[%swap3A_664, %swap3A_665] {strides = array<i32>} : memref<40x128xf32, #tpu.memory_space<vmem>>, vector<1x16xf32>,
        %swap3A_667 = vector.shape_cast %swap3A_666 : vector<1x16xf32> to vector<16xf32>
        %swap3A_668 = vector.shape_cast %mul3A_663 : vector<16xf32> to vector<1x16xf32>
        tpu.vector_store %arg16[%swap3A_664, %swap3A_665], %swap3A_668 {strides = array<i32>} : memref<40x128xf32, #tpu.memory_space<vmem>>, vector<1x16xf32>,
        %broadcast_in_dim3A_669 = arith.constant 4 : i32
        %broadcast_in_dim3A_670 = vector.broadcast %broadcast_in_dim3A_669 : i32 to vector<16x1xi32>
        %gather3A_671 = vector.shape_cast %broadcast_in_dim3A_670 : vector<16x1xi32> to vector<16xi32>
        %gather3A_672 = tpu.dynamic_gather %get3A_612[%gather3A_671] in [0] : vector<16xf32>, vector<16xi32> -> vector<16xf32>
        %get3A_673 = arith.index_cast %add3A_608 : i32 to index
        %get3A_674 = arith.constant 64 : index
        %get3A_675 = tpu.vector_load %arg16[%get3A_673, %get3A_674] {strides = array<i32>} : memref<40x128xf32, #tpu.memory_space<vmem>>, vector<1x16xf32>,
        %get3A_676 = vector.shape_cast %get3A_675 : vector<1x16xf32> to vector<16xf32>
        %mul3A_677 = arith.mulf %get3A_676, %gather3A_672 : vector<16xf32>
        %swap3A_678 = arith.index_cast %add3A_608 : i32 to index
        %swap3A_679 = arith.constant 64 : index
        %swap3A_680 = tpu.vector_load %arg16[%swap3A_678, %swap3A_679] {strides = array<i32>} : memref<40x128xf32, #tpu.memory_space<vmem>>, vector<1x16xf32>,
        %swap3A_681 = vector.shape_cast %swap3A_680 : vector<1x16xf32> to vector<16xf32>
        %swap3A_682 = vector.shape_cast %mul3A_677 : vector<16xf32> to vector<1x16xf32>
        tpu.vector_store %arg16[%swap3A_678, %swap3A_679], %swap3A_682 {strides = array<i32>} : memref<40x128xf32, #tpu.memory_space<vmem>>, vector<1x16xf32>,
        %broadcast_in_dim3A_683 = arith.constant 5 : i32
        %broadcast_in_dim3A_684 = vector.broadcast %broadcast_in_dim3A_683 : i32 to vector<16x1xi32>
        %gather3A_685 = vector.shape_cast %broadcast_in_dim3A_684 : vector<16x1xi32> to vector<16xi32>
        %gather3A_686 = tpu.dynamic_gather %get3A_612[%gather3A_685] in [0] : vector<16xf32>, vector<16xi32> -> vector<16xf32>
        %get3A_687 = arith.index_cast %add3A_608 : i32 to index
        %get3A_688 = arith.constant 80 : index
        %get3A_689 = tpu.vector_load %arg16[%get3A_687, %get3A_688] {strides = array<i32>} : memref<40x128xf32, #tpu.memory_space<vmem>>, vector<1x16xf32>,
        %get3A_690 = vector.shape_cast %get3A_689 : vector<1x16xf32> to vector<16xf32>
        %mul3A_691 = arith.mulf %get3A_690, %gather3A_686 : vector<16xf32>
        %swap3A_692 = arith.index_cast %add3A_608 : i32 to index
        %swap3A_693 = arith.constant 80 : index
        %swap3A_694 = tpu.vector_load %arg16[%swap3A_692, %swap3A_693] {strides = array<i32>} : memref<40x128xf32, #tpu.memory_space<vmem>>, vector<1x16xf32>,
        %swap3A_695 = vector.shape_cast %swap3A_694 : vector<1x16xf32> to vector<16xf32>
        %swap3A_696 = vector.shape_cast %mul3A_691 : vector<16xf32> to vector<1x16xf32>
        tpu.vector_store %arg16[%swap3A_692, %swap3A_693], %swap3A_696 {strides = array<i32>} : memref<40x128xf32, #tpu.memory_space<vmem>>, vector<1x16xf32>,
        %broadcast_in_dim3A_697 = arith.constant 6 : i32
        %broadcast_in_dim3A_698 = vector.broadcast %broadcast_in_dim3A_697 : i32 to vector<16x1xi32>
        %gather3A_699 = vector.shape_cast %broadcast_in_dim3A_698 : vector<16x1xi32> to vector<16xi32>
        %gather3A_700 = tpu.dynamic_gather %get3A_612[%gather3A_699] in [0] : vector<16xf32>, vector<16xi32> -> vector<16xf32>
        %get3A_701 = arith.index_cast %add3A_608 : i32 to index
        %get3A_702 = arith.constant 96 : index
        %get3A_703 = tpu.vector_load %arg16[%get3A_701, %get3A_702] {strides = array<i32>} : memref<40x128xf32, #tpu.memory_space<vmem>>, vector<1x16xf32>,
        %get3A_704 = vector.shape_cast %get3A_703 : vector<1x16xf32> to vector<16xf32>
        %mul3A_705 = arith.mulf %get3A_704, %gather3A_700 : vector<16xf32>
        %swap3A_706 = arith.index_cast %add3A_608 : i32 to index
        %swap3A_707 = arith.constant 96 : index
        %swap3A_708 = tpu.vector_load %arg16[%swap3A_706, %swap3A_707] {strides = array<i32>} : memref<40x128xf32, #tpu.memory_space<vmem>>, vector<1x16xf32>,
        %swap3A_709 = vector.shape_cast %swap3A_708 : vector<1x16xf32> to vector<16xf32>
        %swap3A_710 = vector.shape_cast %mul3A_705 : vector<16xf32> to vector<1x16xf32>
        tpu.vector_store %arg16[%swap3A_706, %swap3A_707], %swap3A_710 {strides = array<i32>} : memref<40x128xf32, #tpu.memory_space<vmem>>, vector<1x16xf32>,
        %broadcast_in_dim3A_711 = arith.constant 7 : i32
        %broadcast_in_dim3A_712 = vector.broadcast %broadcast_in_dim3A_711 : i32 to vector<16x1xi32>
        %gather3A_713 = vector.shape_cast %broadcast_in_dim3A_712 : vector<16x1xi32> to vector<16xi32>
        %gather3A_714 = tpu.dynamic_gather %get3A_612[%gather3A_713] in [0] : vector<16xf32>, vector<16xi32> -> vector<16xf32>
        %get3A_715 = arith.index_cast %add3A_608 : i32 to index
        %get3A_716 = arith.constant 112 : index
        %get3A_717 = tpu.vector_load %arg16[%get3A_715, %get3A_716] {strides = array<i32>} : memref<40x128xf32, #tpu.memory_space<vmem>>, vector<1x16xf32>,
        %get3A_718 = vector.shape_cast %get3A_717 : vector<1x16xf32> to vector<16xf32>
        %mul3A_719 = arith.mulf %get3A_718, %gather3A_714 : vector<16xf32>
        %swap3A_720 = arith.index_cast %add3A_608 : i32 to index
        %swap3A_721 = arith.constant 112 : index
        %swap3A_722 = tpu.vector_load %arg16[%swap3A_720, %swap3A_721] {strides = array<i32>} : memref<40x128xf32, #tpu.memory_space<vmem>>, vector<1x16xf32>,
        %swap3A_723 = vector.shape_cast %swap3A_722 : vector<1x16xf32> to vector<16xf32>
        %swap3A_724 = vector.shape_cast %mul3A_719 : vector<16xf32> to vector<1x16xf32>
        tpu.vector_store %arg16[%swap3A_720, %swap3A_721], %swap3A_724 {strides = array<i32>} : memref<40x128xf32, #tpu.memory_space<vmem>>, vector<1x16xf32>,
        %mul3A_725 = arith.constant 4 : i32
        %mul3A_726 = arith.muli %scan3A_367, %mul3A_725 : i32
        %add3A_727 = arith.constant 3 : i32
        %add3A_728 = arith.addi %mul3A_726, %add3A_727 : i32
        %get3A_729 = arith.index_cast %add3A_728 : i32 to index
        %get3A_730 = arith.constant 0 : index
        %get3A_731 = tpu.vector_load %arg15[%get3A_729, %get3A_730] {strides = array<i32>} : memref<40x16xf32, #tpu.memory_space<vmem>>, vector<1x16xf32>,
        %get3A_732 = vector.shape_cast %get3A_731 : vector<1x16xf32> to vector<16xf32>
        %broadcast_in_dim3A_733 = arith.constant 0 : i32
        %broadcast_in_dim3A_734 = vector.broadcast %broadcast_in_dim3A_733 : i32 to vector<16x1xi32>
        %gather3A_735 = vector.shape_cast %broadcast_in_dim3A_734 : vector<16x1xi32> to vector<16xi32>
        %gather3A_736 = tpu.dynamic_gather %get3A_732[%gather3A_735] in [0] : vector<16xf32>, vector<16xi32> -> vector<16xf32>
        %get3A_737 = arith.index_cast %add3A_728 : i32 to index
        %get3A_738 = arith.constant 0 : index
        %get3A_739 = tpu.vector_load %arg16[%get3A_737, %get3A_738] {strides = array<i32>} : memref<40x128xf32, #tpu.memory_space<vmem>>, vector<1x16xf32>,
        %get3A_740 = vector.shape_cast %get3A_739 : vector<1x16xf32> to vector<16xf32>
        %mul3A_741 = arith.mulf %get3A_740, %gather3A_736 : vector<16xf32>
        %swap3A_742 = arith.index_cast %add3A_728 : i32 to index
        %swap3A_743 = arith.constant 0 : index
        %swap3A_744 = tpu.vector_load %arg16[%swap3A_742, %swap3A_743] {strides = array<i32>} : memref<40x128xf32, #tpu.memory_space<vmem>>, vector<1x16xf32>,
        %swap3A_745 = vector.shape_cast %swap3A_744 : vector<1x16xf32> to vector<16xf32>
        %swap3A_746 = vector.shape_cast %mul3A_741 : vector<16xf32> to vector<1x16xf32>
        tpu.vector_store %arg16[%swap3A_742, %swap3A_743], %swap3A_746 {strides = array<i32>} : memref<40x128xf32, #tpu.memory_space<vmem>>, vector<1x16xf32>,
        %broadcast_in_dim3A_747 = arith.constant 1 : i32
        %broadcast_in_dim3A_748 = vector.broadcast %broadcast_in_dim3A_747 : i32 to vector<16x1xi32>
        %gather3A_749 = vector.shape_cast %broadcast_in_dim3A_748 : vector<16x1xi32> to vector<16xi32>
        %gather3A_750 = tpu.dynamic_gather %get3A_732[%gather3A_749] in [0] : vector<16xf32>, vector<16xi32> -> vector<16xf32>
        %get3A_751 = arith.index_cast %add3A_728 : i32 to index
        %get3A_752 = arith.constant 16 : index
        %get3A_753 = tpu.vector_load %arg16[%get3A_751, %get3A_752] {strides = array<i32>} : memref<40x128xf32, #tpu.memory_space<vmem>>, vector<1x16xf32>,
        %get3A_754 = vector.shape_cast %get3A_753 : vector<1x16xf32> to vector<16xf32>
        %mul3A_755 = arith.mulf %get3A_754, %gather3A_750 : vector<16xf32>
        %swap3A_756 = arith.index_cast %add3A_728 : i32 to index
        %swap3A_757 = arith.constant 16 : index
        %swap3A_758 = tpu.vector_load %arg16[%swap3A_756, %swap3A_757] {strides = array<i32>} : memref<40x128xf32, #tpu.memory_space<vmem>>, vector<1x16xf32>,
        %swap3A_759 = vector.shape_cast %swap3A_758 : vector<1x16xf32> to vector<16xf32>
        %swap3A_760 = vector.shape_cast %mul3A_755 : vector<16xf32> to vector<1x16xf32>
        tpu.vector_store %arg16[%swap3A_756, %swap3A_757], %swap3A_760 {strides = array<i32>} : memref<40x128xf32, #tpu.memory_space<vmem>>, vector<1x16xf32>,
        %broadcast_in_dim3A_761 = arith.constant 2 : i32
        %broadcast_in_dim3A_762 = vector.broadcast %broadcast_in_dim3A_761 : i32 to vector<16x1xi32>
        %gather3A_763 = vector.shape_cast %broadcast_in_dim3A_762 : vector<16x1xi32> to vector<16xi32>
        %gather3A_764 = tpu.dynamic_gather %get3A_732[%gather3A_763] in [0] : vector<16xf32>, vector<16xi32> -> vector<16xf32>
        %get3A_765 = arith.index_cast %add3A_728 : i32 to index
        %get3A_766 = arith.constant 32 : index
        %get3A_767 = tpu.vector_load %arg16[%get3A_765, %get3A_766] {strides = array<i32>} : memref<40x128xf32, #tpu.memory_space<vmem>>, vector<1x16xf32>,
        %get3A_768 = vector.shape_cast %get3A_767 : vector<1x16xf32> to vector<16xf32>
        %mul3A_769 = arith.mulf %get3A_768, %gather3A_764 : vector<16xf32>
        %swap3A_770 = arith.index_cast %add3A_728 : i32 to index
        %swap3A_771 = arith.constant 32 : index
        %swap3A_772 = tpu.vector_load %arg16[%swap3A_770, %swap3A_771] {strides = array<i32>} : memref<40x128xf32, #tpu.memory_space<vmem>>, vector<1x16xf32>,
        %swap3A_773 = vector.shape_cast %swap3A_772 : vector<1x16xf32> to vector<16xf32>
        %swap3A_774 = vector.shape_cast %mul3A_769 : vector<16xf32> to vector<1x16xf32>
        tpu.vector_store %arg16[%swap3A_770, %swap3A_771], %swap3A_774 {strides = array<i32>} : memref<40x128xf32, #tpu.memory_space<vmem>>, vector<1x16xf32>,
        %broadcast_in_dim3A_775 = arith.constant 3 : i32
        %broadcast_in_dim3A_776 = vector.broadcast %broadcast_in_dim3A_775 : i32 to vector<16x1xi32>
        %gather3A_777 = vector.shape_cast %broadcast_in_dim3A_776 : vector<16x1xi32> to vector<16xi32>
        %gather3A_778 = tpu.dynamic_gather %get3A_732[%gather3A_777] in [0] : vector<16xf32>, vector<16xi32> -> vector<16xf32>
        %get3A_779 = arith.index_cast %add3A_728 : i32 to index
        %get3A_780 = arith.constant 48 : index
        %get3A_781 = tpu.vector_load %arg16[%get3A_779, %get3A_780] {strides = array<i32>} : memref<40x128xf32, #tpu.memory_space<vmem>>, vector<1x16xf32>,
        %get3A_782 = vector.shape_cast %get3A_781 : vector<1x16xf32> to vector<16xf32>
        %mul3A_783 = arith.mulf %get3A_782, %gather3A_778 : vector<16xf32>
        %swap3A_784 = arith.index_cast %add3A_728 : i32 to index
        %swap3A_785 = arith.constant 48 : index
        %swap3A_786 = tpu.vector_load %arg16[%swap3A_784, %swap3A_785] {strides = array<i32>} : memref<40x128xf32, #tpu.memory_space<vmem>>, vector<1x16xf32>,
        %swap3A_787 = vector.shape_cast %swap3A_786 : vector<1x16xf32> to vector<16xf32>
        %swap3A_788 = vector.shape_cast %mul3A_783 : vector<16xf32> to vector<1x16xf32>
        tpu.vector_store %arg16[%swap3A_784, %swap3A_785], %swap3A_788 {strides = array<i32>} : memref<40x128xf32, #tpu.memory_space<vmem>>, vector<1x16xf32>,
        %broadcast_in_dim3A_789 = arith.constant 4 : i32
        %broadcast_in_dim3A_790 = vector.broadcast %broadcast_in_dim3A_789 : i32 to vector<16x1xi32>
        %gather3A_791 = vector.shape_cast %broadcast_in_dim3A_790 : vector<16x1xi32> to vector<16xi32>
        %gather3A_792 = tpu.dynamic_gather %get3A_732[%gather3A_791] in [0] : vector<16xf32>, vector<16xi32> -> vector<16xf32>
        %get3A_793 = arith.index_cast %add3A_728 : i32 to index
        %get3A_794 = arith.constant 64 : index
        %get3A_795 = tpu.vector_load %arg16[%get3A_793, %get3A_794] {strides = array<i32>} : memref<40x128xf32, #tpu.memory_space<vmem>>, vector<1x16xf32>,
        %get3A_796 = vector.shape_cast %get3A_795 : vector<1x16xf32> to vector<16xf32>
        %mul3A_797 = arith.mulf %get3A_796, %gather3A_792 : vector<16xf32>
        %swap3A_798 = arith.index_cast %add3A_728 : i32 to index
        %swap3A_799 = arith.constant 64 : index
        %swap3A_800 = tpu.vector_load %arg16[%swap3A_798, %swap3A_799] {strides = array<i32>} : memref<40x128xf32, #tpu.memory_space<vmem>>, vector<1x16xf32>,
        %swap3A_801 = vector.shape_cast %swap3A_800 : vector<1x16xf32> to vector<16xf32>
        %swap3A_802 = vector.shape_cast %mul3A_797 : vector<16xf32> to vector<1x16xf32>
        tpu.vector_store %arg16[%swap3A_798, %swap3A_799], %swap3A_802 {strides = array<i32>} : memref<40x128xf32, #tpu.memory_space<vmem>>, vector<1x16xf32>,
        %broadcast_in_dim3A_803 = arith.constant 5 : i32
        %broadcast_in_dim3A_804 = vector.broadcast %broadcast_in_dim3A_803 : i32 to vector<16x1xi32>
        %gather3A_805 = vector.shape_cast %broadcast_in_dim3A_804 : vector<16x1xi32> to vector<16xi32>
        %gather3A_806 = tpu.dynamic_gather %get3A_732[%gather3A_805] in [0] : vector<16xf32>, vector<16xi32> -> vector<16xf32>
        %get3A_807 = arith.index_cast %add3A_728 : i32 to index
        %get3A_808 = arith.constant 80 : index
        %get3A_809 = tpu.vector_load %arg16[%get3A_807, %get3A_808] {strides = array<i32>} : memref<40x128xf32, #tpu.memory_space<vmem>>, vector<1x16xf32>,
        %get3A_810 = vector.shape_cast %get3A_809 : vector<1x16xf32> to vector<16xf32>
        %mul3A_811 = arith.mulf %get3A_810, %gather3A_806 : vector<16xf32>
        %swap3A_812 = arith.index_cast %add3A_728 : i32 to index
        %swap3A_813 = arith.constant 80 : index
        %swap3A_814 = tpu.vector_load %arg16[%swap3A_812, %swap3A_813] {strides = array<i32>} : memref<40x128xf32, #tpu.memory_space<vmem>>, vector<1x16xf32>,
        %swap3A_815 = vector.shape_cast %swap3A_814 : vector<1x16xf32> to vector<16xf32>
        %swap3A_816 = vector.shape_cast %mul3A_811 : vector<16xf32> to vector<1x16xf32>
        tpu.vector_store %arg16[%swap3A_812, %swap3A_813], %swap3A_816 {strides = array<i32>} : memref<40x128xf32, #tpu.memory_space<vmem>>, vector<1x16xf32>,
        %broadcast_in_dim3A_817 = arith.constant 6 : i32
        %broadcast_in_dim3A_818 = vector.broadcast %broadcast_in_dim3A_817 : i32 to vector<16x1xi32>
        %gather3A_819 = vector.shape_cast %broadcast_in_dim3A_818 : vector<16x1xi32> to vector<16xi32>
        %gather3A_820 = tpu.dynamic_gather %get3A_732[%gather3A_819] in [0] : vector<16xf32>, vector<16xi32> -> vector<16xf32>
        %get3A_821 = arith.index_cast %add3A_728 : i32 to index
        %get3A_822 = arith.constant 96 : index
        %get3A_823 = tpu.vector_load %arg16[%get3A_821, %get3A_822] {strides = array<i32>} : memref<40x128xf32, #tpu.memory_space<vmem>>, vector<1x16xf32>,
        %get3A_824 = vector.shape_cast %get3A_823 : vector<1x16xf32> to vector<16xf32>
        %mul3A_825 = arith.mulf %get3A_824, %gather3A_820 : vector<16xf32>
        %swap3A_826 = arith.index_cast %add3A_728 : i32 to index
        %swap3A_827 = arith.constant 96 : index
        %swap3A_828 = tpu.vector_load %arg16[%swap3A_826, %swap3A_827] {strides = array<i32>} : memref<40x128xf32, #tpu.memory_space<vmem>>, vector<1x16xf32>,
        %swap3A_829 = vector.shape_cast %swap3A_828 : vector<1x16xf32> to vector<16xf32>
        %swap3A_830 = vector.shape_cast %mul3A_825 : vector<16xf32> to vector<1x16xf32>
        tpu.vector_store %arg16[%swap3A_826, %swap3A_827], %swap3A_830 {strides = array<i32>} : memref<40x128xf32, #tpu.memory_space<vmem>>, vector<1x16xf32>,
        %broadcast_in_dim3A_831 = arith.constant 7 : i32
        %broadcast_in_dim3A_832 = vector.broadcast %broadcast_in_dim3A_831 : i32 to vector<16x1xi32>
        %gather3A_833 = vector.shape_cast %broadcast_in_dim3A_832 : vector<16x1xi32> to vector<16xi32>
        %gather3A_834 = tpu.dynamic_gather %get3A_732[%gather3A_833] in [0] : vector<16xf32>, vector<16xi32> -> vector<16xf32>
        %get3A_835 = arith.index_cast %add3A_728 : i32 to index
        %get3A_836 = arith.constant 112 : index
        %get3A_837 = tpu.vector_load %arg16[%get3A_835, %get3A_836] {strides = array<i32>} : memref<40x128xf32, #tpu.memory_space<vmem>>, vector<1x16xf32>,
        %get3A_838 = vector.shape_cast %get3A_837 : vector<1x16xf32> to vector<16xf32>
        %mul3A_839 = arith.mulf %get3A_838, %gather3A_834 : vector<16xf32>
        %swap3A_840 = arith.index_cast %add3A_728 : i32 to index
        %swap3A_841 = arith.constant 112 : index
        %swap3A_842 = tpu.vector_load %arg16[%swap3A_840, %swap3A_841] {strides = array<i32>} : memref<40x128xf32, #tpu.memory_space<vmem>>, vector<1x16xf32>,
        %swap3A_843 = vector.shape_cast %swap3A_842 : vector<1x16xf32> to vector<16xf32>
        %swap3A_844 = vector.shape_cast %mul3A_839 : vector<16xf32> to vector<1x16xf32>
        tpu.vector_store %arg16[%swap3A_840, %swap3A_841], %swap3A_844 {strides = array<i32>} : memref<40x128xf32, #tpu.memory_space<vmem>>, vector<1x16xf32>,
        %scan3A_845 = arith.constant 0 : i32
        scf.yield %scan3A_845 : i32
      }
      %scan3A_275 = arith.constant 10 : i32
      %dma_start3A_276 = arith.constant 0 : i32
      %dma_start3A_277 = tpu.memref_slice %arg12[%mul3A_219, %dma_start3A_276] : memref<250x40xi32, #tpu.memory_space<vmem>> -> memref<1x40xi32, #tpu.memory_space<vmem>>
      %dma_start3A_278 = tpu.memref_squeeze %dma_start3A_277 : memref<1x40xi32, #tpu.memory_space<vmem>> -> memref<40xi32, #tpu.memory_space<vmem>>
      %dma_start3A_279 = arith.constant 0 : i32
      %dma_start3A_280 = arith.constant 0 : i32
      %dma_start3A_281 = tpu.memref_slice %arg21[%dma_start3A_279, %dma_start3A_280] : memref<10000x128xf32, #tpu.memory_space<vmem_shared>> -> memref<10000x128xf32, #tpu.memory_space<vmem_shared>>
      tpu.enqueue_indirect_dma source(%arg16 : memref<40x128xf32, #tpu.memory_space<vmem>>) target(%dma_start3A_281 : memref<10000x128xf32, #tpu.memory_space<vmem_shared>>) offsets(%dma_start3A_278 : memref<40xi32, #tpu.memory_space<vmem>>) semaphore(%arg26 : memref<!tpu.dma_semaphore, #tpu.memory_space<semaphore_mem>>) {add = true}
      %dma_start3A_282 = arith.constant 0 : i32
      %dma_start3A_283 = tpu.memref_slice %arg12[%mul3A_219, %dma_start3A_282] : memref<250x40xi32, #tpu.memory_space<vmem>> -> memref<1x40xi32, #tpu.memory_space<vmem>>
      %dma_start3A_284 = tpu.memref_squeeze %dma_start3A_283 : memref<1x40xi32, #tpu.memory_space<vmem>> -> memref<40xi32, #tpu.memory_space<vmem>>
      %dma_start3A_285 = arith.constant 0 : i32
      %dma_start3A_286 = arith.constant 0 : i32
      %dma_start3A_287 = tpu.memref_slice %arg22[%dma_start3A_285, %dma_start3A_286] : memref<10000x16xf32, #tpu.memory_space<vmem_shared>> -> memref<10000x16xf32, #tpu.memory_space<vmem_shared>>
      tpu.enqueue_indirect_dma source(%arg15 : memref<40x16xf32, #tpu.memory_space<vmem>>) target(%dma_start3A_287 : memref<10000x16xf32, #tpu.memory_space<vmem_shared>>) offsets(%dma_start3A_284 : memref<40xi32, #tpu.memory_space<vmem>>) semaphore(%arg27 : memref<!tpu.dma_semaphore, #tpu.memory_space<semaphore_mem>>) {add = true}
      %add3A_288 = arith.constant 1 : i32
      %add3A_289 = arith.addi %mul3A_219, %add3A_288 : i32
      %dma_wait3A_290 = arith.constant 0 : i32
      %dma_wait3A_291 = tpu.memref_slice %arg11[%add3A_289, %dma_wait3A_290] : memref<250x40xi32, #tpu.memory_space<vmem>> -> memref<1x40xi32, #tpu.memory_space<vmem>>
      %dma_wait3A_292 = tpu.memref_squeeze %dma_wait3A_291 : memref<1x40xi32, #tpu.memory_space<vmem>> -> memref<40xi32, #tpu.memory_space<vmem>>
      %dma_wait3A_293 = arith.constant 0 : i32
      %dma_wait3A_294 = arith.constant 0 : i32
      %dma_wait3A_295 = tpu.memref_slice %arg2[%dma_wait3A_293, %dma_wait3A_294] : memref<10000x16xf32, #tpu.memory_space<hbm>> -> memref<10000x16xf32, #tpu.memory_space<hbm>>
      tpu.wait_indirect_dma semaphore(%arg29 : memref<!tpu.dma_semaphore, #tpu.memory_space<semaphore_mem>>) src(%dma_wait3A_295 : memref<10000x16xf32, #tpu.memory_space<hbm>>) dst(%arg17 : memref<40x16xf32, #tpu.memory_space<vmem>>)
      %dma_wait3A_296 = arith.constant 0 : i32
      %dma_wait3A_297 = tpu.memref_slice %arg12[%add3A_289, %dma_wait3A_296] : memref<250x40xi32, #tpu.memory_space<vmem>> -> memref<1x40xi32, #tpu.memory_space<vmem>>
      %dma_wait3A_298 = tpu.memref_squeeze %dma_wait3A_297 : memref<1x40xi32, #tpu.memory_space<vmem>> -> memref<40xi32, #tpu.memory_space<vmem>>
      %dma_wait3A_299 = arith.constant 0 : i32
      %dma_wait3A_300 = arith.constant 0 : i32
      %dma_wait3A_301 = tpu.memref_slice %arg3[%dma_wait3A_299, %dma_wait3A_300] : memref<10000x16xf32, #tpu.memory_space<hbm>> -> memref<10000x16xf32, #tpu.memory_space<hbm>>
      tpu.wait_indirect_dma semaphore(%arg30 : memref<!tpu.dma_semaphore, #tpu.memory_space<semaphore_mem>>) src(%dma_wait3A_301 : memref<10000x16xf32, #tpu.memory_space<hbm>>) dst(%arg18 : memref<40x16xf32, #tpu.memory_space<vmem>>)
      %scan3A_302 = arith.constant 0 : i32
      %scan3A_303 = arith.constant 0 : i32
      %scan3A_304 = arith.constant 10 : i32
      %scan3A_305 = arith.addi %scan3A_303, %scan3A_304 : i32
      %scan3A_306 = arith.constant 1 : i32
      %scan3A_307 = scf.for %scan3A_367 = %scan3A_303 to %scan3A_305 step %scan3A_306 iter_args(%scan3A_368 = %scan3A_302) -> (i32)  : i32 {
        %mul3A_369 = arith.constant 4 : i32
        %mul3A_370 = arith.muli %scan3A_367, %mul3A_369 : i32
        %add3A_371 = arith.constant 0 : i32
        %add3A_372 = arith.addi %mul3A_370, %add3A_371 : i32
        %get3A = arith.index_cast %add3A_372 : i32 to index
        %get3A_373 = arith.constant 0 : index
        %get3A_374 = tpu.vector_load %arg17[%get3A, %get3A_373] {strides = array<i32>} : memref<40x16xf32, #tpu.memory_space<vmem>>, vector<1x16xf32>,
        %get3A_375 = vector.shape_cast %get3A_374 : vector<1x16xf32> to vector<16xf32>
        %get3A_376 = arith.index_cast %add3A_372 : i32 to index
        %get3A_377 = arith.constant 0 : index
        %get3A_378 = tpu.vector_load %arg18[%get3A_376, %get3A_377] {strides = array<i32>} : memref<40x16xf32, #tpu.memory_space<vmem>>, vector<1x16xf32>,
        %get3A_379 = vector.shape_cast %get3A_378 : vector<1x16xf32> to vector<16xf32>
        %add3A_380 = arith.addf %get3A_375, %get3A_379 : vector<16xf32>
        %mul3A_381 = arith.constant 2.000000e-01 : f32
        %mul3A_382 = vector.broadcast %mul3A_381 : f32 to vector<16xf32>
        %mul3A_383 = arith.mulf %add3A_380, %mul3A_382 : vector<16xf32>
        %max3A = arith.maximumf %add3A_380, %mul3A_383 : vector<16xf32>
        %exp3A = math.exp %max3A : vector<16xf32>
        %swap3A = arith.index_cast %add3A_372 : i32 to index
        %swap3A_384 = arith.constant 0 : index
        %swap3A_385 = tpu.vector_load %arg19[%swap3A, %swap3A_384] {strides = array<i32>} : memref<40x16xf32, #tpu.memory_space<vmem>>, vector<1x16xf32>,
        %swap3A_386 = vector.shape_cast %swap3A_385 : vector<1x16xf32> to vector<16xf32>
        %swap3A_387 = vector.shape_cast %exp3A : vector<16xf32> to vector<1x16xf32>
        tpu.vector_store %arg19[%swap3A, %swap3A_384], %swap3A_387 {strides = array<i32>} : memref<40x16xf32, #tpu.memory_space<vmem>>, vector<1x16xf32>,
        %mul3A_388 = arith.constant 4 : i32
        %mul3A_389 = arith.muli %scan3A_367, %mul3A_388 : i32
        %add3A_390 = arith.constant 1 : i32
        %add3A_391 = arith.addi %mul3A_389, %add3A_390 : i32
        %get3A_392 = arith.index_cast %add3A_391 : i32 to index
        %get3A_393 = arith.constant 0 : index
        %get3A_394 = tpu.vector_load %arg17[%get3A_392, %get3A_393] {strides = array<i32>} : memref<40x16xf32, #tpu.memory_space<vmem>>, vector<1x16xf32>,
        %get3A_395 = vector.shape_cast %get3A_394 : vector<1x16xf32> to vector<16xf32>
        %get3A_396 = arith.index_cast %add3A_391 : i32 to index
        %get3A_397 = arith.constant 0 : index
        %get3A_398 = tpu.vector_load %arg18[%get3A_396, %get3A_397] {strides = array<i32>} : memref<40x16xf32, #tpu.memory_space<vmem>>, vector<1x16xf32>,
        %get3A_399 = vector.shape_cast %get3A_398 : vector<1x16xf32> to vector<16xf32>
        %add3A_400 = arith.addf %get3A_395, %get3A_399 : vector<16xf32>
        %mul3A_401 = arith.constant 2.000000e-01 : f32
        %mul3A_402 = vector.broadcast %mul3A_401 : f32 to vector<16xf32>
        %mul3A_403 = arith.mulf %add3A_400, %mul3A_402 : vector<16xf32>
        %max3A_404 = arith.maximumf %add3A_400, %mul3A_403 : vector<16xf32>
        %exp3A_405 = math.exp %max3A_404 : vector<16xf32>
        %swap3A_406 = arith.index_cast %add3A_391 : i32 to index
        %swap3A_407 = arith.constant 0 : index
        %swap3A_408 = tpu.vector_load %arg19[%swap3A_406, %swap3A_407] {strides = array<i32>} : memref<40x16xf32, #tpu.memory_space<vmem>>, vector<1x16xf32>,
        %swap3A_409 = vector.shape_cast %swap3A_408 : vector<1x16xf32> to vector<16xf32>
        %swap3A_410 = vector.shape_cast %exp3A_405 : vector<16xf32> to vector<1x16xf32>
        tpu.vector_store %arg19[%swap3A_406, %swap3A_407], %swap3A_410 {strides = array<i32>} : memref<40x16xf32, #tpu.memory_space<vmem>>, vector<1x16xf32>,
        %mul3A_411 = arith.constant 4 : i32
        %mul3A_412 = arith.muli %scan3A_367, %mul3A_411 : i32
        %add3A_413 = arith.constant 2 : i32
        %add3A_414 = arith.addi %mul3A_412, %add3A_413 : i32
        %get3A_415 = arith.index_cast %add3A_414 : i32 to index
        %get3A_416 = arith.constant 0 : index
        %get3A_417 = tpu.vector_load %arg17[%get3A_415, %get3A_416] {strides = array<i32>} : memref<40x16xf32, #tpu.memory_space<vmem>>, vector<1x16xf32>,
        %get3A_418 = vector.shape_cast %get3A_417 : vector<1x16xf32> to vector<16xf32>
        %get3A_419 = arith.index_cast %add3A_414 : i32 to index
        %get3A_420 = arith.constant 0 : index
        %get3A_421 = tpu.vector_load %arg18[%get3A_419, %get3A_420] {strides = array<i32>} : memref<40x16xf32, #tpu.memory_space<vmem>>, vector<1x16xf32>,
        %get3A_422 = vector.shape_cast %get3A_421 : vector<1x16xf32> to vector<16xf32>
        %add3A_423 = arith.addf %get3A_418, %get3A_422 : vector<16xf32>
        %mul3A_424 = arith.constant 2.000000e-01 : f32
        %mul3A_425 = vector.broadcast %mul3A_424 : f32 to vector<16xf32>
        %mul3A_426 = arith.mulf %add3A_423, %mul3A_425 : vector<16xf32>
        %max3A_427 = arith.maximumf %add3A_423, %mul3A_426 : vector<16xf32>
        %exp3A_428 = math.exp %max3A_427 : vector<16xf32>
        %swap3A_429 = arith.index_cast %add3A_414 : i32 to index
        %swap3A_430 = arith.constant 0 : index
        %swap3A_431 = tpu.vector_load %arg19[%swap3A_429, %swap3A_430] {strides = array<i32>} : memref<40x16xf32, #tpu.memory_space<vmem>>, vector<1x16xf32>,
        %swap3A_432 = vector.shape_cast %swap3A_431 : vector<1x16xf32> to vector<16xf32>
        %swap3A_433 = vector.shape_cast %exp3A_428 : vector<16xf32> to vector<1x16xf32>
        tpu.vector_store %arg19[%swap3A_429, %swap3A_430], %swap3A_433 {strides = array<i32>} : memref<40x16xf32, #tpu.memory_space<vmem>>, vector<1x16xf32>,
        %mul3A_434 = arith.constant 4 : i32
        %mul3A_435 = arith.muli %scan3A_367, %mul3A_434 : i32
        %add3A_436 = arith.constant 3 : i32
        %add3A_437 = arith.addi %mul3A_435, %add3A_436 : i32
        %get3A_438 = arith.index_cast %add3A_437 : i32 to index
        %get3A_439 = arith.constant 0 : index
        %get3A_440 = tpu.vector_load %arg17[%get3A_438, %get3A_439] {strides = array<i32>} : memref<40x16xf32, #tpu.memory_space<vmem>>, vector<1x16xf32>,
        %get3A_441 = vector.shape_cast %get3A_440 : vector<1x16xf32> to vector<16xf32>
        %get3A_442 = arith.index_cast %add3A_437 : i32 to index
        %get3A_443 = arith.constant 0 : index
        %get3A_444 = tpu.vector_load %arg18[%get3A_442, %get3A_443] {strides = array<i32>} : memref<40x16xf32, #tpu.memory_space<vmem>>, vector<1x16xf32>,
        %get3A_445 = vector.shape_cast %get3A_444 : vector<1x16xf32> to vector<16xf32>
        %add3A_446 = arith.addf %get3A_441, %get3A_445 : vector<16xf32>
        %mul3A_447 = arith.constant 2.000000e-01 : f32
        %mul3A_448 = vector.broadcast %mul3A_447 : f32 to vector<16xf32>
        %mul3A_449 = arith.mulf %add3A_446, %mul3A_448 : vector<16xf32>
        %max3A_450 = arith.maximumf %add3A_446, %mul3A_449 : vector<16xf32>
        %exp3A_451 = math.exp %max3A_450 : vector<16xf32>
        %swap3A_452 = arith.index_cast %add3A_437 : i32 to index
        %swap3A_453 = arith.constant 0 : index
        %swap3A_454 = tpu.vector_load %arg19[%swap3A_452, %swap3A_453] {strides = array<i32>} : memref<40x16xf32, #tpu.memory_space<vmem>>, vector<1x16xf32>,
        %swap3A_455 = vector.shape_cast %swap3A_454 : vector<1x16xf32> to vector<16xf32>
        %swap3A_456 = vector.shape_cast %exp3A_451 : vector<16xf32> to vector<1x16xf32>
        tpu.vector_store %arg19[%swap3A_452, %swap3A_453], %swap3A_456 {strides = array<i32>} : memref<40x16xf32, #tpu.memory_space<vmem>>, vector<1x16xf32>,
        %scan3A_457 = arith.constant 0 : i32
        scf.yield %scan3A_457 : i32
      }
      %scan3A_308 = arith.constant 10 : i32
      %dma_wait3A_309 = arith.constant 0 : i32
      %dma_wait3A_310 = tpu.memref_slice %arg11[%add3A_289, %dma_wait3A_309] : memref<250x40xi32, #tpu.memory_space<vmem>> -> memref<1x40xi32, #tpu.memory_space<vmem>>
      %dma_wait3A_311 = tpu.memref_squeeze %dma_wait3A_310 : memref<1x40xi32, #tpu.memory_space<vmem>> -> memref<40xi32, #tpu.memory_space<vmem>>
      %dma_wait3A_312 = arith.constant 0 : i32
      %dma_wait3A_313 = arith.constant 0 : i32
      %dma_wait3A_314 = tpu.memref_slice %arg4[%dma_wait3A_312, %dma_wait3A_313] : memref<10000x128xf32, #tpu.memory_space<hbm>> -> memref<10000x128xf32, #tpu.memory_space<hbm>>
      tpu.wait_indirect_dma semaphore(%arg28 : memref<!tpu.dma_semaphore, #tpu.memory_space<semaphore_mem>>) src(%dma_wait3A_314 : memref<10000x128xf32, #tpu.memory_space<hbm>>) dst(%arg20 : memref<40x128xf32, #tpu.memory_space<vmem>>)
      %scan3A_315 = arith.constant 0 : i32
      %scan3A_316 = arith.constant 0 : i32
      %scan3A_317 = arith.constant 10 : i32
      %scan3A_318 = arith.addi %scan3A_316, %scan3A_317 : i32
      %scan3A_319 = arith.constant 1 : i32
      %scan3A_320 = scf.for %scan3A_367 = %scan3A_316 to %scan3A_318 step %scan3A_319 iter_args(%scan3A_368 = %scan3A_315) -> (i32)  : i32 {
        %mul3A_369 = arith.constant 4 : i32
        %mul3A_370 = arith.muli %scan3A_367, %mul3A_369 : i32
        %add3A_371 = arith.constant 0 : i32
        %add3A_372 = arith.addi %mul3A_370, %add3A_371 : i32
        %get3A = arith.index_cast %add3A_372 : i32 to index
        %get3A_373 = arith.constant 0 : index
        %get3A_374 = tpu.vector_load %arg19[%get3A, %get3A_373] {strides = array<i32>} : memref<40x16xf32, #tpu.memory_space<vmem>>, vector<1x16xf32>,
        %get3A_375 = vector.shape_cast %get3A_374 : vector<1x16xf32> to vector<16xf32>
        %broadcast_in_dim3A = arith.constant 0 : i32
        %broadcast_in_dim3A_376 = vector.broadcast %broadcast_in_dim3A : i32 to vector<16x1xi32>
        %gather3A = vector.shape_cast %broadcast_in_dim3A_376 : vector<16x1xi32> to vector<16xi32>
        %gather3A_377 = tpu.dynamic_gather %get3A_375[%gather3A] in [0] : vector<16xf32>, vector<16xi32> -> vector<16xf32>
        %get3A_378 = arith.index_cast %add3A_372 : i32 to index
        %get3A_379 = arith.constant 0 : index
        %get3A_380 = tpu.vector_load %arg20[%get3A_378, %get3A_379] {strides = array<i32>} : memref<40x128xf32, #tpu.memory_space<vmem>>, vector<1x16xf32>,
        %get3A_381 = vector.shape_cast %get3A_380 : vector<1x16xf32> to vector<16xf32>
        %mul3A_382 = arith.mulf %get3A_381, %gather3A_377 : vector<16xf32>
        %swap3A = arith.index_cast %add3A_372 : i32 to index
        %swap3A_383 = arith.constant 0 : index
        %swap3A_384 = tpu.vector_load %arg20[%swap3A, %swap3A_383] {strides = array<i32>} : memref<40x128xf32, #tpu.memory_space<vmem>>, vector<1x16xf32>,
        %swap3A_385 = vector.shape_cast %swap3A_384 : vector<1x16xf32> to vector<16xf32>
        %swap3A_386 = vector.shape_cast %mul3A_382 : vector<16xf32> to vector<1x16xf32>
        tpu.vector_store %arg20[%swap3A, %swap3A_383], %swap3A_386 {strides = array<i32>} : memref<40x128xf32, #tpu.memory_space<vmem>>, vector<1x16xf32>,
        %broadcast_in_dim3A_387 = arith.constant 1 : i32
        %broadcast_in_dim3A_388 = vector.broadcast %broadcast_in_dim3A_387 : i32 to vector<16x1xi32>
        %gather3A_389 = vector.shape_cast %broadcast_in_dim3A_388 : vector<16x1xi32> to vector<16xi32>
        %gather3A_390 = tpu.dynamic_gather %get3A_375[%gather3A_389] in [0] : vector<16xf32>, vector<16xi32> -> vector<16xf32>
        %get3A_391 = arith.index_cast %add3A_372 : i32 to index
        %get3A_392 = arith.constant 16 : index
        %get3A_393 = tpu.vector_load %arg20[%get3A_391, %get3A_392] {strides = array<i32>} : memref<40x128xf32, #tpu.memory_space<vmem>>, vector<1x16xf32>,
        %get3A_394 = vector.shape_cast %get3A_393 : vector<1x16xf32> to vector<16xf32>
        %mul3A_395 = arith.mulf %get3A_394, %gather3A_390 : vector<16xf32>
        %swap3A_396 = arith.index_cast %add3A_372 : i32 to index
        %swap3A_397 = arith.constant 16 : index
        %swap3A_398 = tpu.vector_load %arg20[%swap3A_396, %swap3A_397] {strides = array<i32>} : memref<40x128xf32, #tpu.memory_space<vmem>>, vector<1x16xf32>,
        %swap3A_399 = vector.shape_cast %swap3A_398 : vector<1x16xf32> to vector<16xf32>
        %swap3A_400 = vector.shape_cast %mul3A_395 : vector<16xf32> to vector<1x16xf32>
        tpu.vector_store %arg20[%swap3A_396, %swap3A_397], %swap3A_400 {strides = array<i32>} : memref<40x128xf32, #tpu.memory_space<vmem>>, vector<1x16xf32>,
        %broadcast_in_dim3A_401 = arith.constant 2 : i32
        %broadcast_in_dim3A_402 = vector.broadcast %broadcast_in_dim3A_401 : i32 to vector<16x1xi32>
        %gather3A_403 = vector.shape_cast %broadcast_in_dim3A_402 : vector<16x1xi32> to vector<16xi32>
        %gather3A_404 = tpu.dynamic_gather %get3A_375[%gather3A_403] in [0] : vector<16xf32>, vector<16xi32> -> vector<16xf32>
        %get3A_405 = arith.index_cast %add3A_372 : i32 to index
        %get3A_406 = arith.constant 32 : index
        %get3A_407 = tpu.vector_load %arg20[%get3A_405, %get3A_406] {strides = array<i32>} : memref<40x128xf32, #tpu.memory_space<vmem>>, vector<1x16xf32>,
        %get3A_408 = vector.shape_cast %get3A_407 : vector<1x16xf32> to vector<16xf32>
        %mul3A_409 = arith.mulf %get3A_408, %gather3A_404 : vector<16xf32>
        %swap3A_410 = arith.index_cast %add3A_372 : i32 to index
        %swap3A_411 = arith.constant 32 : index
        %swap3A_412 = tpu.vector_load %arg20[%swap3A_410, %swap3A_411] {strides = array<i32>} : memref<40x128xf32, #tpu.memory_space<vmem>>, vector<1x16xf32>,
        %swap3A_413 = vector.shape_cast %swap3A_412 : vector<1x16xf32> to vector<16xf32>
        %swap3A_414 = vector.shape_cast %mul3A_409 : vector<16xf32> to vector<1x16xf32>
        tpu.vector_store %arg20[%swap3A_410, %swap3A_411], %swap3A_414 {strides = array<i32>} : memref<40x128xf32, #tpu.memory_space<vmem>>, vector<1x16xf32>,
        %broadcast_in_dim3A_415 = arith.constant 3 : i32
        %broadcast_in_dim3A_416 = vector.broadcast %broadcast_in_dim3A_415 : i32 to vector<16x1xi32>
        %gather3A_417 = vector.shape_cast %broadcast_in_dim3A_416 : vector<16x1xi32> to vector<16xi32>
        %gather3A_418 = tpu.dynamic_gather %get3A_375[%gather3A_417] in [0] : vector<16xf32>, vector<16xi32> -> vector<16xf32>
        %get3A_419 = arith.index_cast %add3A_372 : i32 to index
        %get3A_420 = arith.constant 48 : index
        %get3A_421 = tpu.vector_load %arg20[%get3A_419, %get3A_420] {strides = array<i32>} : memref<40x128xf32, #tpu.memory_space<vmem>>, vector<1x16xf32>,
        %get3A_422 = vector.shape_cast %get3A_421 : vector<1x16xf32> to vector<16xf32>
        %mul3A_423 = arith.mulf %get3A_422, %gather3A_418 : vector<16xf32>
        %swap3A_424 = arith.index_cast %add3A_372 : i32 to index
        %swap3A_425 = arith.constant 48 : index
        %swap3A_426 = tpu.vector_load %arg20[%swap3A_424, %swap3A_425] {strides = array<i32>} : memref<40x128xf32, #tpu.memory_space<vmem>>, vector<1x16xf32>,
        %swap3A_427 = vector.shape_cast %swap3A_426 : vector<1x16xf32> to vector<16xf32>
        %swap3A_428 = vector.shape_cast %mul3A_423 : vector<16xf32> to vector<1x16xf32>
        tpu.vector_store %arg20[%swap3A_424, %swap3A_425], %swap3A_428 {strides = array<i32>} : memref<40x128xf32, #tpu.memory_space<vmem>>, vector<1x16xf32>,
        %broadcast_in_dim3A_429 = arith.constant 4 : i32
        %broadcast_in_dim3A_430 = vector.broadcast %broadcast_in_dim3A_429 : i32 to vector<16x1xi32>
        %gather3A_431 = vector.shape_cast %broadcast_in_dim3A_430 : vector<16x1xi32> to vector<16xi32>
        %gather3A_432 = tpu.dynamic_gather %get3A_375[%gather3A_431] in [0] : vector<16xf32>, vector<16xi32> -> vector<16xf32>
        %get3A_433 = arith.index_cast %add3A_372 : i32 to index
        %get3A_434 = arith.constant 64 : index
        %get3A_435 = tpu.vector_load %arg20[%get3A_433, %get3A_434] {strides = array<i32>} : memref<40x128xf32, #tpu.memory_space<vmem>>, vector<1x16xf32>,
        %get3A_436 = vector.shape_cast %get3A_435 : vector<1x16xf32> to vector<16xf32>
        %mul3A_437 = arith.mulf %get3A_436, %gather3A_432 : vector<16xf32>
        %swap3A_438 = arith.index_cast %add3A_372 : i32 to index
        %swap3A_439 = arith.constant 64 : index
        %swap3A_440 = tpu.vector_load %arg20[%swap3A_438, %swap3A_439] {strides = array<i32>} : memref<40x128xf32, #tpu.memory_space<vmem>>, vector<1x16xf32>,
        %swap3A_441 = vector.shape_cast %swap3A_440 : vector<1x16xf32> to vector<16xf32>
        %swap3A_442 = vector.shape_cast %mul3A_437 : vector<16xf32> to vector<1x16xf32>
        tpu.vector_store %arg20[%swap3A_438, %swap3A_439], %swap3A_442 {strides = array<i32>} : memref<40x128xf32, #tpu.memory_space<vmem>>, vector<1x16xf32>,
        %broadcast_in_dim3A_443 = arith.constant 5 : i32
        %broadcast_in_dim3A_444 = vector.broadcast %broadcast_in_dim3A_443 : i32 to vector<16x1xi32>
        %gather3A_445 = vector.shape_cast %broadcast_in_dim3A_444 : vector<16x1xi32> to vector<16xi32>
        %gather3A_446 = tpu.dynamic_gather %get3A_375[%gather3A_445] in [0] : vector<16xf32>, vector<16xi32> -> vector<16xf32>
        %get3A_447 = arith.index_cast %add3A_372 : i32 to index
        %get3A_448 = arith.constant 80 : index
        %get3A_449 = tpu.vector_load %arg20[%get3A_447, %get3A_448] {strides = array<i32>} : memref<40x128xf32, #tpu.memory_space<vmem>>, vector<1x16xf32>,
        %get3A_450 = vector.shape_cast %get3A_449 : vector<1x16xf32> to vector<16xf32>
        %mul3A_451 = arith.mulf %get3A_450, %gather3A_446 : vector<16xf32>
        %swap3A_452 = arith.index_cast %add3A_372 : i32 to index
        %swap3A_453 = arith.constant 80 : index
        %swap3A_454 = tpu.vector_load %arg20[%swap3A_452, %swap3A_453] {strides = array<i32>} : memref<40x128xf32, #tpu.memory_space<vmem>>, vector<1x16xf32>,
        %swap3A_455 = vector.shape_cast %swap3A_454 : vector<1x16xf32> to vector<16xf32>
        %swap3A_456 = vector.shape_cast %mul3A_451 : vector<16xf32> to vector<1x16xf32>
        tpu.vector_store %arg20[%swap3A_452, %swap3A_453], %swap3A_456 {strides = array<i32>} : memref<40x128xf32, #tpu.memory_space<vmem>>, vector<1x16xf32>,
        %broadcast_in_dim3A_457 = arith.constant 6 : i32
        %broadcast_in_dim3A_458 = vector.broadcast %broadcast_in_dim3A_457 : i32 to vector<16x1xi32>
        %gather3A_459 = vector.shape_cast %broadcast_in_dim3A_458 : vector<16x1xi32> to vector<16xi32>
        %gather3A_460 = tpu.dynamic_gather %get3A_375[%gather3A_459] in [0] : vector<16xf32>, vector<16xi32> -> vector<16xf32>
        %get3A_461 = arith.index_cast %add3A_372 : i32 to index
        %get3A_462 = arith.constant 96 : index
        %get3A_463 = tpu.vector_load %arg20[%get3A_461, %get3A_462] {strides = array<i32>} : memref<40x128xf32, #tpu.memory_space<vmem>>, vector<1x16xf32>,
        %get3A_464 = vector.shape_cast %get3A_463 : vector<1x16xf32> to vector<16xf32>
        %mul3A_465 = arith.mulf %get3A_464, %gather3A_460 : vector<16xf32>
        %swap3A_466 = arith.index_cast %add3A_372 : i32 to index
        %swap3A_467 = arith.constant 96 : index
        %swap3A_468 = tpu.vector_load %arg20[%swap3A_466, %swap3A_467] {strides = array<i32>} : memref<40x128xf32, #tpu.memory_space<vmem>>, vector<1x16xf32>,
        %swap3A_469 = vector.shape_cast %swap3A_468 : vector<1x16xf32> to vector<16xf32>
        %swap3A_470 = vector.shape_cast %mul3A_465 : vector<16xf32> to vector<1x16xf32>
        tpu.vector_store %arg20[%swap3A_466, %swap3A_467], %swap3A_470 {strides = array<i32>} : memref<40x128xf32, #tpu.memory_space<vmem>>, vector<1x16xf32>,
        %broadcast_in_dim3A_471 = arith.constant 7 : i32
        %broadcast_in_dim3A_472 = vector.broadcast %broadcast_in_dim3A_471 : i32 to vector<16x1xi32>
        %gather3A_473 = vector.shape_cast %broadcast_in_dim3A_472 : vector<16x1xi32> to vector<16xi32>
        %gather3A_474 = tpu.dynamic_gather %get3A_375[%gather3A_473] in [0] : vector<16xf32>, vector<16xi32> -> vector<16xf32>
        %get3A_475 = arith.index_cast %add3A_372 : i32 to index
        %get3A_476 = arith.constant 112 : index
        %get3A_477 = tpu.vector_load %arg20[%get3A_475, %get3A_476] {strides = array<i32>} : memref<40x128xf32, #tpu.memory_space<vmem>>, vector<1x16xf32>,
        %get3A_478 = vector.shape_cast %get3A_477 : vector<1x16xf32> to vector<16xf32>
        %mul3A_479 = arith.mulf %get3A_478, %gather3A_474 : vector<16xf32>
        %swap3A_480 = arith.index_cast %add3A_372 : i32 to index
        %swap3A_481 = arith.constant 112 : index
        %swap3A_482 = tpu.vector_load %arg20[%swap3A_480, %swap3A_481] {strides = array<i32>} : memref<40x128xf32, #tpu.memory_space<vmem>>, vector<1x16xf32>,
        %swap3A_483 = vector.shape_cast %swap3A_482 : vector<1x16xf32> to vector<16xf32>
        %swap3A_484 = vector.shape_cast %mul3A_479 : vector<16xf32> to vector<1x16xf32>
        tpu.vector_store %arg20[%swap3A_480, %swap3A_481], %swap3A_484 {strides = array<i32>} : memref<40x128xf32, #tpu.memory_space<vmem>>, vector<1x16xf32>,
        %mul3A_485 = arith.constant 4 : i32
        %mul3A_486 = arith.muli %scan3A_367, %mul3A_485 : i32
        %add3A_487 = arith.constant 1 : i32
        %add3A_488 = arith.addi %mul3A_486, %add3A_487 : i32
        %get3A_489 = arith.index_cast %add3A_488 : i32 to index
        %get3A_490 = arith.constant 0 : index
        %get3A_491 = tpu.vector_load %arg19[%get3A_489, %get3A_490] {strides = array<i32>} : memref<40x16xf32, #tpu.memory_space<vmem>>, vector<1x16xf32>,
        %get3A_492 = vector.shape_cast %get3A_491 : vector<1x16xf32> to vector<16xf32>
        %broadcast_in_dim3A_493 = arith.constant 0 : i32
        %broadcast_in_dim3A_494 = vector.broadcast %broadcast_in_dim3A_493 : i32 to vector<16x1xi32>
        %gather3A_495 = vector.shape_cast %broadcast_in_dim3A_494 : vector<16x1xi32> to vector<16xi32>
        %gather3A_496 = tpu.dynamic_gather %get3A_492[%gather3A_495] in [0] : vector<16xf32>, vector<16xi32> -> vector<16xf32>
        %get3A_497 = arith.index_cast %add3A_488 : i32 to index
        %get3A_498 = arith.constant 0 : index
        %get3A_499 = tpu.vector_load %arg20[%get3A_497, %get3A_498] {strides = array<i32>} : memref<40x128xf32, #tpu.memory_space<vmem>>, vector<1x16xf32>,
        %get3A_500 = vector.shape_cast %get3A_499 : vector<1x16xf32> to vector<16xf32>
        %mul3A_501 = arith.mulf %get3A_500, %gather3A_496 : vector<16xf32>
        %swap3A_502 = arith.index_cast %add3A_488 : i32 to index
        %swap3A_503 = arith.constant 0 : index
        %swap3A_504 = tpu.vector_load %arg20[%swap3A_502, %swap3A_503] {strides = array<i32>} : memref<40x128xf32, #tpu.memory_space<vmem>>, vector<1x16xf32>,
        %swap3A_505 = vector.shape_cast %swap3A_504 : vector<1x16xf32> to vector<16xf32>
        %swap3A_506 = vector.shape_cast %mul3A_501 : vector<16xf32> to vector<1x16xf32>
        tpu.vector_store %arg20[%swap3A_502, %swap3A_503], %swap3A_506 {strides = array<i32>} : memref<40x128xf32, #tpu.memory_space<vmem>>, vector<1x16xf32>,
        %broadcast_in_dim3A_507 = arith.constant 1 : i32
        %broadcast_in_dim3A_508 = vector.broadcast %broadcast_in_dim3A_507 : i32 to vector<16x1xi32>
        %gather3A_509 = vector.shape_cast %broadcast_in_dim3A_508 : vector<16x1xi32> to vector<16xi32>
        %gather3A_510 = tpu.dynamic_gather %get3A_492[%gather3A_509] in [0] : vector<16xf32>, vector<16xi32> -> vector<16xf32>
        %get3A_511 = arith.index_cast %add3A_488 : i32 to index
        %get3A_512 = arith.constant 16 : index
        %get3A_513 = tpu.vector_load %arg20[%get3A_511, %get3A_512] {strides = array<i32>} : memref<40x128xf32, #tpu.memory_space<vmem>>, vector<1x16xf32>,
        %get3A_514 = vector.shape_cast %get3A_513 : vector<1x16xf32> to vector<16xf32>
        %mul3A_515 = arith.mulf %get3A_514, %gather3A_510 : vector<16xf32>
        %swap3A_516 = arith.index_cast %add3A_488 : i32 to index
        %swap3A_517 = arith.constant 16 : index
        %swap3A_518 = tpu.vector_load %arg20[%swap3A_516, %swap3A_517] {strides = array<i32>} : memref<40x128xf32, #tpu.memory_space<vmem>>, vector<1x16xf32>,
        %swap3A_519 = vector.shape_cast %swap3A_518 : vector<1x16xf32> to vector<16xf32>
        %swap3A_520 = vector.shape_cast %mul3A_515 : vector<16xf32> to vector<1x16xf32>
        tpu.vector_store %arg20[%swap3A_516, %swap3A_517], %swap3A_520 {strides = array<i32>} : memref<40x128xf32, #tpu.memory_space<vmem>>, vector<1x16xf32>,
        %broadcast_in_dim3A_521 = arith.constant 2 : i32
        %broadcast_in_dim3A_522 = vector.broadcast %broadcast_in_dim3A_521 : i32 to vector<16x1xi32>
        %gather3A_523 = vector.shape_cast %broadcast_in_dim3A_522 : vector<16x1xi32> to vector<16xi32>
        %gather3A_524 = tpu.dynamic_gather %get3A_492[%gather3A_523] in [0] : vector<16xf32>, vector<16xi32> -> vector<16xf32>
        %get3A_525 = arith.index_cast %add3A_488 : i32 to index
        %get3A_526 = arith.constant 32 : index
        %get3A_527 = tpu.vector_load %arg20[%get3A_525, %get3A_526] {strides = array<i32>} : memref<40x128xf32, #tpu.memory_space<vmem>>, vector<1x16xf32>,
        %get3A_528 = vector.shape_cast %get3A_527 : vector<1x16xf32> to vector<16xf32>
        %mul3A_529 = arith.mulf %get3A_528, %gather3A_524 : vector<16xf32>
        %swap3A_530 = arith.index_cast %add3A_488 : i32 to index
        %swap3A_531 = arith.constant 32 : index
        %swap3A_532 = tpu.vector_load %arg20[%swap3A_530, %swap3A_531] {strides = array<i32>} : memref<40x128xf32, #tpu.memory_space<vmem>>, vector<1x16xf32>,
        %swap3A_533 = vector.shape_cast %swap3A_532 : vector<1x16xf32> to vector<16xf32>
        %swap3A_534 = vector.shape_cast %mul3A_529 : vector<16xf32> to vector<1x16xf32>
        tpu.vector_store %arg20[%swap3A_530, %swap3A_531], %swap3A_534 {strides = array<i32>} : memref<40x128xf32, #tpu.memory_space<vmem>>, vector<1x16xf32>,
        %broadcast_in_dim3A_535 = arith.constant 3 : i32
        %broadcast_in_dim3A_536 = vector.broadcast %broadcast_in_dim3A_535 : i32 to vector<16x1xi32>
        %gather3A_537 = vector.shape_cast %broadcast_in_dim3A_536 : vector<16x1xi32> to vector<16xi32>
        %gather3A_538 = tpu.dynamic_gather %get3A_492[%gather3A_537] in [0] : vector<16xf32>, vector<16xi32> -> vector<16xf32>
        %get3A_539 = arith.index_cast %add3A_488 : i32 to index
        %get3A_540 = arith.constant 48 : index
        %get3A_541 = tpu.vector_load %arg20[%get3A_539, %get3A_540] {strides = array<i32>} : memref<40x128xf32, #tpu.memory_space<vmem>>, vector<1x16xf32>,
        %get3A_542 = vector.shape_cast %get3A_541 : vector<1x16xf32> to vector<16xf32>
        %mul3A_543 = arith.mulf %get3A_542, %gather3A_538 : vector<16xf32>
        %swap3A_544 = arith.index_cast %add3A_488 : i32 to index
        %swap3A_545 = arith.constant 48 : index
        %swap3A_546 = tpu.vector_load %arg20[%swap3A_544, %swap3A_545] {strides = array<i32>} : memref<40x128xf32, #tpu.memory_space<vmem>>, vector<1x16xf32>,
        %swap3A_547 = vector.shape_cast %swap3A_546 : vector<1x16xf32> to vector<16xf32>
        %swap3A_548 = vector.shape_cast %mul3A_543 : vector<16xf32> to vector<1x16xf32>
        tpu.vector_store %arg20[%swap3A_544, %swap3A_545], %swap3A_548 {strides = array<i32>} : memref<40x128xf32, #tpu.memory_space<vmem>>, vector<1x16xf32>,
        %broadcast_in_dim3A_549 = arith.constant 4 : i32
        %broadcast_in_dim3A_550 = vector.broadcast %broadcast_in_dim3A_549 : i32 to vector<16x1xi32>
        %gather3A_551 = vector.shape_cast %broadcast_in_dim3A_550 : vector<16x1xi32> to vector<16xi32>
        %gather3A_552 = tpu.dynamic_gather %get3A_492[%gather3A_551] in [0] : vector<16xf32>, vector<16xi32> -> vector<16xf32>
        %get3A_553 = arith.index_cast %add3A_488 : i32 to index
        %get3A_554 = arith.constant 64 : index
        %get3A_555 = tpu.vector_load %arg20[%get3A_553, %get3A_554] {strides = array<i32>} : memref<40x128xf32, #tpu.memory_space<vmem>>, vector<1x16xf32>,
        %get3A_556 = vector.shape_cast %get3A_555 : vector<1x16xf32> to vector<16xf32>
        %mul3A_557 = arith.mulf %get3A_556, %gather3A_552 : vector<16xf32>
        %swap3A_558 = arith.index_cast %add3A_488 : i32 to index
        %swap3A_559 = arith.constant 64 : index
        %swap3A_560 = tpu.vector_load %arg20[%swap3A_558, %swap3A_559] {strides = array<i32>} : memref<40x128xf32, #tpu.memory_space<vmem>>, vector<1x16xf32>,
        %swap3A_561 = vector.shape_cast %swap3A_560 : vector<1x16xf32> to vector<16xf32>
        %swap3A_562 = vector.shape_cast %mul3A_557 : vector<16xf32> to vector<1x16xf32>
        tpu.vector_store %arg20[%swap3A_558, %swap3A_559], %swap3A_562 {strides = array<i32>} : memref<40x128xf32, #tpu.memory_space<vmem>>, vector<1x16xf32>,
        %broadcast_in_dim3A_563 = arith.constant 5 : i32
        %broadcast_in_dim3A_564 = vector.broadcast %broadcast_in_dim3A_563 : i32 to vector<16x1xi32>
        %gather3A_565 = vector.shape_cast %broadcast_in_dim3A_564 : vector<16x1xi32> to vector<16xi32>
        %gather3A_566 = tpu.dynamic_gather %get3A_492[%gather3A_565] in [0] : vector<16xf32>, vector<16xi32> -> vector<16xf32>
        %get3A_567 = arith.index_cast %add3A_488 : i32 to index
        %get3A_568 = arith.constant 80 : index
        %get3A_569 = tpu.vector_load %arg20[%get3A_567, %get3A_568] {strides = array<i32>} : memref<40x128xf32, #tpu.memory_space<vmem>>, vector<1x16xf32>,
        %get3A_570 = vector.shape_cast %get3A_569 : vector<1x16xf32> to vector<16xf32>
        %mul3A_571 = arith.mulf %get3A_570, %gather3A_566 : vector<16xf32>
        %swap3A_572 = arith.index_cast %add3A_488 : i32 to index
        %swap3A_573 = arith.constant 80 : index
        %swap3A_574 = tpu.vector_load %arg20[%swap3A_572, %swap3A_573] {strides = array<i32>} : memref<40x128xf32, #tpu.memory_space<vmem>>, vector<1x16xf32>,
        %swap3A_575 = vector.shape_cast %swap3A_574 : vector<1x16xf32> to vector<16xf32>
        %swap3A_576 = vector.shape_cast %mul3A_571 : vector<16xf32> to vector<1x16xf32>
        tpu.vector_store %arg20[%swap3A_572, %swap3A_573], %swap3A_576 {strides = array<i32>} : memref<40x128xf32, #tpu.memory_space<vmem>>, vector<1x16xf32>,
        %broadcast_in_dim3A_577 = arith.constant 6 : i32
        %broadcast_in_dim3A_578 = vector.broadcast %broadcast_in_dim3A_577 : i32 to vector<16x1xi32>
        %gather3A_579 = vector.shape_cast %broadcast_in_dim3A_578 : vector<16x1xi32> to vector<16xi32>
        %gather3A_580 = tpu.dynamic_gather %get3A_492[%gather3A_579] in [0] : vector<16xf32>, vector<16xi32> -> vector<16xf32>
        %get3A_581 = arith.index_cast %add3A_488 : i32 to index
        %get3A_582 = arith.constant 96 : index
        %get3A_583 = tpu.vector_load %arg20[%get3A_581, %get3A_582] {strides = array<i32>} : memref<40x128xf32, #tpu.memory_space<vmem>>, vector<1x16xf32>,
        %get3A_584 = vector.shape_cast %get3A_583 : vector<1x16xf32> to vector<16xf32>
        %mul3A_585 = arith.mulf %get3A_584, %gather3A_580 : vector<16xf32>
        %swap3A_586 = arith.index_cast %add3A_488 : i32 to index
        %swap3A_587 = arith.constant 96 : index
        %swap3A_588 = tpu.vector_load %arg20[%swap3A_586, %swap3A_587] {strides = array<i32>} : memref<40x128xf32, #tpu.memory_space<vmem>>, vector<1x16xf32>,
        %swap3A_589 = vector.shape_cast %swap3A_588 : vector<1x16xf32> to vector<16xf32>
        %swap3A_590 = vector.shape_cast %mul3A_585 : vector<16xf32> to vector<1x16xf32>
        tpu.vector_store %arg20[%swap3A_586, %swap3A_587], %swap3A_590 {strides = array<i32>} : memref<40x128xf32, #tpu.memory_space<vmem>>, vector<1x16xf32>,
        %broadcast_in_dim3A_591 = arith.constant 7 : i32
        %broadcast_in_dim3A_592 = vector.broadcast %broadcast_in_dim3A_591 : i32 to vector<16x1xi32>
        %gather3A_593 = vector.shape_cast %broadcast_in_dim3A_592 : vector<16x1xi32> to vector<16xi32>
        %gather3A_594 = tpu.dynamic_gather %get3A_492[%gather3A_593] in [0] : vector<16xf32>, vector<16xi32> -> vector<16xf32>
        %get3A_595 = arith.index_cast %add3A_488 : i32 to index
        %get3A_596 = arith.constant 112 : index
        %get3A_597 = tpu.vector_load %arg20[%get3A_595, %get3A_596] {strides = array<i32>} : memref<40x128xf32, #tpu.memory_space<vmem>>, vector<1x16xf32>,
        %get3A_598 = vector.shape_cast %get3A_597 : vector<1x16xf32> to vector<16xf32>
        %mul3A_599 = arith.mulf %get3A_598, %gather3A_594 : vector<16xf32>
        %swap3A_600 = arith.index_cast %add3A_488 : i32 to index
        %swap3A_601 = arith.constant 112 : index
        %swap3A_602 = tpu.vector_load %arg20[%swap3A_600, %swap3A_601] {strides = array<i32>} : memref<40x128xf32, #tpu.memory_space<vmem>>, vector<1x16xf32>,
        %swap3A_603 = vector.shape_cast %swap3A_602 : vector<1x16xf32> to vector<16xf32>
        %swap3A_604 = vector.shape_cast %mul3A_599 : vector<16xf32> to vector<1x16xf32>
        tpu.vector_store %arg20[%swap3A_600, %swap3A_601], %swap3A_604 {strides = array<i32>} : memref<40x128xf32, #tpu.memory_space<vmem>>, vector<1x16xf32>,
        %mul3A_605 = arith.constant 4 : i32
        %mul3A_606 = arith.muli %scan3A_367, %mul3A_605 : i32
        %add3A_607 = arith.constant 2 : i32
        %add3A_608 = arith.addi %mul3A_606, %add3A_607 : i32
        %get3A_609 = arith.index_cast %add3A_608 : i32 to index
        %get3A_610 = arith.constant 0 : index
        %get3A_611 = tpu.vector_load %arg19[%get3A_609, %get3A_610] {strides = array<i32>} : memref<40x16xf32, #tpu.memory_space<vmem>>, vector<1x16xf32>,
        %get3A_612 = vector.shape_cast %get3A_611 : vector<1x16xf32> to vector<16xf32>
        %broadcast_in_dim3A_613 = arith.constant 0 : i32
        %broadcast_in_dim3A_614 = vector.broadcast %broadcast_in_dim3A_613 : i32 to vector<16x1xi32>
        %gather3A_615 = vector.shape_cast %broadcast_in_dim3A_614 : vector<16x1xi32> to vector<16xi32>
        %gather3A_616 = tpu.dynamic_gather %get3A_612[%gather3A_615] in [0] : vector<16xf32>, vector<16xi32> -> vector<16xf32>
        %get3A_617 = arith.index_cast %add3A_608 : i32 to index
        %get3A_618 = arith.constant 0 : index
        %get3A_619 = tpu.vector_load %arg20[%get3A_617, %get3A_618] {strides = array<i32>} : memref<40x128xf32, #tpu.memory_space<vmem>>, vector<1x16xf32>,
        %get3A_620 = vector.shape_cast %get3A_619 : vector<1x16xf32> to vector<16xf32>
        %mul3A_621 = arith.mulf %get3A_620, %gather3A_616 : vector<16xf32>
        %swap3A_622 = arith.index_cast %add3A_608 : i32 to index
        %swap3A_623 = arith.constant 0 : index
        %swap3A_624 = tpu.vector_load %arg20[%swap3A_622, %swap3A_623] {strides = array<i32>} : memref<40x128xf32, #tpu.memory_space<vmem>>, vector<1x16xf32>,
        %swap3A_625 = vector.shape_cast %swap3A_624 : vector<1x16xf32> to vector<16xf32>
        %swap3A_626 = vector.shape_cast %mul3A_621 : vector<16xf32> to vector<1x16xf32>
        tpu.vector_store %arg20[%swap3A_622, %swap3A_623], %swap3A_626 {strides = array<i32>} : memref<40x128xf32, #tpu.memory_space<vmem>>, vector<1x16xf32>,
        %broadcast_in_dim3A_627 = arith.constant 1 : i32
        %broadcast_in_dim3A_628 = vector.broadcast %broadcast_in_dim3A_627 : i32 to vector<16x1xi32>
        %gather3A_629 = vector.shape_cast %broadcast_in_dim3A_628 : vector<16x1xi32> to vector<16xi32>
        %gather3A_630 = tpu.dynamic_gather %get3A_612[%gather3A_629] in [0] : vector<16xf32>, vector<16xi32> -> vector<16xf32>
        %get3A_631 = arith.index_cast %add3A_608 : i32 to index
        %get3A_632 = arith.constant 16 : index
        %get3A_633 = tpu.vector_load %arg20[%get3A_631, %get3A_632] {strides = array<i32>} : memref<40x128xf32, #tpu.memory_space<vmem>>, vector<1x16xf32>,
        %get3A_634 = vector.shape_cast %get3A_633 : vector<1x16xf32> to vector<16xf32>
        %mul3A_635 = arith.mulf %get3A_634, %gather3A_630 : vector<16xf32>
        %swap3A_636 = arith.index_cast %add3A_608 : i32 to index
        %swap3A_637 = arith.constant 16 : index
        %swap3A_638 = tpu.vector_load %arg20[%swap3A_636, %swap3A_637] {strides = array<i32>} : memref<40x128xf32, #tpu.memory_space<vmem>>, vector<1x16xf32>,
        %swap3A_639 = vector.shape_cast %swap3A_638 : vector<1x16xf32> to vector<16xf32>
        %swap3A_640 = vector.shape_cast %mul3A_635 : vector<16xf32> to vector<1x16xf32>
        tpu.vector_store %arg20[%swap3A_636, %swap3A_637], %swap3A_640 {strides = array<i32>} : memref<40x128xf32, #tpu.memory_space<vmem>>, vector<1x16xf32>,
        %broadcast_in_dim3A_641 = arith.constant 2 : i32
        %broadcast_in_dim3A_642 = vector.broadcast %broadcast_in_dim3A_641 : i32 to vector<16x1xi32>
        %gather3A_643 = vector.shape_cast %broadcast_in_dim3A_642 : vector<16x1xi32> to vector<16xi32>
        %gather3A_644 = tpu.dynamic_gather %get3A_612[%gather3A_643] in [0] : vector<16xf32>, vector<16xi32> -> vector<16xf32>
        %get3A_645 = arith.index_cast %add3A_608 : i32 to index
        %get3A_646 = arith.constant 32 : index
        %get3A_647 = tpu.vector_load %arg20[%get3A_645, %get3A_646] {strides = array<i32>} : memref<40x128xf32, #tpu.memory_space<vmem>>, vector<1x16xf32>,
        %get3A_648 = vector.shape_cast %get3A_647 : vector<1x16xf32> to vector<16xf32>
        %mul3A_649 = arith.mulf %get3A_648, %gather3A_644 : vector<16xf32>
        %swap3A_650 = arith.index_cast %add3A_608 : i32 to index
        %swap3A_651 = arith.constant 32 : index
        %swap3A_652 = tpu.vector_load %arg20[%swap3A_650, %swap3A_651] {strides = array<i32>} : memref<40x128xf32, #tpu.memory_space<vmem>>, vector<1x16xf32>,
        %swap3A_653 = vector.shape_cast %swap3A_652 : vector<1x16xf32> to vector<16xf32>
        %swap3A_654 = vector.shape_cast %mul3A_649 : vector<16xf32> to vector<1x16xf32>
        tpu.vector_store %arg20[%swap3A_650, %swap3A_651], %swap3A_654 {strides = array<i32>} : memref<40x128xf32, #tpu.memory_space<vmem>>, vector<1x16xf32>,
        %broadcast_in_dim3A_655 = arith.constant 3 : i32
        %broadcast_in_dim3A_656 = vector.broadcast %broadcast_in_dim3A_655 : i32 to vector<16x1xi32>
        %gather3A_657 = vector.shape_cast %broadcast_in_dim3A_656 : vector<16x1xi32> to vector<16xi32>
        %gather3A_658 = tpu.dynamic_gather %get3A_612[%gather3A_657] in [0] : vector<16xf32>, vector<16xi32> -> vector<16xf32>
        %get3A_659 = arith.index_cast %add3A_608 : i32 to index
        %get3A_660 = arith.constant 48 : index
        %get3A_661 = tpu.vector_load %arg20[%get3A_659, %get3A_660] {strides = array<i32>} : memref<40x128xf32, #tpu.memory_space<vmem>>, vector<1x16xf32>,
        %get3A_662 = vector.shape_cast %get3A_661 : vector<1x16xf32> to vector<16xf32>
        %mul3A_663 = arith.mulf %get3A_662, %gather3A_658 : vector<16xf32>
        %swap3A_664 = arith.index_cast %add3A_608 : i32 to index
        %swap3A_665 = arith.constant 48 : index
        %swap3A_666 = tpu.vector_load %arg20[%swap3A_664, %swap3A_665] {strides = array<i32>} : memref<40x128xf32, #tpu.memory_space<vmem>>, vector<1x16xf32>,
        %swap3A_667 = vector.shape_cast %swap3A_666 : vector<1x16xf32> to vector<16xf32>
        %swap3A_668 = vector.shape_cast %mul3A_663 : vector<16xf32> to vector<1x16xf32>
        tpu.vector_store %arg20[%swap3A_664, %swap3A_665], %swap3A_668 {strides = array<i32>} : memref<40x128xf32, #tpu.memory_space<vmem>>, vector<1x16xf32>,
        %broadcast_in_dim3A_669 = arith.constant 4 : i32
        %broadcast_in_dim3A_670 = vector.broadcast %broadcast_in_dim3A_669 : i32 to vector<16x1xi32>
        %gather3A_671 = vector.shape_cast %broadcast_in_dim3A_670 : vector<16x1xi32> to vector<16xi32>
        %gather3A_672 = tpu.dynamic_gather %get3A_612[%gather3A_671] in [0] : vector<16xf32>, vector<16xi32> -> vector<16xf32>
        %get3A_673 = arith.index_cast %add3A_608 : i32 to index
        %get3A_674 = arith.constant 64 : index
        %get3A_675 = tpu.vector_load %arg20[%get3A_673, %get3A_674] {strides = array<i32>} : memref<40x128xf32, #tpu.memory_space<vmem>>, vector<1x16xf32>,
        %get3A_676 = vector.shape_cast %get3A_675 : vector<1x16xf32> to vector<16xf32>
        %mul3A_677 = arith.mulf %get3A_676, %gather3A_672 : vector<16xf32>
        %swap3A_678 = arith.index_cast %add3A_608 : i32 to index
        %swap3A_679 = arith.constant 64 : index
        %swap3A_680 = tpu.vector_load %arg20[%swap3A_678, %swap3A_679] {strides = array<i32>} : memref<40x128xf32, #tpu.memory_space<vmem>>, vector<1x16xf32>,
        %swap3A_681 = vector.shape_cast %swap3A_680 : vector<1x16xf32> to vector<16xf32>
        %swap3A_682 = vector.shape_cast %mul3A_677 : vector<16xf32> to vector<1x16xf32>
        tpu.vector_store %arg20[%swap3A_678, %swap3A_679], %swap3A_682 {strides = array<i32>} : memref<40x128xf32, #tpu.memory_space<vmem>>, vector<1x16xf32>,
        %broadcast_in_dim3A_683 = arith.constant 5 : i32
        %broadcast_in_dim3A_684 = vector.broadcast %broadcast_in_dim3A_683 : i32 to vector<16x1xi32>
        %gather3A_685 = vector.shape_cast %broadcast_in_dim3A_684 : vector<16x1xi32> to vector<16xi32>
        %gather3A_686 = tpu.dynamic_gather %get3A_612[%gather3A_685] in [0] : vector<16xf32>, vector<16xi32> -> vector<16xf32>
        %get3A_687 = arith.index_cast %add3A_608 : i32 to index
        %get3A_688 = arith.constant 80 : index
        %get3A_689 = tpu.vector_load %arg20[%get3A_687, %get3A_688] {strides = array<i32>} : memref<40x128xf32, #tpu.memory_space<vmem>>, vector<1x16xf32>,
        %get3A_690 = vector.shape_cast %get3A_689 : vector<1x16xf32> to vector<16xf32>
        %mul3A_691 = arith.mulf %get3A_690, %gather3A_686 : vector<16xf32>
        %swap3A_692 = arith.index_cast %add3A_608 : i32 to index
        %swap3A_693 = arith.constant 80 : index
        %swap3A_694 = tpu.vector_load %arg20[%swap3A_692, %swap3A_693] {strides = array<i32>} : memref<40x128xf32, #tpu.memory_space<vmem>>, vector<1x16xf32>,
        %swap3A_695 = vector.shape_cast %swap3A_694 : vector<1x16xf32> to vector<16xf32>
        %swap3A_696 = vector.shape_cast %mul3A_691 : vector<16xf32> to vector<1x16xf32>
        tpu.vector_store %arg20[%swap3A_692, %swap3A_693], %swap3A_696 {strides = array<i32>} : memref<40x128xf32, #tpu.memory_space<vmem>>, vector<1x16xf32>,
        %broadcast_in_dim3A_697 = arith.constant 6 : i32
        %broadcast_in_dim3A_698 = vector.broadcast %broadcast_in_dim3A_697 : i32 to vector<16x1xi32>
        %gather3A_699 = vector.shape_cast %broadcast_in_dim3A_698 : vector<16x1xi32> to vector<16xi32>
        %gather3A_700 = tpu.dynamic_gather %get3A_612[%gather3A_699] in [0] : vector<16xf32>, vector<16xi32> -> vector<16xf32>
        %get3A_701 = arith.index_cast %add3A_608 : i32 to index
        %get3A_702 = arith.constant 96 : index
        %get3A_703 = tpu.vector_load %arg20[%get3A_701, %get3A_702] {strides = array<i32>} : memref<40x128xf32, #tpu.memory_space<vmem>>, vector<1x16xf32>,
        %get3A_704 = vector.shape_cast %get3A_703 : vector<1x16xf32> to vector<16xf32>
        %mul3A_705 = arith.mulf %get3A_704, %gather3A_700 : vector<16xf32>
        %swap3A_706 = arith.index_cast %add3A_608 : i32 to index
        %swap3A_707 = arith.constant 96 : index
        %swap3A_708 = tpu.vector_load %arg20[%swap3A_706, %swap3A_707] {strides = array<i32>} : memref<40x128xf32, #tpu.memory_space<vmem>>, vector<1x16xf32>,
        %swap3A_709 = vector.shape_cast %swap3A_708 : vector<1x16xf32> to vector<16xf32>
        %swap3A_710 = vector.shape_cast %mul3A_705 : vector<16xf32> to vector<1x16xf32>
        tpu.vector_store %arg20[%swap3A_706, %swap3A_707], %swap3A_710 {strides = array<i32>} : memref<40x128xf32, #tpu.memory_space<vmem>>, vector<1x16xf32>,
        %broadcast_in_dim3A_711 = arith.constant 7 : i32
        %broadcast_in_dim3A_712 = vector.broadcast %broadcast_in_dim3A_711 : i32 to vector<16x1xi32>
        %gather3A_713 = vector.shape_cast %broadcast_in_dim3A_712 : vector<16x1xi32> to vector<16xi32>
        %gather3A_714 = tpu.dynamic_gather %get3A_612[%gather3A_713] in [0] : vector<16xf32>, vector<16xi32> -> vector<16xf32>
        %get3A_715 = arith.index_cast %add3A_608 : i32 to index
        %get3A_716 = arith.constant 112 : index
        %get3A_717 = tpu.vector_load %arg20[%get3A_715, %get3A_716] {strides = array<i32>} : memref<40x128xf32, #tpu.memory_space<vmem>>, vector<1x16xf32>,
        %get3A_718 = vector.shape_cast %get3A_717 : vector<1x16xf32> to vector<16xf32>
        %mul3A_719 = arith.mulf %get3A_718, %gather3A_714 : vector<16xf32>
        %swap3A_720 = arith.index_cast %add3A_608 : i32 to index
        %swap3A_721 = arith.constant 112 : index
        %swap3A_722 = tpu.vector_load %arg20[%swap3A_720, %swap3A_721] {strides = array<i32>} : memref<40x128xf32, #tpu.memory_space<vmem>>, vector<1x16xf32>,
        %swap3A_723 = vector.shape_cast %swap3A_722 : vector<1x16xf32> to vector<16xf32>
        %swap3A_724 = vector.shape_cast %mul3A_719 : vector<16xf32> to vector<1x16xf32>
        tpu.vector_store %arg20[%swap3A_720, %swap3A_721], %swap3A_724 {strides = array<i32>} : memref<40x128xf32, #tpu.memory_space<vmem>>, vector<1x16xf32>,
        %mul3A_725 = arith.constant 4 : i32
        %mul3A_726 = arith.muli %scan3A_367, %mul3A_725 : i32
        %add3A_727 = arith.constant 3 : i32
        %add3A_728 = arith.addi %mul3A_726, %add3A_727 : i32
        %get3A_729 = arith.index_cast %add3A_728 : i32 to index
        %get3A_730 = arith.constant 0 : index
        %get3A_731 = tpu.vector_load %arg19[%get3A_729, %get3A_730] {strides = array<i32>} : memref<40x16xf32, #tpu.memory_space<vmem>>, vector<1x16xf32>,
        %get3A_732 = vector.shape_cast %get3A_731 : vector<1x16xf32> to vector<16xf32>
        %broadcast_in_dim3A_733 = arith.constant 0 : i32
        %broadcast_in_dim3A_734 = vector.broadcast %broadcast_in_dim3A_733 : i32 to vector<16x1xi32>
        %gather3A_735 = vector.shape_cast %broadcast_in_dim3A_734 : vector<16x1xi32> to vector<16xi32>
        %gather3A_736 = tpu.dynamic_gather %get3A_732[%gather3A_735] in [0] : vector<16xf32>, vector<16xi32> -> vector<16xf32>
        %get3A_737 = arith.index_cast %add3A_728 : i32 to index
        %get3A_738 = arith.constant 0 : index
        %get3A_739 = tpu.vector_load %arg20[%get3A_737, %get3A_738] {strides = array<i32>} : memref<40x128xf32, #tpu.memory_space<vmem>>, vector<1x16xf32>,
        %get3A_740 = vector.shape_cast %get3A_739 : vector<1x16xf32> to vector<16xf32>
        %mul3A_741 = arith.mulf %get3A_740, %gather3A_736 : vector<16xf32>
        %swap3A_742 = arith.index_cast %add3A_728 : i32 to index
        %swap3A_743 = arith.constant 0 : index
        %swap3A_744 = tpu.vector_load %arg20[%swap3A_742, %swap3A_743] {strides = array<i32>} : memref<40x128xf32, #tpu.memory_space<vmem>>, vector<1x16xf32>,
        %swap3A_745 = vector.shape_cast %swap3A_744 : vector<1x16xf32> to vector<16xf32>
        %swap3A_746 = vector.shape_cast %mul3A_741 : vector<16xf32> to vector<1x16xf32>
        tpu.vector_store %arg20[%swap3A_742, %swap3A_743], %swap3A_746 {strides = array<i32>} : memref<40x128xf32, #tpu.memory_space<vmem>>, vector<1x16xf32>,
        %broadcast_in_dim3A_747 = arith.constant 1 : i32
        %broadcast_in_dim3A_748 = vector.broadcast %broadcast_in_dim3A_747 : i32 to vector<16x1xi32>
        %gather3A_749 = vector.shape_cast %broadcast_in_dim3A_748 : vector<16x1xi32> to vector<16xi32>
        %gather3A_750 = tpu.dynamic_gather %get3A_732[%gather3A_749] in [0] : vector<16xf32>, vector<16xi32> -> vector<16xf32>
        %get3A_751 = arith.index_cast %add3A_728 : i32 to index
        %get3A_752 = arith.constant 16 : index
        %get3A_753 = tpu.vector_load %arg20[%get3A_751, %get3A_752] {strides = array<i32>} : memref<40x128xf32, #tpu.memory_space<vmem>>, vector<1x16xf32>,
        %get3A_754 = vector.shape_cast %get3A_753 : vector<1x16xf32> to vector<16xf32>
        %mul3A_755 = arith.mulf %get3A_754, %gather3A_750 : vector<16xf32>
        %swap3A_756 = arith.index_cast %add3A_728 : i32 to index
        %swap3A_757 = arith.constant 16 : index
        %swap3A_758 = tpu.vector_load %arg20[%swap3A_756, %swap3A_757] {strides = array<i32>} : memref<40x128xf32, #tpu.memory_space<vmem>>, vector<1x16xf32>,
        %swap3A_759 = vector.shape_cast %swap3A_758 : vector<1x16xf32> to vector<16xf32>
        %swap3A_760 = vector.shape_cast %mul3A_755 : vector<16xf32> to vector<1x16xf32>
        tpu.vector_store %arg20[%swap3A_756, %swap3A_757], %swap3A_760 {strides = array<i32>} : memref<40x128xf32, #tpu.memory_space<vmem>>, vector<1x16xf32>,
        %broadcast_in_dim3A_761 = arith.constant 2 : i32
        %broadcast_in_dim3A_762 = vector.broadcast %broadcast_in_dim3A_761 : i32 to vector<16x1xi32>
        %gather3A_763 = vector.shape_cast %broadcast_in_dim3A_762 : vector<16x1xi32> to vector<16xi32>
        %gather3A_764 = tpu.dynamic_gather %get3A_732[%gather3A_763] in [0] : vector<16xf32>, vector<16xi32> -> vector<16xf32>
        %get3A_765 = arith.index_cast %add3A_728 : i32 to index
        %get3A_766 = arith.constant 32 : index
        %get3A_767 = tpu.vector_load %arg20[%get3A_765, %get3A_766] {strides = array<i32>} : memref<40x128xf32, #tpu.memory_space<vmem>>, vector<1x16xf32>,
        %get3A_768 = vector.shape_cast %get3A_767 : vector<1x16xf32> to vector<16xf32>
        %mul3A_769 = arith.mulf %get3A_768, %gather3A_764 : vector<16xf32>
        %swap3A_770 = arith.index_cast %add3A_728 : i32 to index
        %swap3A_771 = arith.constant 32 : index
        %swap3A_772 = tpu.vector_load %arg20[%swap3A_770, %swap3A_771] {strides = array<i32>} : memref<40x128xf32, #tpu.memory_space<vmem>>, vector<1x16xf32>,
        %swap3A_773 = vector.shape_cast %swap3A_772 : vector<1x16xf32> to vector<16xf32>
        %swap3A_774 = vector.shape_cast %mul3A_769 : vector<16xf32> to vector<1x16xf32>
        tpu.vector_store %arg20[%swap3A_770, %swap3A_771], %swap3A_774 {strides = array<i32>} : memref<40x128xf32, #tpu.memory_space<vmem>>, vector<1x16xf32>,
        %broadcast_in_dim3A_775 = arith.constant 3 : i32
        %broadcast_in_dim3A_776 = vector.broadcast %broadcast_in_dim3A_775 : i32 to vector<16x1xi32>
        %gather3A_777 = vector.shape_cast %broadcast_in_dim3A_776 : vector<16x1xi32> to vector<16xi32>
        %gather3A_778 = tpu.dynamic_gather %get3A_732[%gather3A_777] in [0] : vector<16xf32>, vector<16xi32> -> vector<16xf32>
        %get3A_779 = arith.index_cast %add3A_728 : i32 to index
        %get3A_780 = arith.constant 48 : index
        %get3A_781 = tpu.vector_load %arg20[%get3A_779, %get3A_780] {strides = array<i32>} : memref<40x128xf32, #tpu.memory_space<vmem>>, vector<1x16xf32>,
        %get3A_782 = vector.shape_cast %get3A_781 : vector<1x16xf32> to vector<16xf32>
        %mul3A_783 = arith.mulf %get3A_782, %gather3A_778 : vector<16xf32>
        %swap3A_784 = arith.index_cast %add3A_728 : i32 to index
        %swap3A_785 = arith.constant 48 : index
        %swap3A_786 = tpu.vector_load %arg20[%swap3A_784, %swap3A_785] {strides = array<i32>} : memref<40x128xf32, #tpu.memory_space<vmem>>, vector<1x16xf32>,
        %swap3A_787 = vector.shape_cast %swap3A_786 : vector<1x16xf32> to vector<16xf32>
        %swap3A_788 = vector.shape_cast %mul3A_783 : vector<16xf32> to vector<1x16xf32>
        tpu.vector_store %arg20[%swap3A_784, %swap3A_785], %swap3A_788 {strides = array<i32>} : memref<40x128xf32, #tpu.memory_space<vmem>>, vector<1x16xf32>,
        %broadcast_in_dim3A_789 = arith.constant 4 : i32
        %broadcast_in_dim3A_790 = vector.broadcast %broadcast_in_dim3A_789 : i32 to vector<16x1xi32>
        %gather3A_791 = vector.shape_cast %broadcast_in_dim3A_790 : vector<16x1xi32> to vector<16xi32>
        %gather3A_792 = tpu.dynamic_gather %get3A_732[%gather3A_791] in [0] : vector<16xf32>, vector<16xi32> -> vector<16xf32>
        %get3A_793 = arith.index_cast %add3A_728 : i32 to index
        %get3A_794 = arith.constant 64 : index
        %get3A_795 = tpu.vector_load %arg20[%get3A_793, %get3A_794] {strides = array<i32>} : memref<40x128xf32, #tpu.memory_space<vmem>>, vector<1x16xf32>,
        %get3A_796 = vector.shape_cast %get3A_795 : vector<1x16xf32> to vector<16xf32>
        %mul3A_797 = arith.mulf %get3A_796, %gather3A_792 : vector<16xf32>
        %swap3A_798 = arith.index_cast %add3A_728 : i32 to index
        %swap3A_799 = arith.constant 64 : index
        %swap3A_800 = tpu.vector_load %arg20[%swap3A_798, %swap3A_799] {strides = array<i32>} : memref<40x128xf32, #tpu.memory_space<vmem>>, vector<1x16xf32>,
        %swap3A_801 = vector.shape_cast %swap3A_800 : vector<1x16xf32> to vector<16xf32>
        %swap3A_802 = vector.shape_cast %mul3A_797 : vector<16xf32> to vector<1x16xf32>
        tpu.vector_store %arg20[%swap3A_798, %swap3A_799], %swap3A_802 {strides = array<i32>} : memref<40x128xf32, #tpu.memory_space<vmem>>, vector<1x16xf32>,
        %broadcast_in_dim3A_803 = arith.constant 5 : i32
        %broadcast_in_dim3A_804 = vector.broadcast %broadcast_in_dim3A_803 : i32 to vector<16x1xi32>
        %gather3A_805 = vector.shape_cast %broadcast_in_dim3A_804 : vector<16x1xi32> to vector<16xi32>
        %gather3A_806 = tpu.dynamic_gather %get3A_732[%gather3A_805] in [0] : vector<16xf32>, vector<16xi32> -> vector<16xf32>
        %get3A_807 = arith.index_cast %add3A_728 : i32 to index
        %get3A_808 = arith.constant 80 : index
        %get3A_809 = tpu.vector_load %arg20[%get3A_807, %get3A_808] {strides = array<i32>} : memref<40x128xf32, #tpu.memory_space<vmem>>, vector<1x16xf32>,
        %get3A_810 = vector.shape_cast %get3A_809 : vector<1x16xf32> to vector<16xf32>
        %mul3A_811 = arith.mulf %get3A_810, %gather3A_806 : vector<16xf32>
        %swap3A_812 = arith.index_cast %add3A_728 : i32 to index
        %swap3A_813 = arith.constant 80 : index
        %swap3A_814 = tpu.vector_load %arg20[%swap3A_812, %swap3A_813] {strides = array<i32>} : memref<40x128xf32, #tpu.memory_space<vmem>>, vector<1x16xf32>,
        %swap3A_815 = vector.shape_cast %swap3A_814 : vector<1x16xf32> to vector<16xf32>
        %swap3A_816 = vector.shape_cast %mul3A_811 : vector<16xf32> to vector<1x16xf32>
        tpu.vector_store %arg20[%swap3A_812, %swap3A_813], %swap3A_816 {strides = array<i32>} : memref<40x128xf32, #tpu.memory_space<vmem>>, vector<1x16xf32>,
        %broadcast_in_dim3A_817 = arith.constant 6 : i32
        %broadcast_in_dim3A_818 = vector.broadcast %broadcast_in_dim3A_817 : i32 to vector<16x1xi32>
        %gather3A_819 = vector.shape_cast %broadcast_in_dim3A_818 : vector<16x1xi32> to vector<16xi32>
        %gather3A_820 = tpu.dynamic_gather %get3A_732[%gather3A_819] in [0] : vector<16xf32>, vector<16xi32> -> vector<16xf32>
        %get3A_821 = arith.index_cast %add3A_728 : i32 to index
        %get3A_822 = arith.constant 96 : index
        %get3A_823 = tpu.vector_load %arg20[%get3A_821, %get3A_822] {strides = array<i32>} : memref<40x128xf32, #tpu.memory_space<vmem>>, vector<1x16xf32>,
        %get3A_824 = vector.shape_cast %get3A_823 : vector<1x16xf32> to vector<16xf32>
        %mul3A_825 = arith.mulf %get3A_824, %gather3A_820 : vector<16xf32>
        %swap3A_826 = arith.index_cast %add3A_728 : i32 to index
        %swap3A_827 = arith.constant 96 : index
        %swap3A_828 = tpu.vector_load %arg20[%swap3A_826, %swap3A_827] {strides = array<i32>} : memref<40x128xf32, #tpu.memory_space<vmem>>, vector<1x16xf32>,
        %swap3A_829 = vector.shape_cast %swap3A_828 : vector<1x16xf32> to vector<16xf32>
        %swap3A_830 = vector.shape_cast %mul3A_825 : vector<16xf32> to vector<1x16xf32>
        tpu.vector_store %arg20[%swap3A_826, %swap3A_827], %swap3A_830 {strides = array<i32>} : memref<40x128xf32, #tpu.memory_space<vmem>>, vector<1x16xf32>,
        %broadcast_in_dim3A_831 = arith.constant 7 : i32
        %broadcast_in_dim3A_832 = vector.broadcast %broadcast_in_dim3A_831 : i32 to vector<16x1xi32>
        %gather3A_833 = vector.shape_cast %broadcast_in_dim3A_832 : vector<16x1xi32> to vector<16xi32>
        %gather3A_834 = tpu.dynamic_gather %get3A_732[%gather3A_833] in [0] : vector<16xf32>, vector<16xi32> -> vector<16xf32>
        %get3A_835 = arith.index_cast %add3A_728 : i32 to index
        %get3A_836 = arith.constant 112 : index
        %get3A_837 = tpu.vector_load %arg20[%get3A_835, %get3A_836] {strides = array<i32>} : memref<40x128xf32, #tpu.memory_space<vmem>>, vector<1x16xf32>,
        %get3A_838 = vector.shape_cast %get3A_837 : vector<1x16xf32> to vector<16xf32>
        %mul3A_839 = arith.mulf %get3A_838, %gather3A_834 : vector<16xf32>
        %swap3A_840 = arith.index_cast %add3A_728 : i32 to index
        %swap3A_841 = arith.constant 112 : index
        %swap3A_842 = tpu.vector_load %arg20[%swap3A_840, %swap3A_841] {strides = array<i32>} : memref<40x128xf32, #tpu.memory_space<vmem>>, vector<1x16xf32>,
        %swap3A_843 = vector.shape_cast %swap3A_842 : vector<1x16xf32> to vector<16xf32>
        %swap3A_844 = vector.shape_cast %mul3A_839 : vector<16xf32> to vector<1x16xf32>
        tpu.vector_store %arg20[%swap3A_840, %swap3A_841], %swap3A_844 {strides = array<i32>} : memref<40x128xf32, #tpu.memory_space<vmem>>, vector<1x16xf32>,
        %scan3A_845 = arith.constant 0 : i32
        scf.yield %scan3A_845 : i32
      }
      %scan3A_321 = arith.constant 10 : i32
      %dma_start3A_322 = arith.constant 0 : i32
      %dma_start3A_323 = tpu.memref_slice %arg12[%add3A_289, %dma_start3A_322] : memref<250x40xi32, #tpu.memory_space<vmem>> -> memref<1x40xi32, #tpu.memory_space<vmem>>
      %dma_start3A_324 = tpu.memref_squeeze %dma_start3A_323 : memref<1x40xi32, #tpu.memory_space<vmem>> -> memref<40xi32, #tpu.memory_space<vmem>>
      %dma_start3A_325 = arith.constant 0 : i32
      %dma_start3A_326 = arith.constant 0 : i32
      %dma_start3A_327 = tpu.memref_slice %arg21[%dma_start3A_325, %dma_start3A_326] : memref<10000x128xf32, #tpu.memory_space<vmem_shared>> -> memref<10000x128xf32, #tpu.memory_space<vmem_shared>>
      tpu.enqueue_indirect_dma source(%arg20 : memref<40x128xf32, #tpu.memory_space<vmem>>) target(%dma_start3A_327 : memref<10000x128xf32, #tpu.memory_space<vmem_shared>>) offsets(%dma_start3A_324 : memref<40xi32, #tpu.memory_space<vmem>>) semaphore(%arg31 : memref<!tpu.dma_semaphore, #tpu.memory_space<semaphore_mem>>) {add = true}
      %dma_start3A_328 = arith.constant 0 : i32
      %dma_start3A_329 = tpu.memref_slice %arg12[%add3A_289, %dma_start3A_328] : memref<250x40xi32, #tpu.memory_space<vmem>> -> memref<1x40xi32, #tpu.memory_space<vmem>>
      %dma_start3A_330 = tpu.memref_squeeze %dma_start3A_329 : memref<1x40xi32, #tpu.memory_space<vmem>> -> memref<40xi32, #tpu.memory_space<vmem>>
      %dma_start3A_331 = arith.constant 0 : i32
      %dma_start3A_332 = arith.constant 0 : i32
      %dma_start3A_333 = tpu.memref_slice %arg22[%dma_start3A_331, %dma_start3A_332] : memref<10000x16xf32, #tpu.memory_space<vmem_shared>> -> memref<10000x16xf32, #tpu.memory_space<vmem_shared>>
      tpu.enqueue_indirect_dma source(%arg19 : memref<40x16xf32, #tpu.memory_space<vmem>>) target(%dma_start3A_333 : memref<10000x16xf32, #tpu.memory_space<vmem_shared>>) offsets(%dma_start3A_330 : memref<40xi32, #tpu.memory_space<vmem>>) semaphore(%arg32 : memref<!tpu.dma_semaphore, #tpu.memory_space<semaphore_mem>>) {add = true}
      %dma_wait3A_334 = arith.constant 0 : i32
      %dma_wait3A_335 = tpu.memref_slice %arg12[%mul3A_219, %dma_wait3A_334] : memref<250x40xi32, #tpu.memory_space<vmem>> -> memref<1x40xi32, #tpu.memory_space<vmem>>
      %dma_wait3A_336 = tpu.memref_squeeze %dma_wait3A_335 : memref<1x40xi32, #tpu.memory_space<vmem>> -> memref<40xi32, #tpu.memory_space<vmem>>
      %dma_wait3A_337 = arith.constant 0 : i32
      %dma_wait3A_338 = arith.constant 0 : i32
      %dma_wait3A_339 = tpu.memref_slice %arg21[%dma_wait3A_337, %dma_wait3A_338] : memref<10000x128xf32, #tpu.memory_space<vmem_shared>> -> memref<10000x128xf32, #tpu.memory_space<vmem_shared>>
      tpu.wait_indirect_dma semaphore(%arg26 : memref<!tpu.dma_semaphore, #tpu.memory_space<semaphore_mem>>) src(%arg16 : memref<40x128xf32, #tpu.memory_space<vmem>>) dst(%dma_wait3A_339 : memref<10000x128xf32, #tpu.memory_space<vmem_shared>>)
      %dma_wait3A_340 = arith.constant 0 : i32
      %dma_wait3A_341 = tpu.memref_slice %arg12[%mul3A_219, %dma_wait3A_340] : memref<250x40xi32, #tpu.memory_space<vmem>> -> memref<1x40xi32, #tpu.memory_space<vmem>>
      %dma_wait3A_342 = tpu.memref_squeeze %dma_wait3A_341 : memref<1x40xi32, #tpu.memory_space<vmem>> -> memref<40xi32, #tpu.memory_space<vmem>>
      %dma_wait3A_343 = arith.constant 0 : i32
      %dma_wait3A_344 = arith.constant 0 : i32
      %dma_wait3A_345 = tpu.memref_slice %arg22[%dma_wait3A_343, %dma_wait3A_344] : memref<10000x16xf32, #tpu.memory_space<vmem_shared>> -> memref<10000x16xf32, #tpu.memory_space<vmem_shared>>
      tpu.wait_indirect_dma semaphore(%arg27 : memref<!tpu.dma_semaphore, #tpu.memory_space<semaphore_mem>>) src(%arg15 : memref<40x16xf32, #tpu.memory_space<vmem>>) dst(%dma_wait3A_345 : memref<10000x16xf32, #tpu.memory_space<vmem_shared>>)
      %add3A_346 = arith.constant 2 : i32
      %add3A_347 = arith.addi %mul3A_219, %add3A_346 : i32
      %dma_start3A_348 = arith.constant 0 : i32
      %dma_start3A_349 = tpu.memref_slice %arg11[%add3A_347, %dma_start3A_348] : memref<250x40xi32, #tpu.memory_space<vmem>> -> memref<1x40xi32, #tpu.memory_space<vmem>>
      %dma_start3A_350 = tpu.memref_squeeze %dma_start3A_349 : memref<1x40xi32, #tpu.memory_space<vmem>> -> memref<40xi32, #tpu.memory_space<vmem>>
      %dma_start3A_351 = arith.constant 0 : i32
      %dma_start3A_352 = arith.constant 0 : i32
      %dma_start3A_353 = tpu.memref_slice %arg4[%dma_start3A_351, %dma_start3A_352] : memref<10000x128xf32, #tpu.memory_space<hbm>> -> memref<10000x128xf32, #tpu.memory_space<hbm>>
      tpu.enqueue_indirect_dma source(%dma_start3A_353 : memref<10000x128xf32, #tpu.memory_space<hbm>>) target(%arg16 : memref<40x128xf32, #tpu.memory_space<vmem>>) offsets(%dma_start3A_350 : memref<40xi32, #tpu.memory_space<vmem>>) semaphore(%arg23 : memref<!tpu.dma_semaphore, #tpu.memory_space<semaphore_mem>>)
      %dma_start3A_354 = arith.constant 0 : i32
      %dma_start3A_355 = tpu.memref_slice %arg11[%add3A_347, %dma_start3A_354] : memref<250x40xi32, #tpu.memory_space<vmem>> -> memref<1x40xi32, #tpu.memory_space<vmem>>
      %dma_start3A_356 = tpu.memref_squeeze %dma_start3A_355 : memref<1x40xi32, #tpu.memory_space<vmem>> -> memref<40xi32, #tpu.memory_space<vmem>>
      %dma_start3A_357 = arith.constant 0 : i32
      %dma_start3A_358 = arith.constant 0 : i32
      %dma_start3A_359 = tpu.memref_slice %arg2[%dma_start3A_357, %dma_start3A_358] : memref<10000x16xf32, #tpu.memory_space<hbm>> -> memref<10000x16xf32, #tpu.memory_space<hbm>>
      tpu.enqueue_indirect_dma source(%dma_start3A_359 : memref<10000x16xf32, #tpu.memory_space<hbm>>) target(%arg13 : memref<40x16xf32, #tpu.memory_space<vmem>>) offsets(%dma_start3A_356 : memref<40xi32, #tpu.memory_space<vmem>>) semaphore(%arg24 : memref<!tpu.dma_semaphore, #tpu.memory_space<semaphore_mem>>)
      %dma_start3A_360 = arith.constant 0 : i32
      %dma_start3A_361 = tpu.memref_slice %arg12[%add3A_347, %dma_start3A_360] : memref<250x40xi32, #tpu.memory_space<vmem>> -> memref<1x40xi32, #tpu.memory_space<vmem>>
      %dma_start3A_362 = tpu.memref_squeeze %dma_start3A_361 : memref<1x40xi32, #tpu.memory_space<vmem>> -> memref<40xi32, #tpu.memory_space<vmem>>
      %dma_start3A_363 = arith.constant 0 : i32
      %dma_start3A_364 = arith.constant 0 : i32
      %dma_start3A_365 = tpu.memref_slice %arg3[%dma_start3A_363, %dma_start3A_364] : memref<10000x16xf32, #tpu.memory_space<hbm>> -> memref<10000x16xf32, #tpu.memory_space<hbm>>
      tpu.enqueue_indirect_dma source(%dma_start3A_365 : memref<10000x16xf32, #tpu.memory_space<hbm>>) target(%arg14 : memref<40x16xf32, #tpu.memory_space<vmem>>) offsets(%dma_start3A_362 : memref<40xi32, #tpu.memory_space<vmem>>) semaphore(%arg25 : memref<!tpu.dma_semaphore, #tpu.memory_space<semaphore_mem>>)
      %scan3A_366 = arith.constant 0 : i32
      scf.yield %scan3A_366 : i32
    }
    %scan3A_44 = arith.constant 124 : i32
    %dma_wait3A = arith.constant 247 : i32
    %dma_wait3A_45 = arith.constant 0 : i32
    %dma_wait3A_46 = tpu.memref_slice %arg12[%dma_wait3A, %dma_wait3A_45] : memref<250x40xi32, #tpu.memory_space<vmem>> -> memref<1x40xi32, #tpu.memory_space<vmem>>
    %dma_wait3A_47 = tpu.memref_squeeze %dma_wait3A_46 : memref<1x40xi32, #tpu.memory_space<vmem>> -> memref<40xi32, #tpu.memory_space<vmem>>
    %dma_wait3A_48 = arith.constant 0 : i32
    %dma_wait3A_49 = arith.constant 0 : i32
    %dma_wait3A_50 = tpu.memref_slice %arg21[%dma_wait3A_48, %dma_wait3A_49] : memref<10000x128xf32, #tpu.memory_space<vmem_shared>> -> memref<10000x128xf32, #tpu.memory_space<vmem_shared>>
    tpu.wait_indirect_dma semaphore(%arg31 : memref<!tpu.dma_semaphore, #tpu.memory_space<semaphore_mem>>) src(%arg20 : memref<40x128xf32, #tpu.memory_space<vmem>>) dst(%dma_wait3A_50 : memref<10000x128xf32, #tpu.memory_space<vmem_shared>>)
    %dma_wait3A_51 = arith.constant 247 : i32
    %dma_wait3A_52 = arith.constant 0 : i32
    %dma_wait3A_53 = tpu.memref_slice %arg12[%dma_wait3A_51, %dma_wait3A_52] : memref<250x40xi32, #tpu.memory_space<vmem>> -> memref<1x40xi32, #tpu.memory_space<vmem>>
    %dma_wait3A_54 = tpu.memref_squeeze %dma_wait3A_53 : memref<1x40xi32, #tpu.memory_space<vmem>> -> memref<40xi32, #tpu.memory_space<vmem>>
    %dma_wait3A_55 = arith.constant 0 : i32
    %dma_wait3A_56 = arith.constant 0 : i32
    %dma_wait3A_57 = tpu.memref_slice %arg22[%dma_wait3A_55, %dma_wait3A_56] : memref<10000x16xf32, #tpu.memory_space<vmem_shared>> -> memref<10000x16xf32, #tpu.memory_space<vmem_shared>>
    tpu.wait_indirect_dma semaphore(%arg32 : memref<!tpu.dma_semaphore, #tpu.memory_space<semaphore_mem>>) src(%arg19 : memref<40x16xf32, #tpu.memory_space<vmem>>) dst(%dma_wait3A_57 : memref<10000x16xf32, #tpu.memory_space<vmem_shared>>)
    %dma_start3A_58 = arith.constant 249 : i32
    %dma_start3A_59 = arith.constant 0 : i32
    %dma_start3A_60 = tpu.memref_slice %arg11[%dma_start3A_58, %dma_start3A_59] : memref<250x40xi32, #tpu.memory_space<vmem>> -> memref<1x40xi32, #tpu.memory_space<vmem>>
    %dma_start3A_61 = tpu.memref_squeeze %dma_start3A_60 : memref<1x40xi32, #tpu.memory_space<vmem>> -> memref<40xi32, #tpu.memory_space<vmem>>
    %dma_start3A_62 = arith.constant 0 : i32
    %dma_start3A_63 = arith.constant 0 : i32
    %dma_start3A_64 = tpu.memref_slice %arg4[%dma_start3A_62, %dma_start3A_63] : memref<10000x128xf32, #tpu.memory_space<hbm>> -> memref<10000x128xf32, #tpu.memory_space<hbm>>
    tpu.enqueue_indirect_dma source(%dma_start3A_64 : memref<10000x128xf32, #tpu.memory_space<hbm>>) target(%arg20 : memref<40x128xf32, #tpu.memory_space<vmem>>) offsets(%dma_start3A_61 : memref<40xi32, #tpu.memory_space<vmem>>) semaphore(%arg28 : memref<!tpu.dma_semaphore, #tpu.memory_space<semaphore_mem>>)
    %dma_start3A_65 = arith.constant 249 : i32
    %dma_start3A_66 = arith.constant 0 : i32
    %dma_start3A_67 = tpu.memref_slice %arg11[%dma_start3A_65, %dma_start3A_66] : memref<250x40xi32, #tpu.memory_space<vmem>> -> memref<1x40xi32, #tpu.memory_space<vmem>>
    %dma_start3A_68 = tpu.memref_squeeze %dma_start3A_67 : memref<1x40xi32, #tpu.memory_space<vmem>> -> memref<40xi32, #tpu.memory_space<vmem>>
    %dma_start3A_69 = arith.constant 0 : i32
    %dma_start3A_70 = arith.constant 0 : i32
    %dma_start3A_71 = tpu.memref_slice %arg2[%dma_start3A_69, %dma_start3A_70] : memref<10000x16xf32, #tpu.memory_space<hbm>> -> memref<10000x16xf32, #tpu.memory_space<hbm>>
    tpu.enqueue_indirect_dma source(%dma_start3A_71 : memref<10000x16xf32, #tpu.memory_space<hbm>>) target(%arg17 : memref<40x16xf32, #tpu.memory_space<vmem>>) offsets(%dma_start3A_68 : memref<40xi32, #tpu.memory_space<vmem>>) semaphore(%arg29 : memref<!tpu.dma_semaphore, #tpu.memory_space<semaphore_mem>>)
    %dma_start3A_72 = arith.constant 249 : i32
    %dma_start3A_73 = arith.constant 0 : i32
    %dma_start3A_74 = tpu.memref_slice %arg12[%dma_start3A_72, %dma_start3A_73] : memref<250x40xi32, #tpu.memory_space<vmem>> -> memref<1x40xi32, #tpu.memory_space<vmem>>
    %dma_start3A_75 = tpu.memref_squeeze %dma_start3A_74 : memref<1x40xi32, #tpu.memory_space<vmem>> -> memref<40xi32, #tpu.memory_space<vmem>>
    %dma_start3A_76 = arith.constant 0 : i32
    %dma_start3A_77 = arith.constant 0 : i32
    %dma_start3A_78 = tpu.memref_slice %arg3[%dma_start3A_76, %dma_start3A_77] : memref<10000x16xf32, #tpu.memory_space<hbm>> -> memref<10000x16xf32, #tpu.memory_space<hbm>>
    tpu.enqueue_indirect_dma source(%dma_start3A_78 : memref<10000x16xf32, #tpu.memory_space<hbm>>) target(%arg18 : memref<40x16xf32, #tpu.memory_space<vmem>>) offsets(%dma_start3A_75 : memref<40xi32, #tpu.memory_space<vmem>>) semaphore(%arg30 : memref<!tpu.dma_semaphore, #tpu.memory_space<semaphore_mem>>)
    %dma_wait3A_79 = arith.constant 248 : i32
    %dma_wait3A_80 = arith.constant 0 : i32
    %dma_wait3A_81 = tpu.memref_slice %arg11[%dma_wait3A_79, %dma_wait3A_80] : memref<250x40xi32, #tpu.memory_space<vmem>> -> memref<1x40xi32, #tpu.memory_space<vmem>>
    %dma_wait3A_82 = tpu.memref_squeeze %dma_wait3A_81 : memref<1x40xi32, #tpu.memory_space<vmem>> -> memref<40xi32, #tpu.memory_space<vmem>>
    %dma_wait3A_83 = arith.constant 0 : i32
    %dma_wait3A_84 = arith.constant 0 : i32
    %dma_wait3A_85 = tpu.memref_slice %arg2[%dma_wait3A_83, %dma_wait3A_84] : memref<10000x16xf32, #tpu.memory_space<hbm>> -> memref<10000x16xf32, #tpu.memory_space<hbm>>
    tpu.wait_indirect_dma semaphore(%arg24 : memref<!tpu.dma_semaphore, #tpu.memory_space<semaphore_mem>>) src(%dma_wait3A_85 : memref<10000x16xf32, #tpu.memory_space<hbm>>) dst(%arg13 : memref<40x16xf32, #tpu.memory_space<vmem>>)
    %dma_wait3A_86 = arith.constant 248 : i32
    %dma_wait3A_87 = arith.constant 0 : i32
    %dma_wait3A_88 = tpu.memref_slice %arg12[%dma_wait3A_86, %dma_wait3A_87] : memref<250x40xi32, #tpu.memory_space<vmem>> -> memref<1x40xi32, #tpu.memory_space<vmem>>
    %dma_wait3A_89 = tpu.memref_squeeze %dma_wait3A_88 : memref<1x40xi32, #tpu.memory_space<vmem>> -> memref<40xi32, #tpu.memory_space<vmem>>
    %dma_wait3A_90 = arith.constant 0 : i32
    %dma_wait3A_91 = arith.constant 0 : i32
    %dma_wait3A_92 = tpu.memref_slice %arg3[%dma_wait3A_90, %dma_wait3A_91] : memref<10000x16xf32, #tpu.memory_space<hbm>> -> memref<10000x16xf32, #tpu.memory_space<hbm>>
    tpu.wait_indirect_dma semaphore(%arg25 : memref<!tpu.dma_semaphore, #tpu.memory_space<semaphore_mem>>) src(%dma_wait3A_92 : memref<10000x16xf32, #tpu.memory_space<hbm>>) dst(%arg14 : memref<40x16xf32, #tpu.memory_space<vmem>>)
    %scan3A_93 = arith.constant 0 : i32
    %scan3A_94 = arith.constant 0 : i32
    %scan3A_95 = arith.constant 10 : i32
    %scan3A_96 = arith.addi %scan3A_94, %scan3A_95 : i32
    %scan3A_97 = arith.constant 1 : i32
    %scan3A_98 = scf.for %scan3A_216 = %scan3A_94 to %scan3A_96 step %scan3A_97 iter_args(%scan3A_217 = %scan3A_93) -> (i32)  : i32 {
      %mul3A_218 = arith.constant 4 : i32
      %mul3A_219 = arith.muli %scan3A_216, %mul3A_218 : i32
      %add3A_220 = arith.constant 0 : i32
      %add3A_221 = arith.addi %mul3A_219, %add3A_220 : i32
      %get3A = arith.index_cast %add3A_221 : i32 to index
      %get3A_222 = arith.constant 0 : index
      %get3A_223 = tpu.vector_load %arg13[%get3A, %get3A_222] {strides = array<i32>} : memref<40x16xf32, #tpu.memory_space<vmem>>, vector<1x16xf32>,
      %get3A_224 = vector.shape_cast %get3A_223 : vector<1x16xf32> to vector<16xf32>
      %get3A_225 = arith.index_cast %add3A_221 : i32 to index
      %get3A_226 = arith.constant 0 : index
      %get3A_227 = tpu.vector_load %arg14[%get3A_225, %get3A_226] {strides = array<i32>} : memref<40x16xf32, #tpu.memory_space<vmem>>, vector<1x16xf32>,
      %get3A_228 = vector.shape_cast %get3A_227 : vector<1x16xf32> to vector<16xf32>
      %add3A_229 = arith.addf %get3A_224, %get3A_228 : vector<16xf32>
      %mul3A_230 = arith.constant 2.000000e-01 : f32
      %mul3A_231 = vector.broadcast %mul3A_230 : f32 to vector<16xf32>
      %mul3A_232 = arith.mulf %add3A_229, %mul3A_231 : vector<16xf32>
      %max3A = arith.maximumf %add3A_229, %mul3A_232 : vector<16xf32>
      %exp3A = math.exp %max3A : vector<16xf32>
      %swap3A = arith.index_cast %add3A_221 : i32 to index
      %swap3A_233 = arith.constant 0 : index
      %swap3A_234 = tpu.vector_load %arg15[%swap3A, %swap3A_233] {strides = array<i32>} : memref<40x16xf32, #tpu.memory_space<vmem>>, vector<1x16xf32>,
      %swap3A_235 = vector.shape_cast %swap3A_234 : vector<1x16xf32> to vector<16xf32>
      %swap3A_236 = vector.shape_cast %exp3A : vector<16xf32> to vector<1x16xf32>
      tpu.vector_store %arg15[%swap3A, %swap3A_233], %swap3A_236 {strides = array<i32>} : memref<40x16xf32, #tpu.memory_space<vmem>>, vector<1x16xf32>,
      %mul3A_237 = arith.constant 4 : i32
      %mul3A_238 = arith.muli %scan3A_216, %mul3A_237 : i32
      %add3A_239 = arith.constant 1 : i32
      %add3A_240 = arith.addi %mul3A_238, %add3A_239 : i32
      %get3A_241 = arith.index_cast %add3A_240 : i32 to index
      %get3A_242 = arith.constant 0 : index
      %get3A_243 = tpu.vector_load %arg13[%get3A_241, %get3A_242] {strides = array<i32>} : memref<40x16xf32, #tpu.memory_space<vmem>>, vector<1x16xf32>,
      %get3A_244 = vector.shape_cast %get3A_243 : vector<1x16xf32> to vector<16xf32>
      %get3A_245 = arith.index_cast %add3A_240 : i32 to index
      %get3A_246 = arith.constant 0 : index
      %get3A_247 = tpu.vector_load %arg14[%get3A_245, %get3A_246] {strides = array<i32>} : memref<40x16xf32, #tpu.memory_space<vmem>>, vector<1x16xf32>,
      %get3A_248 = vector.shape_cast %get3A_247 : vector<1x16xf32> to vector<16xf32>
      %add3A_249 = arith.addf %get3A_244, %get3A_248 : vector<16xf32>
      %mul3A_250 = arith.constant 2.000000e-01 : f32
      %mul3A_251 = vector.broadcast %mul3A_250 : f32 to vector<16xf32>
      %mul3A_252 = arith.mulf %add3A_249, %mul3A_251 : vector<16xf32>
      %max3A_253 = arith.maximumf %add3A_249, %mul3A_252 : vector<16xf32>
      %exp3A_254 = math.exp %max3A_253 : vector<16xf32>
      %swap3A_255 = arith.index_cast %add3A_240 : i32 to index
      %swap3A_256 = arith.constant 0 : index
      %swap3A_257 = tpu.vector_load %arg15[%swap3A_255, %swap3A_256] {strides = array<i32>} : memref<40x16xf32, #tpu.memory_space<vmem>>, vector<1x16xf32>,
      %swap3A_258 = vector.shape_cast %swap3A_257 : vector<1x16xf32> to vector<16xf32>
      %swap3A_259 = vector.shape_cast %exp3A_254 : vector<16xf32> to vector<1x16xf32>
      tpu.vector_store %arg15[%swap3A_255, %swap3A_256], %swap3A_259 {strides = array<i32>} : memref<40x16xf32, #tpu.memory_space<vmem>>, vector<1x16xf32>,
      %mul3A_260 = arith.constant 4 : i32
      %mul3A_261 = arith.muli %scan3A_216, %mul3A_260 : i32
      %add3A_262 = arith.constant 2 : i32
      %add3A_263 = arith.addi %mul3A_261, %add3A_262 : i32
      %get3A_264 = arith.index_cast %add3A_263 : i32 to index
      %get3A_265 = arith.constant 0 : index
      %get3A_266 = tpu.vector_load %arg13[%get3A_264, %get3A_265] {strides = array<i32>} : memref<40x16xf32, #tpu.memory_space<vmem>>, vector<1x16xf32>,
      %get3A_267 = vector.shape_cast %get3A_266 : vector<1x16xf32> to vector<16xf32>
      %get3A_268 = arith.index_cast %add3A_263 : i32 to index
      %get3A_269 = arith.constant 0 : index
      %get3A_270 = tpu.vector_load %arg14[%get3A_268, %get3A_269] {strides = array<i32>} : memref<40x16xf32, #tpu.memory_space<vmem>>, vector<1x16xf32>,
      %get3A_271 = vector.shape_cast %get3A_270 : vector<1x16xf32> to vector<16xf32>
      %add3A_272 = arith.addf %get3A_267, %get3A_271 : vector<16xf32>
      %mul3A_273 = arith.constant 2.000000e-01 : f32
      %mul3A_274 = vector.broadcast %mul3A_273 : f32 to vector<16xf32>
      %mul3A_275 = arith.mulf %add3A_272, %mul3A_274 : vector<16xf32>
      %max3A_276 = arith.maximumf %add3A_272, %mul3A_275 : vector<16xf32>
      %exp3A_277 = math.exp %max3A_276 : vector<16xf32>
      %swap3A_278 = arith.index_cast %add3A_263 : i32 to index
      %swap3A_279 = arith.constant 0 : index
      %swap3A_280 = tpu.vector_load %arg15[%swap3A_278, %swap3A_279] {strides = array<i32>} : memref<40x16xf32, #tpu.memory_space<vmem>>, vector<1x16xf32>,
      %swap3A_281 = vector.shape_cast %swap3A_280 : vector<1x16xf32> to vector<16xf32>
      %swap3A_282 = vector.shape_cast %exp3A_277 : vector<16xf32> to vector<1x16xf32>
      tpu.vector_store %arg15[%swap3A_278, %swap3A_279], %swap3A_282 {strides = array<i32>} : memref<40x16xf32, #tpu.memory_space<vmem>>, vector<1x16xf32>,
      %mul3A_283 = arith.constant 4 : i32
      %mul3A_284 = arith.muli %scan3A_216, %mul3A_283 : i32
      %add3A_285 = arith.constant 3 : i32
      %add3A_286 = arith.addi %mul3A_284, %add3A_285 : i32
      %get3A_287 = arith.index_cast %add3A_286 : i32 to index
      %get3A_288 = arith.constant 0 : index
      %get3A_289 = tpu.vector_load %arg13[%get3A_287, %get3A_288] {strides = array<i32>} : memref<40x16xf32, #tpu.memory_space<vmem>>, vector<1x16xf32>,
      %get3A_290 = vector.shape_cast %get3A_289 : vector<1x16xf32> to vector<16xf32>
      %get3A_291 = arith.index_cast %add3A_286 : i32 to index
      %get3A_292 = arith.constant 0 : index
      %get3A_293 = tpu.vector_load %arg14[%get3A_291, %get3A_292] {strides = array<i32>} : memref<40x16xf32, #tpu.memory_space<vmem>>, vector<1x16xf32>,
      %get3A_294 = vector.shape_cast %get3A_293 : vector<1x16xf32> to vector<16xf32>
      %add3A_295 = arith.addf %get3A_290, %get3A_294 : vector<16xf32>
      %mul3A_296 = arith.constant 2.000000e-01 : f32
      %mul3A_297 = vector.broadcast %mul3A_296 : f32 to vector<16xf32>
      %mul3A_298 = arith.mulf %add3A_295, %mul3A_297 : vector<16xf32>
      %max3A_299 = arith.maximumf %add3A_295, %mul3A_298 : vector<16xf32>
      %exp3A_300 = math.exp %max3A_299 : vector<16xf32>
      %swap3A_301 = arith.index_cast %add3A_286 : i32 to index
      %swap3A_302 = arith.constant 0 : index
      %swap3A_303 = tpu.vector_load %arg15[%swap3A_301, %swap3A_302] {strides = array<i32>} : memref<40x16xf32, #tpu.memory_space<vmem>>, vector<1x16xf32>,
      %swap3A_304 = vector.shape_cast %swap3A_303 : vector<1x16xf32> to vector<16xf32>
      %swap3A_305 = vector.shape_cast %exp3A_300 : vector<16xf32> to vector<1x16xf32>
      tpu.vector_store %arg15[%swap3A_301, %swap3A_302], %swap3A_305 {strides = array<i32>} : memref<40x16xf32, #tpu.memory_space<vmem>>, vector<1x16xf32>,
      %scan3A_306 = arith.constant 0 : i32
      scf.yield %scan3A_306 : i32
    }
    %scan3A_99 = arith.constant 10 : i32
    %dma_wait3A_100 = arith.constant 248 : i32
    %dma_wait3A_101 = arith.constant 0 : i32
    %dma_wait3A_102 = tpu.memref_slice %arg11[%dma_wait3A_100, %dma_wait3A_101] : memref<250x40xi32, #tpu.memory_space<vmem>> -> memref<1x40xi32, #tpu.memory_space<vmem>>
    %dma_wait3A_103 = tpu.memref_squeeze %dma_wait3A_102 : memref<1x40xi32, #tpu.memory_space<vmem>> -> memref<40xi32, #tpu.memory_space<vmem>>
    %dma_wait3A_104 = arith.constant 0 : i32
    %dma_wait3A_105 = arith.constant 0 : i32
    %dma_wait3A_106 = tpu.memref_slice %arg4[%dma_wait3A_104, %dma_wait3A_105] : memref<10000x128xf32, #tpu.memory_space<hbm>> -> memref<10000x128xf32, #tpu.memory_space<hbm>>
    tpu.wait_indirect_dma semaphore(%arg23 : memref<!tpu.dma_semaphore, #tpu.memory_space<semaphore_mem>>) src(%dma_wait3A_106 : memref<10000x128xf32, #tpu.memory_space<hbm>>) dst(%arg16 : memref<40x128xf32, #tpu.memory_space<vmem>>)
    %scan3A_107 = arith.constant 0 : i32
    %scan3A_108 = arith.constant 0 : i32
    %scan3A_109 = arith.constant 10 : i32
    %scan3A_110 = arith.addi %scan3A_108, %scan3A_109 : i32
    %scan3A_111 = arith.constant 1 : i32
    %scan3A_112 = scf.for %scan3A_216 = %scan3A_108 to %scan3A_110 step %scan3A_111 iter_args(%scan3A_217 = %scan3A_107) -> (i32)  : i32 {
      %mul3A_218 = arith.constant 4 : i32
      %mul3A_219 = arith.muli %scan3A_216, %mul3A_218 : i32
      %add3A_220 = arith.constant 0 : i32
      %add3A_221 = arith.addi %mul3A_219, %add3A_220 : i32
      %get3A = arith.index_cast %add3A_221 : i32 to index
      %get3A_222 = arith.constant 0 : index
      %get3A_223 = tpu.vector_load %arg15[%get3A, %get3A_222] {strides = array<i32>} : memref<40x16xf32, #tpu.memory_space<vmem>>, vector<1x16xf32>,
      %get3A_224 = vector.shape_cast %get3A_223 : vector<1x16xf32> to vector<16xf32>
      %broadcast_in_dim3A = arith.constant 0 : i32
      %broadcast_in_dim3A_225 = vector.broadcast %broadcast_in_dim3A : i32 to vector<16x1xi32>
      %gather3A = vector.shape_cast %broadcast_in_dim3A_225 : vector<16x1xi32> to vector<16xi32>
      %gather3A_226 = tpu.dynamic_gather %get3A_224[%gather3A] in [0] : vector<16xf32>, vector<16xi32> -> vector<16xf32>
      %get3A_227 = arith.index_cast %add3A_221 : i32 to index
      %get3A_228 = arith.constant 0 : index
      %get3A_229 = tpu.vector_load %arg16[%get3A_227, %get3A_228] {strides = array<i32>} : memref<40x128xf32, #tpu.memory_space<vmem>>, vector<1x16xf32>,
      %get3A_230 = vector.shape_cast %get3A_229 : vector<1x16xf32> to vector<16xf32>
      %mul3A_231 = arith.mulf %get3A_230, %gather3A_226 : vector<16xf32>
      %swap3A = arith.index_cast %add3A_221 : i32 to index
      %swap3A_232 = arith.constant 0 : index
      %swap3A_233 = tpu.vector_load %arg16[%swap3A, %swap3A_232] {strides = array<i32>} : memref<40x128xf32, #tpu.memory_space<vmem>>, vector<1x16xf32>,
      %swap3A_234 = vector.shape_cast %swap3A_233 : vector<1x16xf32> to vector<16xf32>
      %swap3A_235 = vector.shape_cast %mul3A_231 : vector<16xf32> to vector<1x16xf32>
      tpu.vector_store %arg16[%swap3A, %swap3A_232], %swap3A_235 {strides = array<i32>} : memref<40x128xf32, #tpu.memory_space<vmem>>, vector<1x16xf32>,
      %broadcast_in_dim3A_236 = arith.constant 1 : i32
      %broadcast_in_dim3A_237 = vector.broadcast %broadcast_in_dim3A_236 : i32 to vector<16x1xi32>
      %gather3A_238 = vector.shape_cast %broadcast_in_dim3A_237 : vector<16x1xi32> to vector<16xi32>
      %gather3A_239 = tpu.dynamic_gather %get3A_224[%gather3A_238] in [0] : vector<16xf32>, vector<16xi32> -> vector<16xf32>
      %get3A_240 = arith.index_cast %add3A_221 : i32 to index
      %get3A_241 = arith.constant 16 : index
      %get3A_242 = tpu.vector_load %arg16[%get3A_240, %get3A_241] {strides = array<i32>} : memref<40x128xf32, #tpu.memory_space<vmem>>, vector<1x16xf32>,
      %get3A_243 = vector.shape_cast %get3A_242 : vector<1x16xf32> to vector<16xf32>
      %mul3A_244 = arith.mulf %get3A_243, %gather3A_239 : vector<16xf32>
      %swap3A_245 = arith.index_cast %add3A_221 : i32 to index
      %swap3A_246 = arith.constant 16 : index
      %swap3A_247 = tpu.vector_load %arg16[%swap3A_245, %swap3A_246] {strides = array<i32>} : memref<40x128xf32, #tpu.memory_space<vmem>>, vector<1x16xf32>,
      %swap3A_248 = vector.shape_cast %swap3A_247 : vector<1x16xf32> to vector<16xf32>
      %swap3A_249 = vector.shape_cast %mul3A_244 : vector<16xf32> to vector<1x16xf32>
      tpu.vector_store %arg16[%swap3A_245, %swap3A_246], %swap3A_249 {strides = array<i32>} : memref<40x128xf32, #tpu.memory_space<vmem>>, vector<1x16xf32>,
      %broadcast_in_dim3A_250 = arith.constant 2 : i32
      %broadcast_in_dim3A_251 = vector.broadcast %broadcast_in_dim3A_250 : i32 to vector<16x1xi32>
      %gather3A_252 = vector.shape_cast %broadcast_in_dim3A_251 : vector<16x1xi32> to vector<16xi32>
      %gather3A_253 = tpu.dynamic_gather %get3A_224[%gather3A_252] in [0] : vector<16xf32>, vector<16xi32> -> vector<16xf32>
      %get3A_254 = arith.index_cast %add3A_221 : i32 to index
      %get3A_255 = arith.constant 32 : index
      %get3A_256 = tpu.vector_load %arg16[%get3A_254, %get3A_255] {strides = array<i32>} : memref<40x128xf32, #tpu.memory_space<vmem>>, vector<1x16xf32>,
      %get3A_257 = vector.shape_cast %get3A_256 : vector<1x16xf32> to vector<16xf32>
      %mul3A_258 = arith.mulf %get3A_257, %gather3A_253 : vector<16xf32>
      %swap3A_259 = arith.index_cast %add3A_221 : i32 to index
      %swap3A_260 = arith.constant 32 : index
      %swap3A_261 = tpu.vector_load %arg16[%swap3A_259, %swap3A_260] {strides = array<i32>} : memref<40x128xf32, #tpu.memory_space<vmem>>, vector<1x16xf32>,
      %swap3A_262 = vector.shape_cast %swap3A_261 : vector<1x16xf32> to vector<16xf32>
      %swap3A_263 = vector.shape_cast %mul3A_258 : vector<16xf32> to vector<1x16xf32>
      tpu.vector_store %arg16[%swap3A_259, %swap3A_260], %swap3A_263 {strides = array<i32>} : memref<40x128xf32, #tpu.memory_space<vmem>>, vector<1x16xf32>,
      %broadcast_in_dim3A_264 = arith.constant 3 : i32
      %broadcast_in_dim3A_265 = vector.broadcast %broadcast_in_dim3A_264 : i32 to vector<16x1xi32>
      %gather3A_266 = vector.shape_cast %broadcast_in_dim3A_265 : vector<16x1xi32> to vector<16xi32>
      %gather3A_267 = tpu.dynamic_gather %get3A_224[%gather3A_266] in [0] : vector<16xf32>, vector<16xi32> -> vector<16xf32>
      %get3A_268 = arith.index_cast %add3A_221 : i32 to index
      %get3A_269 = arith.constant 48 : index
      %get3A_270 = tpu.vector_load %arg16[%get3A_268, %get3A_269] {strides = array<i32>} : memref<40x128xf32, #tpu.memory_space<vmem>>, vector<1x16xf32>,
      %get3A_271 = vector.shape_cast %get3A_270 : vector<1x16xf32> to vector<16xf32>
      %mul3A_272 = arith.mulf %get3A_271, %gather3A_267 : vector<16xf32>
      %swap3A_273 = arith.index_cast %add3A_221 : i32 to index
      %swap3A_274 = arith.constant 48 : index
      %swap3A_275 = tpu.vector_load %arg16[%swap3A_273, %swap3A_274] {strides = array<i32>} : memref<40x128xf32, #tpu.memory_space<vmem>>, vector<1x16xf32>,
      %swap3A_276 = vector.shape_cast %swap3A_275 : vector<1x16xf32> to vector<16xf32>
      %swap3A_277 = vector.shape_cast %mul3A_272 : vector<16xf32> to vector<1x16xf32>
      tpu.vector_store %arg16[%swap3A_273, %swap3A_274], %swap3A_277 {strides = array<i32>} : memref<40x128xf32, #tpu.memory_space<vmem>>, vector<1x16xf32>,
      %broadcast_in_dim3A_278 = arith.constant 4 : i32
      %broadcast_in_dim3A_279 = vector.broadcast %broadcast_in_dim3A_278 : i32 to vector<16x1xi32>
      %gather3A_280 = vector.shape_cast %broadcast_in_dim3A_279 : vector<16x1xi32> to vector<16xi32>
      %gather3A_281 = tpu.dynamic_gather %get3A_224[%gather3A_280] in [0] : vector<16xf32>, vector<16xi32> -> vector<16xf32>
      %get3A_282 = arith.index_cast %add3A_221 : i32 to index
      %get3A_283 = arith.constant 64 : index
      %get3A_284 = tpu.vector_load %arg16[%get3A_282, %get3A_283] {strides = array<i32>} : memref<40x128xf32, #tpu.memory_space<vmem>>, vector<1x16xf32>,
      %get3A_285 = vector.shape_cast %get3A_284 : vector<1x16xf32> to vector<16xf32>
      %mul3A_286 = arith.mulf %get3A_285, %gather3A_281 : vector<16xf32>
      %swap3A_287 = arith.index_cast %add3A_221 : i32 to index
      %swap3A_288 = arith.constant 64 : index
      %swap3A_289 = tpu.vector_load %arg16[%swap3A_287, %swap3A_288] {strides = array<i32>} : memref<40x128xf32, #tpu.memory_space<vmem>>, vector<1x16xf32>,
      %swap3A_290 = vector.shape_cast %swap3A_289 : vector<1x16xf32> to vector<16xf32>
      %swap3A_291 = vector.shape_cast %mul3A_286 : vector<16xf32> to vector<1x16xf32>
      tpu.vector_store %arg16[%swap3A_287, %swap3A_288], %swap3A_291 {strides = array<i32>} : memref<40x128xf32, #tpu.memory_space<vmem>>, vector<1x16xf32>,
      %broadcast_in_dim3A_292 = arith.constant 5 : i32
      %broadcast_in_dim3A_293 = vector.broadcast %broadcast_in_dim3A_292 : i32 to vector<16x1xi32>
      %gather3A_294 = vector.shape_cast %broadcast_in_dim3A_293 : vector<16x1xi32> to vector<16xi32>
      %gather3A_295 = tpu.dynamic_gather %get3A_224[%gather3A_294] in [0] : vector<16xf32>, vector<16xi32> -> vector<16xf32>
      %get3A_296 = arith.index_cast %add3A_221 : i32 to index
      %get3A_297 = arith.constant 80 : index
      %get3A_298 = tpu.vector_load %arg16[%get3A_296, %get3A_297] {strides = array<i32>} : memref<40x128xf32, #tpu.memory_space<vmem>>, vector<1x16xf32>,
      %get3A_299 = vector.shape_cast %get3A_298 : vector<1x16xf32> to vector<16xf32>
      %mul3A_300 = arith.mulf %get3A_299, %gather3A_295 : vector<16xf32>
      %swap3A_301 = arith.index_cast %add3A_221 : i32 to index
      %swap3A_302 = arith.constant 80 : index
      %swap3A_303 = tpu.vector_load %arg16[%swap3A_301, %swap3A_302] {strides = array<i32>} : memref<40x128xf32, #tpu.memory_space<vmem>>, vector<1x16xf32>,
      %swap3A_304 = vector.shape_cast %swap3A_303 : vector<1x16xf32> to vector<16xf32>
      %swap3A_305 = vector.shape_cast %mul3A_300 : vector<16xf32> to vector<1x16xf32>
      tpu.vector_store %arg16[%swap3A_301, %swap3A_302], %swap3A_305 {strides = array<i32>} : memref<40x128xf32, #tpu.memory_space<vmem>>, vector<1x16xf32>,
      %broadcast_in_dim3A_306 = arith.constant 6 : i32
      %broadcast_in_dim3A_307 = vector.broadcast %broadcast_in_dim3A_306 : i32 to vector<16x1xi32>
      %gather3A_308 = vector.shape_cast %broadcast_in_dim3A_307 : vector<16x1xi32> to vector<16xi32>
      %gather3A_309 = tpu.dynamic_gather %get3A_224[%gather3A_308] in [0] : vector<16xf32>, vector<16xi32> -> vector<16xf32>
      %get3A_310 = arith.index_cast %add3A_221 : i32 to index
      %get3A_311 = arith.constant 96 : index
      %get3A_312 = tpu.vector_load %arg16[%get3A_310, %get3A_311] {strides = array<i32>} : memref<40x128xf32, #tpu.memory_space<vmem>>, vector<1x16xf32>,
      %get3A_313 = vector.shape_cast %get3A_312 : vector<1x16xf32> to vector<16xf32>
      %mul3A_314 = arith.mulf %get3A_313, %gather3A_309 : vector<16xf32>
      %swap3A_315 = arith.index_cast %add3A_221 : i32 to index
      %swap3A_316 = arith.constant 96 : index
      %swap3A_317 = tpu.vector_load %arg16[%swap3A_315, %swap3A_316] {strides = array<i32>} : memref<40x128xf32, #tpu.memory_space<vmem>>, vector<1x16xf32>,
      %swap3A_318 = vector.shape_cast %swap3A_317 : vector<1x16xf32> to vector<16xf32>
      %swap3A_319 = vector.shape_cast %mul3A_314 : vector<16xf32> to vector<1x16xf32>
      tpu.vector_store %arg16[%swap3A_315, %swap3A_316], %swap3A_319 {strides = array<i32>} : memref<40x128xf32, #tpu.memory_space<vmem>>, vector<1x16xf32>,
      %broadcast_in_dim3A_320 = arith.constant 7 : i32
      %broadcast_in_dim3A_321 = vector.broadcast %broadcast_in_dim3A_320 : i32 to vector<16x1xi32>
      %gather3A_322 = vector.shape_cast %broadcast_in_dim3A_321 : vector<16x1xi32> to vector<16xi32>
      %gather3A_323 = tpu.dynamic_gather %get3A_224[%gather3A_322] in [0] : vector<16xf32>, vector<16xi32> -> vector<16xf32>
      %get3A_324 = arith.index_cast %add3A_221 : i32 to index
      %get3A_325 = arith.constant 112 : index
      %get3A_326 = tpu.vector_load %arg16[%get3A_324, %get3A_325] {strides = array<i32>} : memref<40x128xf32, #tpu.memory_space<vmem>>, vector<1x16xf32>,
      %get3A_327 = vector.shape_cast %get3A_326 : vector<1x16xf32> to vector<16xf32>
      %mul3A_328 = arith.mulf %get3A_327, %gather3A_323 : vector<16xf32>
      %swap3A_329 = arith.index_cast %add3A_221 : i32 to index
      %swap3A_330 = arith.constant 112 : index
      %swap3A_331 = tpu.vector_load %arg16[%swap3A_329, %swap3A_330] {strides = array<i32>} : memref<40x128xf32, #tpu.memory_space<vmem>>, vector<1x16xf32>,
      %swap3A_332 = vector.shape_cast %swap3A_331 : vector<1x16xf32> to vector<16xf32>
      %swap3A_333 = vector.shape_cast %mul3A_328 : vector<16xf32> to vector<1x16xf32>
      tpu.vector_store %arg16[%swap3A_329, %swap3A_330], %swap3A_333 {strides = array<i32>} : memref<40x128xf32, #tpu.memory_space<vmem>>, vector<1x16xf32>,
      %mul3A_334 = arith.constant 4 : i32
      %mul3A_335 = arith.muli %scan3A_216, %mul3A_334 : i32
      %add3A_336 = arith.constant 1 : i32
      %add3A_337 = arith.addi %mul3A_335, %add3A_336 : i32
      %get3A_338 = arith.index_cast %add3A_337 : i32 to index
      %get3A_339 = arith.constant 0 : index
      %get3A_340 = tpu.vector_load %arg15[%get3A_338, %get3A_339] {strides = array<i32>} : memref<40x16xf32, #tpu.memory_space<vmem>>, vector<1x16xf32>,
      %get3A_341 = vector.shape_cast %get3A_340 : vector<1x16xf32> to vector<16xf32>
      %broadcast_in_dim3A_342 = arith.constant 0 : i32
      %broadcast_in_dim3A_343 = vector.broadcast %broadcast_in_dim3A_342 : i32 to vector<16x1xi32>
      %gather3A_344 = vector.shape_cast %broadcast_in_dim3A_343 : vector<16x1xi32> to vector<16xi32>
      %gather3A_345 = tpu.dynamic_gather %get3A_341[%gather3A_344] in [0] : vector<16xf32>, vector<16xi32> -> vector<16xf32>
      %get3A_346 = arith.index_cast %add3A_337 : i32 to index
      %get3A_347 = arith.constant 0 : index
      %get3A_348 = tpu.vector_load %arg16[%get3A_346, %get3A_347] {strides = array<i32>} : memref<40x128xf32, #tpu.memory_space<vmem>>, vector<1x16xf32>,
      %get3A_349 = vector.shape_cast %get3A_348 : vector<1x16xf32> to vector<16xf32>
      %mul3A_350 = arith.mulf %get3A_349, %gather3A_345 : vector<16xf32>
      %swap3A_351 = arith.index_cast %add3A_337 : i32 to index
      %swap3A_352 = arith.constant 0 : index
      %swap3A_353 = tpu.vector_load %arg16[%swap3A_351, %swap3A_352] {strides = array<i32>} : memref<40x128xf32, #tpu.memory_space<vmem>>, vector<1x16xf32>,
      %swap3A_354 = vector.shape_cast %swap3A_353 : vector<1x16xf32> to vector<16xf32>
      %swap3A_355 = vector.shape_cast %mul3A_350 : vector<16xf32> to vector<1x16xf32>
      tpu.vector_store %arg16[%swap3A_351, %swap3A_352], %swap3A_355 {strides = array<i32>} : memref<40x128xf32, #tpu.memory_space<vmem>>, vector<1x16xf32>,
      %broadcast_in_dim3A_356 = arith.constant 1 : i32
      %broadcast_in_dim3A_357 = vector.broadcast %broadcast_in_dim3A_356 : i32 to vector<16x1xi32>
      %gather3A_358 = vector.shape_cast %broadcast_in_dim3A_357 : vector<16x1xi32> to vector<16xi32>
      %gather3A_359 = tpu.dynamic_gather %get3A_341[%gather3A_358] in [0] : vector<16xf32>, vector<16xi32> -> vector<16xf32>
      %get3A_360 = arith.index_cast %add3A_337 : i32 to index
      %get3A_361 = arith.constant 16 : index
      %get3A_362 = tpu.vector_load %arg16[%get3A_360, %get3A_361] {strides = array<i32>} : memref<40x128xf32, #tpu.memory_space<vmem>>, vector<1x16xf32>,
      %get3A_363 = vector.shape_cast %get3A_362 : vector<1x16xf32> to vector<16xf32>
      %mul3A_364 = arith.mulf %get3A_363, %gather3A_359 : vector<16xf32>
      %swap3A_365 = arith.index_cast %add3A_337 : i32 to index
      %swap3A_366 = arith.constant 16 : index
      %swap3A_367 = tpu.vector_load %arg16[%swap3A_365, %swap3A_366] {strides = array<i32>} : memref<40x128xf32, #tpu.memory_space<vmem>>, vector<1x16xf32>,
      %swap3A_368 = vector.shape_cast %swap3A_367 : vector<1x16xf32> to vector<16xf32>
      %swap3A_369 = vector.shape_cast %mul3A_364 : vector<16xf32> to vector<1x16xf32>
      tpu.vector_store %arg16[%swap3A_365, %swap3A_366], %swap3A_369 {strides = array<i32>} : memref<40x128xf32, #tpu.memory_space<vmem>>, vector<1x16xf32>,
      %broadcast_in_dim3A_370 = arith.constant 2 : i32
      %broadcast_in_dim3A_371 = vector.broadcast %broadcast_in_dim3A_370 : i32 to vector<16x1xi32>
      %gather3A_372 = vector.shape_cast %broadcast_in_dim3A_371 : vector<16x1xi32> to vector<16xi32>
      %gather3A_373 = tpu.dynamic_gather %get3A_341[%gather3A_372] in [0] : vector<16xf32>, vector<16xi32> -> vector<16xf32>
      %get3A_374 = arith.index_cast %add3A_337 : i32 to index
      %get3A_375 = arith.constant 32 : index
      %get3A_376 = tpu.vector_load %arg16[%get3A_374, %get3A_375] {strides = array<i32>} : memref<40x128xf32, #tpu.memory_space<vmem>>, vector<1x16xf32>,
      %get3A_377 = vector.shape_cast %get3A_376 : vector<1x16xf32> to vector<16xf32>
      %mul3A_378 = arith.mulf %get3A_377, %gather3A_373 : vector<16xf32>
      %swap3A_379 = arith.index_cast %add3A_337 : i32 to index
      %swap3A_380 = arith.constant 32 : index
      %swap3A_381 = tpu.vector_load %arg16[%swap3A_379, %swap3A_380] {strides = array<i32>} : memref<40x128xf32, #tpu.memory_space<vmem>>, vector<1x16xf32>,
      %swap3A_382 = vector.shape_cast %swap3A_381 : vector<1x16xf32> to vector<16xf32>
      %swap3A_383 = vector.shape_cast %mul3A_378 : vector<16xf32> to vector<1x16xf32>
      tpu.vector_store %arg16[%swap3A_379, %swap3A_380], %swap3A_383 {strides = array<i32>} : memref<40x128xf32, #tpu.memory_space<vmem>>, vector<1x16xf32>,
      %broadcast_in_dim3A_384 = arith.constant 3 : i32
      %broadcast_in_dim3A_385 = vector.broadcast %broadcast_in_dim3A_384 : i32 to vector<16x1xi32>
      %gather3A_386 = vector.shape_cast %broadcast_in_dim3A_385 : vector<16x1xi32> to vector<16xi32>
      %gather3A_387 = tpu.dynamic_gather %get3A_341[%gather3A_386] in [0] : vector<16xf32>, vector<16xi32> -> vector<16xf32>
      %get3A_388 = arith.index_cast %add3A_337 : i32 to index
      %get3A_389 = arith.constant 48 : index
      %get3A_390 = tpu.vector_load %arg16[%get3A_388, %get3A_389] {strides = array<i32>} : memref<40x128xf32, #tpu.memory_space<vmem>>, vector<1x16xf32>,
      %get3A_391 = vector.shape_cast %get3A_390 : vector<1x16xf32> to vector<16xf32>
      %mul3A_392 = arith.mulf %get3A_391, %gather3A_387 : vector<16xf32>
      %swap3A_393 = arith.index_cast %add3A_337 : i32 to index
      %swap3A_394 = arith.constant 48 : index
      %swap3A_395 = tpu.vector_load %arg16[%swap3A_393, %swap3A_394] {strides = array<i32>} : memref<40x128xf32, #tpu.memory_space<vmem>>, vector<1x16xf32>,
      %swap3A_396 = vector.shape_cast %swap3A_395 : vector<1x16xf32> to vector<16xf32>
      %swap3A_397 = vector.shape_cast %mul3A_392 : vector<16xf32> to vector<1x16xf32>
      tpu.vector_store %arg16[%swap3A_393, %swap3A_394], %swap3A_397 {strides = array<i32>} : memref<40x128xf32, #tpu.memory_space<vmem>>, vector<1x16xf32>,
      %broadcast_in_dim3A_398 = arith.constant 4 : i32
      %broadcast_in_dim3A_399 = vector.broadcast %broadcast_in_dim3A_398 : i32 to vector<16x1xi32>
      %gather3A_400 = vector.shape_cast %broadcast_in_dim3A_399 : vector<16x1xi32> to vector<16xi32>
      %gather3A_401 = tpu.dynamic_gather %get3A_341[%gather3A_400] in [0] : vector<16xf32>, vector<16xi32> -> vector<16xf32>
      %get3A_402 = arith.index_cast %add3A_337 : i32 to index
      %get3A_403 = arith.constant 64 : index
      %get3A_404 = tpu.vector_load %arg16[%get3A_402, %get3A_403] {strides = array<i32>} : memref<40x128xf32, #tpu.memory_space<vmem>>, vector<1x16xf32>,
      %get3A_405 = vector.shape_cast %get3A_404 : vector<1x16xf32> to vector<16xf32>
      %mul3A_406 = arith.mulf %get3A_405, %gather3A_401 : vector<16xf32>
      %swap3A_407 = arith.index_cast %add3A_337 : i32 to index
      %swap3A_408 = arith.constant 64 : index
      %swap3A_409 = tpu.vector_load %arg16[%swap3A_407, %swap3A_408] {strides = array<i32>} : memref<40x128xf32, #tpu.memory_space<vmem>>, vector<1x16xf32>,
      %swap3A_410 = vector.shape_cast %swap3A_409 : vector<1x16xf32> to vector<16xf32>
      %swap3A_411 = vector.shape_cast %mul3A_406 : vector<16xf32> to vector<1x16xf32>
      tpu.vector_store %arg16[%swap3A_407, %swap3A_408], %swap3A_411 {strides = array<i32>} : memref<40x128xf32, #tpu.memory_space<vmem>>, vector<1x16xf32>,
      %broadcast_in_dim3A_412 = arith.constant 5 : i32
      %broadcast_in_dim3A_413 = vector.broadcast %broadcast_in_dim3A_412 : i32 to vector<16x1xi32>
      %gather3A_414 = vector.shape_cast %broadcast_in_dim3A_413 : vector<16x1xi32> to vector<16xi32>
      %gather3A_415 = tpu.dynamic_gather %get3A_341[%gather3A_414] in [0] : vector<16xf32>, vector<16xi32> -> vector<16xf32>
      %get3A_416 = arith.index_cast %add3A_337 : i32 to index
      %get3A_417 = arith.constant 80 : index
      %get3A_418 = tpu.vector_load %arg16[%get3A_416, %get3A_417] {strides = array<i32>} : memref<40x128xf32, #tpu.memory_space<vmem>>, vector<1x16xf32>,
      %get3A_419 = vector.shape_cast %get3A_418 : vector<1x16xf32> to vector<16xf32>
      %mul3A_420 = arith.mulf %get3A_419, %gather3A_415 : vector<16xf32>
      %swap3A_421 = arith.index_cast %add3A_337 : i32 to index
      %swap3A_422 = arith.constant 80 : index
      %swap3A_423 = tpu.vector_load %arg16[%swap3A_421, %swap3A_422] {strides = array<i32>} : memref<40x128xf32, #tpu.memory_space<vmem>>, vector<1x16xf32>,
      %swap3A_424 = vector.shape_cast %swap3A_423 : vector<1x16xf32> to vector<16xf32>
      %swap3A_425 = vector.shape_cast %mul3A_420 : vector<16xf32> to vector<1x16xf32>
      tpu.vector_store %arg16[%swap3A_421, %swap3A_422], %swap3A_425 {strides = array<i32>} : memref<40x128xf32, #tpu.memory_space<vmem>>, vector<1x16xf32>,
      %broadcast_in_dim3A_426 = arith.constant 6 : i32
      %broadcast_in_dim3A_427 = vector.broadcast %broadcast_in_dim3A_426 : i32 to vector<16x1xi32>
      %gather3A_428 = vector.shape_cast %broadcast_in_dim3A_427 : vector<16x1xi32> to vector<16xi32>
      %gather3A_429 = tpu.dynamic_gather %get3A_341[%gather3A_428] in [0] : vector<16xf32>, vector<16xi32> -> vector<16xf32>
      %get3A_430 = arith.index_cast %add3A_337 : i32 to index
      %get3A_431 = arith.constant 96 : index
      %get3A_432 = tpu.vector_load %arg16[%get3A_430, %get3A_431] {strides = array<i32>} : memref<40x128xf32, #tpu.memory_space<vmem>>, vector<1x16xf32>,
      %get3A_433 = vector.shape_cast %get3A_432 : vector<1x16xf32> to vector<16xf32>
      %mul3A_434 = arith.mulf %get3A_433, %gather3A_429 : vector<16xf32>
      %swap3A_435 = arith.index_cast %add3A_337 : i32 to index
      %swap3A_436 = arith.constant 96 : index
      %swap3A_437 = tpu.vector_load %arg16[%swap3A_435, %swap3A_436] {strides = array<i32>} : memref<40x128xf32, #tpu.memory_space<vmem>>, vector<1x16xf32>,
      %swap3A_438 = vector.shape_cast %swap3A_437 : vector<1x16xf32> to vector<16xf32>
      %swap3A_439 = vector.shape_cast %mul3A_434 : vector<16xf32> to vector<1x16xf32>
      tpu.vector_store %arg16[%swap3A_435, %swap3A_436], %swap3A_439 {strides = array<i32>} : memref<40x128xf32, #tpu.memory_space<vmem>>, vector<1x16xf32>,
      %broadcast_in_dim3A_440 = arith.constant 7 : i32
      %broadcast_in_dim3A_441 = vector.broadcast %broadcast_in_dim3A_440 : i32 to vector<16x1xi32>
      %gather3A_442 = vector.shape_cast %broadcast_in_dim3A_441 : vector<16x1xi32> to vector<16xi32>
      %gather3A_443 = tpu.dynamic_gather %get3A_341[%gather3A_442] in [0] : vector<16xf32>, vector<16xi32> -> vector<16xf32>
      %get3A_444 = arith.index_cast %add3A_337 : i32 to index
      %get3A_445 = arith.constant 112 : index
      %get3A_446 = tpu.vector_load %arg16[%get3A_444, %get3A_445] {strides = array<i32>} : memref<40x128xf32, #tpu.memory_space<vmem>>, vector<1x16xf32>,
      %get3A_447 = vector.shape_cast %get3A_446 : vector<1x16xf32> to vector<16xf32>
      %mul3A_448 = arith.mulf %get3A_447, %gather3A_443 : vector<16xf32>
      %swap3A_449 = arith.index_cast %add3A_337 : i32 to index
      %swap3A_450 = arith.constant 112 : index
      %swap3A_451 = tpu.vector_load %arg16[%swap3A_449, %swap3A_450] {strides = array<i32>} : memref<40x128xf32, #tpu.memory_space<vmem>>, vector<1x16xf32>,
      %swap3A_452 = vector.shape_cast %swap3A_451 : vector<1x16xf32> to vector<16xf32>
      %swap3A_453 = vector.shape_cast %mul3A_448 : vector<16xf32> to vector<1x16xf32>
      tpu.vector_store %arg16[%swap3A_449, %swap3A_450], %swap3A_453 {strides = array<i32>} : memref<40x128xf32, #tpu.memory_space<vmem>>, vector<1x16xf32>,
      %mul3A_454 = arith.constant 4 : i32
      %mul3A_455 = arith.muli %scan3A_216, %mul3A_454 : i32
      %add3A_456 = arith.constant 2 : i32
      %add3A_457 = arith.addi %mul3A_455, %add3A_456 : i32
      %get3A_458 = arith.index_cast %add3A_457 : i32 to index
      %get3A_459 = arith.constant 0 : index
      %get3A_460 = tpu.vector_load %arg15[%get3A_458, %get3A_459] {strides = array<i32>} : memref<40x16xf32, #tpu.memory_space<vmem>>, vector<1x16xf32>,
      %get3A_461 = vector.shape_cast %get3A_460 : vector<1x16xf32> to vector<16xf32>
      %broadcast_in_dim3A_462 = arith.constant 0 : i32
      %broadcast_in_dim3A_463 = vector.broadcast %broadcast_in_dim3A_462 : i32 to vector<16x1xi32>
      %gather3A_464 = vector.shape_cast %broadcast_in_dim3A_463 : vector<16x1xi32> to vector<16xi32>
      %gather3A_465 = tpu.dynamic_gather %get3A_461[%gather3A_464] in [0] : vector<16xf32>, vector<16xi32> -> vector<16xf32>
      %get3A_466 = arith.index_cast %add3A_457 : i32 to index
      %get3A_467 = arith.constant 0 : index
      %get3A_468 = tpu.vector_load %arg16[%get3A_466, %get3A_467] {strides = array<i32>} : memref<40x128xf32, #tpu.memory_space<vmem>>, vector<1x16xf32>,
      %get3A_469 = vector.shape_cast %get3A_468 : vector<1x16xf32> to vector<16xf32>
      %mul3A_470 = arith.mulf %get3A_469, %gather3A_465 : vector<16xf32>
      %swap3A_471 = arith.index_cast %add3A_457 : i32 to index
      %swap3A_472 = arith.constant 0 : index
      %swap3A_473 = tpu.vector_load %arg16[%swap3A_471, %swap3A_472] {strides = array<i32>} : memref<40x128xf32, #tpu.memory_space<vmem>>, vector<1x16xf32>,
      %swap3A_474 = vector.shape_cast %swap3A_473 : vector<1x16xf32> to vector<16xf32>
      %swap3A_475 = vector.shape_cast %mul3A_470 : vector<16xf32> to vector<1x16xf32>
      tpu.vector_store %arg16[%swap3A_471, %swap3A_472], %swap3A_475 {strides = array<i32>} : memref<40x128xf32, #tpu.memory_space<vmem>>, vector<1x16xf32>,
      %broadcast_in_dim3A_476 = arith.constant 1 : i32
      %broadcast_in_dim3A_477 = vector.broadcast %broadcast_in_dim3A_476 : i32 to vector<16x1xi32>
      %gather3A_478 = vector.shape_cast %broadcast_in_dim3A_477 : vector<16x1xi32> to vector<16xi32>
      %gather3A_479 = tpu.dynamic_gather %get3A_461[%gather3A_478] in [0] : vector<16xf32>, vector<16xi32> -> vector<16xf32>
      %get3A_480 = arith.index_cast %add3A_457 : i32 to index
      %get3A_481 = arith.constant 16 : index
      %get3A_482 = tpu.vector_load %arg16[%get3A_480, %get3A_481] {strides = array<i32>} : memref<40x128xf32, #tpu.memory_space<vmem>>, vector<1x16xf32>,
      %get3A_483 = vector.shape_cast %get3A_482 : vector<1x16xf32> to vector<16xf32>
      %mul3A_484 = arith.mulf %get3A_483, %gather3A_479 : vector<16xf32>
      %swap3A_485 = arith.index_cast %add3A_457 : i32 to index
      %swap3A_486 = arith.constant 16 : index
      %swap3A_487 = tpu.vector_load %arg16[%swap3A_485, %swap3A_486] {strides = array<i32>} : memref<40x128xf32, #tpu.memory_space<vmem>>, vector<1x16xf32>,
      %swap3A_488 = vector.shape_cast %swap3A_487 : vector<1x16xf32> to vector<16xf32>
      %swap3A_489 = vector.shape_cast %mul3A_484 : vector<16xf32> to vector<1x16xf32>
      tpu.vector_store %arg16[%swap3A_485, %swap3A_486], %swap3A_489 {strides = array<i32>} : memref<40x128xf32, #tpu.memory_space<vmem>>, vector<1x16xf32>,
      %broadcast_in_dim3A_490 = arith.constant 2 : i32
      %broadcast_in_dim3A_491 = vector.broadcast %broadcast_in_dim3A_490 : i32 to vector<16x1xi32>
      %gather3A_492 = vector.shape_cast %broadcast_in_dim3A_491 : vector<16x1xi32> to vector<16xi32>
      %gather3A_493 = tpu.dynamic_gather %get3A_461[%gather3A_492] in [0] : vector<16xf32>, vector<16xi32> -> vector<16xf32>
      %get3A_494 = arith.index_cast %add3A_457 : i32 to index
      %get3A_495 = arith.constant 32 : index
      %get3A_496 = tpu.vector_load %arg16[%get3A_494, %get3A_495] {strides = array<i32>} : memref<40x128xf32, #tpu.memory_space<vmem>>, vector<1x16xf32>,
      %get3A_497 = vector.shape_cast %get3A_496 : vector<1x16xf32> to vector<16xf32>
      %mul3A_498 = arith.mulf %get3A_497, %gather3A_493 : vector<16xf32>
      %swap3A_499 = arith.index_cast %add3A_457 : i32 to index
      %swap3A_500 = arith.constant 32 : index
      %swap3A_501 = tpu.vector_load %arg16[%swap3A_499, %swap3A_500] {strides = array<i32>} : memref<40x128xf32, #tpu.memory_space<vmem>>, vector<1x16xf32>,
      %swap3A_502 = vector.shape_cast %swap3A_501 : vector<1x16xf32> to vector<16xf32>
      %swap3A_503 = vector.shape_cast %mul3A_498 : vector<16xf32> to vector<1x16xf32>
      tpu.vector_store %arg16[%swap3A_499, %swap3A_500], %swap3A_503 {strides = array<i32>} : memref<40x128xf32, #tpu.memory_space<vmem>>, vector<1x16xf32>,
      %broadcast_in_dim3A_504 = arith.constant 3 : i32
      %broadcast_in_dim3A_505 = vector.broadcast %broadcast_in_dim3A_504 : i32 to vector<16x1xi32>
      %gather3A_506 = vector.shape_cast %broadcast_in_dim3A_505 : vector<16x1xi32> to vector<16xi32>
      %gather3A_507 = tpu.dynamic_gather %get3A_461[%gather3A_506] in [0] : vector<16xf32>, vector<16xi32> -> vector<16xf32>
      %get3A_508 = arith.index_cast %add3A_457 : i32 to index
      %get3A_509 = arith.constant 48 : index
      %get3A_510 = tpu.vector_load %arg16[%get3A_508, %get3A_509] {strides = array<i32>} : memref<40x128xf32, #tpu.memory_space<vmem>>, vector<1x16xf32>,
      %get3A_511 = vector.shape_cast %get3A_510 : vector<1x16xf32> to vector<16xf32>
      %mul3A_512 = arith.mulf %get3A_511, %gather3A_507 : vector<16xf32>
      %swap3A_513 = arith.index_cast %add3A_457 : i32 to index
      %swap3A_514 = arith.constant 48 : index
      %swap3A_515 = tpu.vector_load %arg16[%swap3A_513, %swap3A_514] {strides = array<i32>} : memref<40x128xf32, #tpu.memory_space<vmem>>, vector<1x16xf32>,
      %swap3A_516 = vector.shape_cast %swap3A_515 : vector<1x16xf32> to vector<16xf32>
      %swap3A_517 = vector.shape_cast %mul3A_512 : vector<16xf32> to vector<1x16xf32>
      tpu.vector_store %arg16[%swap3A_513, %swap3A_514], %swap3A_517 {strides = array<i32>} : memref<40x128xf32, #tpu.memory_space<vmem>>, vector<1x16xf32>,
      %broadcast_in_dim3A_518 = arith.constant 4 : i32
      %broadcast_in_dim3A_519 = vector.broadcast %broadcast_in_dim3A_518 : i32 to vector<16x1xi32>
      %gather3A_520 = vector.shape_cast %broadcast_in_dim3A_519 : vector<16x1xi32> to vector<16xi32>
      %gather3A_521 = tpu.dynamic_gather %get3A_461[%gather3A_520] in [0] : vector<16xf32>, vector<16xi32> -> vector<16xf32>
      %get3A_522 = arith.index_cast %add3A_457 : i32 to index
      %get3A_523 = arith.constant 64 : index
      %get3A_524 = tpu.vector_load %arg16[%get3A_522, %get3A_523] {strides = array<i32>} : memref<40x128xf32, #tpu.memory_space<vmem>>, vector<1x16xf32>,
      %get3A_525 = vector.shape_cast %get3A_524 : vector<1x16xf32> to vector<16xf32>
      %mul3A_526 = arith.mulf %get3A_525, %gather3A_521 : vector<16xf32>
      %swap3A_527 = arith.index_cast %add3A_457 : i32 to index
      %swap3A_528 = arith.constant 64 : index
      %swap3A_529 = tpu.vector_load %arg16[%swap3A_527, %swap3A_528] {strides = array<i32>} : memref<40x128xf32, #tpu.memory_space<vmem>>, vector<1x16xf32>,
      %swap3A_530 = vector.shape_cast %swap3A_529 : vector<1x16xf32> to vector<16xf32>
      %swap3A_531 = vector.shape_cast %mul3A_526 : vector<16xf32> to vector<1x16xf32>
      tpu.vector_store %arg16[%swap3A_527, %swap3A_528], %swap3A_531 {strides = array<i32>} : memref<40x128xf32, #tpu.memory_space<vmem>>, vector<1x16xf32>,
      %broadcast_in_dim3A_532 = arith.constant 5 : i32
      %broadcast_in_dim3A_533 = vector.broadcast %broadcast_in_dim3A_532 : i32 to vector<16x1xi32>
      %gather3A_534 = vector.shape_cast %broadcast_in_dim3A_533 : vector<16x1xi32> to vector<16xi32>
      %gather3A_535 = tpu.dynamic_gather %get3A_461[%gather3A_534] in [0] : vector<16xf32>, vector<16xi32> -> vector<16xf32>
      %get3A_536 = arith.index_cast %add3A_457 : i32 to index
      %get3A_537 = arith.constant 80 : index
      %get3A_538 = tpu.vector_load %arg16[%get3A_536, %get3A_537] {strides = array<i32>} : memref<40x128xf32, #tpu.memory_space<vmem>>, vector<1x16xf32>,
      %get3A_539 = vector.shape_cast %get3A_538 : vector<1x16xf32> to vector<16xf32>
      %mul3A_540 = arith.mulf %get3A_539, %gather3A_535 : vector<16xf32>
      %swap3A_541 = arith.index_cast %add3A_457 : i32 to index
      %swap3A_542 = arith.constant 80 : index
      %swap3A_543 = tpu.vector_load %arg16[%swap3A_541, %swap3A_542] {strides = array<i32>} : memref<40x128xf32, #tpu.memory_space<vmem>>, vector<1x16xf32>,
      %swap3A_544 = vector.shape_cast %swap3A_543 : vector<1x16xf32> to vector<16xf32>
      %swap3A_545 = vector.shape_cast %mul3A_540 : vector<16xf32> to vector<1x16xf32>
      tpu.vector_store %arg16[%swap3A_541, %swap3A_542], %swap3A_545 {strides = array<i32>} : memref<40x128xf32, #tpu.memory_space<vmem>>, vector<1x16xf32>,
      %broadcast_in_dim3A_546 = arith.constant 6 : i32
      %broadcast_in_dim3A_547 = vector.broadcast %broadcast_in_dim3A_546 : i32 to vector<16x1xi32>
      %gather3A_548 = vector.shape_cast %broadcast_in_dim3A_547 : vector<16x1xi32> to vector<16xi32>
      %gather3A_549 = tpu.dynamic_gather %get3A_461[%gather3A_548] in [0] : vector<16xf32>, vector<16xi32> -> vector<16xf32>
      %get3A_550 = arith.index_cast %add3A_457 : i32 to index
      %get3A_551 = arith.constant 96 : index
      %get3A_552 = tpu.vector_load %arg16[%get3A_550, %get3A_551] {strides = array<i32>} : memref<40x128xf32, #tpu.memory_space<vmem>>, vector<1x16xf32>,
      %get3A_553 = vector.shape_cast %get3A_552 : vector<1x16xf32> to vector<16xf32>
      %mul3A_554 = arith.mulf %get3A_553, %gather3A_549 : vector<16xf32>
      %swap3A_555 = arith.index_cast %add3A_457 : i32 to index
      %swap3A_556 = arith.constant 96 : index
      %swap3A_557 = tpu.vector_load %arg16[%swap3A_555, %swap3A_556] {strides = array<i32>} : memref<40x128xf32, #tpu.memory_space<vmem>>, vector<1x16xf32>,
      %swap3A_558 = vector.shape_cast %swap3A_557 : vector<1x16xf32> to vector<16xf32>
      %swap3A_559 = vector.shape_cast %mul3A_554 : vector<16xf32> to vector<1x16xf32>
      tpu.vector_store %arg16[%swap3A_555, %swap3A_556], %swap3A_559 {strides = array<i32>} : memref<40x128xf32, #tpu.memory_space<vmem>>, vector<1x16xf32>,
      %broadcast_in_dim3A_560 = arith.constant 7 : i32
      %broadcast_in_dim3A_561 = vector.broadcast %broadcast_in_dim3A_560 : i32 to vector<16x1xi32>
      %gather3A_562 = vector.shape_cast %broadcast_in_dim3A_561 : vector<16x1xi32> to vector<16xi32>
      %gather3A_563 = tpu.dynamic_gather %get3A_461[%gather3A_562] in [0] : vector<16xf32>, vector<16xi32> -> vector<16xf32>
      %get3A_564 = arith.index_cast %add3A_457 : i32 to index
      %get3A_565 = arith.constant 112 : index
      %get3A_566 = tpu.vector_load %arg16[%get3A_564, %get3A_565] {strides = array<i32>} : memref<40x128xf32, #tpu.memory_space<vmem>>, vector<1x16xf32>,
      %get3A_567 = vector.shape_cast %get3A_566 : vector<1x16xf32> to vector<16xf32>
      %mul3A_568 = arith.mulf %get3A_567, %gather3A_563 : vector<16xf32>
      %swap3A_569 = arith.index_cast %add3A_457 : i32 to index
      %swap3A_570 = arith.constant 112 : index
      %swap3A_571 = tpu.vector_load %arg16[%swap3A_569, %swap3A_570] {strides = array<i32>} : memref<40x128xf32, #tpu.memory_space<vmem>>, vector<1x16xf32>,
      %swap3A_572 = vector.shape_cast %swap3A_571 : vector<1x16xf32> to vector<16xf32>
      %swap3A_573 = vector.shape_cast %mul3A_568 : vector<16xf32> to vector<1x16xf32>
      tpu.vector_store %arg16[%swap3A_569, %swap3A_570], %swap3A_573 {strides = array<i32>} : memref<40x128xf32, #tpu.memory_space<vmem>>, vector<1x16xf32>,
      %mul3A_574 = arith.constant 4 : i32
      %mul3A_575 = arith.muli %scan3A_216, %mul3A_574 : i32
      %add3A_576 = arith.constant 3 : i32
      %add3A_577 = arith.addi %mul3A_575, %add3A_576 : i32
      %get3A_578 = arith.index_cast %add3A_577 : i32 to index
      %get3A_579 = arith.constant 0 : index
      %get3A_580 = tpu.vector_load %arg15[%get3A_578, %get3A_579] {strides = array<i32>} : memref<40x16xf32, #tpu.memory_space<vmem>>, vector<1x16xf32>,
      %get3A_581 = vector.shape_cast %get3A_580 : vector<1x16xf32> to vector<16xf32>
      %broadcast_in_dim3A_582 = arith.constant 0 : i32
      %broadcast_in_dim3A_583 = vector.broadcast %broadcast_in_dim3A_582 : i32 to vector<16x1xi32>
      %gather3A_584 = vector.shape_cast %broadcast_in_dim3A_583 : vector<16x1xi32> to vector<16xi32>
      %gather3A_585 = tpu.dynamic_gather %get3A_581[%gather3A_584] in [0] : vector<16xf32>, vector<16xi32> -> vector<16xf32>
      %get3A_586 = arith.index_cast %add3A_577 : i32 to index
      %get3A_587 = arith.constant 0 : index
      %get3A_588 = tpu.vector_load %arg16[%get3A_586, %get3A_587] {strides = array<i32>} : memref<40x128xf32, #tpu.memory_space<vmem>>, vector<1x16xf32>,
      %get3A_589 = vector.shape_cast %get3A_588 : vector<1x16xf32> to vector<16xf32>
      %mul3A_590 = arith.mulf %get3A_589, %gather3A_585 : vector<16xf32>
      %swap3A_591 = arith.index_cast %add3A_577 : i32 to index
      %swap3A_592 = arith.constant 0 : index
      %swap3A_593 = tpu.vector_load %arg16[%swap3A_591, %swap3A_592] {strides = array<i32>} : memref<40x128xf32, #tpu.memory_space<vmem>>, vector<1x16xf32>,
      %swap3A_594 = vector.shape_cast %swap3A_593 : vector<1x16xf32> to vector<16xf32>
      %swap3A_595 = vector.shape_cast %mul3A_590 : vector<16xf32> to vector<1x16xf32>
      tpu.vector_store %arg16[%swap3A_591, %swap3A_592], %swap3A_595 {strides = array<i32>} : memref<40x128xf32, #tpu.memory_space<vmem>>, vector<1x16xf32>,
      %broadcast_in_dim3A_596 = arith.constant 1 : i32
      %broadcast_in_dim3A_597 = vector.broadcast %broadcast_in_dim3A_596 : i32 to vector<16x1xi32>
      %gather3A_598 = vector.shape_cast %broadcast_in_dim3A_597 : vector<16x1xi32> to vector<16xi32>
      %gather3A_599 = tpu.dynamic_gather %get3A_581[%gather3A_598] in [0] : vector<16xf32>, vector<16xi32> -> vector<16xf32>
      %get3A_600 = arith.index_cast %add3A_577 : i32 to index
      %get3A_601 = arith.constant 16 : index
      %get3A_602 = tpu.vector_load %arg16[%get3A_600, %get3A_601] {strides = array<i32>} : memref<40x128xf32, #tpu.memory_space<vmem>>, vector<1x16xf32>,
      %get3A_603 = vector.shape_cast %get3A_602 : vector<1x16xf32> to vector<16xf32>
      %mul3A_604 = arith.mulf %get3A_603, %gather3A_599 : vector<16xf32>
      %swap3A_605 = arith.index_cast %add3A_577 : i32 to index
      %swap3A_606 = arith.constant 16 : index
      %swap3A_607 = tpu.vector_load %arg16[%swap3A_605, %swap3A_606] {strides = array<i32>} : memref<40x128xf32, #tpu.memory_space<vmem>>, vector<1x16xf32>,
      %swap3A_608 = vector.shape_cast %swap3A_607 : vector<1x16xf32> to vector<16xf32>
      %swap3A_609 = vector.shape_cast %mul3A_604 : vector<16xf32> to vector<1x16xf32>
      tpu.vector_store %arg16[%swap3A_605, %swap3A_606], %swap3A_609 {strides = array<i32>} : memref<40x128xf32, #tpu.memory_space<vmem>>, vector<1x16xf32>,
      %broadcast_in_dim3A_610 = arith.constant 2 : i32
      %broadcast_in_dim3A_611 = vector.broadcast %broadcast_in_dim3A_610 : i32 to vector<16x1xi32>
      %gather3A_612 = vector.shape_cast %broadcast_in_dim3A_611 : vector<16x1xi32> to vector<16xi32>
      %gather3A_613 = tpu.dynamic_gather %get3A_581[%gather3A_612] in [0] : vector<16xf32>, vector<16xi32> -> vector<16xf32>
      %get3A_614 = arith.index_cast %add3A_577 : i32 to index
      %get3A_615 = arith.constant 32 : index
      %get3A_616 = tpu.vector_load %arg16[%get3A_614, %get3A_615] {strides = array<i32>} : memref<40x128xf32, #tpu.memory_space<vmem>>, vector<1x16xf32>,
      %get3A_617 = vector.shape_cast %get3A_616 : vector<1x16xf32> to vector<16xf32>
      %mul3A_618 = arith.mulf %get3A_617, %gather3A_613 : vector<16xf32>
      %swap3A_619 = arith.index_cast %add3A_577 : i32 to index
      %swap3A_620 = arith.constant 32 : index
      %swap3A_621 = tpu.vector_load %arg16[%swap3A_619, %swap3A_620] {strides = array<i32>} : memref<40x128xf32, #tpu.memory_space<vmem>>, vector<1x16xf32>,
      %swap3A_622 = vector.shape_cast %swap3A_621 : vector<1x16xf32> to vector<16xf32>
      %swap3A_623 = vector.shape_cast %mul3A_618 : vector<16xf32> to vector<1x16xf32>
      tpu.vector_store %arg16[%swap3A_619, %swap3A_620], %swap3A_623 {strides = array<i32>} : memref<40x128xf32, #tpu.memory_space<vmem>>, vector<1x16xf32>,
      %broadcast_in_dim3A_624 = arith.constant 3 : i32
      %broadcast_in_dim3A_625 = vector.broadcast %broadcast_in_dim3A_624 : i32 to vector<16x1xi32>
      %gather3A_626 = vector.shape_cast %broadcast_in_dim3A_625 : vector<16x1xi32> to vector<16xi32>
      %gather3A_627 = tpu.dynamic_gather %get3A_581[%gather3A_626] in [0] : vector<16xf32>, vector<16xi32> -> vector<16xf32>
      %get3A_628 = arith.index_cast %add3A_577 : i32 to index
      %get3A_629 = arith.constant 48 : index
      %get3A_630 = tpu.vector_load %arg16[%get3A_628, %get3A_629] {strides = array<i32>} : memref<40x128xf32, #tpu.memory_space<vmem>>, vector<1x16xf32>,
      %get3A_631 = vector.shape_cast %get3A_630 : vector<1x16xf32> to vector<16xf32>
      %mul3A_632 = arith.mulf %get3A_631, %gather3A_627 : vector<16xf32>
      %swap3A_633 = arith.index_cast %add3A_577 : i32 to index
      %swap3A_634 = arith.constant 48 : index
      %swap3A_635 = tpu.vector_load %arg16[%swap3A_633, %swap3A_634] {strides = array<i32>} : memref<40x128xf32, #tpu.memory_space<vmem>>, vector<1x16xf32>,
      %swap3A_636 = vector.shape_cast %swap3A_635 : vector<1x16xf32> to vector<16xf32>
      %swap3A_637 = vector.shape_cast %mul3A_632 : vector<16xf32> to vector<1x16xf32>
      tpu.vector_store %arg16[%swap3A_633, %swap3A_634], %swap3A_637 {strides = array<i32>} : memref<40x128xf32, #tpu.memory_space<vmem>>, vector<1x16xf32>,
      %broadcast_in_dim3A_638 = arith.constant 4 : i32
      %broadcast_in_dim3A_639 = vector.broadcast %broadcast_in_dim3A_638 : i32 to vector<16x1xi32>
      %gather3A_640 = vector.shape_cast %broadcast_in_dim3A_639 : vector<16x1xi32> to vector<16xi32>
      %gather3A_641 = tpu.dynamic_gather %get3A_581[%gather3A_640] in [0] : vector<16xf32>, vector<16xi32> -> vector<16xf32>
      %get3A_642 = arith.index_cast %add3A_577 : i32 to index
      %get3A_643 = arith.constant 64 : index
      %get3A_644 = tpu.vector_load %arg16[%get3A_642, %get3A_643] {strides = array<i32>} : memref<40x128xf32, #tpu.memory_space<vmem>>, vector<1x16xf32>,
      %get3A_645 = vector.shape_cast %get3A_644 : vector<1x16xf32> to vector<16xf32>
      %mul3A_646 = arith.mulf %get3A_645, %gather3A_641 : vector<16xf32>
      %swap3A_647 = arith.index_cast %add3A_577 : i32 to index
      %swap3A_648 = arith.constant 64 : index
      %swap3A_649 = tpu.vector_load %arg16[%swap3A_647, %swap3A_648] {strides = array<i32>} : memref<40x128xf32, #tpu.memory_space<vmem>>, vector<1x16xf32>,
      %swap3A_650 = vector.shape_cast %swap3A_649 : vector<1x16xf32> to vector<16xf32>
      %swap3A_651 = vector.shape_cast %mul3A_646 : vector<16xf32> to vector<1x16xf32>
      tpu.vector_store %arg16[%swap3A_647, %swap3A_648], %swap3A_651 {strides = array<i32>} : memref<40x128xf32, #tpu.memory_space<vmem>>, vector<1x16xf32>,
      %broadcast_in_dim3A_652 = arith.constant 5 : i32
      %broadcast_in_dim3A_653 = vector.broadcast %broadcast_in_dim3A_652 : i32 to vector<16x1xi32>
      %gather3A_654 = vector.shape_cast %broadcast_in_dim3A_653 : vector<16x1xi32> to vector<16xi32>
      %gather3A_655 = tpu.dynamic_gather %get3A_581[%gather3A_654] in [0] : vector<16xf32>, vector<16xi32> -> vector<16xf32>
      %get3A_656 = arith.index_cast %add3A_577 : i32 to index
      %get3A_657 = arith.constant 80 : index
      %get3A_658 = tpu.vector_load %arg16[%get3A_656, %get3A_657] {strides = array<i32>} : memref<40x128xf32, #tpu.memory_space<vmem>>, vector<1x16xf32>,
      %get3A_659 = vector.shape_cast %get3A_658 : vector<1x16xf32> to vector<16xf32>
      %mul3A_660 = arith.mulf %get3A_659, %gather3A_655 : vector<16xf32>
      %swap3A_661 = arith.index_cast %add3A_577 : i32 to index
      %swap3A_662 = arith.constant 80 : index
      %swap3A_663 = tpu.vector_load %arg16[%swap3A_661, %swap3A_662] {strides = array<i32>} : memref<40x128xf32, #tpu.memory_space<vmem>>, vector<1x16xf32>,
      %swap3A_664 = vector.shape_cast %swap3A_663 : vector<1x16xf32> to vector<16xf32>
      %swap3A_665 = vector.shape_cast %mul3A_660 : vector<16xf32> to vector<1x16xf32>
      tpu.vector_store %arg16[%swap3A_661, %swap3A_662], %swap3A_665 {strides = array<i32>} : memref<40x128xf32, #tpu.memory_space<vmem>>, vector<1x16xf32>,
      %broadcast_in_dim3A_666 = arith.constant 6 : i32
      %broadcast_in_dim3A_667 = vector.broadcast %broadcast_in_dim3A_666 : i32 to vector<16x1xi32>
      %gather3A_668 = vector.shape_cast %broadcast_in_dim3A_667 : vector<16x1xi32> to vector<16xi32>
      %gather3A_669 = tpu.dynamic_gather %get3A_581[%gather3A_668] in [0] : vector<16xf32>, vector<16xi32> -> vector<16xf32>
      %get3A_670 = arith.index_cast %add3A_577 : i32 to index
      %get3A_671 = arith.constant 96 : index
      %get3A_672 = tpu.vector_load %arg16[%get3A_670, %get3A_671] {strides = array<i32>} : memref<40x128xf32, #tpu.memory_space<vmem>>, vector<1x16xf32>,
      %get3A_673 = vector.shape_cast %get3A_672 : vector<1x16xf32> to vector<16xf32>
      %mul3A_674 = arith.mulf %get3A_673, %gather3A_669 : vector<16xf32>
      %swap3A_675 = arith.index_cast %add3A_577 : i32 to index
      %swap3A_676 = arith.constant 96 : index
      %swap3A_677 = tpu.vector_load %arg16[%swap3A_675, %swap3A_676] {strides = array<i32>} : memref<40x128xf32, #tpu.memory_space<vmem>>, vector<1x16xf32>,
      %swap3A_678 = vector.shape_cast %swap3A_677 : vector<1x16xf32> to vector<16xf32>
      %swap3A_679 = vector.shape_cast %mul3A_674 : vector<16xf32> to vector<1x16xf32>
      tpu.vector_store %arg16[%swap3A_675, %swap3A_676], %swap3A_679 {strides = array<i32>} : memref<40x128xf32, #tpu.memory_space<vmem>>, vector<1x16xf32>,
      %broadcast_in_dim3A_680 = arith.constant 7 : i32
      %broadcast_in_dim3A_681 = vector.broadcast %broadcast_in_dim3A_680 : i32 to vector<16x1xi32>
      %gather3A_682 = vector.shape_cast %broadcast_in_dim3A_681 : vector<16x1xi32> to vector<16xi32>
      %gather3A_683 = tpu.dynamic_gather %get3A_581[%gather3A_682] in [0] : vector<16xf32>, vector<16xi32> -> vector<16xf32>
      %get3A_684 = arith.index_cast %add3A_577 : i32 to index
      %get3A_685 = arith.constant 112 : index
      %get3A_686 = tpu.vector_load %arg16[%get3A_684, %get3A_685] {strides = array<i32>} : memref<40x128xf32, #tpu.memory_space<vmem>>, vector<1x16xf32>,
      %get3A_687 = vector.shape_cast %get3A_686 : vector<1x16xf32> to vector<16xf32>
      %mul3A_688 = arith.mulf %get3A_687, %gather3A_683 : vector<16xf32>
      %swap3A_689 = arith.index_cast %add3A_577 : i32 to index
      %swap3A_690 = arith.constant 112 : index
      %swap3A_691 = tpu.vector_load %arg16[%swap3A_689, %swap3A_690] {strides = array<i32>} : memref<40x128xf32, #tpu.memory_space<vmem>>, vector<1x16xf32>,
      %swap3A_692 = vector.shape_cast %swap3A_691 : vector<1x16xf32> to vector<16xf32>
      %swap3A_693 = vector.shape_cast %mul3A_688 : vector<16xf32> to vector<1x16xf32>
      tpu.vector_store %arg16[%swap3A_689, %swap3A_690], %swap3A_693 {strides = array<i32>} : memref<40x128xf32, #tpu.memory_space<vmem>>, vector<1x16xf32>,
      %scan3A_694 = arith.constant 0 : i32
      scf.yield %scan3A_694 : i32
    }
    %scan3A_113 = arith.constant 10 : i32
    %dma_start3A_114 = arith.constant 248 : i32
    %dma_start3A_115 = arith.constant 0 : i32
    %dma_start3A_116 = tpu.memref_slice %arg12[%dma_start3A_114, %dma_start3A_115] : memref<250x40xi32, #tpu.memory_space<vmem>> -> memref<1x40xi32, #tpu.memory_space<vmem>>
    %dma_start3A_117 = tpu.memref_squeeze %dma_start3A_116 : memref<1x40xi32, #tpu.memory_space<vmem>> -> memref<40xi32, #tpu.memory_space<vmem>>
    %dma_start3A_118 = arith.constant 0 : i32
    %dma_start3A_119 = arith.constant 0 : i32
    %dma_start3A_120 = tpu.memref_slice %arg21[%dma_start3A_118, %dma_start3A_119] : memref<10000x128xf32, #tpu.memory_space<vmem_shared>> -> memref<10000x128xf32, #tpu.memory_space<vmem_shared>>
    tpu.enqueue_indirect_dma source(%arg16 : memref<40x128xf32, #tpu.memory_space<vmem>>) target(%dma_start3A_120 : memref<10000x128xf32, #tpu.memory_space<vmem_shared>>) offsets(%dma_start3A_117 : memref<40xi32, #tpu.memory_space<vmem>>) semaphore(%arg26 : memref<!tpu.dma_semaphore, #tpu.memory_space<semaphore_mem>>) {add = true}
    %dma_start3A_121 = arith.constant 248 : i32
    %dma_start3A_122 = arith.constant 0 : i32
    %dma_start3A_123 = tpu.memref_slice %arg12[%dma_start3A_121, %dma_start3A_122] : memref<250x40xi32, #tpu.memory_space<vmem>> -> memref<1x40xi32, #tpu.memory_space<vmem>>
    %dma_start3A_124 = tpu.memref_squeeze %dma_start3A_123 : memref<1x40xi32, #tpu.memory_space<vmem>> -> memref<40xi32, #tpu.memory_space<vmem>>
    %dma_start3A_125 = arith.constant 0 : i32
    %dma_start3A_126 = arith.constant 0 : i32
    %dma_start3A_127 = tpu.memref_slice %arg22[%dma_start3A_125, %dma_start3A_126] : memref<10000x16xf32, #tpu.memory_space<vmem_shared>> -> memref<10000x16xf32, #tpu.memory_space<vmem_shared>>
    tpu.enqueue_indirect_dma source(%arg15 : memref<40x16xf32, #tpu.memory_space<vmem>>) target(%dma_start3A_127 : memref<10000x16xf32, #tpu.memory_space<vmem_shared>>) offsets(%dma_start3A_124 : memref<40xi32, #tpu.memory_space<vmem>>) semaphore(%arg27 : memref<!tpu.dma_semaphore, #tpu.memory_space<semaphore_mem>>) {add = true}
    %dma_wait3A_128 = arith.constant 249 : i32
    %dma_wait3A_129 = arith.constant 0 : i32
    %dma_wait3A_130 = tpu.memref_slice %arg11[%dma_wait3A_128, %dma_wait3A_129] : memref<250x40xi32, #tpu.memory_space<vmem>> -> memref<1x40xi32, #tpu.memory_space<vmem>>
    %dma_wait3A_131 = tpu.memref_squeeze %dma_wait3A_130 : memref<1x40xi32, #tpu.memory_space<vmem>> -> memref<40xi32, #tpu.memory_space<vmem>>
    %dma_wait3A_132 = arith.constant 0 : i32
    %dma_wait3A_133 = arith.constant 0 : i32
    %dma_wait3A_134 = tpu.memref_slice %arg2[%dma_wait3A_132, %dma_wait3A_133] : memref<10000x16xf32, #tpu.memory_space<hbm>> -> memref<10000x16xf32, #tpu.memory_space<hbm>>
    tpu.wait_indirect_dma semaphore(%arg29 : memref<!tpu.dma_semaphore, #tpu.memory_space<semaphore_mem>>) src(%dma_wait3A_134 : memref<10000x16xf32, #tpu.memory_space<hbm>>) dst(%arg17 : memref<40x16xf32, #tpu.memory_space<vmem>>)
    %dma_wait3A_135 = arith.constant 249 : i32
    %dma_wait3A_136 = arith.constant 0 : i32
    %dma_wait3A_137 = tpu.memref_slice %arg12[%dma_wait3A_135, %dma_wait3A_136] : memref<250x40xi32, #tpu.memory_space<vmem>> -> memref<1x40xi32, #tpu.memory_space<vmem>>
    %dma_wait3A_138 = tpu.memref_squeeze %dma_wait3A_137 : memref<1x40xi32, #tpu.memory_space<vmem>> -> memref<40xi32, #tpu.memory_space<vmem>>
    %dma_wait3A_139 = arith.constant 0 : i32
    %dma_wait3A_140 = arith.constant 0 : i32
    %dma_wait3A_141 = tpu.memref_slice %arg3[%dma_wait3A_139, %dma_wait3A_140] : memref<10000x16xf32, #tpu.memory_space<hbm>> -> memref<10000x16xf32, #tpu.memory_space<hbm>>
    tpu.wait_indirect_dma semaphore(%arg30 : memref<!tpu.dma_semaphore, #tpu.memory_space<semaphore_mem>>) src(%dma_wait3A_141 : memref<10000x16xf32, #tpu.memory_space<hbm>>) dst(%arg18 : memref<40x16xf32, #tpu.memory_space<vmem>>)
    %scan3A_142 = arith.constant 0 : i32
    %scan3A_143 = arith.constant 0 : i32
    %scan3A_144 = arith.constant 10 : i32
    %scan3A_145 = arith.addi %scan3A_143, %scan3A_144 : i32
    %scan3A_146 = arith.constant 1 : i32
    %scan3A_147 = scf.for %scan3A_216 = %scan3A_143 to %scan3A_145 step %scan3A_146 iter_args(%scan3A_217 = %scan3A_142) -> (i32)  : i32 {
      %mul3A_218 = arith.constant 4 : i32
      %mul3A_219 = arith.muli %scan3A_216, %mul3A_218 : i32
      %add3A_220 = arith.constant 0 : i32
      %add3A_221 = arith.addi %mul3A_219, %add3A_220 : i32
      %get3A = arith.index_cast %add3A_221 : i32 to index
      %get3A_222 = arith.constant 0 : index
      %get3A_223 = tpu.vector_load %arg17[%get3A, %get3A_222] {strides = array<i32>} : memref<40x16xf32, #tpu.memory_space<vmem>>, vector<1x16xf32>,
      %get3A_224 = vector.shape_cast %get3A_223 : vector<1x16xf32> to vector<16xf32>
      %get3A_225 = arith.index_cast %add3A_221 : i32 to index
      %get3A_226 = arith.constant 0 : index
      %get3A_227 = tpu.vector_load %arg18[%get3A_225, %get3A_226] {strides = array<i32>} : memref<40x16xf32, #tpu.memory_space<vmem>>, vector<1x16xf32>,
      %get3A_228 = vector.shape_cast %get3A_227 : vector<1x16xf32> to vector<16xf32>
      %add3A_229 = arith.addf %get3A_224, %get3A_228 : vector<16xf32>
      %mul3A_230 = arith.constant 2.000000e-01 : f32
      %mul3A_231 = vector.broadcast %mul3A_230 : f32 to vector<16xf32>
      %mul3A_232 = arith.mulf %add3A_229, %mul3A_231 : vector<16xf32>
      %max3A = arith.maximumf %add3A_229, %mul3A_232 : vector<16xf32>
      %exp3A = math.exp %max3A : vector<16xf32>
      %swap3A = arith.index_cast %add3A_221 : i32 to index
      %swap3A_233 = arith.constant 0 : index
      %swap3A_234 = tpu.vector_load %arg19[%swap3A, %swap3A_233] {strides = array<i32>} : memref<40x16xf32, #tpu.memory_space<vmem>>, vector<1x16xf32>,
      %swap3A_235 = vector.shape_cast %swap3A_234 : vector<1x16xf32> to vector<16xf32>
      %swap3A_236 = vector.shape_cast %exp3A : vector<16xf32> to vector<1x16xf32>
      tpu.vector_store %arg19[%swap3A, %swap3A_233], %swap3A_236 {strides = array<i32>} : memref<40x16xf32, #tpu.memory_space<vmem>>, vector<1x16xf32>,
      %mul3A_237 = arith.constant 4 : i32
      %mul3A_238 = arith.muli %scan3A_216, %mul3A_237 : i32
      %add3A_239 = arith.constant 1 : i32
      %add3A_240 = arith.addi %mul3A_238, %add3A_239 : i32
      %get3A_241 = arith.index_cast %add3A_240 : i32 to index
      %get3A_242 = arith.constant 0 : index
      %get3A_243 = tpu.vector_load %arg17[%get3A_241, %get3A_242] {strides = array<i32>} : memref<40x16xf32, #tpu.memory_space<vmem>>, vector<1x16xf32>,
      %get3A_244 = vector.shape_cast %get3A_243 : vector<1x16xf32> to vector<16xf32>
      %get3A_245 = arith.index_cast %add3A_240 : i32 to index
      %get3A_246 = arith.constant 0 : index
      %get3A_247 = tpu.vector_load %arg18[%get3A_245, %get3A_246] {strides = array<i32>} : memref<40x16xf32, #tpu.memory_space<vmem>>, vector<1x16xf32>,
      %get3A_248 = vector.shape_cast %get3A_247 : vector<1x16xf32> to vector<16xf32>
      %add3A_249 = arith.addf %get3A_244, %get3A_248 : vector<16xf32>
      %mul3A_250 = arith.constant 2.000000e-01 : f32
      %mul3A_251 = vector.broadcast %mul3A_250 : f32 to vector<16xf32>
      %mul3A_252 = arith.mulf %add3A_249, %mul3A_251 : vector<16xf32>
      %max3A_253 = arith.maximumf %add3A_249, %mul3A_252 : vector<16xf32>
      %exp3A_254 = math.exp %max3A_253 : vector<16xf32>
      %swap3A_255 = arith.index_cast %add3A_240 : i32 to index
      %swap3A_256 = arith.constant 0 : index
      %swap3A_257 = tpu.vector_load %arg19[%swap3A_255, %swap3A_256] {strides = array<i32>} : memref<40x16xf32, #tpu.memory_space<vmem>>, vector<1x16xf32>,
      %swap3A_258 = vector.shape_cast %swap3A_257 : vector<1x16xf32> to vector<16xf32>
      %swap3A_259 = vector.shape_cast %exp3A_254 : vector<16xf32> to vector<1x16xf32>
      tpu.vector_store %arg19[%swap3A_255, %swap3A_256], %swap3A_259 {strides = array<i32>} : memref<40x16xf32, #tpu.memory_space<vmem>>, vector<1x16xf32>,
      %mul3A_260 = arith.constant 4 : i32
      %mul3A_261 = arith.muli %scan3A_216, %mul3A_260 : i32
      %add3A_262 = arith.constant 2 : i32
      %add3A_263 = arith.addi %mul3A_261, %add3A_262 : i32
      %get3A_264 = arith.index_cast %add3A_263 : i32 to index
      %get3A_265 = arith.constant 0 : index
      %get3A_266 = tpu.vector_load %arg17[%get3A_264, %get3A_265] {strides = array<i32>} : memref<40x16xf32, #tpu.memory_space<vmem>>, vector<1x16xf32>,
      %get3A_267 = vector.shape_cast %get3A_266 : vector<1x16xf32> to vector<16xf32>
      %get3A_268 = arith.index_cast %add3A_263 : i32 to index
      %get3A_269 = arith.constant 0 : index
      %get3A_270 = tpu.vector_load %arg18[%get3A_268, %get3A_269] {strides = array<i32>} : memref<40x16xf32, #tpu.memory_space<vmem>>, vector<1x16xf32>,
      %get3A_271 = vector.shape_cast %get3A_270 : vector<1x16xf32> to vector<16xf32>
      %add3A_272 = arith.addf %get3A_267, %get3A_271 : vector<16xf32>
      %mul3A_273 = arith.constant 2.000000e-01 : f32
      %mul3A_274 = vector.broadcast %mul3A_273 : f32 to vector<16xf32>
      %mul3A_275 = arith.mulf %add3A_272, %mul3A_274 : vector<16xf32>
      %max3A_276 = arith.maximumf %add3A_272, %mul3A_275 : vector<16xf32>
      %exp3A_277 = math.exp %max3A_276 : vector<16xf32>
      %swap3A_278 = arith.index_cast %add3A_263 : i32 to index
      %swap3A_279 = arith.constant 0 : index
      %swap3A_280 = tpu.vector_load %arg19[%swap3A_278, %swap3A_279] {strides = array<i32>} : memref<40x16xf32, #tpu.memory_space<vmem>>, vector<1x16xf32>,
      %swap3A_281 = vector.shape_cast %swap3A_280 : vector<1x16xf32> to vector<16xf32>
      %swap3A_282 = vector.shape_cast %exp3A_277 : vector<16xf32> to vector<1x16xf32>
      tpu.vector_store %arg19[%swap3A_278, %swap3A_279], %swap3A_282 {strides = array<i32>} : memref<40x16xf32, #tpu.memory_space<vmem>>, vector<1x16xf32>,
      %mul3A_283 = arith.constant 4 : i32
      %mul3A_284 = arith.muli %scan3A_216, %mul3A_283 : i32
      %add3A_285 = arith.constant 3 : i32
      %add3A_286 = arith.addi %mul3A_284, %add3A_285 : i32
      %get3A_287 = arith.index_cast %add3A_286 : i32 to index
      %get3A_288 = arith.constant 0 : index
      %get3A_289 = tpu.vector_load %arg17[%get3A_287, %get3A_288] {strides = array<i32>} : memref<40x16xf32, #tpu.memory_space<vmem>>, vector<1x16xf32>,
      %get3A_290 = vector.shape_cast %get3A_289 : vector<1x16xf32> to vector<16xf32>
      %get3A_291 = arith.index_cast %add3A_286 : i32 to index
      %get3A_292 = arith.constant 0 : index
      %get3A_293 = tpu.vector_load %arg18[%get3A_291, %get3A_292] {strides = array<i32>} : memref<40x16xf32, #tpu.memory_space<vmem>>, vector<1x16xf32>,
      %get3A_294 = vector.shape_cast %get3A_293 : vector<1x16xf32> to vector<16xf32>
      %add3A_295 = arith.addf %get3A_290, %get3A_294 : vector<16xf32>
      %mul3A_296 = arith.constant 2.000000e-01 : f32
      %mul3A_297 = vector.broadcast %mul3A_296 : f32 to vector<16xf32>
      %mul3A_298 = arith.mulf %add3A_295, %mul3A_297 : vector<16xf32>
      %max3A_299 = arith.maximumf %add3A_295, %mul3A_298 : vector<16xf32>
      %exp3A_300 = math.exp %max3A_299 : vector<16xf32>
      %swap3A_301 = arith.index_cast %add3A_286 : i32 to index
      %swap3A_302 = arith.constant 0 : index
      %swap3A_303 = tpu.vector_load %arg19[%swap3A_301, %swap3A_302] {strides = array<i32>} : memref<40x16xf32, #tpu.memory_space<vmem>>, vector<1x16xf32>,
      %swap3A_304 = vector.shape_cast %swap3A_303 : vector<1x16xf32> to vector<16xf32>
      %swap3A_305 = vector.shape_cast %exp3A_300 : vector<16xf32> to vector<1x16xf32>
      tpu.vector_store %arg19[%swap3A_301, %swap3A_302], %swap3A_305 {strides = array<i32>} : memref<40x16xf32, #tpu.memory_space<vmem>>, vector<1x16xf32>,
      %scan3A_306 = arith.constant 0 : i32
      scf.yield %scan3A_306 : i32
    }
    %scan3A_148 = arith.constant 10 : i32
    %dma_wait3A_149 = arith.constant 249 : i32
    %dma_wait3A_150 = arith.constant 0 : i32
    %dma_wait3A_151 = tpu.memref_slice %arg11[%dma_wait3A_149, %dma_wait3A_150] : memref<250x40xi32, #tpu.memory_space<vmem>> -> memref<1x40xi32, #tpu.memory_space<vmem>>
    %dma_wait3A_152 = tpu.memref_squeeze %dma_wait3A_151 : memref<1x40xi32, #tpu.memory_space<vmem>> -> memref<40xi32, #tpu.memory_space<vmem>>
    %dma_wait3A_153 = arith.constant 0 : i32
    %dma_wait3A_154 = arith.constant 0 : i32
    %dma_wait3A_155 = tpu.memref_slice %arg4[%dma_wait3A_153, %dma_wait3A_154] : memref<10000x128xf32, #tpu.memory_space<hbm>> -> memref<10000x128xf32, #tpu.memory_space<hbm>>
    tpu.wait_indirect_dma semaphore(%arg28 : memref<!tpu.dma_semaphore, #tpu.memory_space<semaphore_mem>>) src(%dma_wait3A_155 : memref<10000x128xf32, #tpu.memory_space<hbm>>) dst(%arg20 : memref<40x128xf32, #tpu.memory_space<vmem>>)
    %scan3A_156 = arith.constant 0 : i32
    %scan3A_157 = arith.constant 0 : i32
    %scan3A_158 = arith.constant 10 : i32
    %scan3A_159 = arith.addi %scan3A_157, %scan3A_158 : i32
    %scan3A_160 = arith.constant 1 : i32
    %scan3A_161 = scf.for %scan3A_216 = %scan3A_157 to %scan3A_159 step %scan3A_160 iter_args(%scan3A_217 = %scan3A_156) -> (i32)  : i32 {
      %mul3A_218 = arith.constant 4 : i32
      %mul3A_219 = arith.muli %scan3A_216, %mul3A_218 : i32
      %add3A_220 = arith.constant 0 : i32
      %add3A_221 = arith.addi %mul3A_219, %add3A_220 : i32
      %get3A = arith.index_cast %add3A_221 : i32 to index
      %get3A_222 = arith.constant 0 : index
      %get3A_223 = tpu.vector_load %arg19[%get3A, %get3A_222] {strides = array<i32>} : memref<40x16xf32, #tpu.memory_space<vmem>>, vector<1x16xf32>,
      %get3A_224 = vector.shape_cast %get3A_223 : vector<1x16xf32> to vector<16xf32>
      %broadcast_in_dim3A = arith.constant 0 : i32
      %broadcast_in_dim3A_225 = vector.broadcast %broadcast_in_dim3A : i32 to vector<16x1xi32>
      %gather3A = vector.shape_cast %broadcast_in_dim3A_225 : vector<16x1xi32> to vector<16xi32>
      %gather3A_226 = tpu.dynamic_gather %get3A_224[%gather3A] in [0] : vector<16xf32>, vector<16xi32> -> vector<16xf32>
      %get3A_227 = arith.index_cast %add3A_221 : i32 to index
      %get3A_228 = arith.constant 0 : index
      %get3A_229 = tpu.vector_load %arg20[%get3A_227, %get3A_228] {strides = array<i32>} : memref<40x128xf32, #tpu.memory_space<vmem>>, vector<1x16xf32>,
      %get3A_230 = vector.shape_cast %get3A_229 : vector<1x16xf32> to vector<16xf32>
      %mul3A_231 = arith.mulf %get3A_230, %gather3A_226 : vector<16xf32>
      %swap3A = arith.index_cast %add3A_221 : i32 to index
      %swap3A_232 = arith.constant 0 : index
      %swap3A_233 = tpu.vector_load %arg20[%swap3A, %swap3A_232] {strides = array<i32>} : memref<40x128xf32, #tpu.memory_space<vmem>>, vector<1x16xf32>,
      %swap3A_234 = vector.shape_cast %swap3A_233 : vector<1x16xf32> to vector<16xf32>
      %swap3A_235 = vector.shape_cast %mul3A_231 : vector<16xf32> to vector<1x16xf32>
      tpu.vector_store %arg20[%swap3A, %swap3A_232], %swap3A_235 {strides = array<i32>} : memref<40x128xf32, #tpu.memory_space<vmem>>, vector<1x16xf32>,
      %broadcast_in_dim3A_236 = arith.constant 1 : i32
      %broadcast_in_dim3A_237 = vector.broadcast %broadcast_in_dim3A_236 : i32 to vector<16x1xi32>
      %gather3A_238 = vector.shape_cast %broadcast_in_dim3A_237 : vector<16x1xi32> to vector<16xi32>
      %gather3A_239 = tpu.dynamic_gather %get3A_224[%gather3A_238] in [0] : vector<16xf32>, vector<16xi32> -> vector<16xf32>
      %get3A_240 = arith.index_cast %add3A_221 : i32 to index
      %get3A_241 = arith.constant 16 : index
      %get3A_242 = tpu.vector_load %arg20[%get3A_240, %get3A_241] {strides = array<i32>} : memref<40x128xf32, #tpu.memory_space<vmem>>, vector<1x16xf32>,
      %get3A_243 = vector.shape_cast %get3A_242 : vector<1x16xf32> to vector<16xf32>
      %mul3A_244 = arith.mulf %get3A_243, %gather3A_239 : vector<16xf32>
      %swap3A_245 = arith.index_cast %add3A_221 : i32 to index
      %swap3A_246 = arith.constant 16 : index
      %swap3A_247 = tpu.vector_load %arg20[%swap3A_245, %swap3A_246] {strides = array<i32>} : memref<40x128xf32, #tpu.memory_space<vmem>>, vector<1x16xf32>,
      %swap3A_248 = vector.shape_cast %swap3A_247 : vector<1x16xf32> to vector<16xf32>
      %swap3A_249 = vector.shape_cast %mul3A_244 : vector<16xf32> to vector<1x16xf32>
      tpu.vector_store %arg20[%swap3A_245, %swap3A_246], %swap3A_249 {strides = array<i32>} : memref<40x128xf32, #tpu.memory_space<vmem>>, vector<1x16xf32>,
      %broadcast_in_dim3A_250 = arith.constant 2 : i32
      %broadcast_in_dim3A_251 = vector.broadcast %broadcast_in_dim3A_250 : i32 to vector<16x1xi32>
      %gather3A_252 = vector.shape_cast %broadcast_in_dim3A_251 : vector<16x1xi32> to vector<16xi32>
      %gather3A_253 = tpu.dynamic_gather %get3A_224[%gather3A_252] in [0] : vector<16xf32>, vector<16xi32> -> vector<16xf32>
      %get3A_254 = arith.index_cast %add3A_221 : i32 to index
      %get3A_255 = arith.constant 32 : index
      %get3A_256 = tpu.vector_load %arg20[%get3A_254, %get3A_255] {strides = array<i32>} : memref<40x128xf32, #tpu.memory_space<vmem>>, vector<1x16xf32>,
      %get3A_257 = vector.shape_cast %get3A_256 : vector<1x16xf32> to vector<16xf32>
      %mul3A_258 = arith.mulf %get3A_257, %gather3A_253 : vector<16xf32>
      %swap3A_259 = arith.index_cast %add3A_221 : i32 to index
      %swap3A_260 = arith.constant 32 : index
      %swap3A_261 = tpu.vector_load %arg20[%swap3A_259, %swap3A_260] {strides = array<i32>} : memref<40x128xf32, #tpu.memory_space<vmem>>, vector<1x16xf32>,
      %swap3A_262 = vector.shape_cast %swap3A_261 : vector<1x16xf32> to vector<16xf32>
      %swap3A_263 = vector.shape_cast %mul3A_258 : vector<16xf32> to vector<1x16xf32>
      tpu.vector_store %arg20[%swap3A_259, %swap3A_260], %swap3A_263 {strides = array<i32>} : memref<40x128xf32, #tpu.memory_space<vmem>>, vector<1x16xf32>,
      %broadcast_in_dim3A_264 = arith.constant 3 : i32
      %broadcast_in_dim3A_265 = vector.broadcast %broadcast_in_dim3A_264 : i32 to vector<16x1xi32>
      %gather3A_266 = vector.shape_cast %broadcast_in_dim3A_265 : vector<16x1xi32> to vector<16xi32>
      %gather3A_267 = tpu.dynamic_gather %get3A_224[%gather3A_266] in [0] : vector<16xf32>, vector<16xi32> -> vector<16xf32>
      %get3A_268 = arith.index_cast %add3A_221 : i32 to index
      %get3A_269 = arith.constant 48 : index
      %get3A_270 = tpu.vector_load %arg20[%get3A_268, %get3A_269] {strides = array<i32>} : memref<40x128xf32, #tpu.memory_space<vmem>>, vector<1x16xf32>,
      %get3A_271 = vector.shape_cast %get3A_270 : vector<1x16xf32> to vector<16xf32>
      %mul3A_272 = arith.mulf %get3A_271, %gather3A_267 : vector<16xf32>
      %swap3A_273 = arith.index_cast %add3A_221 : i32 to index
      %swap3A_274 = arith.constant 48 : index
      %swap3A_275 = tpu.vector_load %arg20[%swap3A_273, %swap3A_274] {strides = array<i32>} : memref<40x128xf32, #tpu.memory_space<vmem>>, vector<1x16xf32>,
      %swap3A_276 = vector.shape_cast %swap3A_275 : vector<1x16xf32> to vector<16xf32>
      %swap3A_277 = vector.shape_cast %mul3A_272 : vector<16xf32> to vector<1x16xf32>
      tpu.vector_store %arg20[%swap3A_273, %swap3A_274], %swap3A_277 {strides = array<i32>} : memref<40x128xf32, #tpu.memory_space<vmem>>, vector<1x16xf32>,
      %broadcast_in_dim3A_278 = arith.constant 4 : i32
      %broadcast_in_dim3A_279 = vector.broadcast %broadcast_in_dim3A_278 : i32 to vector<16x1xi32>
      %gather3A_280 = vector.shape_cast %broadcast_in_dim3A_279 : vector<16x1xi32> to vector<16xi32>
      %gather3A_281 = tpu.dynamic_gather %get3A_224[%gather3A_280] in [0] : vector<16xf32>, vector<16xi32> -> vector<16xf32>
      %get3A_282 = arith.index_cast %add3A_221 : i32 to index
      %get3A_283 = arith.constant 64 : index
      %get3A_284 = tpu.vector_load %arg20[%get3A_282, %get3A_283] {strides = array<i32>} : memref<40x128xf32, #tpu.memory_space<vmem>>, vector<1x16xf32>,
      %get3A_285 = vector.shape_cast %get3A_284 : vector<1x16xf32> to vector<16xf32>
      %mul3A_286 = arith.mulf %get3A_285, %gather3A_281 : vector<16xf32>
      %swap3A_287 = arith.index_cast %add3A_221 : i32 to index
      %swap3A_288 = arith.constant 64 : index
      %swap3A_289 = tpu.vector_load %arg20[%swap3A_287, %swap3A_288] {strides = array<i32>} : memref<40x128xf32, #tpu.memory_space<vmem>>, vector<1x16xf32>,
      %swap3A_290 = vector.shape_cast %swap3A_289 : vector<1x16xf32> to vector<16xf32>
      %swap3A_291 = vector.shape_cast %mul3A_286 : vector<16xf32> to vector<1x16xf32>
      tpu.vector_store %arg20[%swap3A_287, %swap3A_288], %swap3A_291 {strides = array<i32>} : memref<40x128xf32, #tpu.memory_space<vmem>>, vector<1x16xf32>,
      %broadcast_in_dim3A_292 = arith.constant 5 : i32
      %broadcast_in_dim3A_293 = vector.broadcast %broadcast_in_dim3A_292 : i32 to vector<16x1xi32>
      %gather3A_294 = vector.shape_cast %broadcast_in_dim3A_293 : vector<16x1xi32> to vector<16xi32>
      %gather3A_295 = tpu.dynamic_gather %get3A_224[%gather3A_294] in [0] : vector<16xf32>, vector<16xi32> -> vector<16xf32>
      %get3A_296 = arith.index_cast %add3A_221 : i32 to index
      %get3A_297 = arith.constant 80 : index
      %get3A_298 = tpu.vector_load %arg20[%get3A_296, %get3A_297] {strides = array<i32>} : memref<40x128xf32, #tpu.memory_space<vmem>>, vector<1x16xf32>,
      %get3A_299 = vector.shape_cast %get3A_298 : vector<1x16xf32> to vector<16xf32>
      %mul3A_300 = arith.mulf %get3A_299, %gather3A_295 : vector<16xf32>
      %swap3A_301 = arith.index_cast %add3A_221 : i32 to index
      %swap3A_302 = arith.constant 80 : index
      %swap3A_303 = tpu.vector_load %arg20[%swap3A_301, %swap3A_302] {strides = array<i32>} : memref<40x128xf32, #tpu.memory_space<vmem>>, vector<1x16xf32>,
      %swap3A_304 = vector.shape_cast %swap3A_303 : vector<1x16xf32> to vector<16xf32>
      %swap3A_305 = vector.shape_cast %mul3A_300 : vector<16xf32> to vector<1x16xf32>
      tpu.vector_store %arg20[%swap3A_301, %swap3A_302], %swap3A_305 {strides = array<i32>} : memref<40x128xf32, #tpu.memory_space<vmem>>, vector<1x16xf32>,
      %broadcast_in_dim3A_306 = arith.constant 6 : i32
      %broadcast_in_dim3A_307 = vector.broadcast %broadcast_in_dim3A_306 : i32 to vector<16x1xi32>
      %gather3A_308 = vector.shape_cast %broadcast_in_dim3A_307 : vector<16x1xi32> to vector<16xi32>
      %gather3A_309 = tpu.dynamic_gather %get3A_224[%gather3A_308] in [0] : vector<16xf32>, vector<16xi32> -> vector<16xf32>
      %get3A_310 = arith.index_cast %add3A_221 : i32 to index
      %get3A_311 = arith.constant 96 : index
      %get3A_312 = tpu.vector_load %arg20[%get3A_310, %get3A_311] {strides = array<i32>} : memref<40x128xf32, #tpu.memory_space<vmem>>, vector<1x16xf32>,
      %get3A_313 = vector.shape_cast %get3A_312 : vector<1x16xf32> to vector<16xf32>
      %mul3A_314 = arith.mulf %get3A_313, %gather3A_309 : vector<16xf32>
      %swap3A_315 = arith.index_cast %add3A_221 : i32 to index
      %swap3A_316 = arith.constant 96 : index
      %swap3A_317 = tpu.vector_load %arg20[%swap3A_315, %swap3A_316] {strides = array<i32>} : memref<40x128xf32, #tpu.memory_space<vmem>>, vector<1x16xf32>,
      %swap3A_318 = vector.shape_cast %swap3A_317 : vector<1x16xf32> to vector<16xf32>
      %swap3A_319 = vector.shape_cast %mul3A_314 : vector<16xf32> to vector<1x16xf32>
      tpu.vector_store %arg20[%swap3A_315, %swap3A_316], %swap3A_319 {strides = array<i32>} : memref<40x128xf32, #tpu.memory_space<vmem>>, vector<1x16xf32>,
      %broadcast_in_dim3A_320 = arith.constant 7 : i32
      %broadcast_in_dim3A_321 = vector.broadcast %broadcast_in_dim3A_320 : i32 to vector<16x1xi32>
      %gather3A_322 = vector.shape_cast %broadcast_in_dim3A_321 : vector<16x1xi32> to vector<16xi32>
      %gather3A_323 = tpu.dynamic_gather %get3A_224[%gather3A_322] in [0] : vector<16xf32>, vector<16xi32> -> vector<16xf32>
      %get3A_324 = arith.index_cast %add3A_221 : i32 to index
      %get3A_325 = arith.constant 112 : index
      %get3A_326 = tpu.vector_load %arg20[%get3A_324, %get3A_325] {strides = array<i32>} : memref<40x128xf32, #tpu.memory_space<vmem>>, vector<1x16xf32>,
      %get3A_327 = vector.shape_cast %get3A_326 : vector<1x16xf32> to vector<16xf32>
      %mul3A_328 = arith.mulf %get3A_327, %gather3A_323 : vector<16xf32>
      %swap3A_329 = arith.index_cast %add3A_221 : i32 to index
      %swap3A_330 = arith.constant 112 : index
      %swap3A_331 = tpu.vector_load %arg20[%swap3A_329, %swap3A_330] {strides = array<i32>} : memref<40x128xf32, #tpu.memory_space<vmem>>, vector<1x16xf32>,
      %swap3A_332 = vector.shape_cast %swap3A_331 : vector<1x16xf32> to vector<16xf32>
      %swap3A_333 = vector.shape_cast %mul3A_328 : vector<16xf32> to vector<1x16xf32>
      tpu.vector_store %arg20[%swap3A_329, %swap3A_330], %swap3A_333 {strides = array<i32>} : memref<40x128xf32, #tpu.memory_space<vmem>>, vector<1x16xf32>,
      %mul3A_334 = arith.constant 4 : i32
      %mul3A_335 = arith.muli %scan3A_216, %mul3A_334 : i32
      %add3A_336 = arith.constant 1 : i32
      %add3A_337 = arith.addi %mul3A_335, %add3A_336 : i32
      %get3A_338 = arith.index_cast %add3A_337 : i32 to index
      %get3A_339 = arith.constant 0 : index
      %get3A_340 = tpu.vector_load %arg19[%get3A_338, %get3A_339] {strides = array<i32>} : memref<40x16xf32, #tpu.memory_space<vmem>>, vector<1x16xf32>,
      %get3A_341 = vector.shape_cast %get3A_340 : vector<1x16xf32> to vector<16xf32>
      %broadcast_in_dim3A_342 = arith.constant 0 : i32
      %broadcast_in_dim3A_343 = vector.broadcast %broadcast_in_dim3A_342 : i32 to vector<16x1xi32>
      %gather3A_344 = vector.shape_cast %broadcast_in_dim3A_343 : vector<16x1xi32> to vector<16xi32>
      %gather3A_345 = tpu.dynamic_gather %get3A_341[%gather3A_344] in [0] : vector<16xf32>, vector<16xi32> -> vector<16xf32>
      %get3A_346 = arith.index_cast %add3A_337 : i32 to index
      %get3A_347 = arith.constant 0 : index
      %get3A_348 = tpu.vector_load %arg20[%get3A_346, %get3A_347] {strides = array<i32>} : memref<40x128xf32, #tpu.memory_space<vmem>>, vector<1x16xf32>,
      %get3A_349 = vector.shape_cast %get3A_348 : vector<1x16xf32> to vector<16xf32>
      %mul3A_350 = arith.mulf %get3A_349, %gather3A_345 : vector<16xf32>
      %swap3A_351 = arith.index_cast %add3A_337 : i32 to index
      %swap3A_352 = arith.constant 0 : index
      %swap3A_353 = tpu.vector_load %arg20[%swap3A_351, %swap3A_352] {strides = array<i32>} : memref<40x128xf32, #tpu.memory_space<vmem>>, vector<1x16xf32>,
      %swap3A_354 = vector.shape_cast %swap3A_353 : vector<1x16xf32> to vector<16xf32>
      %swap3A_355 = vector.shape_cast %mul3A_350 : vector<16xf32> to vector<1x16xf32>
      tpu.vector_store %arg20[%swap3A_351, %swap3A_352], %swap3A_355 {strides = array<i32>} : memref<40x128xf32, #tpu.memory_space<vmem>>, vector<1x16xf32>,
      %broadcast_in_dim3A_356 = arith.constant 1 : i32
      %broadcast_in_dim3A_357 = vector.broadcast %broadcast_in_dim3A_356 : i32 to vector<16x1xi32>
      %gather3A_358 = vector.shape_cast %broadcast_in_dim3A_357 : vector<16x1xi32> to vector<16xi32>
      %gather3A_359 = tpu.dynamic_gather %get3A_341[%gather3A_358] in [0] : vector<16xf32>, vector<16xi32> -> vector<16xf32>
      %get3A_360 = arith.index_cast %add3A_337 : i32 to index
      %get3A_361 = arith.constant 16 : index
      %get3A_362 = tpu.vector_load %arg20[%get3A_360, %get3A_361] {strides = array<i32>} : memref<40x128xf32, #tpu.memory_space<vmem>>, vector<1x16xf32>,
      %get3A_363 = vector.shape_cast %get3A_362 : vector<1x16xf32> to vector<16xf32>
      %mul3A_364 = arith.mulf %get3A_363, %gather3A_359 : vector<16xf32>
      %swap3A_365 = arith.index_cast %add3A_337 : i32 to index
      %swap3A_366 = arith.constant 16 : index
      %swap3A_367 = tpu.vector_load %arg20[%swap3A_365, %swap3A_366] {strides = array<i32>} : memref<40x128xf32, #tpu.memory_space<vmem>>, vector<1x16xf32>,
      %swap3A_368 = vector.shape_cast %swap3A_367 : vector<1x16xf32> to vector<16xf32>
      %swap3A_369 = vector.shape_cast %mul3A_364 : vector<16xf32> to vector<1x16xf32>
      tpu.vector_store %arg20[%swap3A_365, %swap3A_366], %swap3A_369 {strides = array<i32>} : memref<40x128xf32, #tpu.memory_space<vmem>>, vector<1x16xf32>,
      %broadcast_in_dim3A_370 = arith.constant 2 : i32
      %broadcast_in_dim3A_371 = vector.broadcast %broadcast_in_dim3A_370 : i32 to vector<16x1xi32>
      %gather3A_372 = vector.shape_cast %broadcast_in_dim3A_371 : vector<16x1xi32> to vector<16xi32>
      %gather3A_373 = tpu.dynamic_gather %get3A_341[%gather3A_372] in [0] : vector<16xf32>, vector<16xi32> -> vector<16xf32>
      %get3A_374 = arith.index_cast %add3A_337 : i32 to index
      %get3A_375 = arith.constant 32 : index
      %get3A_376 = tpu.vector_load %arg20[%get3A_374, %get3A_375] {strides = array<i32>} : memref<40x128xf32, #tpu.memory_space<vmem>>, vector<1x16xf32>,
      %get3A_377 = vector.shape_cast %get3A_376 : vector<1x16xf32> to vector<16xf32>
      %mul3A_378 = arith.mulf %get3A_377, %gather3A_373 : vector<16xf32>
      %swap3A_379 = arith.index_cast %add3A_337 : i32 to index
      %swap3A_380 = arith.constant 32 : index
      %swap3A_381 = tpu.vector_load %arg20[%swap3A_379, %swap3A_380] {strides = array<i32>} : memref<40x128xf32, #tpu.memory_space<vmem>>, vector<1x16xf32>,
      %swap3A_382 = vector.shape_cast %swap3A_381 : vector<1x16xf32> to vector<16xf32>
      %swap3A_383 = vector.shape_cast %mul3A_378 : vector<16xf32> to vector<1x16xf32>
      tpu.vector_store %arg20[%swap3A_379, %swap3A_380], %swap3A_383 {strides = array<i32>} : memref<40x128xf32, #tpu.memory_space<vmem>>, vector<1x16xf32>,
      %broadcast_in_dim3A_384 = arith.constant 3 : i32
      %broadcast_in_dim3A_385 = vector.broadcast %broadcast_in_dim3A_384 : i32 to vector<16x1xi32>
      %gather3A_386 = vector.shape_cast %broadcast_in_dim3A_385 : vector<16x1xi32> to vector<16xi32>
      %gather3A_387 = tpu.dynamic_gather %get3A_341[%gather3A_386] in [0] : vector<16xf32>, vector<16xi32> -> vector<16xf32>
      %get3A_388 = arith.index_cast %add3A_337 : i32 to index
      %get3A_389 = arith.constant 48 : index
      %get3A_390 = tpu.vector_load %arg20[%get3A_388, %get3A_389] {strides = array<i32>} : memref<40x128xf32, #tpu.memory_space<vmem>>, vector<1x16xf32>,
      %get3A_391 = vector.shape_cast %get3A_390 : vector<1x16xf32> to vector<16xf32>
      %mul3A_392 = arith.mulf %get3A_391, %gather3A_387 : vector<16xf32>
      %swap3A_393 = arith.index_cast %add3A_337 : i32 to index
      %swap3A_394 = arith.constant 48 : index
      %swap3A_395 = tpu.vector_load %arg20[%swap3A_393, %swap3A_394] {strides = array<i32>} : memref<40x128xf32, #tpu.memory_space<vmem>>, vector<1x16xf32>,
      %swap3A_396 = vector.shape_cast %swap3A_395 : vector<1x16xf32> to vector<16xf32>
      %swap3A_397 = vector.shape_cast %mul3A_392 : vector<16xf32> to vector<1x16xf32>
      tpu.vector_store %arg20[%swap3A_393, %swap3A_394], %swap3A_397 {strides = array<i32>} : memref<40x128xf32, #tpu.memory_space<vmem>>, vector<1x16xf32>,
      %broadcast_in_dim3A_398 = arith.constant 4 : i32
      %broadcast_in_dim3A_399 = vector.broadcast %broadcast_in_dim3A_398 : i32 to vector<16x1xi32>
      %gather3A_400 = vector.shape_cast %broadcast_in_dim3A_399 : vector<16x1xi32> to vector<16xi32>
      %gather3A_401 = tpu.dynamic_gather %get3A_341[%gather3A_400] in [0] : vector<16xf32>, vector<16xi32> -> vector<16xf32>
      %get3A_402 = arith.index_cast %add3A_337 : i32 to index
      %get3A_403 = arith.constant 64 : index
      %get3A_404 = tpu.vector_load %arg20[%get3A_402, %get3A_403] {strides = array<i32>} : memref<40x128xf32, #tpu.memory_space<vmem>>, vector<1x16xf32>,
      %get3A_405 = vector.shape_cast %get3A_404 : vector<1x16xf32> to vector<16xf32>
      %mul3A_406 = arith.mulf %get3A_405, %gather3A_401 : vector<16xf32>
      %swap3A_407 = arith.index_cast %add3A_337 : i32 to index
      %swap3A_408 = arith.constant 64 : index
      %swap3A_409 = tpu.vector_load %arg20[%swap3A_407, %swap3A_408] {strides = array<i32>} : memref<40x128xf32, #tpu.memory_space<vmem>>, vector<1x16xf32>,
      %swap3A_410 = vector.shape_cast %swap3A_409 : vector<1x16xf32> to vector<16xf32>
      %swap3A_411 = vector.shape_cast %mul3A_406 : vector<16xf32> to vector<1x16xf32>
      tpu.vector_store %arg20[%swap3A_407, %swap3A_408], %swap3A_411 {strides = array<i32>} : memref<40x128xf32, #tpu.memory_space<vmem>>, vector<1x16xf32>,
      %broadcast_in_dim3A_412 = arith.constant 5 : i32
      %broadcast_in_dim3A_413 = vector.broadcast %broadcast_in_dim3A_412 : i32 to vector<16x1xi32>
      %gather3A_414 = vector.shape_cast %broadcast_in_dim3A_413 : vector<16x1xi32> to vector<16xi32>
      %gather3A_415 = tpu.dynamic_gather %get3A_341[%gather3A_414] in [0] : vector<16xf32>, vector<16xi32> -> vector<16xf32>
      %get3A_416 = arith.index_cast %add3A_337 : i32 to index
      %get3A_417 = arith.constant 80 : index
      %get3A_418 = tpu.vector_load %arg20[%get3A_416, %get3A_417] {strides = array<i32>} : memref<40x128xf32, #tpu.memory_space<vmem>>, vector<1x16xf32>,
      %get3A_419 = vector.shape_cast %get3A_418 : vector<1x16xf32> to vector<16xf32>
      %mul3A_420 = arith.mulf %get3A_419, %gather3A_415 : vector<16xf32>
      %swap3A_421 = arith.index_cast %add3A_337 : i32 to index
      %swap3A_422 = arith.constant 80 : index
      %swap3A_423 = tpu.vector_load %arg20[%swap3A_421, %swap3A_422] {strides = array<i32>} : memref<40x128xf32, #tpu.memory_space<vmem>>, vector<1x16xf32>,
      %swap3A_424 = vector.shape_cast %swap3A_423 : vector<1x16xf32> to vector<16xf32>
      %swap3A_425 = vector.shape_cast %mul3A_420 : vector<16xf32> to vector<1x16xf32>
      tpu.vector_store %arg20[%swap3A_421, %swap3A_422], %swap3A_425 {strides = array<i32>} : memref<40x128xf32, #tpu.memory_space<vmem>>, vector<1x16xf32>,
      %broadcast_in_dim3A_426 = arith.constant 6 : i32
      %broadcast_in_dim3A_427 = vector.broadcast %broadcast_in_dim3A_426 : i32 to vector<16x1xi32>
      %gather3A_428 = vector.shape_cast %broadcast_in_dim3A_427 : vector<16x1xi32> to vector<16xi32>
      %gather3A_429 = tpu.dynamic_gather %get3A_341[%gather3A_428] in [0] : vector<16xf32>, vector<16xi32> -> vector<16xf32>
      %get3A_430 = arith.index_cast %add3A_337 : i32 to index
      %get3A_431 = arith.constant 96 : index
      %get3A_432 = tpu.vector_load %arg20[%get3A_430, %get3A_431] {strides = array<i32>} : memref<40x128xf32, #tpu.memory_space<vmem>>, vector<1x16xf32>,
      %get3A_433 = vector.shape_cast %get3A_432 : vector<1x16xf32> to vector<16xf32>
      %mul3A_434 = arith.mulf %get3A_433, %gather3A_429 : vector<16xf32>
      %swap3A_435 = arith.index_cast %add3A_337 : i32 to index
      %swap3A_436 = arith.constant 96 : index
      %swap3A_437 = tpu.vector_load %arg20[%swap3A_435, %swap3A_436] {strides = array<i32>} : memref<40x128xf32, #tpu.memory_space<vmem>>, vector<1x16xf32>,
      %swap3A_438 = vector.shape_cast %swap3A_437 : vector<1x16xf32> to vector<16xf32>
      %swap3A_439 = vector.shape_cast %mul3A_434 : vector<16xf32> to vector<1x16xf32>
      tpu.vector_store %arg20[%swap3A_435, %swap3A_436], %swap3A_439 {strides = array<i32>} : memref<40x128xf32, #tpu.memory_space<vmem>>, vector<1x16xf32>,
      %broadcast_in_dim3A_440 = arith.constant 7 : i32
      %broadcast_in_dim3A_441 = vector.broadcast %broadcast_in_dim3A_440 : i32 to vector<16x1xi32>
      %gather3A_442 = vector.shape_cast %broadcast_in_dim3A_441 : vector<16x1xi32> to vector<16xi32>
      %gather3A_443 = tpu.dynamic_gather %get3A_341[%gather3A_442] in [0] : vector<16xf32>, vector<16xi32> -> vector<16xf32>
      %get3A_444 = arith.index_cast %add3A_337 : i32 to index
      %get3A_445 = arith.constant 112 : index
      %get3A_446 = tpu.vector_load %arg20[%get3A_444, %get3A_445] {strides = array<i32>} : memref<40x128xf32, #tpu.memory_space<vmem>>, vector<1x16xf32>,
      %get3A_447 = vector.shape_cast %get3A_446 : vector<1x16xf32> to vector<16xf32>
      %mul3A_448 = arith.mulf %get3A_447, %gather3A_443 : vector<16xf32>
      %swap3A_449 = arith.index_cast %add3A_337 : i32 to index
      %swap3A_450 = arith.constant 112 : index
      %swap3A_451 = tpu.vector_load %arg20[%swap3A_449, %swap3A_450] {strides = array<i32>} : memref<40x128xf32, #tpu.memory_space<vmem>>, vector<1x16xf32>,
      %swap3A_452 = vector.shape_cast %swap3A_451 : vector<1x16xf32> to vector<16xf32>
      %swap3A_453 = vector.shape_cast %mul3A_448 : vector<16xf32> to vector<1x16xf32>
      tpu.vector_store %arg20[%swap3A_449, %swap3A_450], %swap3A_453 {strides = array<i32>} : memref<40x128xf32, #tpu.memory_space<vmem>>, vector<1x16xf32>,
      %mul3A_454 = arith.constant 4 : i32
      %mul3A_455 = arith.muli %scan3A_216, %mul3A_454 : i32
      %add3A_456 = arith.constant 2 : i32
      %add3A_457 = arith.addi %mul3A_455, %add3A_456 : i32
      %get3A_458 = arith.index_cast %add3A_457 : i32 to index
      %get3A_459 = arith.constant 0 : index
      %get3A_460 = tpu.vector_load %arg19[%get3A_458, %get3A_459] {strides = array<i32>} : memref<40x16xf32, #tpu.memory_space<vmem>>, vector<1x16xf32>,
      %get3A_461 = vector.shape_cast %get3A_460 : vector<1x16xf32> to vector<16xf32>
      %broadcast_in_dim3A_462 = arith.constant 0 : i32
      %broadcast_in_dim3A_463 = vector.broadcast %broadcast_in_dim3A_462 : i32 to vector<16x1xi32>
      %gather3A_464 = vector.shape_cast %broadcast_in_dim3A_463 : vector<16x1xi32> to vector<16xi32>
      %gather3A_465 = tpu.dynamic_gather %get3A_461[%gather3A_464] in [0] : vector<16xf32>, vector<16xi32> -> vector<16xf32>
      %get3A_466 = arith.index_cast %add3A_457 : i32 to index
      %get3A_467 = arith.constant 0 : index
      %get3A_468 = tpu.vector_load %arg20[%get3A_466, %get3A_467] {strides = array<i32>} : memref<40x128xf32, #tpu.memory_space<vmem>>, vector<1x16xf32>,
      %get3A_469 = vector.shape_cast %get3A_468 : vector<1x16xf32> to vector<16xf32>
      %mul3A_470 = arith.mulf %get3A_469, %gather3A_465 : vector<16xf32>
      %swap3A_471 = arith.index_cast %add3A_457 : i32 to index
      %swap3A_472 = arith.constant 0 : index
      %swap3A_473 = tpu.vector_load %arg20[%swap3A_471, %swap3A_472] {strides = array<i32>} : memref<40x128xf32, #tpu.memory_space<vmem>>, vector<1x16xf32>,
      %swap3A_474 = vector.shape_cast %swap3A_473 : vector<1x16xf32> to vector<16xf32>
      %swap3A_475 = vector.shape_cast %mul3A_470 : vector<16xf32> to vector<1x16xf32>
      tpu.vector_store %arg20[%swap3A_471, %swap3A_472], %swap3A_475 {strides = array<i32>} : memref<40x128xf32, #tpu.memory_space<vmem>>, vector<1x16xf32>,
      %broadcast_in_dim3A_476 = arith.constant 1 : i32
      %broadcast_in_dim3A_477 = vector.broadcast %broadcast_in_dim3A_476 : i32 to vector<16x1xi32>
      %gather3A_478 = vector.shape_cast %broadcast_in_dim3A_477 : vector<16x1xi32> to vector<16xi32>
      %gather3A_479 = tpu.dynamic_gather %get3A_461[%gather3A_478] in [0] : vector<16xf32>, vector<16xi32> -> vector<16xf32>
      %get3A_480 = arith.index_cast %add3A_457 : i32 to index
      %get3A_481 = arith.constant 16 : index
      %get3A_482 = tpu.vector_load %arg20[%get3A_480, %get3A_481] {strides = array<i32>} : memref<40x128xf32, #tpu.memory_space<vmem>>, vector<1x16xf32>,
      %get3A_483 = vector.shape_cast %get3A_482 : vector<1x16xf32> to vector<16xf32>
      %mul3A_484 = arith.mulf %get3A_483, %gather3A_479 : vector<16xf32>
      %swap3A_485 = arith.index_cast %add3A_457 : i32 to index
      %swap3A_486 = arith.constant 16 : index
      %swap3A_487 = tpu.vector_load %arg20[%swap3A_485, %swap3A_486] {strides = array<i32>} : memref<40x128xf32, #tpu.memory_space<vmem>>, vector<1x16xf32>,
      %swap3A_488 = vector.shape_cast %swap3A_487 : vector<1x16xf32> to vector<16xf32>
      %swap3A_489 = vector.shape_cast %mul3A_484 : vector<16xf32> to vector<1x16xf32>
      tpu.vector_store %arg20[%swap3A_485, %swap3A_486], %swap3A_489 {strides = array<i32>} : memref<40x128xf32, #tpu.memory_space<vmem>>, vector<1x16xf32>,
      %broadcast_in_dim3A_490 = arith.constant 2 : i32
      %broadcast_in_dim3A_491 = vector.broadcast %broadcast_in_dim3A_490 : i32 to vector<16x1xi32>
      %gather3A_492 = vector.shape_cast %broadcast_in_dim3A_491 : vector<16x1xi32> to vector<16xi32>
      %gather3A_493 = tpu.dynamic_gather %get3A_461[%gather3A_492] in [0] : vector<16xf32>, vector<16xi32> -> vector<16xf32>
      %get3A_494 = arith.index_cast %add3A_457 : i32 to index
      %get3A_495 = arith.constant 32 : index
      %get3A_496 = tpu.vector_load %arg20[%get3A_494, %get3A_495] {strides = array<i32>} : memref<40x128xf32, #tpu.memory_space<vmem>>, vector<1x16xf32>,
      %get3A_497 = vector.shape_cast %get3A_496 : vector<1x16xf32> to vector<16xf32>
      %mul3A_498 = arith.mulf %get3A_497, %gather3A_493 : vector<16xf32>
      %swap3A_499 = arith.index_cast %add3A_457 : i32 to index
      %swap3A_500 = arith.constant 32 : index
      %swap3A_501 = tpu.vector_load %arg20[%swap3A_499, %swap3A_500] {strides = array<i32>} : memref<40x128xf32, #tpu.memory_space<vmem>>, vector<1x16xf32>,
      %swap3A_502 = vector.shape_cast %swap3A_501 : vector<1x16xf32> to vector<16xf32>
      %swap3A_503 = vector.shape_cast %mul3A_498 : vector<16xf32> to vector<1x16xf32>
      tpu.vector_store %arg20[%swap3A_499, %swap3A_500], %swap3A_503 {strides = array<i32>} : memref<40x128xf32, #tpu.memory_space<vmem>>, vector<1x16xf32>,
      %broadcast_in_dim3A_504 = arith.constant 3 : i32
      %broadcast_in_dim3A_505 = vector.broadcast %broadcast_in_dim3A_504 : i32 to vector<16x1xi32>
      %gather3A_506 = vector.shape_cast %broadcast_in_dim3A_505 : vector<16x1xi32> to vector<16xi32>
      %gather3A_507 = tpu.dynamic_gather %get3A_461[%gather3A_506] in [0] : vector<16xf32>, vector<16xi32> -> vector<16xf32>
      %get3A_508 = arith.index_cast %add3A_457 : i32 to index
      %get3A_509 = arith.constant 48 : index
      %get3A_510 = tpu.vector_load %arg20[%get3A_508, %get3A_509] {strides = array<i32>} : memref<40x128xf32, #tpu.memory_space<vmem>>, vector<1x16xf32>,
      %get3A_511 = vector.shape_cast %get3A_510 : vector<1x16xf32> to vector<16xf32>
      %mul3A_512 = arith.mulf %get3A_511, %gather3A_507 : vector<16xf32>
      %swap3A_513 = arith.index_cast %add3A_457 : i32 to index
      %swap3A_514 = arith.constant 48 : index
      %swap3A_515 = tpu.vector_load %arg20[%swap3A_513, %swap3A_514] {strides = array<i32>} : memref<40x128xf32, #tpu.memory_space<vmem>>, vector<1x16xf32>,
      %swap3A_516 = vector.shape_cast %swap3A_515 : vector<1x16xf32> to vector<16xf32>
      %swap3A_517 = vector.shape_cast %mul3A_512 : vector<16xf32> to vector<1x16xf32>
      tpu.vector_store %arg20[%swap3A_513, %swap3A_514], %swap3A_517 {strides = array<i32>} : memref<40x128xf32, #tpu.memory_space<vmem>>, vector<1x16xf32>,
      %broadcast_in_dim3A_518 = arith.constant 4 : i32
      %broadcast_in_dim3A_519 = vector.broadcast %broadcast_in_dim3A_518 : i32 to vector<16x1xi32>
      %gather3A_520 = vector.shape_cast %broadcast_in_dim3A_519 : vector<16x1xi32> to vector<16xi32>
      %gather3A_521 = tpu.dynamic_gather %get3A_461[%gather3A_520] in [0] : vector<16xf32>, vector<16xi32> -> vector<16xf32>
      %get3A_522 = arith.index_cast %add3A_457 : i32 to index
      %get3A_523 = arith.constant 64 : index
      %get3A_524 = tpu.vector_load %arg20[%get3A_522, %get3A_523] {strides = array<i32>} : memref<40x128xf32, #tpu.memory_space<vmem>>, vector<1x16xf32>,
      %get3A_525 = vector.shape_cast %get3A_524 : vector<1x16xf32> to vector<16xf32>
      %mul3A_526 = arith.mulf %get3A_525, %gather3A_521 : vector<16xf32>
      %swap3A_527 = arith.index_cast %add3A_457 : i32 to index
      %swap3A_528 = arith.constant 64 : index
      %swap3A_529 = tpu.vector_load %arg20[%swap3A_527, %swap3A_528] {strides = array<i32>} : memref<40x128xf32, #tpu.memory_space<vmem>>, vector<1x16xf32>,
      %swap3A_530 = vector.shape_cast %swap3A_529 : vector<1x16xf32> to vector<16xf32>
      %swap3A_531 = vector.shape_cast %mul3A_526 : vector<16xf32> to vector<1x16xf32>
      tpu.vector_store %arg20[%swap3A_527, %swap3A_528], %swap3A_531 {strides = array<i32>} : memref<40x128xf32, #tpu.memory_space<vmem>>, vector<1x16xf32>,
      %broadcast_in_dim3A_532 = arith.constant 5 : i32
      %broadcast_in_dim3A_533 = vector.broadcast %broadcast_in_dim3A_532 : i32 to vector<16x1xi32>
      %gather3A_534 = vector.shape_cast %broadcast_in_dim3A_533 : vector<16x1xi32> to vector<16xi32>
      %gather3A_535 = tpu.dynamic_gather %get3A_461[%gather3A_534] in [0] : vector<16xf32>, vector<16xi32> -> vector<16xf32>
      %get3A_536 = arith.index_cast %add3A_457 : i32 to index
      %get3A_537 = arith.constant 80 : index
      %get3A_538 = tpu.vector_load %arg20[%get3A_536, %get3A_537] {strides = array<i32>} : memref<40x128xf32, #tpu.memory_space<vmem>>, vector<1x16xf32>,
      %get3A_539 = vector.shape_cast %get3A_538 : vector<1x16xf32> to vector<16xf32>
      %mul3A_540 = arith.mulf %get3A_539, %gather3A_535 : vector<16xf32>
      %swap3A_541 = arith.index_cast %add3A_457 : i32 to index
      %swap3A_542 = arith.constant 80 : index
      %swap3A_543 = tpu.vector_load %arg20[%swap3A_541, %swap3A_542] {strides = array<i32>} : memref<40x128xf32, #tpu.memory_space<vmem>>, vector<1x16xf32>,
      %swap3A_544 = vector.shape_cast %swap3A_543 : vector<1x16xf32> to vector<16xf32>
      %swap3A_545 = vector.shape_cast %mul3A_540 : vector<16xf32> to vector<1x16xf32>
      tpu.vector_store %arg20[%swap3A_541, %swap3A_542], %swap3A_545 {strides = array<i32>} : memref<40x128xf32, #tpu.memory_space<vmem>>, vector<1x16xf32>,
      %broadcast_in_dim3A_546 = arith.constant 6 : i32
      %broadcast_in_dim3A_547 = vector.broadcast %broadcast_in_dim3A_546 : i32 to vector<16x1xi32>
      %gather3A_548 = vector.shape_cast %broadcast_in_dim3A_547 : vector<16x1xi32> to vector<16xi32>
      %gather3A_549 = tpu.dynamic_gather %get3A_461[%gather3A_548] in [0] : vector<16xf32>, vector<16xi32> -> vector<16xf32>
      %get3A_550 = arith.index_cast %add3A_457 : i32 to index
      %get3A_551 = arith.constant 96 : index
      %get3A_552 = tpu.vector_load %arg20[%get3A_550, %get3A_551] {strides = array<i32>} : memref<40x128xf32, #tpu.memory_space<vmem>>, vector<1x16xf32>,
      %get3A_553 = vector.shape_cast %get3A_552 : vector<1x16xf32> to vector<16xf32>
      %mul3A_554 = arith.mulf %get3A_553, %gather3A_549 : vector<16xf32>
      %swap3A_555 = arith.index_cast %add3A_457 : i32 to index
      %swap3A_556 = arith.constant 96 : index
      %swap3A_557 = tpu.vector_load %arg20[%swap3A_555, %swap3A_556] {strides = array<i32>} : memref<40x128xf32, #tpu.memory_space<vmem>>, vector<1x16xf32>,
      %swap3A_558 = vector.shape_cast %swap3A_557 : vector<1x16xf32> to vector<16xf32>
      %swap3A_559 = vector.shape_cast %mul3A_554 : vector<16xf32> to vector<1x16xf32>
      tpu.vector_store %arg20[%swap3A_555, %swap3A_556], %swap3A_559 {strides = array<i32>} : memref<40x128xf32, #tpu.memory_space<vmem>>, vector<1x16xf32>,
      %broadcast_in_dim3A_560 = arith.constant 7 : i32
      %broadcast_in_dim3A_561 = vector.broadcast %broadcast_in_dim3A_560 : i32 to vector<16x1xi32>
      %gather3A_562 = vector.shape_cast %broadcast_in_dim3A_561 : vector<16x1xi32> to vector<16xi32>
      %gather3A_563 = tpu.dynamic_gather %get3A_461[%gather3A_562] in [0] : vector<16xf32>, vector<16xi32> -> vector<16xf32>
      %get3A_564 = arith.index_cast %add3A_457 : i32 to index
      %get3A_565 = arith.constant 112 : index
      %get3A_566 = tpu.vector_load %arg20[%get3A_564, %get3A_565] {strides = array<i32>} : memref<40x128xf32, #tpu.memory_space<vmem>>, vector<1x16xf32>,
      %get3A_567 = vector.shape_cast %get3A_566 : vector<1x16xf32> to vector<16xf32>
      %mul3A_568 = arith.mulf %get3A_567, %gather3A_563 : vector<16xf32>
      %swap3A_569 = arith.index_cast %add3A_457 : i32 to index
      %swap3A_570 = arith.constant 112 : index
      %swap3A_571 = tpu.vector_load %arg20[%swap3A_569, %swap3A_570] {strides = array<i32>} : memref<40x128xf32, #tpu.memory_space<vmem>>, vector<1x16xf32>,
      %swap3A_572 = vector.shape_cast %swap3A_571 : vector<1x16xf32> to vector<16xf32>
      %swap3A_573 = vector.shape_cast %mul3A_568 : vector<16xf32> to vector<1x16xf32>
      tpu.vector_store %arg20[%swap3A_569, %swap3A_570], %swap3A_573 {strides = array<i32>} : memref<40x128xf32, #tpu.memory_space<vmem>>, vector<1x16xf32>,
      %mul3A_574 = arith.constant 4 : i32
      %mul3A_575 = arith.muli %scan3A_216, %mul3A_574 : i32
      %add3A_576 = arith.constant 3 : i32
      %add3A_577 = arith.addi %mul3A_575, %add3A_576 : i32
      %get3A_578 = arith.index_cast %add3A_577 : i32 to index
      %get3A_579 = arith.constant 0 : index
      %get3A_580 = tpu.vector_load %arg19[%get3A_578, %get3A_579] {strides = array<i32>} : memref<40x16xf32, #tpu.memory_space<vmem>>, vector<1x16xf32>,
      %get3A_581 = vector.shape_cast %get3A_580 : vector<1x16xf32> to vector<16xf32>
      %broadcast_in_dim3A_582 = arith.constant 0 : i32
      %broadcast_in_dim3A_583 = vector.broadcast %broadcast_in_dim3A_582 : i32 to vector<16x1xi32>
      %gather3A_584 = vector.shape_cast %broadcast_in_dim3A_583 : vector<16x1xi32> to vector<16xi32>
      %gather3A_585 = tpu.dynamic_gather %get3A_581[%gather3A_584] in [0] : vector<16xf32>, vector<16xi32> -> vector<16xf32>
      %get3A_586 = arith.index_cast %add3A_577 : i32 to index
      %get3A_587 = arith.constant 0 : index
      %get3A_588 = tpu.vector_load %arg20[%get3A_586, %get3A_587] {strides = array<i32>} : memref<40x128xf32, #tpu.memory_space<vmem>>, vector<1x16xf32>,
      %get3A_589 = vector.shape_cast %get3A_588 : vector<1x16xf32> to vector<16xf32>
      %mul3A_590 = arith.mulf %get3A_589, %gather3A_585 : vector<16xf32>
      %swap3A_591 = arith.index_cast %add3A_577 : i32 to index
      %swap3A_592 = arith.constant 0 : index
      %swap3A_593 = tpu.vector_load %arg20[%swap3A_591, %swap3A_592] {strides = array<i32>} : memref<40x128xf32, #tpu.memory_space<vmem>>, vector<1x16xf32>,
      %swap3A_594 = vector.shape_cast %swap3A_593 : vector<1x16xf32> to vector<16xf32>
      %swap3A_595 = vector.shape_cast %mul3A_590 : vector<16xf32> to vector<1x16xf32>
      tpu.vector_store %arg20[%swap3A_591, %swap3A_592], %swap3A_595 {strides = array<i32>} : memref<40x128xf32, #tpu.memory_space<vmem>>, vector<1x16xf32>,
      %broadcast_in_dim3A_596 = arith.constant 1 : i32
      %broadcast_in_dim3A_597 = vector.broadcast %broadcast_in_dim3A_596 : i32 to vector<16x1xi32>
      %gather3A_598 = vector.shape_cast %broadcast_in_dim3A_597 : vector<16x1xi32> to vector<16xi32>
      %gather3A_599 = tpu.dynamic_gather %get3A_581[%gather3A_598] in [0] : vector<16xf32>, vector<16xi32> -> vector<16xf32>
      %get3A_600 = arith.index_cast %add3A_577 : i32 to index
      %get3A_601 = arith.constant 16 : index
      %get3A_602 = tpu.vector_load %arg20[%get3A_600, %get3A_601] {strides = array<i32>} : memref<40x128xf32, #tpu.memory_space<vmem>>, vector<1x16xf32>,
      %get3A_603 = vector.shape_cast %get3A_602 : vector<1x16xf32> to vector<16xf32>
      %mul3A_604 = arith.mulf %get3A_603, %gather3A_599 : vector<16xf32>
      %swap3A_605 = arith.index_cast %add3A_577 : i32 to index
      %swap3A_606 = arith.constant 16 : index
      %swap3A_607 = tpu.vector_load %arg20[%swap3A_605, %swap3A_606] {strides = array<i32>} : memref<40x128xf32, #tpu.memory_space<vmem>>, vector<1x16xf32>,
      %swap3A_608 = vector.shape_cast %swap3A_607 : vector<1x16xf32> to vector<16xf32>
      %swap3A_609 = vector.shape_cast %mul3A_604 : vector<16xf32> to vector<1x16xf32>
      tpu.vector_store %arg20[%swap3A_605, %swap3A_606], %swap3A_609 {strides = array<i32>} : memref<40x128xf32, #tpu.memory_space<vmem>>, vector<1x16xf32>,
      %broadcast_in_dim3A_610 = arith.constant 2 : i32
      %broadcast_in_dim3A_611 = vector.broadcast %broadcast_in_dim3A_610 : i32 to vector<16x1xi32>
      %gather3A_612 = vector.shape_cast %broadcast_in_dim3A_611 : vector<16x1xi32> to vector<16xi32>
      %gather3A_613 = tpu.dynamic_gather %get3A_581[%gather3A_612] in [0] : vector<16xf32>, vector<16xi32> -> vector<16xf32>
      %get3A_614 = arith.index_cast %add3A_577 : i32 to index
      %get3A_615 = arith.constant 32 : index
      %get3A_616 = tpu.vector_load %arg20[%get3A_614, %get3A_615] {strides = array<i32>} : memref<40x128xf32, #tpu.memory_space<vmem>>, vector<1x16xf32>,
      %get3A_617 = vector.shape_cast %get3A_616 : vector<1x16xf32> to vector<16xf32>
      %mul3A_618 = arith.mulf %get3A_617, %gather3A_613 : vector<16xf32>
      %swap3A_619 = arith.index_cast %add3A_577 : i32 to index
      %swap3A_620 = arith.constant 32 : index
      %swap3A_621 = tpu.vector_load %arg20[%swap3A_619, %swap3A_620] {strides = array<i32>} : memref<40x128xf32, #tpu.memory_space<vmem>>, vector<1x16xf32>,
      %swap3A_622 = vector.shape_cast %swap3A_621 : vector<1x16xf32> to vector<16xf32>
      %swap3A_623 = vector.shape_cast %mul3A_618 : vector<16xf32> to vector<1x16xf32>
      tpu.vector_store %arg20[%swap3A_619, %swap3A_620], %swap3A_623 {strides = array<i32>} : memref<40x128xf32, #tpu.memory_space<vmem>>, vector<1x16xf32>,
      %broadcast_in_dim3A_624 = arith.constant 3 : i32
      %broadcast_in_dim3A_625 = vector.broadcast %broadcast_in_dim3A_624 : i32 to vector<16x1xi32>
      %gather3A_626 = vector.shape_cast %broadcast_in_dim3A_625 : vector<16x1xi32> to vector<16xi32>
      %gather3A_627 = tpu.dynamic_gather %get3A_581[%gather3A_626] in [0] : vector<16xf32>, vector<16xi32> -> vector<16xf32>
      %get3A_628 = arith.index_cast %add3A_577 : i32 to index
      %get3A_629 = arith.constant 48 : index
      %get3A_630 = tpu.vector_load %arg20[%get3A_628, %get3A_629] {strides = array<i32>} : memref<40x128xf32, #tpu.memory_space<vmem>>, vector<1x16xf32>,
      %get3A_631 = vector.shape_cast %get3A_630 : vector<1x16xf32> to vector<16xf32>
      %mul3A_632 = arith.mulf %get3A_631, %gather3A_627 : vector<16xf32>
      %swap3A_633 = arith.index_cast %add3A_577 : i32 to index
      %swap3A_634 = arith.constant 48 : index
      %swap3A_635 = tpu.vector_load %arg20[%swap3A_633, %swap3A_634] {strides = array<i32>} : memref<40x128xf32, #tpu.memory_space<vmem>>, vector<1x16xf32>,
      %swap3A_636 = vector.shape_cast %swap3A_635 : vector<1x16xf32> to vector<16xf32>
      %swap3A_637 = vector.shape_cast %mul3A_632 : vector<16xf32> to vector<1x16xf32>
      tpu.vector_store %arg20[%swap3A_633, %swap3A_634], %swap3A_637 {strides = array<i32>} : memref<40x128xf32, #tpu.memory_space<vmem>>, vector<1x16xf32>,
      %broadcast_in_dim3A_638 = arith.constant 4 : i32
      %broadcast_in_dim3A_639 = vector.broadcast %broadcast_in_dim3A_638 : i32 to vector<16x1xi32>
      %gather3A_640 = vector.shape_cast %broadcast_in_dim3A_639 : vector<16x1xi32> to vector<16xi32>
      %gather3A_641 = tpu.dynamic_gather %get3A_581[%gather3A_640] in [0] : vector<16xf32>, vector<16xi32> -> vector<16xf32>
      %get3A_642 = arith.index_cast %add3A_577 : i32 to index
      %get3A_643 = arith.constant 64 : index
      %get3A_644 = tpu.vector_load %arg20[%get3A_642, %get3A_643] {strides = array<i32>} : memref<40x128xf32, #tpu.memory_space<vmem>>, vector<1x16xf32>,
      %get3A_645 = vector.shape_cast %get3A_644 : vector<1x16xf32> to vector<16xf32>
      %mul3A_646 = arith.mulf %get3A_645, %gather3A_641 : vector<16xf32>
      %swap3A_647 = arith.index_cast %add3A_577 : i32 to index
      %swap3A_648 = arith.constant 64 : index
      %swap3A_649 = tpu.vector_load %arg20[%swap3A_647, %swap3A_648] {strides = array<i32>} : memref<40x128xf32, #tpu.memory_space<vmem>>, vector<1x16xf32>,
      %swap3A_650 = vector.shape_cast %swap3A_649 : vector<1x16xf32> to vector<16xf32>
      %swap3A_651 = vector.shape_cast %mul3A_646 : vector<16xf32> to vector<1x16xf32>
      tpu.vector_store %arg20[%swap3A_647, %swap3A_648], %swap3A_651 {strides = array<i32>} : memref<40x128xf32, #tpu.memory_space<vmem>>, vector<1x16xf32>,
      %broadcast_in_dim3A_652 = arith.constant 5 : i32
      %broadcast_in_dim3A_653 = vector.broadcast %broadcast_in_dim3A_652 : i32 to vector<16x1xi32>
      %gather3A_654 = vector.shape_cast %broadcast_in_dim3A_653 : vector<16x1xi32> to vector<16xi32>
      %gather3A_655 = tpu.dynamic_gather %get3A_581[%gather3A_654] in [0] : vector<16xf32>, vector<16xi32> -> vector<16xf32>
      %get3A_656 = arith.index_cast %add3A_577 : i32 to index
      %get3A_657 = arith.constant 80 : index
      %get3A_658 = tpu.vector_load %arg20[%get3A_656, %get3A_657] {strides = array<i32>} : memref<40x128xf32, #tpu.memory_space<vmem>>, vector<1x16xf32>,
      %get3A_659 = vector.shape_cast %get3A_658 : vector<1x16xf32> to vector<16xf32>
      %mul3A_660 = arith.mulf %get3A_659, %gather3A_655 : vector<16xf32>
      %swap3A_661 = arith.index_cast %add3A_577 : i32 to index
      %swap3A_662 = arith.constant 80 : index
      %swap3A_663 = tpu.vector_load %arg20[%swap3A_661, %swap3A_662] {strides = array<i32>} : memref<40x128xf32, #tpu.memory_space<vmem>>, vector<1x16xf32>,
      %swap3A_664 = vector.shape_cast %swap3A_663 : vector<1x16xf32> to vector<16xf32>
      %swap3A_665 = vector.shape_cast %mul3A_660 : vector<16xf32> to vector<1x16xf32>
      tpu.vector_store %arg20[%swap3A_661, %swap3A_662], %swap3A_665 {strides = array<i32>} : memref<40x128xf32, #tpu.memory_space<vmem>>, vector<1x16xf32>,
      %broadcast_in_dim3A_666 = arith.constant 6 : i32
      %broadcast_in_dim3A_667 = vector.broadcast %broadcast_in_dim3A_666 : i32 to vector<16x1xi32>
      %gather3A_668 = vector.shape_cast %broadcast_in_dim3A_667 : vector<16x1xi32> to vector<16xi32>
      %gather3A_669 = tpu.dynamic_gather %get3A_581[%gather3A_668] in [0] : vector<16xf32>, vector<16xi32> -> vector<16xf32>
      %get3A_670 = arith.index_cast %add3A_577 : i32 to index
      %get3A_671 = arith.constant 96 : index
      %get3A_672 = tpu.vector_load %arg20[%get3A_670, %get3A_671] {strides = array<i32>} : memref<40x128xf32, #tpu.memory_space<vmem>>, vector<1x16xf32>,
      %get3A_673 = vector.shape_cast %get3A_672 : vector<1x16xf32> to vector<16xf32>
      %mul3A_674 = arith.mulf %get3A_673, %gather3A_669 : vector<16xf32>
      %swap3A_675 = arith.index_cast %add3A_577 : i32 to index
      %swap3A_676 = arith.constant 96 : index
      %swap3A_677 = tpu.vector_load %arg20[%swap3A_675, %swap3A_676] {strides = array<i32>} : memref<40x128xf32, #tpu.memory_space<vmem>>, vector<1x16xf32>,
      %swap3A_678 = vector.shape_cast %swap3A_677 : vector<1x16xf32> to vector<16xf32>
      %swap3A_679 = vector.shape_cast %mul3A_674 : vector<16xf32> to vector<1x16xf32>
      tpu.vector_store %arg20[%swap3A_675, %swap3A_676], %swap3A_679 {strides = array<i32>} : memref<40x128xf32, #tpu.memory_space<vmem>>, vector<1x16xf32>,
      %broadcast_in_dim3A_680 = arith.constant 7 : i32
      %broadcast_in_dim3A_681 = vector.broadcast %broadcast_in_dim3A_680 : i32 to vector<16x1xi32>
      %gather3A_682 = vector.shape_cast %broadcast_in_dim3A_681 : vector<16x1xi32> to vector<16xi32>
      %gather3A_683 = tpu.dynamic_gather %get3A_581[%gather3A_682] in [0] : vector<16xf32>, vector<16xi32> -> vector<16xf32>
      %get3A_684 = arith.index_cast %add3A_577 : i32 to index
      %get3A_685 = arith.constant 112 : index
      %get3A_686 = tpu.vector_load %arg20[%get3A_684, %get3A_685] {strides = array<i32>} : memref<40x128xf32, #tpu.memory_space<vmem>>, vector<1x16xf32>,
      %get3A_687 = vector.shape_cast %get3A_686 : vector<1x16xf32> to vector<16xf32>
      %mul3A_688 = arith.mulf %get3A_687, %gather3A_683 : vector<16xf32>
      %swap3A_689 = arith.index_cast %add3A_577 : i32 to index
      %swap3A_690 = arith.constant 112 : index
      %swap3A_691 = tpu.vector_load %arg20[%swap3A_689, %swap3A_690] {strides = array<i32>} : memref<40x128xf32, #tpu.memory_space<vmem>>, vector<1x16xf32>,
      %swap3A_692 = vector.shape_cast %swap3A_691 : vector<1x16xf32> to vector<16xf32>
      %swap3A_693 = vector.shape_cast %mul3A_688 : vector<16xf32> to vector<1x16xf32>
      tpu.vector_store %arg20[%swap3A_689, %swap3A_690], %swap3A_693 {strides = array<i32>} : memref<40x128xf32, #tpu.memory_space<vmem>>, vector<1x16xf32>,
      %scan3A_694 = arith.constant 0 : i32
      scf.yield %scan3A_694 : i32
    }
    %scan3A_162 = arith.constant 10 : i32
    %dma_start3A_163 = arith.constant 249 : i32
    %dma_start3A_164 = arith.constant 0 : i32
    %dma_start3A_165 = tpu.memref_slice %arg12[%dma_start3A_163, %dma_start3A_164] : memref<250x40xi32, #tpu.memory_space<vmem>> -> memref<1x40xi32, #tpu.memory_space<vmem>>
    %dma_start3A_166 = tpu.memref_squeeze %dma_start3A_165 : memref<1x40xi32, #tpu.memory_space<vmem>> -> memref<40xi32, #tpu.memory_space<vmem>>
    %dma_start3A_167 = arith.constant 0 : i32
    %dma_start3A_168 = arith.constant 0 : i32
    %dma_start3A_169 = tpu.memref_slice %arg21[%dma_start3A_167, %dma_start3A_168] : memref<10000x128xf32, #tpu.memory_space<vmem_shared>> -> memref<10000x128xf32, #tpu.memory_space<vmem_shared>>
    tpu.enqueue_indirect_dma source(%arg20 : memref<40x128xf32, #tpu.memory_space<vmem>>) target(%dma_start3A_169 : memref<10000x128xf32, #tpu.memory_space<vmem_shared>>) offsets(%dma_start3A_166 : memref<40xi32, #tpu.memory_space<vmem>>) semaphore(%arg31 : memref<!tpu.dma_semaphore, #tpu.memory_space<semaphore_mem>>) {add = true}
    %dma_start3A_170 = arith.constant 249 : i32
    %dma_start3A_171 = arith.constant 0 : i32
    %dma_start3A_172 = tpu.memref_slice %arg12[%dma_start3A_170, %dma_start3A_171] : memref<250x40xi32, #tpu.memory_space<vmem>> -> memref<1x40xi32, #tpu.memory_space<vmem>>
    %dma_start3A_173 = tpu.memref_squeeze %dma_start3A_172 : memref<1x40xi32, #tpu.memory_space<vmem>> -> memref<40xi32, #tpu.memory_space<vmem>>
    %dma_start3A_174 = arith.constant 0 : i32
    %dma_start3A_175 = arith.constant 0 : i32
    %dma_start3A_176 = tpu.memref_slice %arg22[%dma_start3A_174, %dma_start3A_175] : memref<10000x16xf32, #tpu.memory_space<vmem_shared>> -> memref<10000x16xf32, #tpu.memory_space<vmem_shared>>
    tpu.enqueue_indirect_dma source(%arg19 : memref<40x16xf32, #tpu.memory_space<vmem>>) target(%dma_start3A_176 : memref<10000x16xf32, #tpu.memory_space<vmem_shared>>) offsets(%dma_start3A_173 : memref<40xi32, #tpu.memory_space<vmem>>) semaphore(%arg32 : memref<!tpu.dma_semaphore, #tpu.memory_space<semaphore_mem>>) {add = true}
    %dma_wait3A_177 = arith.constant 248 : i32
    %dma_wait3A_178 = arith.constant 0 : i32
    %dma_wait3A_179 = tpu.memref_slice %arg12[%dma_wait3A_177, %dma_wait3A_178] : memref<250x40xi32, #tpu.memory_space<vmem>> -> memref<1x40xi32, #tpu.memory_space<vmem>>
    %dma_wait3A_180 = tpu.memref_squeeze %dma_wait3A_179 : memref<1x40xi32, #tpu.memory_space<vmem>> -> memref<40xi32, #tpu.memory_space<vmem>>
    %dma_wait3A_181 = arith.constant 0 : i32
    %dma_wait3A_182 = arith.constant 0 : i32
    %dma_wait3A_183 = tpu.memref_slice %arg21[%dma_wait3A_181, %dma_wait3A_182] : memref<10000x128xf32, #tpu.memory_space<vmem_shared>> -> memref<10000x128xf32, #tpu.memory_space<vmem_shared>>
    tpu.wait_indirect_dma semaphore(%arg26 : memref<!tpu.dma_semaphore, #tpu.memory_space<semaphore_mem>>) src(%arg16 : memref<40x128xf32, #tpu.memory_space<vmem>>) dst(%dma_wait3A_183 : memref<10000x128xf32, #tpu.memory_space<vmem_shared>>)
    %dma_wait3A_184 = arith.constant 248 : i32
    %dma_wait3A_185 = arith.constant 0 : i32
    %dma_wait3A_186 = tpu.memref_slice %arg12[%dma_wait3A_184, %dma_wait3A_185] : memref<250x40xi32, #tpu.memory_space<vmem>> -> memref<1x40xi32, #tpu.memory_space<vmem>>
    %dma_wait3A_187 = tpu.memref_squeeze %dma_wait3A_186 : memref<1x40xi32, #tpu.memory_space<vmem>> -> memref<40xi32, #tpu.memory_space<vmem>>
    %dma_wait3A_188 = arith.constant 0 : i32
    %dma_wait3A_189 = arith.constant 0 : i32
    %dma_wait3A_190 = tpu.memref_slice %arg22[%dma_wait3A_188, %dma_wait3A_189] : memref<10000x16xf32, #tpu.memory_space<vmem_shared>> -> memref<10000x16xf32, #tpu.memory_space<vmem_shared>>
    tpu.wait_indirect_dma semaphore(%arg27 : memref<!tpu.dma_semaphore, #tpu.memory_space<semaphore_mem>>) src(%arg15 : memref<40x16xf32, #tpu.memory_space<vmem>>) dst(%dma_wait3A_190 : memref<10000x16xf32, #tpu.memory_space<vmem_shared>>)
    %dma_wait3A_191 = arith.constant 249 : i32
    %dma_wait3A_192 = arith.constant 0 : i32
    %dma_wait3A_193 = tpu.memref_slice %arg12[%dma_wait3A_191, %dma_wait3A_192] : memref<250x40xi32, #tpu.memory_space<vmem>> -> memref<1x40xi32, #tpu.memory_space<vmem>>
    %dma_wait3A_194 = tpu.memref_squeeze %dma_wait3A_193 : memref<1x40xi32, #tpu.memory_space<vmem>> -> memref<40xi32, #tpu.memory_space<vmem>>
    %dma_wait3A_195 = arith.constant 0 : i32
    %dma_wait3A_196 = arith.constant 0 : i32
    %dma_wait3A_197 = tpu.memref_slice %arg21[%dma_wait3A_195, %dma_wait3A_196] : memref<10000x128xf32, #tpu.memory_space<vmem_shared>> -> memref<10000x128xf32, #tpu.memory_space<vmem_shared>>
    tpu.wait_indirect_dma semaphore(%arg31 : memref<!tpu.dma_semaphore, #tpu.memory_space<semaphore_mem>>) src(%arg20 : memref<40x128xf32, #tpu.memory_space<vmem>>) dst(%dma_wait3A_197 : memref<10000x128xf32, #tpu.memory_space<vmem_shared>>)
    %dma_wait3A_198 = arith.constant 249 : i32
    %dma_wait3A_199 = arith.constant 0 : i32
    %dma_wait3A_200 = tpu.memref_slice %arg12[%dma_wait3A_198, %dma_wait3A_199] : memref<250x40xi32, #tpu.memory_space<vmem>> -> memref<1x40xi32, #tpu.memory_space<vmem>>
    %dma_wait3A_201 = tpu.memref_squeeze %dma_wait3A_200 : memref<1x40xi32, #tpu.memory_space<vmem>> -> memref<40xi32, #tpu.memory_space<vmem>>
    %dma_wait3A_202 = arith.constant 0 : i32
    %dma_wait3A_203 = arith.constant 0 : i32
    %dma_wait3A_204 = tpu.memref_slice %arg22[%dma_wait3A_202, %dma_wait3A_203] : memref<10000x16xf32, #tpu.memory_space<vmem_shared>> -> memref<10000x16xf32, #tpu.memory_space<vmem_shared>>
    tpu.wait_indirect_dma semaphore(%arg32 : memref<!tpu.dma_semaphore, #tpu.memory_space<semaphore_mem>>) src(%arg19 : memref<40x16xf32, #tpu.memory_space<vmem>>) dst(%dma_wait3A_204 : memref<10000x16xf32, #tpu.memory_space<vmem_shared>>)
    %barrier3A_205 = arith.constant 0 : index
    tpu.barrier barrier_id(%barrier3A_205)
    %lt3A_206 = arith.constant 15 : i32
    %lt3A_207 = arith.cmpi slt, %arg1, %lt3A_206 : i32
    %convert_element_type3A_208 = arith.extui %lt3A_207 : i1 to i32
    %cond3A_209 = arith.constant 0 : i32
    %cond3A_210 = arith.cmpi ne, %convert_element_type3A_208, %cond3A_209 : i32
    scf.if %cond3A_210 {
      "tpu.region"() ({
        %run_scoped3A = tpu.sem_alloc : memref<!tpu.dma_semaphore, #tpu.memory_space<semaphore_mem>>
        %dma_start3A_216 = arith.constant 0 : i32
        %dma_start3A_217 = tpu.memref_slice %arg9[%arg0, %mul3A_2, %dma_start3A_216] : memref<2x10000x128xf32, #tpu.memory_space<hbm>> -> memref<1x624x128xf32, #tpu.memory_space<hbm>>
        %dma_start3A_218 = tpu.memref_squeeze %dma_start3A_217 : memref<1x624x128xf32, #tpu.memory_space<hbm>> -> memref<624x128xf32, #tpu.memory_space<hbm>>
        %dma_start3A_219 = arith.constant 0 : i32
        %dma_start3A_220 = tpu.memref_slice %arg21[%mul3A_2, %dma_start3A_219] : memref<10000x128xf32, #tpu.memory_space<vmem_shared>> -> memref<624x128xf32, #tpu.memory_space<vmem_shared>>
        tpu.enqueue_dma source(%dma_start3A_220 : memref<624x128xf32, #tpu.memory_space<vmem_shared>>) target(%dma_start3A_218 : memref<624x128xf32, #tpu.memory_space<hbm>>) target_semaphore(%run_scoped3A : memref<!tpu.dma_semaphore, #tpu.memory_space<semaphore_mem>>)
        %dma_wait3A_221 = arith.constant 0 : i32
        %dma_wait3A_222 = tpu.memref_slice %arg9[%arg0, %mul3A_2, %dma_wait3A_221] : memref<2x10000x128xf32, #tpu.memory_space<hbm>> -> memref<1x624x128xf32, #tpu.memory_space<hbm>>
        %dma_wait3A_223 = tpu.memref_squeeze %dma_wait3A_222 : memref<1x624x128xf32, #tpu.memory_space<hbm>> -> memref<624x128xf32, #tpu.memory_space<hbm>>
        %dma_wait3A_224 = arith.constant 0 : i32
        %dma_wait3A_225 = tpu.memref_slice %arg21[%mul3A_2, %dma_wait3A_224] : memref<10000x128xf32, #tpu.memory_space<vmem_shared>> -> memref<624x128xf32, #tpu.memory_space<vmem_shared>>
        tpu.wait_dma2 semaphore(%run_scoped3A : memref<!tpu.dma_semaphore, #tpu.memory_space<semaphore_mem>>) src(%dma_wait3A_225 : memref<624x128xf32, #tpu.memory_space<vmem_shared>>) dst(%dma_wait3A_223 : memref<624x128xf32, #tpu.memory_space<hbm>>)
        tpu.yield
      }) : () -> ()
      "tpu.region"() ({
        %run_scoped3A = tpu.sem_alloc : memref<!tpu.dma_semaphore, #tpu.memory_space<semaphore_mem>>
        %dma_start3A_216 = arith.constant 0 : i32
        %dma_start3A_217 = tpu.memref_slice %arg10[%arg0, %mul3A_2, %dma_start3A_216] : memref<2x10000x16xf32, #tpu.memory_space<hbm>> -> memref<1x624x16xf32, #tpu.memory_space<hbm>>
        %dma_start3A_218 = tpu.memref_squeeze %dma_start3A_217 : memref<1x624x16xf32, #tpu.memory_space<hbm>> -> memref<624x16xf32, #tpu.memory_space<hbm>>
        %dma_start3A_219 = arith.constant 0 : i32
        %dma_start3A_220 = tpu.memref_slice %arg22[%mul3A_2, %dma_start3A_219] : memref<10000x16xf32, #tpu.memory_space<vmem_shared>> -> memref<624x16xf32, #tpu.memory_space<vmem_shared>>
        tpu.enqueue_dma source(%dma_start3A_220 : memref<624x16xf32, #tpu.memory_space<vmem_shared>>) target(%dma_start3A_218 : memref<624x16xf32, #tpu.memory_space<hbm>>) target_semaphore(%run_scoped3A : memref<!tpu.dma_semaphore, #tpu.memory_space<semaphore_mem>>)
        %dma_wait3A_221 = arith.constant 0 : i32
        %dma_wait3A_222 = tpu.memref_slice %arg10[%arg0, %mul3A_2, %dma_wait3A_221] : memref<2x10000x16xf32, #tpu.memory_space<hbm>> -> memref<1x624x16xf32, #tpu.memory_space<hbm>>
        %dma_wait3A_223 = tpu.memref_squeeze %dma_wait3A_222 : memref<1x624x16xf32, #tpu.memory_space<hbm>> -> memref<624x16xf32, #tpu.memory_space<hbm>>
        %dma_wait3A_224 = arith.constant 0 : i32
        %dma_wait3A_225 = tpu.memref_slice %arg22[%mul3A_2, %dma_wait3A_224] : memref<10000x16xf32, #tpu.memory_space<vmem_shared>> -> memref<624x16xf32, #tpu.memory_space<vmem_shared>>
        tpu.wait_dma2 semaphore(%run_scoped3A : memref<!tpu.dma_semaphore, #tpu.memory_space<semaphore_mem>>) src(%dma_wait3A_225 : memref<624x16xf32, #tpu.memory_space<vmem_shared>>) dst(%dma_wait3A_223 : memref<624x16xf32, #tpu.memory_space<hbm>>)
        tpu.yield
      }) : () -> ()
    } else {
    }
    %eq3A_211 = arith.constant 15 : i32
    %eq3A_212 = arith.cmpi eq, %arg1, %eq3A_211 : i32
    %convert_element_type3A_213 = arith.extui %eq3A_212 : i1 to i32
    %cond3A_214 = arith.constant 0 : i32
    %cond3A_215 = arith.cmpi ne, %convert_element_type3A_213, %cond3A_214 : i32
    scf.if %cond3A_215 {
      "tpu.region"() ({
        %run_scoped3A = tpu.sem_alloc : memref<!tpu.dma_semaphore, #tpu.memory_space<semaphore_mem>>
        %dma_start3A_216 = arith.constant 9360 : i32
        %dma_start3A_217 = arith.constant 0 : i32
        %dma_start3A_218 = tpu.memref_slice %arg9[%arg0, %dma_start3A_216, %dma_start3A_217] : memref<2x10000x128xf32, #tpu.memory_space<hbm>> -> memref<1x640x128xf32, #tpu.memory_space<hbm>>
        %dma_start3A_219 = tpu.memref_squeeze %dma_start3A_218 : memref<1x640x128xf32, #tpu.memory_space<hbm>> -> memref<640x128xf32, #tpu.memory_space<hbm>>
        %dma_start3A_220 = arith.constant 9360 : i32
        %dma_start3A_221 = arith.constant 0 : i32
        %dma_start3A_222 = tpu.memref_slice %arg21[%dma_start3A_220, %dma_start3A_221] : memref<10000x128xf32, #tpu.memory_space<vmem_shared>> -> memref<640x128xf32, #tpu.memory_space<vmem_shared>>
        tpu.enqueue_dma source(%dma_start3A_222 : memref<640x128xf32, #tpu.memory_space<vmem_shared>>) target(%dma_start3A_219 : memref<640x128xf32, #tpu.memory_space<hbm>>) target_semaphore(%run_scoped3A : memref<!tpu.dma_semaphore, #tpu.memory_space<semaphore_mem>>)
        %dma_wait3A_223 = arith.constant 9360 : i32
        %dma_wait3A_224 = arith.constant 0 : i32
        %dma_wait3A_225 = tpu.memref_slice %arg9[%arg0, %dma_wait3A_223, %dma_wait3A_224] : memref<2x10000x128xf32, #tpu.memory_space<hbm>> -> memref<1x640x128xf32, #tpu.memory_space<hbm>>
        %dma_wait3A_226 = tpu.memref_squeeze %dma_wait3A_225 : memref<1x640x128xf32, #tpu.memory_space<hbm>> -> memref<640x128xf32, #tpu.memory_space<hbm>>
        %dma_wait3A_227 = arith.constant 9360 : i32
        %dma_wait3A_228 = arith.constant 0 : i32
        %dma_wait3A_229 = tpu.memref_slice %arg21[%dma_wait3A_227, %dma_wait3A_228] : memref<10000x128xf32, #tpu.memory_space<vmem_shared>> -> memref<640x128xf32, #tpu.memory_space<vmem_shared>>
        tpu.wait_dma2 semaphore(%run_scoped3A : memref<!tpu.dma_semaphore, #tpu.memory_space<semaphore_mem>>) src(%dma_wait3A_229 : memref<640x128xf32, #tpu.memory_space<vmem_shared>>) dst(%dma_wait3A_226 : memref<640x128xf32, #tpu.memory_space<hbm>>)
        tpu.yield
      }) : () -> ()
      "tpu.region"() ({
        %run_scoped3A = tpu.sem_alloc : memref<!tpu.dma_semaphore, #tpu.memory_space<semaphore_mem>>
        %dma_start3A_216 = arith.constant 9360 : i32
        %dma_start3A_217 = arith.constant 0 : i32
        %dma_start3A_218 = tpu.memref_slice %arg10[%arg0, %dma_start3A_216, %dma_start3A_217] : memref<2x10000x16xf32, #tpu.memory_space<hbm>> -> memref<1x640x16xf32, #tpu.memory_space<hbm>>
        %dma_start3A_219 = tpu.memref_squeeze %dma_start3A_218 : memref<1x640x16xf32, #tpu.memory_space<hbm>> -> memref<640x16xf32, #tpu.memory_space<hbm>>
        %dma_start3A_220 = arith.constant 9360 : i32
        %dma_start3A_221 = arith.constant 0 : i32
        %dma_start3A_222 = tpu.memref_slice %arg22[%dma_start3A_220, %dma_start3A_221] : memref<10000x16xf32, #tpu.memory_space<vmem_shared>> -> memref<640x16xf32, #tpu.memory_space<vmem_shared>>
        tpu.enqueue_dma source(%dma_start3A_222 : memref<640x16xf32, #tpu.memory_space<vmem_shared>>) target(%dma_start3A_219 : memref<640x16xf32, #tpu.memory_space<hbm>>) target_semaphore(%run_scoped3A : memref<!tpu.dma_semaphore, #tpu.memory_space<semaphore_mem>>)
        %dma_wait3A_223 = arith.constant 9360 : i32
        %dma_wait3A_224 = arith.constant 0 : i32
        %dma_wait3A_225 = tpu.memref_slice %arg10[%arg0, %dma_wait3A_223, %dma_wait3A_224] : memref<2x10000x16xf32, #tpu.memory_space<hbm>> -> memref<1x640x16xf32, #tpu.memory_space<hbm>>
        %dma_wait3A_226 = tpu.memref_squeeze %dma_wait3A_225 : memref<1x640x16xf32, #tpu.memory_space<hbm>> -> memref<640x16xf32, #tpu.memory_space<hbm>>
        %dma_wait3A_227 = arith.constant 9360 : i32
        %dma_wait3A_228 = arith.constant 0 : i32
        %dma_wait3A_229 = tpu.memref_slice %arg22[%dma_wait3A_227, %dma_wait3A_228] : memref<10000x16xf32, #tpu.memory_space<vmem_shared>> -> memref<640x16xf32, #tpu.memory_space<vmem_shared>>
        tpu.wait_dma2 semaphore(%run_scoped3A : memref<!tpu.dma_semaphore, #tpu.memory_space<semaphore_mem>>) src(%dma_wait3A_229 : memref<640x16xf32, #tpu.memory_space<vmem_shared>>) dst(%dma_wait3A_226 : memref<640x16xf32, #tpu.memory_space<hbm>>)
        tpu.yield
      }) : () -> ()
    } else {
    }
    return
  }
}

module attributes {stable_mosaic.version = 14 : i64} {
  func.func @_embed_body(%arg0: i32, %arg1: memref<1000x128xf32, #tpu.memory_space<vmem>>, %arg2: memref<128x128xf32, #tpu.memory_space<vmem>>, %arg3: memref<128x16xf32, #tpu.memory_space<vmem>>, %arg4: memref<128x16xf32, #tpu.memory_space<vmem>>, %arg5: memref<1000x128xf32, #tpu.memory_space<vmem>>, %arg6: memref<1000x16xf32, #tpu.memory_space<vmem>>, %arg7: memref<1000x16xf32, #tpu.memory_space<vmem>>) attributes {dimension_semantics = [#tpu.dimension_semantics<arbitrary>], iteration_bounds = array<i64: 10>, scalar_prefetch = 0 : i64, scratch_operands = 0 : i64, tpu.core_type = #tpu.core_type<tc>, window_params = [{transform_indices = @transform_0, window_bounds = array<i64: 1000, 128>}, {pipeline_mode = #tpu.pipeline_mode<synchronous>, transform_indices = @transform_1, window_bounds = array<i64: 128, 128>}, {pipeline_mode = #tpu.pipeline_mode<synchronous>, transform_indices = @transform_2, window_bounds = array<i64: 128, 16>}, {pipeline_mode = #tpu.pipeline_mode<synchronous>, transform_indices = @transform_3, window_bounds = array<i64: 128, 16>}, {transform_indices = @transform_4, window_bounds = array<i64: 1000, 128>}, {transform_indices = @transform_5, window_bounds = array<i64: 1000, 16>}, {transform_indices = @transform_6, window_bounds = array<i64: 1000, 16>}]} {
    %get3A = arith.constant 0 : index
    %get3A_0 = arith.constant 0 : index
    %get3A_1 = vector.load %arg1[%get3A, %get3A_0] : memref<1000x128xf32, #tpu.memory_space<vmem>>, vector<1000x128xf32>
    %get3A_2 = arith.constant 0 : index
    %get3A_3 = arith.constant 0 : index
    %get3A_4 = vector.load %arg2[%get3A_2, %get3A_3] : memref<128x128xf32, #tpu.memory_space<vmem>>, vector<128x128xf32>
    %dot_general3A = arith.constant dense<0.000000e+00> : vector<1000x128xf32>
    %dot_general3A_5 = tpu.matmul %get3A_1, %get3A_4, %dot_general3A {dimension_numbers = #tpu.dot_dimension_numbers<[1], [0], [0], [1], [0, 0, 1, 1], [], []>, transpose_lhs_hint = false} : vector<1000x128xf32>, vector<128x128xf32>, vector<1000x128xf32> -> vector<1000x128xf32>
    %swap3A = arith.constant 0 : index
    %swap3A_6 = arith.constant 0 : index
    %swap3A_7 = vector.load %arg5[%swap3A, %swap3A_6] : memref<1000x128xf32, #tpu.memory_space<vmem>>, vector<1000x128xf32>
    tpu.vector_store %arg5[%swap3A, %swap3A_6], %dot_general3A_5 {strides = array<i32>} : memref<1000x128xf32, #tpu.memory_space<vmem>>, vector<1000x128xf32>,
    %get3A_8 = arith.constant 0 : index
    %get3A_9 = arith.constant 0 : index
    %get3A_10 = vector.load %arg3[%get3A_8, %get3A_9] : memref<128x16xf32, #tpu.memory_space<vmem>>, vector<128x16xf32>
    %dot_general3A_11 = arith.constant dense<0.000000e+00> : vector<1000x16xf32>
    %dot_general3A_12 = tpu.matmul %dot_general3A_5, %get3A_10, %dot_general3A_11 {dimension_numbers = #tpu.dot_dimension_numbers<[1], [0], [0], [1], [0, 0, 1, 1], [], []>, transpose_lhs_hint = false} : vector<1000x128xf32>, vector<128x16xf32>, vector<1000x16xf32> -> vector<1000x16xf32>
    %swap3A_13 = arith.constant 0 : index
    %swap3A_14 = arith.constant 0 : index
    %swap3A_15 = vector.load %arg6[%swap3A_13, %swap3A_14] : memref<1000x16xf32, #tpu.memory_space<vmem>>, vector<1000x16xf32>
    tpu.vector_store %arg6[%swap3A_13, %swap3A_14], %dot_general3A_12 {strides = array<i32>} : memref<1000x16xf32, #tpu.memory_space<vmem>>, vector<1000x16xf32>,
    %get3A_16 = arith.constant 0 : index
    %get3A_17 = arith.constant 0 : index
    %get3A_18 = vector.load %arg4[%get3A_16, %get3A_17] : memref<128x16xf32, #tpu.memory_space<vmem>>, vector<128x16xf32>
    %dot_general3A_19 = arith.constant dense<0.000000e+00> : vector<1000x16xf32>
    %dot_general3A_20 = tpu.matmul %dot_general3A_5, %get3A_18, %dot_general3A_19 {dimension_numbers = #tpu.dot_dimension_numbers<[1], [0], [0], [1], [0, 0, 1, 1], [], []>, transpose_lhs_hint = false} : vector<1000x128xf32>, vector<128x16xf32>, vector<1000x16xf32> -> vector<1000x16xf32>
    %swap3A_21 = arith.constant 0 : index
    %swap3A_22 = arith.constant 0 : index
    %swap3A_23 = vector.load %arg7[%swap3A_21, %swap3A_22] : memref<1000x16xf32, #tpu.memory_space<vmem>>, vector<1000x16xf32>
    tpu.vector_store %arg7[%swap3A_21, %swap3A_22], %dot_general3A_20 {strides = array<i32>} : memref<1000x16xf32, #tpu.memory_space<vmem>>, vector<1000x16xf32>,
    return
  }
  func.func @transform_0(%arg0: i32) -> (i32, i32) {
    %c0_i32 = arith.constant 0 : i32
    %c0_i32_0 = arith.constant 0 : i32
    return %arg0, %c0_i32 : i32, i32
  }
  func.func @transform_1(%arg0: i32) -> (i32, i32) {
    %c0_i32 = arith.constant 0 : i32
    %c0_i32_0 = arith.constant 0 : i32
    %c0_i32_1 = arith.constant 0 : i32
    return %c0_i32, %c0_i32_0 : i32, i32
  }
  func.func @transform_2(%arg0: i32) -> (i32, i32) {
    %c0_i32 = arith.constant 0 : i32
    %c0_i32_0 = arith.constant 0 : i32
    %c0_i32_1 = arith.constant 0 : i32
    return %c0_i32, %c0_i32_0 : i32, i32
  }
  func.func @transform_3(%arg0: i32) -> (i32, i32) {
    %c0_i32 = arith.constant 0 : i32
    %c0_i32_0 = arith.constant 0 : i32
    %c0_i32_1 = arith.constant 0 : i32
    return %c0_i32, %c0_i32_0 : i32, i32
  }
  func.func @transform_4(%arg0: i32) -> (i32, i32) {
    %c0_i32 = arith.constant 0 : i32
    %c0_i32_0 = arith.constant 0 : i32
    return %arg0, %c0_i32 : i32, i32
  }
  func.func @transform_5(%arg0: i32) -> (i32, i32) {
    %c0_i32 = arith.constant 0 : i32
    %c0_i32_0 = arith.constant 0 : i32
    return %arg0, %c0_i32 : i32, i32
  }
  func.func @transform_6(%arg0: i32) -> (i32, i32) {
    %c0_i32 = arith.constant 0 : i32
    %c0_i32_0 = arith.constant 0 : i32
    return %arg0, %c0_i32 : i32, i32
  }
}

module attributes {stable_mosaic.version = 14 : i64} {
  func.func @_combine_body(%arg0: i32, %arg1: memref<2x1000x128xf32, #tpu.memory_space<vmem>>, %arg2: memref<2x1000x16xf32, #tpu.memory_space<vmem>>, %arg3: memref<16x128xf32, #tpu.memory_space<vmem>>, %arg4: memref<1x128xf32, #tpu.memory_space<vmem>>, %arg5: memref<1000x128xf32, #tpu.memory_space<vmem>>) attributes {dimension_semantics = [#tpu.dimension_semantics<arbitrary>], iteration_bounds = array<i64: 10>, scalar_prefetch = 0 : i64, scratch_operands = 0 : i64, tpu.core_type = #tpu.core_type<tc>, window_params = [{transform_indices = @transform_0, window_bounds = array<i64: 2, 1000, 128>}, {transform_indices = @transform_1, window_bounds = array<i64: 2, 1000, 16>}, {pipeline_mode = #tpu.pipeline_mode<synchronous>, transform_indices = @transform_2, window_bounds = array<i64: 16, 128>}, {pipeline_mode = #tpu.pipeline_mode<synchronous>, transform_indices = @transform_3, window_bounds = array<i64: 1, 128>}, {transform_indices = @transform_4, window_bounds = array<i64: 1000, 128>}]} {
    %get3A = arith.constant 0 : index
    %get3A_0 = arith.constant 0 : index
    %get3A_1 = arith.constant 0 : index
    %get3A_2 = vector.load %arg1[%get3A, %get3A_0, %get3A_1] : memref<2x1000x128xf32, #tpu.memory_space<vmem>>, vector<1x1000x128xf32>
    %get3A_3 = vector.shape_cast %get3A_2 : vector<1x1000x128xf32> to vector<1000x128xf32>
    %get3A_4 = arith.constant 1 : index
    %get3A_5 = arith.constant 0 : index
    %get3A_6 = arith.constant 0 : index
    %get3A_7 = vector.load %arg1[%get3A_4, %get3A_5, %get3A_6] : memref<2x1000x128xf32, #tpu.memory_space<vmem>>, vector<1x1000x128xf32>
    %get3A_8 = vector.shape_cast %get3A_7 : vector<1x1000x128xf32> to vector<1000x128xf32>
    %add3A = arith.addf %get3A_3, %get3A_8 : vector<1000x128xf32>
    %get3A_9 = arith.constant 0 : index
    %get3A_10 = arith.constant 0 : index
    %get3A_11 = arith.constant 0 : index
    %get3A_12 = vector.load %arg2[%get3A_9, %get3A_10, %get3A_11] : memref<2x1000x16xf32, #tpu.memory_space<vmem>>, vector<1x1000x16xf32>
    %get3A_13 = vector.shape_cast %get3A_12 : vector<1x1000x16xf32> to vector<1000x16xf32>
    %get3A_14 = arith.constant 1 : index
    %get3A_15 = arith.constant 0 : index
    %get3A_16 = arith.constant 0 : index
    %get3A_17 = vector.load %arg2[%get3A_14, %get3A_15, %get3A_16] : memref<2x1000x16xf32, #tpu.memory_space<vmem>>, vector<1x1000x16xf32>
    %get3A_18 = vector.shape_cast %get3A_17 : vector<1x1000x16xf32> to vector<1000x16xf32>
    %add3A_19 = arith.addf %get3A_13, %get3A_18 : vector<1000x16xf32>
    %get3A_20 = arith.constant 0 : index
    %get3A_21 = arith.constant 0 : index
    %get3A_22 = vector.load %arg3[%get3A_20, %get3A_21] : memref<16x128xf32, #tpu.memory_space<vmem>>, vector<16x128xf32>
    %dot_general3A = arith.constant dense<0.000000e+00> : vector<1000x128xf32>
    %dot_general3A_23 = tpu.matmul %add3A_19, %get3A_22, %dot_general3A {dimension_numbers = #tpu.dot_dimension_numbers<[1], [0], [0], [1], [0, 0, 1, 1], [], []>, transpose_lhs_hint = false} : vector<1000x16xf32>, vector<16x128xf32>, vector<1000x128xf32> -> vector<1000x128xf32>
    %add3A_24 = arith.constant 1.000000e-16 : f32
    %add3A_25 = vector.broadcast %add3A_24 : f32 to vector<1000x128xf32>
    %add3A_26 = arith.addf %dot_general3A_23, %add3A_25 : vector<1000x128xf32>
    %div3A = arith.divf %add3A, %add3A_26 : vector<1000x128xf32>
    %get3A_27 = arith.constant 0 : index
    %get3A_28 = arith.constant 0 : index
    %get3A_29 = vector.load %arg4[%get3A_27, %get3A_28] : memref<1x128xf32, #tpu.memory_space<vmem>>, vector<1x128xf32>
    %add3A_30 = vector.broadcast %get3A_29 : vector<1x128xf32> to vector<1000x128xf32>
    %add3A_31 = arith.addf %div3A, %add3A_30 : vector<1000x128xf32>
    %swap3A = arith.constant 0 : index
    %swap3A_32 = arith.constant 0 : index
    %swap3A_33 = vector.load %arg5[%swap3A, %swap3A_32] : memref<1000x128xf32, #tpu.memory_space<vmem>>, vector<1000x128xf32>
    tpu.vector_store %arg5[%swap3A, %swap3A_32], %add3A_31 {strides = array<i32>} : memref<1000x128xf32, #tpu.memory_space<vmem>>, vector<1000x128xf32>,
    return
  }
  func.func @transform_0(%arg0: i32) -> (i32, i32, i32) {
    %c0_i32 = arith.constant 0 : i32
    %c0_i32_0 = arith.constant 0 : i32
    %c0_i32_1 = arith.constant 0 : i32
    return %c0_i32, %arg0, %c0_i32_0 : i32, i32, i32
  }
  func.func @transform_1(%arg0: i32) -> (i32, i32, i32) {
    %c0_i32 = arith.constant 0 : i32
    %c0_i32_0 = arith.constant 0 : i32
    %c0_i32_1 = arith.constant 0 : i32
    return %c0_i32, %arg0, %c0_i32_0 : i32, i32, i32
  }
  func.func @transform_2(%arg0: i32) -> (i32, i32) {
    %c0_i32 = arith.constant 0 : i32
    %c0_i32_0 = arith.constant 0 : i32
    %c0_i32_1 = arith.constant 0 : i32
    return %c0_i32, %c0_i32_0 : i32, i32
  }
  func.func @transform_3(%arg0: i32) -> (i32, i32) {
    %c0_i32 = arith.constant 0 : i32
    %c0_i32_0 = arith.constant 0 : i32
    %c0_i32_1 = arith.constant 0 : i32
    return %c0_i32, %c0_i32_0 : i32, i32
  }
  func.func @transform_4(%arg0: i32) -> (i32, i32) {
    %c0_i32 = arith.constant 0 : i32
    %c0_i32_0 = arith.constant 0 : i32
    return %arg0, %c0_i32 : i32, i32
  }
}

</mosaic_0001>

<sc_bundles>
// kernel: kernel.5.cloned.1.call-start
scs
__scs_entry_jumppad:
0x0: {  	(pc) =	sbr.rel $0x88, $3  }
0x1: {  	(tag) =	ssettag $0x0;
	lr =	simm.s32 $0x1  }
0x2: {  	[smem:$0x3F9B] =	sst lr;
	_ =	strace $0xD0000000  }
0x3: {  	_ = 	snop  }
0x4: {  	_ = 	snop  }
0x5: {  	_ = 	snop  }
0x6: {  	_ = 	snop  }
0x7: {  	_ = 	snop  }
__scs_overlays_trampoline_lowered:
0x8: {  	[smem:$0x3FAA] =	sst s0  }
0x9: {  	[smem:$0x3FAB] =	sst s1  }
0xa: {  	[smem:$0x3FAC] =	sst s2  }
0xb: {  	[smem:$0x3FAD] =	sst s3  }
0xc: {  	[smem:$0x3FAE] =	sst s4  }
0xd: {  	[smem:$0x3FAF] =	sst s5  }
0xe: {  	[smem:$0x3FB0] =	sst s6  }
0xf: {  	[smem:$0x3FB1] =	sst s7  }
0x10: {  	[smem:$0x3FB2] =	sst s8  }
0x11: {  	[smem:$0x3FB3] =	sst s9;
	s0 =	simm.s32 @!p0 $0x0  }
0x12: {  	s1 =	sld [smem:$0x3F99];
	s0 =	simm.s32 @p0 $0x1  }
0x13: {  	[smem:$0x3FB4] =	sst s0;
	s0 =	simm.s32 @!p1 $0x0  }
0x14: {  	s2 =	sld [smem:$0x3F98];
	s0 =	simm.s32 @p1 $0x1  }
0x15: {  	[smem:$0x3FB5] =	sst s0;
	s0 =	simm.s32 @!p2 $0x0  }
0x16: {  	s3 =	sld [smem:$0x3FDB];
	s0 =	simm.s32 @p2 $0x1  }
0x17: {  	s4 =	simm.s32 $0x1BF5;
	[smem:$0x3FB7] =	sst s0  }
0x18: {  	s0 =	sld [smem:$0x3F9A];
	_ =	swait.ge [sflag:s4], $0x0  }
0x19: {  	s7 =	sld [smem:$0x3F9B]  }
0x1a: {  	s8 =	sadd.s32 $0xFFFFE003, lr  }
0x1b: {  	s9 =	sadd.s32 $0xFFFFFEF7, lr;
	s5 =	simm.s32 $0xFFFFFFFF;
	p2 =	slt.u32 s8, $0xFFFFF086  }
0x1c: {  	p1 =	slt.u32 s9, $0xF7A;
	s5 =	simm.s32 @!p2 $0x0  }
0x1d: {  	s5 =	simm.s32 @p1 $0x1;
	p0 =	seq.s32 s7, s2  }
0x1e: {  	s7 =	smul.u32 @!p0 $0xF7A, s2;
	p2 =	seq.s32 @!p0 s5, $0x0  }
0x1f: {  	s9 =	smul.u32 $0xF7A, s1;
	s8 =	simm.s32 @!p0 $0x1BF5;
	p2 =	por !p2, p0  }
0x20: {  	[sflag:s8] =	ssyncset.s32 @!p0 $0xFFFFF086;
	s6 =	sadd.s32 @!p0 s3, s7;
	s7 =	simm.s32 @!p0 $0x108  }
0x21: {  	s3 =	sadd.s32 s3, s9;
	s6 =	sadd.s32 @!p0 $0x88, s6;
	s7 =	simm.s32 @p2 $0x1082  }
0x22: {  	[simem:s7], [sflag:s8] =	dma.local @!p0 [hbm:s6], $0xF7A  }
0x23: {  	s9 =	sor.u32 $0xD0000000, s2;
	s6 =	simm.s32 $0x108;
	_ =	swait.ge @!p0 [sflag:s8], $0x0  }
0x24: {  	s3 =	sadd.s32 $0x88, s3;
	s6 =	simm.s32 @!p1 $0x1082;
	[sflag:s4] =	ssyncset.s32 $0xFFFFF086  }
0x25: {  	[simem:s6], [sflag:s4] =	dma.local [hbm:s3], $0xF7A  }
0x26: {  	[smem:$0x3F9B] =	sst s1;
	(tag) =	ssettag s2;
	_ =	strace s9  }
0x27: {  	s1 =	sld [smem:$0x3FAB]  }
0x28: {  	s2 =	sld [smem:$0x3FAC]  }
0x29: {  	s4 =	sld [smem:$0x3FAE]  }
0x2a: {  	p0 =	seq.s32 s5, $0x0;
	s5 =	sld [smem:$0x3FAF]  }
0x2b: {  	s6 =	sld [smem:$0x3FB0]  }
0x2c: {  	s7 =	sld [smem:$0x3FB1]  }
0x2d: {  	s3 =	simm.s32 $0x108;
	s8 =	sld [smem:$0x3FB2]  }
0x2e: {  	s3 =	simm.s32 @!p0 $0x1082;
	s9 =	sld [smem:$0x3FB3]  }
0x2f: {  	lr =	sadd.s32 s0, s3;
	s0 =	sld [smem:$0x3FAA]  }
0x30: {  	s3 =	sld [smem:$0x3FAD]  }
0x31: {  	[smem:$0x3FB6] =	sst s10  }
0x32: {  	s10 =	sld [smem:$0x3FB4];
	_ =	sdelay $0x3  }
0x33: {  	p0 =	seq.s32 s10, $0x1;
	s10 =	sld [smem:$0x3FB6];
	_ =	sdelay $0x3  }
0x34: {  	[smem:$0x3FB6] =	sst s10  }
0x35: {  	s10 =	sld [smem:$0x3FB5];
	_ =	sdelay $0x3  }
0x36: {  	p1 =	seq.s32 s10, $0x1;
	s10 =	sld [smem:$0x3FB6];
	_ =	sdelay $0x3  }
0x37: {  	[smem:$0x3FB6] =	sst s10  }
0x38: {  	s10 =	sld [smem:$0x3FB7]  }
0x39: {  	_ = 	snop;
	(pc) =	sbr.ind lr, $3  }
0x3a: {  	_ = 	snop  }
0x3b: {  	_ = 	snop  }
0x3c: {  	p2 =	seq.s32 s10, $0x1;
	s10 =	sld [smem:$0x3FB6]  }
0x3d: {  	_ =	shalt  }
0x3e: {  	_ =	shalt  }
0x3f: {  	_ =	shalt  }
0x40: {  	_ =	shalt  }
0x41: {  	_ =	shalt  }
0x42: {  	_ =	shalt  }
0x43: {  	_ =	shalt  }
0x44: {  	_ =	shalt  }
0x45: {  	_ =	shalt  }
0x46: {  	_ =	shalt  }
0x47: {  	_ =	shalt  }
0x48: {  	_ =	shalt  }
0x49: {  	_ =	shalt  }
0x4a: {  	_ =	shalt  }
0x4b: {  	_ =	shalt  }
0x4c: {  	_ =	shalt  }
0x4d: {  	_ =	shalt  }
0x4e: {  	_ =	shalt  }
0x4f: {  	_ =	shalt  }
0x50: {  	_ =	shalt  }
0x51: {  	_ =	shalt  }
0x52: {  	_ =	shalt  }
0x53: {  	_ =	shalt  }
0x54: {  	_ =	shalt  }
0x55: {  	_ =	shalt  }
0x56: {  	_ =	shalt  }
0x57: {  	_ =	shalt  }
0x58: {  	_ =	shalt  }
0x59: {  	_ =	shalt  }
0x5a: {  	_ =	shalt  }
0x5b: {  	_ =	shalt  }
0x5c: {  	_ =	shalt  }
0x5d: {  	_ =	shalt  }
0x5e: {  	_ =	shalt  }
0x5f: {  	_ =	shalt  }
0x60: {  	_ =	shalt  }
0x61: {  	_ =	shalt  }
0x62: {  	_ =	shalt  }
0x63: {  	_ =	shalt  }
0x64: {  	_ =	shalt  }
0x65: {  	_ =	shalt  }
0x66: {  	_ =	shalt  }
0x67: {  	_ =	shalt  }
0x68: {  	_ =	shalt  }
0x69: {  	_ =	shalt  }
0x6a: {  	_ =	shalt  }
0x6b: {  	_ =	shalt  }
0x6c: {  	_ =	shalt  }
0x6d: {  	_ =	shalt  }
0x6e: {  	_ =	shalt  }
0x6f: {  	_ =	shalt  }
0x70: {  	_ =	shalt  }
0x71: {  	_ =	shalt  }
0x72: {  	_ =	shalt  }
0x73: {  	_ =	shalt  }
0x74: {  	_ =	shalt  }
0x75: {  	_ =	shalt  }
0x76: {  	_ =	shalt  }
0x77: {  	_ =	shalt  }
0x78: {  	_ =	shalt  }
0x79: {  	_ =	shalt  }
0x7a: {  	_ =	shalt  }
0x7b: {  	_ =	shalt  }
0x7c: {  	_ =	shalt  }
0x7d: {  	_ =	shalt  }
0x7e: {  	_ =	shalt  }
0x7f: {  	_ =	shalt  }
0x80: {  	_ =	shalt  }
0x81: {  	_ =	shalt  }
0x82: {  	_ =	shalt  }
0x83: {  	_ =	shalt  }
0x84: {  	_ =	shalt  }
0x85: {  	_ =	shalt  }
0x86: {  	_ =	shalt  }
0x87: {  	_ =	shalt  }
.Lfunc_end0:
.L_simem_size_0:
called_computation_lowered:
.L_overlay_start_0:
0x88: {  	s2 =	sld [smem:$0x3FD9]  }
0x89: {  	s3 =	sld [smem:$0x3FFE];
	_ =	sdelay $0x1  }
0x8a: {  	s1 =	srdreg.scid  }
0x8b: {  	s0 =	sand.u32 $0x1, s1  }
0x8c: {  	s17 =	sshll.u32 s0, $0xA;
	s2 =	sadd.s32 s3, s2  }
0x8d: {  	s2 =	sadd.s32 s2, s17  }
0x8e: {  	[smem:$0x3FC2] =	sst s2  }
0x8f: {  	_ = 	snop  }
0x90: {  	s2 =	sld [smem:$0x3FD0];
	(tm) =	ssettm $0x1  }
0x91: {  	s18 =	sld [smem:$0x3FFB];
	_ =	sdelay $0x3  }
0x92: {  	_ =	strace s18  }
0x93: {  	s3 =	sld [smem:$0x3FFC];
	_ =	sdelay $0x3  }
0x94: {  	_ =	strace s3  }
0x95: {  	s3 =	sld [smem:$0x3FFD];
	_ =	sdelay $0x3  }
0x96: {  	_ =	strace s3  }
0x97: {  	_ =	strace $0x8FFFFFFF  }
0x98: {  	s19 =	sld [smem:$0x3FDB];
	_ =	sdelay $0x1  }
0x99: {  	s4 =	simm.s32 $_scs_section_size  }
0x9a: {  	s5 =	simm.s32 $_size__tile_overlayer_lowered;
	s6 =	simm.s32 $_tile_overlayer_lowered  }
0x9b: {  	s22 =	simm.s32 $0x1BFF;
	s21 =	sshll.u32 s6, $0x1;
	s3 =	sadd.s32 s4, s19  }
0x9c: {  	s7 =	simm.s32 $0x0;
	s20 =	sshll.u32 s5, $0x1;
	s5 =	sadd.s32 s21, s3  }
0x9d: {  	[timem:s7], [sflag:s22] =	dma.local [hbm:s5], s20  }
0x9e: {  	_ =	swait.ge [sflag:s22], s20  }
0x9f: {  	s4 =	ssub.s32 $0x0, s20;
	[sflag:s22] =	ssyncset.done $0x0  }
0xa0: {  	[sflag:s22] =	ssyncadd.s32 s4;
	_ =	sdelay $0x1  }
0xa1: {  	s23 =	simm.s32 $0x1B8B  }
0xa2: {  	_ =	swait.ge [sflag:s23], $0x1  }
0xa3: {  	[sflag:s23] =	ssyncset.done $0x0  }
0xa4: {  	s25 =	simm.s32 $0x1B8E;
	s24 =	sld [smem:$0x3FFE];
	[sflag:s23] =	ssyncadd.s32 $0xFFFFFFFF  }
0xa5: {  	s26 =	simm.s32 $execute0_lowered;
	[smem:$0x3FD2] =	sst s25  }
0xa6: {  	s5 =	sshll.u32 s26, $0x1;
	_ =	strace $0x80000046;
	[dreg:$0x1] =	wrdreg $0xFFFFFFFF  }
0xa7: {  	s28 =	simm.s32 $_size_execute0_lowered;
	s3 =	sadd.s32 s3, s5;
	[dreg:$0x0] =	wrdreg $0x0  }
0xa8: {  	s5 =	sshll.u32 s28, $0x1;
	[dreg:$0x2] =	wrdreg s3  }
0xa9: {  	[dreg:$0x3] =	wrdreg s5  }
0xaa: {  	[dreg:$0x4] =	wrdreg $0xC0  }
0xab: {  	_ =	task [dreg:s7], $0x5FFFF  }
0xac: {  	[dreg:$0x1] =	wrdreg $0xFFFFFFFF  }
0xad: {  	[dreg:$0x0] =	wrdreg $0x60  }
0xae: {  	[dreg:$0x2] =	wrdreg s24  }
0xaf: {  	[dreg:$0x3] =	wrdreg s2  }
0xb0: {  	[dreg:$0x4] =	wrdreg $0x85200  }
0xb1: {  	[dreg:$0x5] =	wrdreg $0x1BDA00  }
0xb2: {  	[dreg:$0x6] =	wrdreg $0x9  }
0xb3: {  	_ =	task.clear_ibuf [dreg:s7], $0x7FFFF;
	_ =	strace $0x90000046  }
0xb4: {  	s29 =	simm.s32 $0x9;
	_ =	strace $0x80000048  }
0xb5: {  	_ =	swait.ge [sflag:s29], $0x1  }
0xb6: {  	[sflag:s29] =	ssyncadd.s32 $0xFFFFFFFF  }
0xb7: {  	_ =	strace $0x90000048  }
0xb8: {  	_ =	sfence  }
0xb9: {  	s30 =	sld [smem:$0x0];
	_ =	sdelay $0x2  }
0xba: {  	s31 =	sshll.u32 s1, $0xD;
	s1 =	sshrl.u32 s1, $0x2  }
0xbb: {  	s3 =	sand.u32 $0x4000, s31;
	s1 =	sadd.s32 s1, s30  }
0xbc: {  	s0 =	sor.u32 s3, s0;
	s1 =	sshll.u32 s1, $0x11  }
0xbd: {  	s0 =	sor.u32 s1, s0  }
0xbe: {  	s0 =	sadd.s32 $0x8F2B, s0  }
0xbf: {  	[sflag:s0] =	ssyncadd.remote.s32 $0x1  }
0xc0: {  	_ =	sfence.sel $0xFFFF  }
0xc1: {  	[dreg:$0x0] =	wrdreg $0xFFFFFFFF;
	(pc) =	sbr.abs _section_cstart, $3  }
0xc2: {  	[dreg:$0x1] =	wrdreg $0xFFFFFFFF  }
0xc3: {  	_ =	task.clear_ibuf [dreg:s7], $0x2FFFF;
	_ =	strace $0x9FFFFFFF  }
0xc4: {  	(tm) =	ssettm $0x7FFFFFFF  }
0xc5: {  	_ =	shalt  }
tec
execute0_lowered:
.L_overlay_start_1:
0x0: {  	(tag) =	ssettag $0x1  }
0x1: {  	s0 =	rddreg [dreg:$0x0]  }
0x2: {  	s1 =	rddreg [dreg:$0x1];
	s2 =	srdreg.scid  }
0x3: {  	s16 =	stileid.u32;
	s3 =	rddreg [dreg:$0x2]  }
0x4: {  	s4 =	rddreg [dreg:$0x3];
	s6 =	simm.s32 $0x0;
	s28 =	simm.s32 $0x4E20  }
0x5: {  	s29 =	simm.s32 $0x50A0;
	s30 =	simm.s32 $0x7120;
	s31 =	simm.s32 $0x69A0  }
0x6: {  	s2 =	sand.u32 $0x1, s2;
	s5 =	sshll.u32 s16, $0x1;
	s8 =	smul.u32 $0x13800, s16  }
0x7: {  	[smem:$0x7FF] =	sst s6;
	s9 =	smul.u32 $0x2700, s16;
	s6 =	sadd.s32 $0x5E00, s0  }
0x8: {  	s7 =	sadd.s32 $0xE00, s0;
	s14 =	sadd.s32 $0x54A00, s0;
	s15 =	sadd.s32 $0x4AC00, s0  }
0x9: {  	s17 =	sadd.s32 $0x124800, s3;
	s18 =	sadd.s32 $0x43300, s0;
	s19 =	sadd.s32 $0x24900, s4  }
0xa: {  	p0 =	seq.s32 s16, $0xF;
	_ =	strace $0x80000047;
	[dreg:$0x9] =	wrdreg s17  }
0xb: {  	s5 =	sor.u32 s2, s5;
	s25 =	smul.u32 $0x138800, s2;
	[dreg:$0xa] =	wrdreg s18  }
0xc: {  	s12 =	ssub.s32 $0x2, s2;
	[dreg:$0xb] =	wrdreg s19;
	s2 =	smul.u32 $0x27100, s2  }
0xd: {  	s19 =	simm.s32 $0x0;
	s5 =	smul.u32 $0x4E2, s5;
	s10 =	sshrl.u32 s8, $0x3  }
0xe: {  	s11 =	sshrl.u32 s9, $0x3;
	s13 =	sshrl.u32 s12, $0x1;
	s24 =	sadd.s32 s8, s3  }
0xf: {  	s26 =	sadd.s32 s9, s4;
	s10 =	sadd.s32 s10, s0;
	[dreg:$0x5] =	wrdreg s24  }
0x10: {  	s11 =	sadd.s32 s11, s0;
	s12 =	ssub.s32 s12, s13;
	[dreg:$0x7] =	wrdreg s26  }
0x11: {  	s8 =	sadd.s32 s8, s25;
	s22 =	sadd.s32 s9, s2;
	s23 =	sshrl.u32 s25, $0x3  }
0x12: {  	s2 =	sshrl.u32 s2, $0x3;
	s9 =	simm.s32 $0x5320;
	s13 =	simm.s32 $0x6EA0  }
0x13: {  	s5 =	sadd.s32 s5, s0;
	s10 =	sadd.s32 $0x1EA00, s10;
	s11 =	sadd.s32 $0x45C00, s11  }
0x14: {  	s0 =	sadd.s32 $0x4A520, s0;
	s20 =	sshrl.u32 s8, $0x3;
	[dreg:$0x6] =	wrdreg s10  }
0x15: {  	s2 =	sadd.s32 s15, s2;
	s26 =	smax.u32 s12, $0x1;
	[dreg:$0x8] =	wrdreg s11  }
0x16: {  	s8 =	simm.s32 $0x1;
	s12 =	simm.s32 $0x6;
	[dreg:$0xc] =	wrdreg s0  }
0x17: {  	s21 =	sadd.s32 $0x14C00, s5;
	s5 =	sadd.s32 $0xAE00, s5;
	[dreg:$0x13] =	wrdreg s26  }
0x18: {  	s0 =	sadd.s32 s14, s20;
	s25 =	sadd.s32 $0x4920, s2;
	[dreg:$0xd] =	wrdreg s21  }
0x19: {  	s26 =	simm.s32 $0x55A0;
	s2 =	simm.s32 $0x6C20;
	[dreg:$0xe] =	wrdreg s5  }
0x1a: {  	s10 =	simm.s32 $0x7;
	s11 =	simm.s32 $0x8;
	[dreg:$0xf] =	wrdreg s0  }
0x1b: {  	s0 =	sshrl.u32 s22, $0x3;
	s5 =	sadd.s32 s14, s23;
	[dreg:$0x12] =	wrdreg s25  }
0x1c: {  	v0 =	vimm.s32 $0x0;
	v1 =	vimm.s32 $0x1;
	s25 =	simm.s32 $0x28;
	s14 =	simm.s32 $0x4;
	s0 =	sadd.s32 s15, s0  }
0x1d: {  	v2 =	vimm.s32 $0x2;
	v3 =	vimm.s32 $0x3;
	v4 =	vimm.s32 $0x4;
	s24 =	sadd.s32 $0x24900, s5;
	s15 =	simm.s32 $0x5;
	[dreg:$0x10] =	wrdreg s0  }
0x1e: {  	v5 =	vimm.s32 $0x5;
	v6 =	vimm.s32 $0x6;
	v7 =	vimm.s32 $0x7;
	[dreg:$0x11] =	wrdreg s24;
	s0 =	simm.s32 $0x2;
	s24 =	simm.s32 $0x3  }
.LBB2_1:
0x1f: {  	s5 =	rddreg [dreg:$0x9]  }
0x20: {  	s16 =	rddreg [dreg:$0xa];
	s17 =	sshrl.u32 @p0 s5, $0x3  }
0x21: {  	s5 =	simm.s32 @p0 $0x1FCB;
	[dreg:$0x15] =	wrdreg s17  }
0x22: {  	[spmem:s17], [sflag:s5] =	dma.local @p0 [hbm:s16], $0x2800  }
0x23: {  	s16 =	simm.s32 @p0 $0xB  }
0x24: {  	_ =	swait.ge @p0 [sflag:s16], $0x2800  }
0x25: {  	s17 =	rddreg [dreg:$0xb]  }
0x26: {  	[sflag:s16] =	ssyncset.done @p0 $0x0;
	s18 =	sshrl.u32 @p0 s17, $0x3;
	s17 =	rddreg [dreg:$0xc]  }
0x27: {  	[sflag:s16] =	ssyncadd.s32 @p0 $0xFFFFD800;
	[dreg:$0x16] =	wrdreg s18  }
0x28: {  	[spmem:s18], [sflag:s5] =	dma.local @p0 [hbm:s17], $0x500  }
0x29: {  	s5 =	stileid.u32  }
0x2a: {  	_ =	swait.ge @p0 [sflag:s16], $0x500;
	s5 =	sshll.u32 @!p0 s5, $0x6  }
0x2b: {  	[sflag:s16] =	ssyncset.done @p0 $0x0;
	s17 =	sor.u32 @!p0 $0x1C0B, s5;
	s5 =	rddreg [dreg:$0x5]  }
0x2c: {  	[sflag:s16] =	ssyncadd.s32 @p0 $0xFFFFFB00;
	s16 =	sshrl.u32 @!p0 s5, $0x3;
	s5 =	rddreg [dreg:$0x6]  }
0x2d: {  	[dreg:$0x17] =	wrdreg s16  }
0x2e: {  	[spmem:s16], [sflag:s17] =	dma.local @!p0 [hbm:s5], $0x2700  }
0x2f: {  	s5 =	simm.s32 @!p0 $0xB  }
0x30: {  	_ =	swait.ge @!p0 [sflag:s5], $0x2700;
	[dreg:$0x14] =	wrdreg s17  }
0x31: {  	s16 =	rddreg [dreg:$0x7]  }
0x32: {  	[sflag:s5] =	ssyncset.done @!p0 $0x0;
	s18 =	sshrl.u32 @!p0 s16, $0x3;
	s16 =	rddreg [dreg:$0x8]  }
0x33: {  	[sflag:s5] =	ssyncadd.s32 @!p0 $0xFFFFD900;
	[dreg:$0x18] =	wrdreg s18  }
0x34: {  	[spmem:s18], [sflag:s17] =	dma.local @!p0 [hbm:s16], $0x4E0  }
0x35: {  	_ =	swait.ge @!p0 [sflag:s5], $0x4E0  }
0x36: {  	s21 =	simm.s32 $0xB;
	[sflag:s5] =	ssyncset.done @!p0 $0x0  }
0x37: {  	s18 =	simm.s32 $0x0;
	s20 =	rddreg [dreg:$0xd];
	[sflag:s5] =	ssyncadd.s32 @!p0 $0xFFFFFB20  }
0x38: {  	[tilespmem:s18], [sflag:$0xB] =	stream.linear.gather [hbm4b:s20+s18], $0x2710, $0x38;
	[tilespmem:$0x1E4B0] =	vst v63  }
0x39: {  	_ =	swait.ge [sflag:s21], $0x2710  }
0x3a: {  	[sflag:s21] =	ssyncset.done $0x0  }
0x3b: {  	s23 =	simm.s32 $0x2710;
	s22 =	rddreg [dreg:$0xe];
	[sflag:s21] =	ssyncadd.s32 $0xFFFFD8F0  }
0x3c: {  	[tilespmem:s23], [sflag:$0xB] =	stream.linear.gather [hbm4b:s22+s18], $0x2710, $0x38;
	[tilespmem:$0x1E4B0] =	vst v63  }
0x3d: {  	_ =	swait.ge [sflag:s21], $0x2710  }
0x3e: {  	[sflag:s21] =	ssyncset.done $0x0  }
0x3f: {  	[sflag:s21] =	ssyncadd.s32 $0xFFFFD8F0  }
0x40: {  	[bflag:$0x0] =	sbarrier.arrive $0xFFFF  }
0x41: {  	[tilespmem:s26], [sflag:$0x1] =	stream.indirect.gather [hbm4b:s1+s25], $0x80, s18, s25, $0xb8;
	[tilespmem:$0x1E4B0] =	vst v63  }
0x42: {  	_ = 	snop  }
0x43: {  	[tilespmem:s28], [sflag:$0x2] =	stream.indirect.gather [hbm4b:s6+s25], $0x10, s18, s25, $0xb8;
	[tilespmem:$0x1E4B0] =	vst v63  }
0x44: {  	_ = 	snop  }
0x45: {  	[tilespmem:s29], [sflag:$0x3] =	stream.indirect.gather [hbm4b:s7+s25], $0x10, s23, s25, $0xb8;
	[tilespmem:$0x1E4B0] =	vst v63  }
0x46: {  	s23 =	simm.s32 $0x0  }
.LBB2_2:
0x47: {  	p1 =	seq.s32 s23, $0x0  }
0x48: {  	s5 =	simm.s32 @!p1 $0x9  }
0x49: {  	_ =	swait.ge @!p1 [sflag:s5], $0x1400  }
0x4a: {  	[sflag:s5] =	ssyncset.done @!p1 $0x0  }
0x4b: {  	[sflag:s5] =	ssyncadd.s32 @!p1 $0xFFFFEC00;
	s5 =	simm.s32 @!p1 $0xA  }
0x4c: {  	s16 =	smul.u32 $0x50, s23;
	_ =	swait.ge @!p1 [sflag:s5], $0x280  }
0x4d: {  	[sflag:s5] =	ssyncset.done @!p1 $0x0  }
0x4e: {  	s22 =	sadd.s32 $0x28, s16;
	[sflag:s5] =	ssyncadd.s32 @!p1 $0xFFFFFD80  }
0x4f: {  	[tilespmem:s30], [sflag:$0x6] =	stream.indirect.gather [hbm4b:s1+s25], $0x80, s22, s25, $0xb8;
	[tilespmem:$0x1E4B0] =	vst v63  }
0x50: {  	_ = 	snop  }
0x51: {  	[tilespmem:s31], [sflag:$0x7] =	stream.indirect.gather [hbm4b:s6+s25], $0x10, s22, s25, $0xb8;
	[tilespmem:$0x1E4B0] =	vst v63  }
0x52: {  	s17 =	sadd.s32 $0x2738, s16  }
0x53: {  	[tilespmem:s2], [sflag:$0x8] =	stream.indirect.gather [hbm4b:s7+s25], $0x10, s17, s25, $0xb8;
	[tilespmem:$0x1E4B0] =	vst v63  }
0x54: {  	_ =	swait.ge [sflag:s0], $0x280  }
0x55: {  	[sflag:s0] =	ssyncset.done $0x0  }
0x56: {  	[sflag:s0] =	ssyncadd.s32 $0xFFFFFD80  }
0x57: {  	_ =	swait.ge [sflag:s24], $0x280  }
0x58: {  	[sflag:s24] =	ssyncset.done $0x0  }
0x59: {  	s21 =	simm.s32 $0x0;
	[sflag:s24] =	ssyncadd.s32 $0xFFFFFD80  }
0x5a: {  	v8 =	vld [tilespmem:s21+$0x4E50]  }
0x5b: {  	v9 =	vld [tilespmem:s21+$0x50D0]  }
0x5c: {  	v10 =	vld [tilespmem:s21+$0x4E20]  }
0x5d: {  	v11 =	vld [tilespmem:s21+$0x50A0]  }
0x5e: {  	v12 =	vld [tilespmem:s21+$0x4E30]  }
0x5f: {  	v13 =	vld [tilespmem:s21+$0x50B0]  }
0x60: {  	v14 =	vld [tilespmem:s21+$0x4E40];
	v8 =	vadd.f32 v9, v8  }
0x61: {  	s5 =	simm.s32 $0x40;
	v9 =	vld [tilespmem:s21+$0x50C0]  }
0x62: {  	v15 =	vld [tilespmem:s5+$0x4E50];
	v10 =	vadd.f32 v11, v10;
	v11 =	vmul.f32 $2.000000030e-01, v8  }
0x63: {  	v16 =	vld [tilespmem:s5+$0x50D0]  }
0x64: {  	v17 =	vld [tilespmem:s5+$0x4E20];
	v12 =	vadd.f32 v13, v12;
	v18 =	vmul.f32 $2.000000030e-01, v10;
	v8 =	vmax.f32 v8, v11  }
0x65: {  	v11 =	vld [tilespmem:s5+$0x50A0];
	v8 =	vmul.f32 $1.442695020e+00, v8  }
0x66: {  	v13 =	vld [tilespmem:s5+$0x4E30];
	v10 =	vmax.f32 v10, v18;
	v18 =	vmul.f32 $2.000000030e-01, v12;
	v9 =	vadd.f32 v9, v14  }
0x67: {  	v14 =	vld [tilespmem:s5+$0x50B0];
	v10 =	vmul.f32 $1.442695020e+00, v10;
	(erf) = vpow2.f32 v8  }
0x68: {  	v19 =	vld [tilespmem:s5+$0x4E40];
	v12 =	vmax.f32 v12, v18;
	v8 =	vadd.f32 v16, v15;
	v15 =	vmul.f32 $2.000000030e-01, v9  }
0x69: {  	s18 =	simm.s32 $0x80;
	v16 =	vld [tilespmem:s5+$0x50C0];
	v12 =	vmul.f32 $1.442695020e+00, v12;
	(erf) = vpow2.f32 v10  }
0x6a: {  	v10 =	vld [tilespmem:s18+$0x4E50];
	v11 =	vadd.f32 v11, v17;
	v17 =	vmul.f32 $2.000000030e-01, v8;
	v9 =	vmax.f32 v9, v15  }
0x6b: {  	v15 =	vld [tilespmem:s18+$0x50D0];
	(erf) = vpow2.f32 v12;
	v9 =	vmul.f32 $1.442695020e+00, v9  }
0x6c: {  	v18 =	vld [tilespmem:s18+$0x4E20];
	v14 =	vadd.f32 v14, v13;
	v12 =	vmul.f32 $2.000000030e-01, v11;
	v8 =	vmax.f32 v8, v17  }
0x6d: {  	v17 =	vld [tilespmem:s18+$0x50A0];
	v13 =	vmul.f32 $1.442695020e+00, v8;
	(erf) = vpow2.f32 v9  }
0x6e: {  	v8 =	vld [tilespmem:s18+$0x4E30];
	v19 =	vadd.f32 v16, v19;
	v9 =	vmax.f32 v11, v12;
	v12 =	vmul.f32 $2.000000030e-01, v14  }
0x6f: {  	v11 =	vld [tilespmem:s18+$0x50B0];
	v16 =	vmul.f32 $1.442695020e+00, v9;
	(erf) = vpow2.f32 v13  }
0x70: {  	v9 =	vld [tilespmem:s18+$0x4E40];
	v13 =	vadd.f32 v15, v10;
	v20 =	vmul.f32 $2.000000030e-01, v19;
	v10 =	vmax.f32 v14, v12;
	v14 =	vpop (erf)  }
0x71: {  	s22 =	simm.s32 $0xC0;
	v12 =	vld [tilespmem:s18+$0x50C0];
	v15 =	vmul.f32 $1.442695020e+00, v10;
	(erf) = vpow2.f32 v16;
	[tilespmem:s21+$0x5350] =	vst v14  }
0x72: {  	s20 =	simm.s32 $0x400;
	v16 =	vmul.f32 $2.000000030e-01, v13;
	v14 =	vadd.f32 v17, v18;
	v17 =	vmax.f32 v19, v20;
	v18 =	vpop (erf);
	v10 =	vld [tilespmem:s22+$0x4E50]  }
.LBB2_3:
0x73: {  	p1 =	sne.s32 s20, $0x900;
	v19 =	vld [tilespmem:s22+$0x50D0];
	v17 =	vmul.f32 $1.442695020e+00, v17;
	(erf) = vpow2.f32 v15;
	[tilespmem:s21+$0x5320] =	vst v18  }
0x74: {  	v18 =	vld [tilespmem:s22+$0x4E20];
	v15 =	vmul.f32 $2.000000030e-01, v14;
	v20 =	vadd.f32 v11, v8;
	v8 =	vmax.f32 v13, v16;
	v11 =	vpop (erf)  }
0x75: {  	v16 =	vld [tilespmem:s22+$0x50A0];
	v13 =	vmul.f32 $1.442695020e+00, v8;
	(erf) = vpow2.f32 v17;
	[tilespmem:s21+$0x5330] =	vst v11  }
.Ltmp0:
0x76: {  	v8 =	vld [tilespmem:s22+$0x4E30];
	v14 =	vmax.f32 v14, v15;
	v15 =	vmul.f32 $2.000000030e-01, v20;
	v17 =	vadd.f32 v12, v9;
	v9 =	vpop (erf);
	(pc) =	sbr.rel @p1 .LBB2_3-.Ltmp0, $4  }
0x77: {  	v11 =	vld [tilespmem:s22+$0x50B0];
	v14 =	vmul.f32 $1.442695020e+00, v14;
	(erf) = vpow2.f32 v13;
	[tilespmem:s21+$0x5340] =	vst v9;
	s21 =	smov.u32 s5;
	s5 =	smov.u32 s18;
	s18 =	smov.u32 s22  }
0x78: {  	v9 =	vld [tilespmem:s18+$0x4E40];
	v13 =	vadd.f32 v19, v10;
	v10 =	vmax.f32 v20, v15;
	v19 =	vmul.f32 $2.000000030e-01, v17;
	v20 =	vpop (erf)  }
0x79: {  	s22 =	sshra.s32 s20, $0x2;
	v12 =	vld [tilespmem:s18+$0x50C0];
	v15 =	vmul.f32 $1.442695020e+00, v10;
	(erf) = vpow2.f32 v14;
	[tilespmem:s21+$0x5350] =	vst v20  }
0x7a: {  	s20 =	sadd.s32 $0x100, s20;
	v10 =	vld [tilespmem:s22+$0x4E50];
	v14 =	vadd.f32 v16, v18;
	v16 =	vmul.f32 $2.000000030e-01, v13;
	v17 =	vmax.f32 v17, v19;
	v18 =	vpop (erf)  }
0x7b: {  	v19 =	vld [tilespmem:s22+$0x50D0];
	[tilespmem:s21+$0x5320] =	vst v18  }
0x7c: {  	v18 =	vld [tilespmem:s22+$0x4E20];
	v20 =	vpop (erf)  }
0x7d: {  	v21 =	vld [tilespmem:s22+$0x50A0];
	[tilespmem:s21+$0x5330] =	vst v20  }
0x7e: {  	v17 =	vmul.f32 $1.442695020e+00, v17;
	(erf) = vpow2.f32 v15;
	v20 =	vld [tilespmem:s22+$0x4E30];
	v15 =	vpop (erf)  }
0x7f: {  	v23 =	vmul.f32 $2.000000030e-01, v14;
	v8 =	vadd.f32 v11, v8;
	v11 =	vmax.f32 v13, v16;
	v22 =	vld [tilespmem:s22+$0x50B0];
	[tilespmem:s21+$0x5340] =	vst v15  }
0x80: {  	v11 =	vmul.f32 $1.442695020e+00, v11;
	(erf) = vpow2.f32 v17;
	v13 =	vld [tilespmem:s22+$0x4E40]  }
0x81: {  	v14 =	vmax.f32 v14, v23;
	v9 =	vadd.f32 v12, v9;
	v15 =	vmul.f32 $2.000000030e-01, v8;
	v12 =	vld [tilespmem:s22+$0x50C0]  }
0x82: {  	v14 =	vmul.f32 $1.442695020e+00, v14;
	(erf) = vpow2.f32 v11  }
0x83: {  	v10 =	vadd.f32 v19, v10;
	v11 =	vmul.f32 $2.000000030e-01, v9;
	v8 =	vmax.f32 v8, v15  }
0x84: {  	(erf) = vpow2.f32 v14;
	v14 =	vadd.f32 v21, v18;
	v8 =	vmul.f32 $1.442695020e+00, v8  }
0x85: {  	v15 =	vmul.f32 $2.000000030e-01, v10;
	v9 =	vmax.f32 v9, v11;
	v11 =	vadd.f32 v22, v20  }
0x86: {  	v9 =	vmul.f32 $1.442695020e+00, v9;
	v53 =	vmul.f32 $2.000000030e-01, v14;
	v12 =	vadd.f32 v12, v13  }
0x87: {  	(erf) = vpow2.f32 v8;
	v8 =	vmax.f32 v10, v15;
	v10 =	vmul.f32 $2.000000030e-01, v11  }
0x88: {  	v8 =	vmul.f32 $1.442695020e+00, v8;
	v13 =	vmax.f32 v14, v53;
	v14 =	vmul.f32 $2.000000030e-01, v12  }
0x89: {  	(erf) = vpow2.f32 v9;
	v9 =	vmul.f32 $1.442695020e+00, v13;
	v10 =	vmax.f32 v11, v10  }
0x8a: {  	(erf) = vpow2.f32 v8;
	v8 =	vmul.f32 $1.442695020e+00, v10;
	v10 =	vmax.f32 v12, v14  }
0x8b: {  	v11 =	vpop (erf);
	(erf) = vpow2.f32 v9;
	v9 =	vmul.f32 $1.442695020e+00, v10;
	_ =	sdelay $0x1  }
0x8c: {  	[tilespmem:s5+$0x5350] =	vst v11;
	v10 =	vpop (erf);
	(erf) = vpow2.f32 v8  }
0x8d: {  	[tilespmem:s5+$0x5320] =	vst v10;
	v8 =	vpop (erf);
	(erf) = vpow2.f32 v9  }
0x8e: {  	v9 =	vpop (erf);
	[tilespmem:s5+$0x5330] =	vst v8  }
0x8f: {  	v8 =	vpop (erf);
	[tilespmem:s5+$0x5340] =	vst v9  }
0x90: {  	v9 =	vpop (erf);
	[tilespmem:s18+$0x5350] =	vst v8  }
0x91: {  	v8 =	vpop (erf);
	[tilespmem:s18+$0x5320] =	vst v9  }
0x92: {  	[tilespmem:s18+$0x5330] =	vst v8;
	v8 =	vpop (erf)  }
0x93: {  	[tilespmem:s18+$0x5340] =	vst v8;
	v8 =	vpop (erf)  }
0x94: {  	[tilespmem:s22+$0x5350] =	vst v8;
	v8 =	vpop (erf)  }
0x95: {  	[tilespmem:s22+$0x5320] =	vst v8;
	v8 =	vpop (erf)  }
0x96: {  	[tilespmem:s22+$0x5330] =	vst v8;
	v8 =	vpop (erf)  }
0x97: {  	[tilespmem:s22+$0x5340] =	vst v8  }
0x98: {  	_ =	swait.ge [sflag:s8], $0x1400  }
0x99: {  	[sflag:s8] =	ssyncset.done $0x0  }
0x9a: {  	s22 =	simm.s32 $0x30;
	[sflag:s8] =	ssyncadd.s32 $0xFFFFEC00  }
0x9b: {  	v8 =	vld [tilespmem:s22+$0x52F0]  }
0x9c: {  	s21 =	simm.s32 $0x56A0  }
0x9d: {  	v9 =	vld [tilespmem:s21+$0xFFFFFF00]  }
0x9e: {  	v10 =	vld [tilespmem:s21+$0xFFFFFF20]  }
0x9f: {  	v11 =	vld [tilespmem:s21+$0xFFFFFF40]  }
0xa0: {  	v12 =	vld [tilespmem:s21+$0xFFFFFF50];
	v13 =	vperm.xlane v8, v0  }
0xa1: {  	v14 =	vld [tilespmem:s21+$0xFFFFFF70];
	v15 =	vperm.xlane v8, v2  }
0xa2: {  	v54 =	vld [tilespmem:s21+$0xFFFFFF10];
	v55 =	vperm.xlane v8, v4;
	v9 =	vmul.f32 v9, v13  }
0xa3: {  	v56 =	vperm.xlane v8, v5;
	v13 =	vld [tilespmem:s21+$0xFFFFFF30];
	v10 =	vmul.f32 v10, v15  }
0xa4: {  	v57 =	vperm.xlane v8, v7;
	v15 =	vld [tilespmem:s21+$0xFFFFFF60];
	v11 =	vmul.f32 v11, v55;
	[tilespmem:s21+$0xFFFFFF00] =	vst v9  }
0xa5: {  	v12 =	vmul.f32 v12, v56;
	v9 =	vperm.xlane v8, v1;
	[tilespmem:s21+$0xFFFFFF20] =	vst v10  }
0xa6: {  	v10 =	vperm.xlane v8, v3;
	[tilespmem:s21+$0xFFFFFF40] =	vst v11;
	v11 =	vmul.f32 v14, v57  }
0xa7: {  	v8 =	vperm.xlane v8, v6;
	[tilespmem:s21+$0xFFFFFF50] =	vst v12;
	v9 =	vmul.f32 v54, v9  }
0xa8: {  	[tilespmem:s21+$0xFFFFFF70] =	vst v11;
	v10 =	vmul.f32 v13, v10  }
0xa9: {  	v8 =	vmul.f32 v15, v8;
	[tilespmem:s21+$0xFFFFFF10] =	vst v9  }
0xaa: {  	[tilespmem:s21+$0xFFFFFF30] =	vst v10  }
0xab: {  	[tilespmem:s21+$0xFFFFFF60] =	vst v8  }
0xac: {  	v9 =	vld [tilespmem:s22+$0x5300];
	_ =	sdelay $0x1  }
0xad: {  	v8 =	vld [tilespmem:s21+$0xFFFFFFB0]  }
0xae: {  	v11 =	vld [tilespmem:s21+$0xFFFFFFA0]  }
0xaf: {  	v12 =	vld [tilespmem:s21+$0xFFFFFFE0]  }
0xb0: {  	v15 =	vld [tilespmem:s21+$0xFFFFFF90];
	v14 =	vperm.xlane v9, v3  }
0xb1: {  	v13 =	vld [tilespmem:s21+$0xFFFFFFD0];
	v58 =	vperm.xlane v9, v2  }
0xb2: {  	v59 =	vld [tilespmem:s21+$0xFFFFFF80];
	v60 =	vperm.xlane v9, v6;
	v8 =	vmul.f32 v8, v14  }
0xb3: {  	v10 =	vld [tilespmem:s21+$0xFFFFFFF0];
	v62 =	vperm.xlane v9, v1;
	v11 =	vmul.f32 v11, v58  }
0xb4: {  	v61 =	vperm.xlane v9, v5;
	v14 =	vld [tilespmem:s21+$0xFFFFFFC0];
	v12 =	vmul.f32 v12, v60;
	[tilespmem:s21+$0xFFFFFFB0] =	vst v8  }
0xb5: {  	v63 =	vperm.xlane v9, v0;
	v15 =	vmul.f32 v15, v62;
	[tilespmem:s21+$0xFFFFFFA0] =	vst v11  }
0xb6: {  	v11 =	vmul.f32 v13, v61;
	v13 =	vperm.xlane v9, v7;
	[tilespmem:s21+$0xFFFFFFE0] =	vst v12  }
0xb7: {  	v9 =	vperm.xlane v9, v4;
	v12 =	vmul.f32 v59, v63;
	[tilespmem:s21+$0xFFFFFF90] =	vst v15  }
0xb8: {  	[tilespmem:s21+$0xFFFFFFD0] =	vst v11;
	v10 =	vmul.f32 v10, v13  }
0xb9: {  	[tilespmem:s21+$0xFFFFFF80] =	vst v12;
	v9 =	vmul.f32 v14, v9  }
0xba: {  	v8 =	vld [tilespmem:s21+$0x10];
	[tilespmem:s21+$0xFFFFFFF0] =	vst v10  }
0xbb: {  	v12 =	vld [tilespmem:s21+$0x60];
	[tilespmem:s21+$0xFFFFFFC0] =	vst v9  }
0xbc: {  	v10 =	vld [tilespmem:s22+$0x5310]  }
0xbd: {  	v11 =	vld [tilespmem:s21+$0x70]  }
0xbe: {  	s5 =	simm.s32 $0x56A0;
	s18 =	simm.s32 $0x1C0;
	v9 =	vld [tilespmem:s21+$0x50]  }
.LBB2_5:
0xbf: {  	p1 =	sne.s32 s18, $0x9C0  }
0xc0: {  	v13 =	vld [tilespmem:s21+$0x0];
	s5 =	sadd.s32 $0x200, s5;
	s20 =	smov.u32 s18;
	s18 =	sadd.s32 $0x100, s18  }
0xc1: {  	v14 =	vperm.xlane v10, v2;
	v15 =	vld [tilespmem:s21+$0x30];
	v16 =	vperm.xlane v10, v7  }
0xc2: {  	v17 =	vperm.xlane v10, v0;
	v19 =	vperm.xlane v10, v6;
	v18 =	vld [tilespmem:s21+$0x40]  }
0xc3: {  	v20 =	vperm.xlane v10, v1;
	v22 =	vperm.xlane v10, v4;
	v21 =	vld [tilespmem:s21+$0x20]  }
0xc4: {  	v12 =	vmul.f32 v12, v19;
	v11 =	vmul.f32 v11, v16  }
0xc5: {  	v8 =	vmul.f32 v8, v20;
	v16 =	vperm.xlane v10, v3  }
0xc6: {  	v10 =	vperm.xlane v10, v5;
	v13 =	vmul.f32 v13, v17;
	[tilespmem:s21+$0x60] =	vst v12  }
0xc7: {  	v12 =	vmul.f32 v15, v16;
	[tilespmem:s21+$0x10] =	vst v8;
	v15 =	vmul.f32 v18, v22  }
0xc8: {  	v9 =	vmul.f32 v9, v10;
	v8 =	vld [tilespmem:s5+$0x10];
	[tilespmem:s21+$0x0] =	vst v13;
	v13 =	vmul.f32 v21, v14  }
0xc9: {  	[tilespmem:s21+$0x30] =	vst v12  }
0xca: {  	[tilespmem:s21+$0x50] =	vst v9  }
0xcb: {  	[tilespmem:s21+$0x40] =	vst v15  }
0xcc: {  	[tilespmem:s21+$0x70] =	vst v11  }
0xcd: {  	[tilespmem:s21+$0x20] =	vst v13;
	v9 =	vld [tilespmem:s21+$0xA0]  }
0xce: {  	v10 =	vld [tilespmem:s22+$0x5320]  }
0xcf: {  	v11 =	vld [tilespmem:s21+$0xE0]  }
0xd0: {  	v12 =	vld [tilespmem:s21+$0xD0]  }
0xd1: {  	v13 =	vld [tilespmem:s21+$0xB0]  }
0xd2: {  	v14 =	vld [tilespmem:s21+$0xC0]  }
0xd3: {  	v15 =	vperm.xlane v10, v0;
	v16 =	vld [tilespmem:s21+$0x80];
	v17 =	vperm.xlane v10, v1  }
0xd4: {  	v18 =	vperm.xlane v10, v2;
	v19 =	vperm.xlane v10, v3;
	v20 =	vld [tilespmem:s21+$0xF0]  }
0xd5: {  	v22 =	vperm.xlane v10, v4;
	v23 =	vperm.xlane v10, v5;
	v21 =	vld [tilespmem:s21+$0x90]  }
0xd6: {  	v13 =	vmul.f32 v13, v19;
	v19 =	vperm.xlane v10, v6  }
0xd7: {  	v10 =	vperm.xlane v10, v7;
	v14 =	vmul.f32 v14, v22  }
0xd8: {  	v12 =	vmul.f32 v12, v23;
	[tilespmem:s21+$0xB0] =	vst v13;
	v11 =	vmul.f32 v11, v19  }
0xd9: {  	v13 =	vmul.f32 v16, v15;
	[tilespmem:s21+$0xC0] =	vst v14;
	v10 =	vmul.f32 v20, v10  }
0xda: {  	v9 =	vmul.f32 v9, v18;
	v14 =	vmul.f32 v21, v17;
	[tilespmem:s21+$0xD0] =	vst v12  }
0xdb: {  	[tilespmem:s21+$0xE0] =	vst v11  }
0xdc: {  	[tilespmem:s21+$0xA0] =	vst v9  }
0xdd: {  	[tilespmem:s21+$0x80] =	vst v13  }
0xde: {  	[tilespmem:s21+$0xF0] =	vst v10  }
0xdf: {  	s22 =	sshra.s32 s20, $0x2;
	v9 =	vld [tilespmem:s5+$0xFFFFFF60];
	[tilespmem:s21+$0x90] =	vst v14;
	s21 =	smov.u32 s5  }
0xe0: {  	v10 =	vld [tilespmem:s22+$0x52F0]  }
0xe1: {  	v11 =	vld [tilespmem:s5+$0xFFFFFF40]  }
0xe2: {  	v12 =	vld [tilespmem:s5+$0xFFFFFF00]  }
0xe3: {  	v13 =	vld [tilespmem:s5+$0xFFFFFF20]  }
0xe4: {  	v14 =	vld [tilespmem:s5+$0xFFFFFF50]  }
0xe5: {  	v15 =	vperm.xlane v10, v0;
	v16 =	vperm.xlane v10, v7;
	v17 =	vld [tilespmem:s5+$0xFFFFFF70]  }
0xe6: {  	v19 =	vperm.xlane v10, v2;
	v20 =	vperm.xlane v10, v4;
	v18 =	vld [tilespmem:s5+$0xFFFFFF10]  }
0xe7: {  	v21 =	vperm.xlane v10, v5;
	v12 =	vmul.f32 v12, v15;
	v15 =	vld [tilespmem:s5+$0xFFFFFF30]  }
0xe8: {  	v11 =	vmul.f32 v11, v20;
	v13 =	vmul.f32 v13, v19  }
0xe9: {  	[tilespmem:s5+$0xFFFFFF00] =	vst v12;
	v12 =	vperm.xlane v10, v1;
	v14 =	vmul.f32 v14, v21  }
0xea: {  	[tilespmem:s5+$0xFFFFFF20] =	vst v13;
	v13 =	vperm.xlane v10, v3;
	v10 =	vperm.xlane v10, v6  }
0xeb: {  	v12 =	vmul.f32 v18, v12;
	[tilespmem:s5+$0xFFFFFF40] =	vst v11;
	v11 =	vmul.f32 v17, v16  }
0xec: {  	v13 =	vmul.f32 v15, v13;
	[tilespmem:s5+$0xFFFFFF50] =	vst v14;
	v9 =	vmul.f32 v9, v10  }
0xed: {  	[tilespmem:s5+$0xFFFFFF70] =	vst v11  }
0xee: {  	[tilespmem:s5+$0xFFFFFF10] =	vst v12  }
0xef: {  	[tilespmem:s5+$0xFFFFFF30] =	vst v13  }
0xf0: {  	[tilespmem:s5+$0xFFFFFF60] =	vst v9;
	v9 =	vld [tilespmem:s5+$0xFFFFFFF0]  }
0xf1: {  	v10 =	vld [tilespmem:s22+$0x5300]  }
0xf2: {  	v11 =	vld [tilespmem:s5+$0xFFFFFFD0]  }
0xf3: {  	v12 =	vld [tilespmem:s5+$0xFFFFFFB0]  }
0xf4: {  	v13 =	vld [tilespmem:s5+$0xFFFFFFA0]  }
0xf5: {  	v14 =	vld [tilespmem:s5+$0xFFFFFF90]  }
0xf6: {  	v15 =	vperm.xlane v10, v0;
	v16 =	vld [tilespmem:s5+$0xFFFFFFE0];
	v17 =	vperm.xlane v10, v7  }
0xf7: {  	v19 =	vperm.xlane v10, v2;
	v20 =	vperm.xlane v10, v3;
	v18 =	vld [tilespmem:s5+$0xFFFFFF80]  }
0xf8: {  	v21 =	vperm.xlane v10, v1;
	v23 =	vperm.xlane v10, v6;
	v22 =	vld [tilespmem:s5+$0xFFFFFFC0]  }
0xf9: {  	v12 =	vmul.f32 v12, v20;
	v13 =	vmul.f32 v13, v19  }
0xfa: {  	v19 =	vperm.xlane v10, v5;
	v14 =	vmul.f32 v14, v21  }
0xfb: {  	v10 =	vperm.xlane v10, v4;
	[tilespmem:s5+$0xFFFFFFB0] =	vst v12;
	v12 =	vmul.f32 v16, v23  }
0xfc: {  	v11 =	vmul.f32 v11, v19;
	v15 =	vmul.f32 v18, v15;
	[tilespmem:s5+$0xFFFFFFA0] =	vst v13  }
0xfd: {  	v9 =	vmul.f32 v9, v17;
	v10 =	vmul.f32 v22, v10;
	[tilespmem:s5+$0xFFFFFFE0] =	vst v12  }
0xfe: {  	[tilespmem:s5+$0xFFFFFFD0] =	vst v11  }
0xff: {  	[tilespmem:s5+$0xFFFFFF90] =	vst v14  }
0x100: {  	[tilespmem:s5+$0xFFFFFF80] =	vst v15  }
0x101: {  	[tilespmem:s5+$0xFFFFFFF0] =	vst v9  }
.Ltmp1:
0x102: {  	[tilespmem:s5+$0xFFFFFFC0] =	vst v10;
	(pc) =	sbr.rel @p1 .LBB2_5-.Ltmp1, $4  }
0x103: {  	v10 =	vld [tilespmem:s22+$0x5310]  }
0x104: {  	v9 =	vld [tilespmem:s5+$0x50]  }
0x105: {  	v12 =	vld [tilespmem:s5+$0x60]  }
0x106: {  	v11 =	vld [tilespmem:s5+$0x70]  }
0x107: {  	v13 =	vld [tilespmem:s21+$0x0]  }
0x108: {  	v14 =	vld [tilespmem:s21+$0x30];
	v15 =	vperm.xlane v10, v6  }
0x109: {  	v16 =	vperm.xlane v10, v1  }
0x10a: {  	v18 =	vld [tilespmem:s21+$0x40];
	v17 =	vperm.xlane v10, v0;
	v12 =	vmul.f32 v12, v15  }
0x10b: {  	v8 =	vmul.f32 v8, v16;
	v15 =	vperm.xlane v10, v3  }
0x10c: {  	v16 =	vld [tilespmem:s21+$0x20];
	v13 =	vmul.f32 v13, v17;
	v17 =	vperm.xlane v10, v5;
	[tilespmem:s21+$0x60] =	vst v12  }
0x10d: {  	v12 =	vperm.xlane v10, v4;
	[tilespmem:s21+$0x10] =	vst v8;
	v8 =	vmul.f32 v14, v15  }
0x10e: {  	v14 =	vperm.xlane v10, v7;
	[tilespmem:s21+$0x0] =	vst v13;
	v9 =	vmul.f32 v9, v17  }
0x10f: {  	v10 =	vperm.xlane v10, v2;
	v12 =	vmul.f32 v18, v12;
	[tilespmem:s21+$0x30] =	vst v8  }
0x110: {  	v8 =	vmul.f32 v11, v14;
	[tilespmem:s21+$0x50] =	vst v9  }
0x111: {  	v9 =	vmul.f32 v16, v10;
	[tilespmem:s21+$0x40] =	vst v12  }
0x112: {  	[tilespmem:s21+$0x70] =	vst v8  }
0x113: {  	[tilespmem:s21+$0x20] =	vst v9  }
0x114: {  	v8 =	vld [tilespmem:s22+$0x5320];
	_ =	sdelay $0x1  }
0x115: {  	v10 =	vld [tilespmem:s21+$0xB0]  }
0x116: {  	v11 =	vld [tilespmem:s21+$0xC0]  }
0x117: {  	v13 =	vld [tilespmem:s21+$0xE0]  }
0x118: {  	v12 =	vld [tilespmem:s21+$0xD0];
	v14 =	vperm.xlane v8, v3  }
0x119: {  	v9 =	vld [tilespmem:s21+$0xA0];
	v16 =	vperm.xlane v8, v4  }
0x11a: {  	v15 =	vld [tilespmem:s21+$0x80];
	v19 =	vperm.xlane v8, v6;
	v10 =	vmul.f32 v10, v14  }
0x11b: {  	v17 =	vld [tilespmem:s21+$0xF0];
	v18 =	vperm.xlane v8, v5;
	v11 =	vmul.f32 v11, v16  }
0x11c: {  	v14 =	vld [tilespmem:s21+$0x90];
	v16 =	vperm.xlane v8, v2;
	v13 =	vmul.f32 v13, v19;
	[tilespmem:s21+$0xB0] =	vst v10  }
0x11d: {  	v10 =	vmul.f32 v12, v18;
	v12 =	vperm.xlane v8, v0;
	[tilespmem:s21+$0xC0] =	vst v11  }
0x11e: {  	v11 =	vperm.xlane v8, v7;
	v9 =	vmul.f32 v9, v16;
	[tilespmem:s21+$0xE0] =	vst v13  }
0x11f: {  	v8 =	vperm.xlane v8, v1;
	[tilespmem:s21+$0xD0] =	vst v10;
	v10 =	vmul.f32 v15, v12  }
0x120: {  	s5 =	smul.u32 $0x140, s23;
	v11 =	vmul.f32 v17, v11;
	[tilespmem:s21+$0xA0] =	vst v9  }
0x121: {  	v8 =	vmul.f32 v14, v8;
	[tilespmem:s21+$0x80] =	vst v10  }
0x122: {  	s5 =	sshra.s32 s5, $0x2;
	[tilespmem:s21+$0xF0] =	vst v11  }
0x123: {  	s5 =	sadd.s32 $0x2710, s5;
	[tilespmem:s21+$0x90] =	vst v8  }
0x124: {  	[spmem:s3] =	stream.indirect.scatter.add.f32 [tilespmem:s26], [sflag:$0x4], $0x80, s5, s25, $0xb8;
	[tilespmem:$0x1E4B0] =	vst v63  }
0x125: {  	_ = 	snop  }
0x126: {  	[spmem:s4] =	stream.indirect.scatter.add.f32 [tilespmem:s9], [sflag:$0x5], $0x10, s5, s25, $0xb8;
	[tilespmem:$0x1E4B0] =	vst v63  }
0x127: {  	_ =	swait.ge [sflag:s10], $0x280  }
0x128: {  	[sflag:s10] =	ssyncset.done $0x0  }
0x129: {  	[sflag:s10] =	ssyncadd.s32 $0xFFFFFD80  }
0x12a: {  	_ =	swait.ge [sflag:s11], $0x280  }
0x12b: {  	[sflag:s11] =	ssyncset.done $0x0  }
0x12c: {  	s21 =	simm.s32 $0x0;
	[sflag:s11] =	ssyncadd.s32 $0xFFFFFD80  }
0x12d: {  	v8 =	vld [tilespmem:s21+$0x69D0]  }
0x12e: {  	v9 =	vld [tilespmem:s21+$0x6C50]  }
0x12f: {  	v10 =	vld [tilespmem:s21+$0x69A0]  }
0x130: {  	v11 =	vld [tilespmem:s21+$0x6C20]  }
0x131: {  	v12 =	vld [tilespmem:s21+$0x69B0]  }
0x132: {  	v13 =	vld [tilespmem:s21+$0x6C30]  }
0x133: {  	v14 =	vld [tilespmem:s21+$0x69C0];
	v8 =	vadd.f32 v9, v8  }
0x134: {  	s5 =	simm.s32 $0x40;
	v9 =	vld [tilespmem:s21+$0x6C40]  }
0x135: {  	v15 =	vld [tilespmem:s5+$0x69D0];
	v10 =	vadd.f32 v11, v10;
	v11 =	vmul.f32 $2.000000030e-01, v8  }
0x136: {  	v16 =	vld [tilespmem:s5+$0x6C50]  }
0x137: {  	v17 =	vld [tilespmem:s5+$0x69A0];
	v12 =	vadd.f32 v13, v12;
	v18 =	vmul.f32 $2.000000030e-01, v10;
	v8 =	vmax.f32 v8, v11  }
0x138: {  	v11 =	vld [tilespmem:s5+$0x6C20];
	v8 =	vmul.f32 $1.442695020e+00, v8  }
0x139: {  	v13 =	vld [tilespmem:s5+$0x69B0];
	v10 =	vmax.f32 v10, v18;
	v18 =	vmul.f32 $2.000000030e-01, v12;
	v9 =	vadd.f32 v9, v14  }
0x13a: {  	v14 =	vld [tilespmem:s5+$0x6C30];
	v10 =	vmul.f32 $1.442695020e+00, v10;
	(erf) = vpow2.f32 v8  }
0x13b: {  	v19 =	vld [tilespmem:s5+$0x69C0];
	v12 =	vmax.f32 v12, v18;
	v8 =	vadd.f32 v16, v15;
	v15 =	vmul.f32 $2.000000030e-01, v9  }
0x13c: {  	s18 =	simm.s32 $0x80;
	v16 =	vld [tilespmem:s5+$0x6C40];
	v12 =	vmul.f32 $1.442695020e+00, v12;
	(erf) = vpow2.f32 v10  }
0x13d: {  	v10 =	vld [tilespmem:s18+$0x69D0];
	v11 =	vadd.f32 v11, v17;
	v17 =	vmul.f32 $2.000000030e-01, v8;
	v9 =	vmax.f32 v9, v15  }
0x13e: {  	v15 =	vld [tilespmem:s18+$0x6C50];
	(erf) = vpow2.f32 v12;
	v9 =	vmul.f32 $1.442695020e+00, v9  }
0x13f: {  	v18 =	vld [tilespmem:s18+$0x69A0];
	v14 =	vadd.f32 v14, v13;
	v12 =	vmul.f32 $2.000000030e-01, v11;
	v8 =	vmax.f32 v8, v17  }
0x140: {  	v17 =	vld [tilespmem:s18+$0x6C20];
	v13 =	vmul.f32 $1.442695020e+00, v8;
	(erf) = vpow2.f32 v9  }
0x141: {  	v8 =	vld [tilespmem:s18+$0x69B0];
	v19 =	vadd.f32 v16, v19;
	v9 =	vmax.f32 v11, v12;
	v12 =	vmul.f32 $2.000000030e-01, v14  }
0x142: {  	v11 =	vld [tilespmem:s18+$0x6C30];
	v16 =	vmul.f32 $1.442695020e+00, v9;
	(erf) = vpow2.f32 v13  }
0x143: {  	v9 =	vld [tilespmem:s18+$0x69C0];
	v13 =	vadd.f32 v15, v10;
	v20 =	vmul.f32 $2.000000030e-01, v19;
	v10 =	vmax.f32 v14, v12;
	v14 =	vpop (erf)  }
0x144: {  	s22 =	simm.s32 $0xC0;
	v12 =	vld [tilespmem:s18+$0x6C40];
	v15 =	vmul.f32 $1.442695020e+00, v10;
	(erf) = vpow2.f32 v16;
	[tilespmem:s21+$0x6ED0] =	vst v14  }
0x145: {  	s20 =	simm.s32 $0x400;
	v16 =	vmul.f32 $2.000000030e-01, v13;
	v14 =	vadd.f32 v17, v18;
	v17 =	vmax.f32 v19, v20;
	v18 =	vpop (erf);
	v10 =	vld [tilespmem:s22+$0x69D0]  }
.LBB2_7:
0x146: {  	p1 =	sne.s32 s20, $0x900;
	v19 =	vld [tilespmem:s22+$0x6C50];
	v17 =	vmul.f32 $1.442695020e+00, v17;
	(erf) = vpow2.f32 v15;
	[tilespmem:s21+$0x6EA0] =	vst v18  }
0x147: {  	v18 =	vld [tilespmem:s22+$0x69A0];
	v15 =	vmul.f32 $2.000000030e-01, v14;
	v20 =	vadd.f32 v11, v8;
	v8 =	vmax.f32 v13, v16;
	v11 =	vpop (erf)  }
0x148: {  	v16 =	vld [tilespmem:s22+$0x6C20];
	v13 =	vmul.f32 $1.442695020e+00, v8;
	(erf) = vpow2.f32 v17;
	[tilespmem:s21+$0x6EB0] =	vst v11  }
.Ltmp2:
0x149: {  	v8 =	vld [tilespmem:s22+$0x69B0];
	v14 =	vmax.f32 v14, v15;
	v15 =	vmul.f32 $2.000000030e-01, v20;
	v17 =	vadd.f32 v12, v9;
	v9 =	vpop (erf);
	(pc) =	sbr.rel @p1 .LBB2_7-.Ltmp2, $4  }
0x14a: {  	v11 =	vld [tilespmem:s22+$0x6C30];
	v14 =	vmul.f32 $1.442695020e+00, v14;
	(erf) = vpow2.f32 v13;
	[tilespmem:s21+$0x6EC0] =	vst v9;
	s21 =	smov.u32 s5;
	s5 =	smov.u32 s18;
	s18 =	smov.u32 s22  }
0x14b: {  	v9 =	vld [tilespmem:s18+$0x69C0];
	v13 =	vadd.f32 v19, v10;
	v10 =	vmax.f32 v20, v15;
	v19 =	vmul.f32 $2.000000030e-01, v17;
	v20 =	vpop (erf)  }
0x14c: {  	s22 =	sshra.s32 s20, $0x2;
	v12 =	vld [tilespmem:s18+$0x6C40];
	v15 =	vmul.f32 $1.442695020e+00, v10;
	(erf) = vpow2.f32 v14;
	[tilespmem:s21+$0x6ED0] =	vst v20  }
0x14d: {  	s20 =	sadd.s32 $0x100, s20;
	v10 =	vld [tilespmem:s22+$0x69D0];
	v14 =	vadd.f32 v16, v18;
	v16 =	vmul.f32 $2.000000030e-01, v13;
	v17 =	vmax.f32 v17, v19;
	v18 =	vpop (erf)  }
0x14e: {  	v19 =	vld [tilespmem:s22+$0x6C50];
	[tilespmem:s21+$0x6EA0] =	vst v18  }
0x14f: {  	v18 =	vld [tilespmem:s22+$0x69A0];
	v20 =	vpop (erf)  }
0x150: {  	v21 =	vld [tilespmem:s22+$0x6C20];
	[tilespmem:s21+$0x6EB0] =	vst v20  }
0x151: {  	v17 =	vmul.f32 $1.442695020e+00, v17;
	(erf) = vpow2.f32 v15;
	v20 =	vld [tilespmem:s22+$0x69B0];
	v15 =	vpop (erf)  }
0x152: {  	v23 =	vmul.f32 $2.000000030e-01, v14;
	v8 =	vadd.f32 v11, v8;
	v11 =	vmax.f32 v13, v16;
	v22 =	vld [tilespmem:s22+$0x6C30];
	[tilespmem:s21+$0x6EC0] =	vst v15  }
0x153: {  	v11 =	vmul.f32 $1.442695020e+00, v11;
	(erf) = vpow2.f32 v17;
	v13 =	vld [tilespmem:s22+$0x69C0]  }
0x154: {  	v14 =	vmax.f32 v14, v23;
	v9 =	vadd.f32 v12, v9;
	v15 =	vmul.f32 $2.000000030e-01, v8;
	v12 =	vld [tilespmem:s22+$0x6C40]  }
0x155: {  	v14 =	vmul.f32 $1.442695020e+00, v14;
	(erf) = vpow2.f32 v11  }
0x156: {  	v10 =	vadd.f32 v19, v10;
	v11 =	vmul.f32 $2.000000030e-01, v9;
	v8 =	vmax.f32 v8, v15  }
0x157: {  	(erf) = vpow2.f32 v14;
	v14 =	vadd.f32 v21, v18;
	v8 =	vmul.f32 $1.442695020e+00, v8  }
0x158: {  	v15 =	vmul.f32 $2.000000030e-01, v10;
	v9 =	vmax.f32 v9, v11;
	v11 =	vadd.f32 v22, v20  }
0x159: {  	v9 =	vmul.f32 $1.442695020e+00, v9;
	v53 =	vmul.f32 $2.000000030e-01, v14;
	v12 =	vadd.f32 v12, v13  }
0x15a: {  	(erf) = vpow2.f32 v8;
	v8 =	vmax.f32 v10, v15;
	v10 =	vmul.f32 $2.000000030e-01, v11  }
0x15b: {  	v8 =	vmul.f32 $1.442695020e+00, v8;
	v13 =	vmax.f32 v14, v53;
	v14 =	vmul.f32 $2.000000030e-01, v12  }
0x15c: {  	(erf) = vpow2.f32 v9;
	v9 =	vmul.f32 $1.442695020e+00, v13;
	v10 =	vmax.f32 v11, v10  }
0x15d: {  	(erf) = vpow2.f32 v8;
	v8 =	vmul.f32 $1.442695020e+00, v10;
	v10 =	vmax.f32 v12, v14  }
0x15e: {  	v11 =	vpop (erf);
	(erf) = vpow2.f32 v9;
	v9 =	vmul.f32 $1.442695020e+00, v10;
	_ =	sdelay $0x1  }
0x15f: {  	[tilespmem:s5+$0x6ED0] =	vst v11;
	v10 =	vpop (erf);
	(erf) = vpow2.f32 v8  }
0x160: {  	[tilespmem:s5+$0x6EA0] =	vst v10;
	v8 =	vpop (erf);
	(erf) = vpow2.f32 v9  }
0x161: {  	v9 =	vpop (erf);
	[tilespmem:s5+$0x6EB0] =	vst v8  }
0x162: {  	v8 =	vpop (erf);
	[tilespmem:s5+$0x6EC0] =	vst v9  }
0x163: {  	v9 =	vpop (erf);
	[tilespmem:s18+$0x6ED0] =	vst v8  }
0x164: {  	v8 =	vpop (erf);
	[tilespmem:s18+$0x6EA0] =	vst v9  }
0x165: {  	[tilespmem:s18+$0x6EB0] =	vst v8;
	v8 =	vpop (erf)  }
0x166: {  	[tilespmem:s18+$0x6EC0] =	vst v8;
	v8 =	vpop (erf)  }
0x167: {  	[tilespmem:s22+$0x6ED0] =	vst v8;
	v8 =	vpop (erf)  }
0x168: {  	[tilespmem:s22+$0x6EA0] =	vst v8;
	v8 =	vpop (erf)  }
0x169: {  	[tilespmem:s22+$0x6EB0] =	vst v8;
	v8 =	vpop (erf)  }
0x16a: {  	[tilespmem:s22+$0x6EC0] =	vst v8  }
0x16b: {  	_ =	swait.ge [sflag:s12], $0x1400  }
0x16c: {  	[sflag:s12] =	ssyncset.done $0x0  }
0x16d: {  	s22 =	simm.s32 $0x30;
	[sflag:s12] =	ssyncadd.s32 $0xFFFFEC00  }
0x16e: {  	v8 =	vld [tilespmem:s22+$0x6E70]  }
0x16f: {  	s21 =	simm.s32 $0x7220  }
0x170: {  	v9 =	vld [tilespmem:s21+$0xFFFFFF00]  }
0x171: {  	v10 =	vld [tilespmem:s21+$0xFFFFFF20]  }
0x172: {  	v11 =	vld [tilespmem:s21+$0xFFFFFF40]  }
0x173: {  	v12 =	vld [tilespmem:s21+$0xFFFFFF50];
	v13 =	vperm.xlane v8, v0  }
0x174: {  	v14 =	vld [tilespmem:s21+$0xFFFFFF70];
	v15 =	vperm.xlane v8, v2  }
0x175: {  	v54 =	vld [tilespmem:s21+$0xFFFFFF10];
	v55 =	vperm.xlane v8, v4;
	v9 =	vmul.f32 v9, v13  }
0x176: {  	v56 =	vperm.xlane v8, v5;
	v13 =	vld [tilespmem:s21+$0xFFFFFF30];
	v10 =	vmul.f32 v10, v15  }
0x177: {  	v57 =	vperm.xlane v8, v7;
	v15 =	vld [tilespmem:s21+$0xFFFFFF60];
	v11 =	vmul.f32 v11, v55;
	[tilespmem:s21+$0xFFFFFF00] =	vst v9  }
0x178: {  	v12 =	vmul.f32 v12, v56;
	v9 =	vperm.xlane v8, v1;
	[tilespmem:s21+$0xFFFFFF20] =	vst v10  }
0x179: {  	v10 =	vperm.xlane v8, v3;
	[tilespmem:s21+$0xFFFFFF40] =	vst v11;
	v11 =	vmul.f32 v14, v57  }
0x17a: {  	v8 =	vperm.xlane v8, v6;
	[tilespmem:s21+$0xFFFFFF50] =	vst v12;
	v9 =	vmul.f32 v54, v9  }
0x17b: {  	[tilespmem:s21+$0xFFFFFF70] =	vst v11;
	v10 =	vmul.f32 v13, v10  }
0x17c: {  	v8 =	vmul.f32 v15, v8;
	[tilespmem:s21+$0xFFFFFF10] =	vst v9  }
0x17d: {  	[tilespmem:s21+$0xFFFFFF30] =	vst v10  }
0x17e: {  	[tilespmem:s21+$0xFFFFFF60] =	vst v8  }
0x17f: {  	v9 =	vld [tilespmem:s22+$0x6E80];
	_ =	sdelay $0x1  }
0x180: {  	v8 =	vld [tilespmem:s21+$0xFFFFFFB0]  }
0x181: {  	v11 =	vld [tilespmem:s21+$0xFFFFFFA0]  }
0x182: {  	v12 =	vld [tilespmem:s21+$0xFFFFFFE0]  }
0x183: {  	v15 =	vld [tilespmem:s21+$0xFFFFFF90];
	v14 =	vperm.xlane v9, v3  }
0x184: {  	v13 =	vld [tilespmem:s21+$0xFFFFFFD0];
	v58 =	vperm.xlane v9, v2  }
0x185: {  	v59 =	vld [tilespmem:s21+$0xFFFFFF80];
	v60 =	vperm.xlane v9, v6;
	v8 =	vmul.f32 v8, v14  }
0x186: {  	v10 =	vld [tilespmem:s21+$0xFFFFFFF0];
	v62 =	vperm.xlane v9, v1;
	v11 =	vmul.f32 v11, v58  }
0x187: {  	v61 =	vperm.xlane v9, v5;
	v14 =	vld [tilespmem:s21+$0xFFFFFFC0];
	v12 =	vmul.f32 v12, v60;
	[tilespmem:s21+$0xFFFFFFB0] =	vst v8  }
0x188: {  	v63 =	vperm.xlane v9, v0;
	v15 =	vmul.f32 v15, v62;
	[tilespmem:s21+$0xFFFFFFA0] =	vst v11  }
0x189: {  	v11 =	vmul.f32 v13, v61;
	v13 =	vperm.xlane v9, v7;
	[tilespmem:s21+$0xFFFFFFE0] =	vst v12  }
0x18a: {  	v9 =	vperm.xlane v9, v4;
	v12 =	vmul.f32 v59, v63;
	[tilespmem:s21+$0xFFFFFF90] =	vst v15  }
0x18b: {  	[tilespmem:s21+$0xFFFFFFD0] =	vst v11;
	v10 =	vmul.f32 v10, v13  }
0x18c: {  	[tilespmem:s21+$0xFFFFFF80] =	vst v12;
	v9 =	vmul.f32 v14, v9  }
0x18d: {  	v8 =	vld [tilespmem:s21+$0x10];
	[tilespmem:s21+$0xFFFFFFF0] =	vst v10  }
0x18e: {  	v12 =	vld [tilespmem:s21+$0x60];
	[tilespmem:s21+$0xFFFFFFC0] =	vst v9  }
0x18f: {  	v10 =	vld [tilespmem:s22+$0x6E90]  }
0x190: {  	v11 =	vld [tilespmem:s21+$0x70]  }
0x191: {  	s5 =	simm.s32 $0x7220;
	s18 =	simm.s32 $0x1C0;
	v9 =	vld [tilespmem:s21+$0x50]  }
.LBB2_9:
0x192: {  	p1 =	sne.s32 s18, $0x9C0  }
0x193: {  	v13 =	vld [tilespmem:s21+$0x0];
	s5 =	sadd.s32 $0x200, s5;
	s20 =	smov.u32 s18;
	s18 =	sadd.s32 $0x100, s18  }
0x194: {  	v14 =	vperm.xlane v10, v2;
	v15 =	vld [tilespmem:s21+$0x30];
	v16 =	vperm.xlane v10, v7  }
0x195: {  	v17 =	vperm.xlane v10, v0;
	v19 =	vperm.xlane v10, v6;
	v18 =	vld [tilespmem:s21+$0x40]  }
0x196: {  	v20 =	vperm.xlane v10, v1;
	v22 =	vperm.xlane v10, v4;
	v21 =	vld [tilespmem:s21+$0x20]  }
0x197: {  	v12 =	vmul.f32 v12, v19;
	v11 =	vmul.f32 v11, v16  }
0x198: {  	v8 =	vmul.f32 v8, v20;
	v16 =	vperm.xlane v10, v3  }
0x199: {  	v10 =	vperm.xlane v10, v5;
	v13 =	vmul.f32 v13, v17;
	[tilespmem:s21+$0x60] =	vst v12  }
0x19a: {  	v12 =	vmul.f32 v15, v16;
	[tilespmem:s21+$0x10] =	vst v8;
	v15 =	vmul.f32 v18, v22  }
0x19b: {  	v9 =	vmul.f32 v9, v10;
	v8 =	vld [tilespmem:s5+$0x10];
	[tilespmem:s21+$0x0] =	vst v13;
	v13 =	vmul.f32 v21, v14  }
0x19c: {  	[tilespmem:s21+$0x30] =	vst v12  }
0x19d: {  	[tilespmem:s21+$0x50] =	vst v9  }
0x19e: {  	[tilespmem:s21+$0x40] =	vst v15  }
0x19f: {  	[tilespmem:s21+$0x70] =	vst v11  }
0x1a0: {  	[tilespmem:s21+$0x20] =	vst v13;
	v9 =	vld [tilespmem:s21+$0xA0]  }
0x1a1: {  	v10 =	vld [tilespmem:s22+$0x6EA0]  }
0x1a2: {  	v11 =	vld [tilespmem:s21+$0xE0]  }
0x1a3: {  	v12 =	vld [tilespmem:s21+$0xD0]  }
0x1a4: {  	v13 =	vld [tilespmem:s21+$0xB0]  }
0x1a5: {  	v14 =	vld [tilespmem:s21+$0xC0]  }
0x1a6: {  	v15 =	vperm.xlane v10, v0;
	v16 =	vld [tilespmem:s21+$0x80];
	v17 =	vperm.xlane v10, v1  }
0x1a7: {  	v18 =	vperm.xlane v10, v2;
	v19 =	vperm.xlane v10, v3;
	v20 =	vld [tilespmem:s21+$0xF0]  }
0x1a8: {  	v22 =	vperm.xlane v10, v4;
	v23 =	vperm.xlane v10, v5;
	v21 =	vld [tilespmem:s21+$0x90]  }
0x1a9: {  	v13 =	vmul.f32 v13, v19;
	v19 =	vperm.xlane v10, v6  }
0x1aa: {  	v10 =	vperm.xlane v10, v7;
	v14 =	vmul.f32 v14, v22  }
0x1ab: {  	v12 =	vmul.f32 v12, v23;
	[tilespmem:s21+$0xB0] =	vst v13;
	v11 =	vmul.f32 v11, v19  }
0x1ac: {  	v13 =	vmul.f32 v16, v15;
	[tilespmem:s21+$0xC0] =	vst v14;
	v10 =	vmul.f32 v20, v10  }
0x1ad: {  	v9 =	vmul.f32 v9, v18;
	v14 =	vmul.f32 v21, v17;
	[tilespmem:s21+$0xD0] =	vst v12  }
0x1ae: {  	[tilespmem:s21+$0xE0] =	vst v11  }
0x1af: {  	[tilespmem:s21+$0xA0] =	vst v9  }
0x1b0: {  	[tilespmem:s21+$0x80] =	vst v13  }
0x1b1: {  	[tilespmem:s21+$0xF0] =	vst v10  }
0x1b2: {  	s22 =	sshra.s32 s20, $0x2;
	v9 =	vld [tilespmem:s5+$0xFFFFFF60];
	[tilespmem:s21+$0x90] =	vst v14;
	s21 =	smov.u32 s5  }
0x1b3: {  	v10 =	vld [tilespmem:s22+$0x6E70]  }
0x1b4: {  	v11 =	vld [tilespmem:s5+$0xFFFFFF40]  }
0x1b5: {  	v12 =	vld [tilespmem:s5+$0xFFFFFF00]  }
0x1b6: {  	v13 =	vld [tilespmem:s5+$0xFFFFFF20]  }
0x1b7: {  	v14 =	vld [tilespmem:s5+$0xFFFFFF50]  }
0x1b8: {  	v15 =	vperm.xlane v10, v0;
	v16 =	vperm.xlane v10, v7;
	v17 =	vld [tilespmem:s5+$0xFFFFFF70]  }
0x1b9: {  	v19 =	vperm.xlane v10, v2;
	v20 =	vperm.xlane v10, v4;
	v18 =	vld [tilespmem:s5+$0xFFFFFF10]  }
0x1ba: {  	v21 =	vperm.xlane v10, v5;
	v12 =	vmul.f32 v12, v15;
	v15 =	vld [tilespmem:s5+$0xFFFFFF30]  }
0x1bb: {  	v11 =	vmul.f32 v11, v20;
	v13 =	vmul.f32 v13, v19  }
0x1bc: {  	[tilespmem:s5+$0xFFFFFF00] =	vst v12;
	v12 =	vperm.xlane v10, v1;
	v14 =	vmul.f32 v14, v21  }
0x1bd: {  	[tilespmem:s5+$0xFFFFFF20] =	vst v13;
	v13 =	vperm.xlane v10, v3;
	v10 =	vperm.xlane v10, v6  }
0x1be: {  	v12 =	vmul.f32 v18, v12;
	[tilespmem:s5+$0xFFFFFF40] =	vst v11;
	v11 =	vmul.f32 v17, v16  }
0x1bf: {  	v13 =	vmul.f32 v15, v13;
	[tilespmem:s5+$0xFFFFFF50] =	vst v14;
	v9 =	vmul.f32 v9, v10  }
0x1c0: {  	[tilespmem:s5+$0xFFFFFF70] =	vst v11  }
0x1c1: {  	[tilespmem:s5+$0xFFFFFF10] =	vst v12  }
0x1c2: {  	[tilespmem:s5+$0xFFFFFF30] =	vst v13  }
0x1c3: {  	[tilespmem:s5+$0xFFFFFF60] =	vst v9;
	v9 =	vld [tilespmem:s5+$0xFFFFFFF0]  }
0x1c4: {  	v10 =	vld [tilespmem:s22+$0x6E80]  }
0x1c5: {  	v11 =	vld [tilespmem:s5+$0xFFFFFFD0]  }
0x1c6: {  	v12 =	vld [tilespmem:s5+$0xFFFFFFB0]  }
0x1c7: {  	v13 =	vld [tilespmem:s5+$0xFFFFFFA0]  }
0x1c8: {  	v14 =	vld [tilespmem:s5+$0xFFFFFF90]  }
0x1c9: {  	v15 =	vperm.xlane v10, v0;
	v16 =	vld [tilespmem:s5+$0xFFFFFFE0];
	v17 =	vperm.xlane v10, v7  }
0x1ca: {  	v19 =	vperm.xlane v10, v2;
	v20 =	vperm.xlane v10, v3;
	v18 =	vld [tilespmem:s5+$0xFFFFFF80]  }
0x1cb: {  	v21 =	vperm.xlane v10, v1;
	v23 =	vperm.xlane v10, v6;
	v22 =	vld [tilespmem:s5+$0xFFFFFFC0]  }
0x1cc: {  	v12 =	vmul.f32 v12, v20;
	v13 =	vmul.f32 v13, v19  }
0x1cd: {  	v19 =	vperm.xlane v10, v5;
	v14 =	vmul.f32 v14, v21  }
0x1ce: {  	v10 =	vperm.xlane v10, v4;
	[tilespmem:s5+$0xFFFFFFB0] =	vst v12;
	v12 =	vmul.f32 v16, v23  }
0x1cf: {  	v11 =	vmul.f32 v11, v19;
	v15 =	vmul.f32 v18, v15;
	[tilespmem:s5+$0xFFFFFFA0] =	vst v13  }
0x1d0: {  	v9 =	vmul.f32 v9, v17;
	v10 =	vmul.f32 v22, v10;
	[tilespmem:s5+$0xFFFFFFE0] =	vst v12  }
0x1d1: {  	[tilespmem:s5+$0xFFFFFFD0] =	vst v11  }
0x1d2: {  	[tilespmem:s5+$0xFFFFFF90] =	vst v14  }
0x1d3: {  	[tilespmem:s5+$0xFFFFFF80] =	vst v15  }
0x1d4: {  	[tilespmem:s5+$0xFFFFFFF0] =	vst v9  }
.Ltmp3:
0x1d5: {  	[tilespmem:s5+$0xFFFFFFC0] =	vst v10;
	(pc) =	sbr.rel @p1 .LBB2_9-.Ltmp3, $4  }
0x1d6: {  	v10 =	vld [tilespmem:s22+$0x6E90]  }
0x1d7: {  	v9 =	vld [tilespmem:s5+$0x50]  }
0x1d8: {  	v12 =	vld [tilespmem:s5+$0x60]  }
0x1d9: {  	v11 =	vld [tilespmem:s5+$0x70]  }
0x1da: {  	_ = 	snop  }
0x1db: {  	v13 =	vld [tilespmem:s21+$0x0];
	v15 =	vperm.xlane v10, v6  }
0x1dc: {  	v14 =	vld [tilespmem:s21+$0x30];
	v16 =	vperm.xlane v10, v1  }
0x1dd: {  	v18 =	vld [tilespmem:s21+$0x40];
	v43 =	vperm.xlane v10, v5;
	v12 =	vmul.f32 v12, v15  }
0x1de: {  	v42 =	vld [tilespmem:s21+$0x20];
	v17 =	vperm.xlane v10, v0;
	v8 =	vmul.f32 v8, v16  }
0x1df: {  	v41 =	vperm.xlane v10, v3;
	v9 =	vmul.f32 v9, v43;
	[tilespmem:s21+$0x60] =	vst v12  }
0x1e0: {  	v44 =	vperm.xlane v10, v4;
	v13 =	vmul.f32 v13, v17;
	[tilespmem:s21+$0x10] =	vst v8  }
0x1e1: {  	v46 =	vperm.xlane v10, v2;
	v8 =	vmul.f32 v14, v41;
	[tilespmem:s21+$0x50] =	vst v9  }
0x1e2: {  	v45 =	vperm.xlane v10, v7;
	v12 =	vmul.f32 v18, v44;
	[tilespmem:s21+$0x0] =	vst v13  }
0x1e3: {  	v47 =	vmul.f32 v42, v46;
	[tilespmem:s21+$0x30] =	vst v8  }
0x1e4: {  	v8 =	vmul.f32 v11, v45;
	[tilespmem:s21+$0x40] =	vst v12  }
0x1e5: {  	[tilespmem:s21+$0x20] =	vst v47  }
0x1e6: {  	[tilespmem:s21+$0x70] =	vst v8  }
0x1e7: {  	v8 =	vld [tilespmem:s22+$0x6EA0];
	_ =	sdelay $0x1  }
0x1e8: {  	v49 =	vld [tilespmem:s21+$0xB0]  }
0x1e9: {  	v50 =	vld [tilespmem:s21+$0xC0]  }
0x1ea: {  	v51 =	vld [tilespmem:s21+$0xD0]  }
0x1eb: {  	v52 =	vld [tilespmem:s21+$0xE0];
	v53 =	vperm.xlane v8, v3  }
0x1ec: {  	v48 =	vld [tilespmem:s21+$0xA0];
	v55 =	vperm.xlane v8, v4;
	v57 =	vperm.xlane v8, v5  }
0x1ed: {  	v54 =	vld [tilespmem:s21+$0x80];
	v19 =	vperm.xlane v8, v6;
	v10 =	vmul.f32 v49, v53  }
0x1ee: {  	v58 =	vld [tilespmem:s21+$0x90];
	v59 =	vperm.xlane v8, v2;
	v11 =	vmul.f32 v50, v55  }
0x1ef: {  	v56 =	vld [tilespmem:s21+$0xF0];
	v61 =	vperm.xlane v8, v0;
	v60 =	vmul.f32 v51, v57;
	[tilespmem:s21+$0xB0] =	vst v10  }
0x1f0: {  	v62 =	vperm.xlane v8, v7;
	v13 =	vmul.f32 v52, v19;
	[tilespmem:s21+$0xC0] =	vst v11  }
0x1f1: {  	v8 =	vperm.xlane v8, v1;
	v9 =	vmul.f32 v48, v59;
	[tilespmem:s21+$0xD0] =	vst v60  }
0x1f2: {  	v63 =	vmul.f32 v54, v61;
	[tilespmem:s21+$0xE0] =	vst v13  }
0x1f3: {  	v8 =	vmul.f32 v58, v8;
	[tilespmem:s21+$0xA0] =	vst v9  }
0x1f4: {  	v11 =	vmul.f32 v56, v62;
	[tilespmem:s21+$0x80] =	vst v63  }
0x1f5: {  	[tilespmem:s21+$0x90] =	vst v8  }
0x1f6: {  	[tilespmem:s21+$0xF0] =	vst v11  }
0x1f7: {  	[spmem:s3] =	stream.indirect.scatter.add.f32 [tilespmem:s30], [sflag:$0x9], $0x80, s17, s25, $0xb8;
	[tilespmem:$0x1E4B0] =	vst v63  }
0x1f8: {  	_ = 	snop  }
0x1f9: {  	[spmem:s4] =	stream.indirect.scatter.add.f32 [tilespmem:s13], [sflag:$0xA], $0x10, s17, s25, $0xb8;
	[tilespmem:$0x1E4B0] =	vst v63  }
0x1fa: {  	_ =	swait.ge [sflag:s14], $0x1400  }
0x1fb: {  	[sflag:s14] =	ssyncset.done $0x0  }
0x1fc: {  	[sflag:s14] =	ssyncadd.s32 $0xFFFFEC00  }
0x1fd: {  	_ =	swait.ge [sflag:s15], $0x280  }
0x1fe: {  	s23 =	sadd.s32 $0x1, s23;
	[sflag:s15] =	ssyncset.done $0x0  }
0x1ff: {  	s5 =	sadd.s32 $0x50, s16;
	p1 =	sne.s32 s23, $0x7C;
	[sflag:s15] =	ssyncadd.s32 $0xFFFFFD80  }
0x200: {  	[tilespmem:s26], [sflag:$0x1] =	stream.indirect.gather [hbm4b:s1+s25], $0x80, s5, s25, $0xb8;
	[tilespmem:$0x1E4B0] =	vst v63  }
.Ltmp4:
0x201: {  	_ = 	snop;
	(pc) =	sbr.rel @p1 .LBB2_2-.Ltmp4, $4  }
0x202: {  	_ = 	snop  }
0x203: {  	[tilespmem:s28], [sflag:$0x2] =	stream.indirect.gather [hbm4b:s6+s25], $0x10, s5, s25, $0xb8;
	[tilespmem:$0x1E4B0] =	vst v63  }
0x204: {  	s22 =	sadd.s32 $0x2760, s16  }
0x205: {  	[tilespmem:s29], [sflag:$0x3] =	stream.indirect.gather [hbm4b:s7+s25], $0x10, s22, s25, $0xb8;
	[tilespmem:$0x1E4B0] =	vst v63  }
0x206: {  	s21 =	simm.s32 $0x9  }
0x207: {  	_ =	swait.ge [sflag:s21], $0x1400  }
0x208: {  	[sflag:s21] =	ssyncset.done $0x0  }
0x209: {  	s22 =	simm.s32 $0xA;
	[sflag:s21] =	ssyncadd.s32 $0xFFFFEC00  }
0x20a: {  	_ =	swait.ge [sflag:s22], $0x280  }
0x20b: {  	[sflag:s22] =	ssyncset.done $0x0  }
0x20c: {  	s5 =	simm.s32 $0x26E8;
	[sflag:s22] =	ssyncadd.s32 $0xFFFFFD80  }
0x20d: {  	[tilespmem:s30], [sflag:$0x6] =	stream.indirect.gather [hbm4b:s1+s25], $0x80, s5, s25, $0xb8;
	[tilespmem:$0x1E4B0] =	vst v63  }
0x20e: {  	_ = 	snop  }
0x20f: {  	[tilespmem:s31], [sflag:$0x7] =	stream.indirect.gather [hbm4b:s6+s25], $0x10, s5, s25, $0xb8;
	[tilespmem:$0x1E4B0] =	vst v63  }
0x210: {  	s23 =	simm.s32 $0x4DF8  }
0x211: {  	[tilespmem:s2], [sflag:$0x8] =	stream.indirect.gather [hbm4b:s7+s25], $0x10, s23, s25, $0xb8;
	[tilespmem:$0x1E4B0] =	vst v63  }
0x212: {  	_ =	swait.ge [sflag:s0], $0x280  }
0x213: {  	[sflag:s0] =	ssyncset.done $0x0  }
0x214: {  	[sflag:s0] =	ssyncadd.s32 $0xFFFFFD80  }
0x215: {  	_ =	swait.ge [sflag:s24], $0x280  }
0x216: {  	[sflag:s24] =	ssyncset.done $0x0  }
0x217: {  	s17 =	simm.s32 $0x0;
	[sflag:s24] =	ssyncadd.s32 $0xFFFFFD80  }
0x218: {  	v8 =	vld [tilespmem:s17+$0x4E50]  }
0x219: {  	v9 =	vld [tilespmem:s17+$0x50D0]  }
0x21a: {  	v10 =	vld [tilespmem:s17+$0x4E20]  }
0x21b: {  	v11 =	vld [tilespmem:s17+$0x50A0]  }
0x21c: {  	v12 =	vld [tilespmem:s17+$0x4E30]  }
0x21d: {  	v13 =	vld [tilespmem:s17+$0x50B0]  }
0x21e: {  	v14 =	vld [tilespmem:s17+$0x4E40];
	v8 =	vadd.f32 v9, v8  }
0x21f: {  	s5 =	simm.s32 $0x40;
	v9 =	vld [tilespmem:s17+$0x50C0]  }
0x220: {  	v15 =	vld [tilespmem:s5+$0x4E50];
	v10 =	vadd.f32 v11, v10;
	v11 =	vmul.f32 $2.000000030e-01, v8  }
0x221: {  	v16 =	vld [tilespmem:s5+$0x50D0]  }
0x222: {  	v17 =	vld [tilespmem:s5+$0x4E20];
	v12 =	vadd.f32 v13, v12;
	v18 =	vmul.f32 $2.000000030e-01, v10;
	v8 =	vmax.f32 v8, v11  }
0x223: {  	v11 =	vld [tilespmem:s5+$0x50A0];
	v8 =	vmul.f32 $1.442695020e+00, v8  }
0x224: {  	v13 =	vld [tilespmem:s5+$0x4E30];
	v10 =	vmax.f32 v10, v18;
	v18 =	vmul.f32 $2.000000030e-01, v12;
	v9 =	vadd.f32 v9, v14  }
0x225: {  	v14 =	vld [tilespmem:s5+$0x50B0];
	v10 =	vmul.f32 $1.442695020e+00, v10;
	(erf) = vpow2.f32 v8  }
0x226: {  	v19 =	vld [tilespmem:s5+$0x4E40];
	v12 =	vmax.f32 v12, v18;
	v8 =	vadd.f32 v16, v15;
	v15 =	vmul.f32 $2.000000030e-01, v9  }
0x227: {  	s16 =	simm.s32 $0x80;
	v16 =	vld [tilespmem:s5+$0x50C0];
	v12 =	vmul.f32 $1.442695020e+00, v12;
	(erf) = vpow2.f32 v10  }
0x228: {  	v10 =	vld [tilespmem:s16+$0x4E50];
	v11 =	vadd.f32 v11, v17;
	v17 =	vmul.f32 $2.000000030e-01, v8;
	v9 =	vmax.f32 v9, v15  }
0x229: {  	v15 =	vld [tilespmem:s16+$0x50D0];
	(erf) = vpow2.f32 v12;
	v9 =	vmul.f32 $1.442695020e+00, v9  }
0x22a: {  	v18 =	vld [tilespmem:s16+$0x4E20];
	v14 =	vadd.f32 v14, v13;
	v12 =	vmul.f32 $2.000000030e-01, v11;
	v8 =	vmax.f32 v8, v17  }
0x22b: {  	v17 =	vld [tilespmem:s16+$0x50A0];
	v13 =	vmul.f32 $1.442695020e+00, v8;
	(erf) = vpow2.f32 v9  }
0x22c: {  	v8 =	vld [tilespmem:s16+$0x4E30];
	v19 =	vadd.f32 v16, v19;
	v9 =	vmax.f32 v11, v12;
	v12 =	vmul.f32 $2.000000030e-01, v14  }
0x22d: {  	v11 =	vld [tilespmem:s16+$0x50B0];
	v16 =	vmul.f32 $1.442695020e+00, v9;
	(erf) = vpow2.f32 v13  }
0x22e: {  	v9 =	vld [tilespmem:s16+$0x4E40];
	v13 =	vadd.f32 v15, v10;
	v20 =	vmul.f32 $2.000000030e-01, v19;
	v10 =	vmax.f32 v14, v12;
	v14 =	vpop (erf)  }
0x22f: {  	s18 =	simm.s32 $0xC0;
	v12 =	vld [tilespmem:s16+$0x50C0];
	v15 =	vmul.f32 $1.442695020e+00, v10;
	(erf) = vpow2.f32 v16;
	[tilespmem:s17+$0x5350] =	vst v14  }
0x230: {  	s20 =	simm.s32 $0x400;
	v16 =	vmul.f32 $2.000000030e-01, v13;
	v14 =	vadd.f32 v17, v18;
	v17 =	vmax.f32 v19, v20;
	v18 =	vpop (erf);
	v10 =	vld [tilespmem:s18+$0x4E50]  }
.LBB2_12:
0x231: {  	p1 =	sne.s32 s20, $0x900;
	v19 =	vld [tilespmem:s18+$0x50D0];
	v17 =	vmul.f32 $1.442695020e+00, v17;
	(erf) = vpow2.f32 v15;
	[tilespmem:s17+$0x5320] =	vst v18  }
0x232: {  	v18 =	vld [tilespmem:s18+$0x4E20];
	v15 =	vmul.f32 $2.000000030e-01, v14;
	v20 =	vadd.f32 v11, v8;
	v8 =	vmax.f32 v13, v16;
	v11 =	vpop (erf)  }
0x233: {  	v16 =	vld [tilespmem:s18+$0x50A0];
	v13 =	vmul.f32 $1.442695020e+00, v8;
	(erf) = vpow2.f32 v17;
	[tilespmem:s17+$0x5330] =	vst v11  }
.Ltmp5:
0x234: {  	v8 =	vld [tilespmem:s18+$0x4E30];
	v14 =	vmax.f32 v14, v15;
	v15 =	vmul.f32 $2.000000030e-01, v20;
	v17 =	vadd.f32 v12, v9;
	v9 =	vpop (erf);
	(pc) =	sbr.rel @p1 .LBB2_12-.Ltmp5, $4  }
0x235: {  	v11 =	vld [tilespmem:s18+$0x50B0];
	v14 =	vmul.f32 $1.442695020e+00, v14;
	(erf) = vpow2.f32 v13;
	[tilespmem:s17+$0x5340] =	vst v9;
	s17 =	smov.u32 s5;
	s5 =	smov.u32 s16;
	s16 =	smov.u32 s18  }
0x236: {  	v9 =	vld [tilespmem:s16+$0x4E40];
	v13 =	vadd.f32 v19, v10;
	v10 =	vmax.f32 v20, v15;
	v19 =	vmul.f32 $2.000000030e-01, v17;
	v20 =	vpop (erf)  }
0x237: {  	s18 =	sshra.s32 s20, $0x2;
	v12 =	vld [tilespmem:s16+$0x50C0];
	v15 =	vmul.f32 $1.442695020e+00, v10;
	(erf) = vpow2.f32 v14;
	[tilespmem:s17+$0x5350] =	vst v20  }
0x238: {  	s20 =	sadd.s32 $0x100, s20;
	v10 =	vld [tilespmem:s18+$0x4E50];
	v14 =	vadd.f32 v16, v18;
	v16 =	vmul.f32 $2.000000030e-01, v13;
	v17 =	vmax.f32 v17, v19;
	v18 =	vpop (erf)  }
0x239: {  	v19 =	vld [tilespmem:s18+$0x50D0];
	[tilespmem:s17+$0x5320] =	vst v18  }
0x23a: {  	v18 =	vld [tilespmem:s18+$0x4E20];
	v20 =	vpop (erf)  }
0x23b: {  	v21 =	vld [tilespmem:s18+$0x50A0];
	[tilespmem:s17+$0x5330] =	vst v20  }
0x23c: {  	v17 =	vmul.f32 $1.442695020e+00, v17;
	(erf) = vpow2.f32 v15;
	v20 =	vld [tilespmem:s18+$0x4E30];
	v15 =	vpop (erf)  }
0x23d: {  	v23 =	vmul.f32 $2.000000030e-01, v14;
	v8 =	vadd.f32 v11, v8;
	v11 =	vmax.f32 v13, v16;
	v22 =	vld [tilespmem:s18+$0x50B0];
	[tilespmem:s17+$0x5340] =	vst v15  }
0x23e: {  	v11 =	vmul.f32 $1.442695020e+00, v11;
	(erf) = vpow2.f32 v17;
	v13 =	vld [tilespmem:s18+$0x4E40]  }
0x23f: {  	v14 =	vmax.f32 v14, v23;
	v9 =	vadd.f32 v12, v9;
	v15 =	vmul.f32 $2.000000030e-01, v8;
	v12 =	vld [tilespmem:s18+$0x50C0]  }
0x240: {  	v14 =	vmul.f32 $1.442695020e+00, v14;
	(erf) = vpow2.f32 v11  }
0x241: {  	v10 =	vadd.f32 v19, v10;
	v11 =	vmul.f32 $2.000000030e-01, v9;
	v8 =	vmax.f32 v8, v15  }
0x242: {  	(erf) = vpow2.f32 v14;
	v14 =	vadd.f32 v21, v18;
	v8 =	vmul.f32 $1.442695020e+00, v8  }
0x243: {  	v15 =	vmul.f32 $2.000000030e-01, v10;
	v9 =	vmax.f32 v9, v11;
	v11 =	vadd.f32 v22, v20  }
0x244: {  	v9 =	vmul.f32 $1.442695020e+00, v9;
	v53 =	vmul.f32 $2.000000030e-01, v14;
	v12 =	vadd.f32 v12, v13  }
0x245: {  	(erf) = vpow2.f32 v8;
	v8 =	vmax.f32 v10, v15;
	v10 =	vmul.f32 $2.000000030e-01, v11  }
0x246: {  	v8 =	vmul.f32 $1.442695020e+00, v8;
	v13 =	vmax.f32 v14, v53;
	v14 =	vmul.f32 $2.000000030e-01, v12  }
0x247: {  	(erf) = vpow2.f32 v9;
	v9 =	vmul.f32 $1.442695020e+00, v13;
	v10 =	vmax.f32 v11, v10  }
0x248: {  	(erf) = vpow2.f32 v8;
	v8 =	vmul.f32 $1.442695020e+00, v10;
	v10 =	vmax.f32 v12, v14  }
0x249: {  	v11 =	vpop (erf);
	(erf) = vpow2.f32 v9;
	v9 =	vmul.f32 $1.442695020e+00, v10;
	_ =	sdelay $0x1  }
0x24a: {  	[tilespmem:s5+$0x5350] =	vst v11;
	v10 =	vpop (erf);
	(erf) = vpow2.f32 v8  }
0x24b: {  	[tilespmem:s5+$0x5320] =	vst v10;
	v8 =	vpop (erf);
	(erf) = vpow2.f32 v9  }
0x24c: {  	v9 =	vpop (erf);
	[tilespmem:s5+$0x5330] =	vst v8  }
0x24d: {  	v8 =	vpop (erf);
	[tilespmem:s5+$0x5340] =	vst v9  }
0x24e: {  	v9 =	vpop (erf);
	[tilespmem:s16+$0x5350] =	vst v8  }
0x24f: {  	v8 =	vpop (erf);
	[tilespmem:s16+$0x5320] =	vst v9  }
0x250: {  	[tilespmem:s16+$0x5330] =	vst v8;
	v8 =	vpop (erf)  }
0x251: {  	[tilespmem:s16+$0x5340] =	vst v8;
	v8 =	vpop (erf)  }
0x252: {  	[tilespmem:s18+$0x5350] =	vst v8;
	v8 =	vpop (erf)  }
0x253: {  	[tilespmem:s18+$0x5320] =	vst v8;
	v8 =	vpop (erf)  }
0x254: {  	[tilespmem:s18+$0x5330] =	vst v8;
	v8 =	vpop (erf)  }
0x255: {  	[tilespmem:s18+$0x5340] =	vst v8  }
0x256: {  	_ =	swait.ge [sflag:s8], $0x1400  }
0x257: {  	[sflag:s8] =	ssyncset.done $0x0  }
0x258: {  	s17 =	simm.s32 $0x30;
	[sflag:s8] =	ssyncadd.s32 $0xFFFFEC00  }
0x259: {  	v8 =	vld [tilespmem:s17+$0x52F0]  }
0x25a: {  	s16 =	simm.s32 $0x56A0  }
0x25b: {  	v9 =	vld [tilespmem:s16+$0xFFFFFF00]  }
0x25c: {  	v10 =	vld [tilespmem:s16+$0xFFFFFF20]  }
0x25d: {  	v11 =	vld [tilespmem:s16+$0xFFFFFF40]  }
0x25e: {  	v12 =	vld [tilespmem:s16+$0xFFFFFF50];
	v13 =	vperm.xlane v8, v0  }
0x25f: {  	v14 =	vld [tilespmem:s16+$0xFFFFFF70];
	v15 =	vperm.xlane v8, v2  }
0x260: {  	v54 =	vld [tilespmem:s16+$0xFFFFFF10];
	v55 =	vperm.xlane v8, v4;
	v9 =	vmul.f32 v9, v13  }
0x261: {  	v56 =	vperm.xlane v8, v5;
	v13 =	vld [tilespmem:s16+$0xFFFFFF30];
	v10 =	vmul.f32 v10, v15  }
0x262: {  	v57 =	vperm.xlane v8, v7;
	v15 =	vld [tilespmem:s16+$0xFFFFFF60];
	v11 =	vmul.f32 v11, v55;
	[tilespmem:s16+$0xFFFFFF00] =	vst v9  }
0x263: {  	v12 =	vmul.f32 v12, v56;
	v9 =	vperm.xlane v8, v1;
	[tilespmem:s16+$0xFFFFFF20] =	vst v10  }
0x264: {  	v10 =	vperm.xlane v8, v3;
	[tilespmem:s16+$0xFFFFFF40] =	vst v11;
	v11 =	vmul.f32 v14, v57  }
0x265: {  	v8 =	vperm.xlane v8, v6;
	[tilespmem:s16+$0xFFFFFF50] =	vst v12;
	v9 =	vmul.f32 v54, v9  }
0x266: {  	[tilespmem:s16+$0xFFFFFF70] =	vst v11;
	v10 =	vmul.f32 v13, v10  }
0x267: {  	v8 =	vmul.f32 v15, v8;
	[tilespmem:s16+$0xFFFFFF10] =	vst v9  }
0x268: {  	[tilespmem:s16+$0xFFFFFF30] =	vst v10  }
0x269: {  	[tilespmem:s16+$0xFFFFFF60] =	vst v8  }
0x26a: {  	v9 =	vld [tilespmem:s17+$0x5300];
	_ =	sdelay $0x1  }
0x26b: {  	v8 =	vld [tilespmem:s16+$0xFFFFFFB0]  }
0x26c: {  	v11 =	vld [tilespmem:s16+$0xFFFFFFA0]  }
0x26d: {  	v12 =	vld [tilespmem:s16+$0xFFFFFFE0]  }
0x26e: {  	v15 =	vld [tilespmem:s16+$0xFFFFFF90];
	v14 =	vperm.xlane v9, v3  }
0x26f: {  	v13 =	vld [tilespmem:s16+$0xFFFFFFD0];
	v58 =	vperm.xlane v9, v2  }
0x270: {  	v59 =	vld [tilespmem:s16+$0xFFFFFF80];
	v60 =	vperm.xlane v9, v6;
	v8 =	vmul.f32 v8, v14  }
0x271: {  	v10 =	vld [tilespmem:s16+$0xFFFFFFF0];
	v62 =	vperm.xlane v9, v1;
	v11 =	vmul.f32 v11, v58  }
0x272: {  	v61 =	vperm.xlane v9, v5;
	v14 =	vld [tilespmem:s16+$0xFFFFFFC0];
	v12 =	vmul.f32 v12, v60;
	[tilespmem:s16+$0xFFFFFFB0] =	vst v8  }
0x273: {  	v63 =	vperm.xlane v9, v0;
	v15 =	vmul.f32 v15, v62;
	[tilespmem:s16+$0xFFFFFFA0] =	vst v11  }
0x274: {  	v11 =	vmul.f32 v13, v61;
	v13 =	vperm.xlane v9, v7;
	[tilespmem:s16+$0xFFFFFFE0] =	vst v12  }
0x275: {  	v9 =	vperm.xlane v9, v4;
	v12 =	vmul.f32 v59, v63;
	[tilespmem:s16+$0xFFFFFF90] =	vst v15  }
0x276: {  	[tilespmem:s16+$0xFFFFFFD0] =	vst v11;
	v10 =	vmul.f32 v10, v13  }
0x277: {  	[tilespmem:s16+$0xFFFFFF80] =	vst v12;
	v9 =	vmul.f32 v14, v9  }
0x278: {  	v8 =	vld [tilespmem:s16+$0x10];
	[tilespmem:s16+$0xFFFFFFF0] =	vst v10  }
0x279: {  	v12 =	vld [tilespmem:s16+$0x60];
	[tilespmem:s16+$0xFFFFFFC0] =	vst v9  }
0x27a: {  	v10 =	vld [tilespmem:s17+$0x5310]  }
0x27b: {  	v11 =	vld [tilespmem:s16+$0x70]  }
0x27c: {  	s5 =	simm.s32 $0x56A0;
	s18 =	simm.s32 $0x1C0;
	v9 =	vld [tilespmem:s16+$0x50]  }
.LBB2_14:
0x27d: {  	p1 =	sne.s32 s18, $0x9C0  }
0x27e: {  	v13 =	vld [tilespmem:s16+$0x0];
	s5 =	sadd.s32 $0x200, s5;
	s20 =	smov.u32 s18;
	s18 =	sadd.s32 $0x100, s18  }
0x27f: {  	v14 =	vperm.xlane v10, v2;
	v15 =	vld [tilespmem:s16+$0x30];
	v16 =	vperm.xlane v10, v7  }
0x280: {  	v17 =	vperm.xlane v10, v0;
	v19 =	vperm.xlane v10, v6;
	v18 =	vld [tilespmem:s16+$0x40]  }
0x281: {  	v20 =	vperm.xlane v10, v1;
	v22 =	vperm.xlane v10, v4;
	v21 =	vld [tilespmem:s16+$0x20]  }
0x282: {  	v12 =	vmul.f32 v12, v19;
	v11 =	vmul.f32 v11, v16  }
0x283: {  	v8 =	vmul.f32 v8, v20;
	v16 =	vperm.xlane v10, v3  }
0x284: {  	v10 =	vperm.xlane v10, v5;
	v13 =	vmul.f32 v13, v17;
	[tilespmem:s16+$0x60] =	vst v12  }
0x285: {  	v12 =	vmul.f32 v15, v16;
	[tilespmem:s16+$0x10] =	vst v8;
	v15 =	vmul.f32 v18, v22  }
0x286: {  	v9 =	vmul.f32 v9, v10;
	v8 =	vld [tilespmem:s5+$0x10];
	[tilespmem:s16+$0x0] =	vst v13;
	v13 =	vmul.f32 v21, v14  }
0x287: {  	[tilespmem:s16+$0x30] =	vst v12  }
0x288: {  	[tilespmem:s16+$0x50] =	vst v9  }
0x289: {  	[tilespmem:s16+$0x40] =	vst v15  }
0x28a: {  	[tilespmem:s16+$0x70] =	vst v11  }
0x28b: {  	[tilespmem:s16+$0x20] =	vst v13;
	v9 =	vld [tilespmem:s16+$0xA0]  }
0x28c: {  	v10 =	vld [tilespmem:s17+$0x5320]  }
0x28d: {  	v11 =	vld [tilespmem:s16+$0xE0]  }
0x28e: {  	v12 =	vld [tilespmem:s16+$0xD0]  }
0x28f: {  	v13 =	vld [tilespmem:s16+$0xB0]  }
0x290: {  	v14 =	vld [tilespmem:s16+$0xC0]  }
0x291: {  	v15 =	vperm.xlane v10, v0;
	v16 =	vld [tilespmem:s16+$0x80];
	v17 =	vperm.xlane v10, v1  }
0x292: {  	v18 =	vperm.xlane v10, v2;
	v19 =	vperm.xlane v10, v3;
	v20 =	vld [tilespmem:s16+$0xF0]  }
0x293: {  	v22 =	vperm.xlane v10, v4;
	v23 =	vperm.xlane v10, v5;
	v21 =	vld [tilespmem:s16+$0x90]  }
0x294: {  	v13 =	vmul.f32 v13, v19;
	v19 =	vperm.xlane v10, v6  }
0x295: {  	v10 =	vperm.xlane v10, v7;
	v14 =	vmul.f32 v14, v22  }
0x296: {  	v12 =	vmul.f32 v12, v23;
	[tilespmem:s16+$0xB0] =	vst v13;
	v11 =	vmul.f32 v11, v19  }
0x297: {  	v13 =	vmul.f32 v16, v15;
	[tilespmem:s16+$0xC0] =	vst v14;
	v10 =	vmul.f32 v20, v10  }
0x298: {  	v9 =	vmul.f32 v9, v18;
	v14 =	vmul.f32 v21, v17;
	[tilespmem:s16+$0xD0] =	vst v12  }
0x299: {  	[tilespmem:s16+$0xE0] =	vst v11  }
0x29a: {  	[tilespmem:s16+$0xA0] =	vst v9  }
0x29b: {  	[tilespmem:s16+$0x80] =	vst v13  }
0x29c: {  	[tilespmem:s16+$0xF0] =	vst v10  }
0x29d: {  	s17 =	sshra.s32 s20, $0x2;
	v9 =	vld [tilespmem:s5+$0xFFFFFF60];
	[tilespmem:s16+$0x90] =	vst v14;
	s16 =	smov.u32 s5  }
0x29e: {  	v10 =	vld [tilespmem:s17+$0x52F0]  }
0x29f: {  	v11 =	vld [tilespmem:s5+$0xFFFFFF40]  }
0x2a0: {  	v12 =	vld [tilespmem:s5+$0xFFFFFF00]  }
0x2a1: {  	v13 =	vld [tilespmem:s5+$0xFFFFFF20]  }
0x2a2: {  	v14 =	vld [tilespmem:s5+$0xFFFFFF50]  }
0x2a3: {  	v15 =	vperm.xlane v10, v0;
	v16 =	vperm.xlane v10, v7;
	v17 =	vld [tilespmem:s5+$0xFFFFFF70]  }
0x2a4: {  	v19 =	vperm.xlane v10, v2;
	v20 =	vperm.xlane v10, v4;
	v18 =	vld [tilespmem:s5+$0xFFFFFF10]  }
0x2a5: {  	v21 =	vperm.xlane v10, v5;
	v12 =	vmul.f32 v12, v15;
	v15 =	vld [tilespmem:s5+$0xFFFFFF30]  }
0x2a6: {  	v11 =	vmul.f32 v11, v20;
	v13 =	vmul.f32 v13, v19  }
0x2a7: {  	[tilespmem:s5+$0xFFFFFF00] =	vst v12;
	v12 =	vperm.xlane v10, v1;
	v14 =	vmul.f32 v14, v21  }
0x2a8: {  	[tilespmem:s5+$0xFFFFFF20] =	vst v13;
	v13 =	vperm.xlane v10, v3;
	v10 =	vperm.xlane v10, v6  }
0x2a9: {  	v12 =	vmul.f32 v18, v12;
	[tilespmem:s5+$0xFFFFFF40] =	vst v11;
	v11 =	vmul.f32 v17, v16  }
0x2aa: {  	v13 =	vmul.f32 v15, v13;
	[tilespmem:s5+$0xFFFFFF50] =	vst v14;
	v9 =	vmul.f32 v9, v10  }
0x2ab: {  	[tilespmem:s5+$0xFFFFFF70] =	vst v11  }
0x2ac: {  	[tilespmem:s5+$0xFFFFFF10] =	vst v12  }
0x2ad: {  	[tilespmem:s5+$0xFFFFFF30] =	vst v13  }
0x2ae: {  	[tilespmem:s5+$0xFFFFFF60] =	vst v9;
	v9 =	vld [tilespmem:s5+$0xFFFFFFF0]  }
0x2af: {  	v10 =	vld [tilespmem:s17+$0x5300]  }
0x2b0: {  	v11 =	vld [tilespmem:s5+$0xFFFFFFD0]  }
0x2b1: {  	v12 =	vld [tilespmem:s5+$0xFFFFFFB0]  }
0x2b2: {  	v13 =	vld [tilespmem:s5+$0xFFFFFFA0]  }
0x2b3: {  	v14 =	vld [tilespmem:s5+$0xFFFFFF90]  }
0x2b4: {  	v15 =	vperm.xlane v10, v0;
	v16 =	vld [tilespmem:s5+$0xFFFFFFE0];
	v17 =	vperm.xlane v10, v7  }
0x2b5: {  	v19 =	vperm.xlane v10, v2;
	v20 =	vperm.xlane v10, v3;
	v18 =	vld [tilespmem:s5+$0xFFFFFF80]  }
0x2b6: {  	v21 =	vperm.xlane v10, v1;
	v23 =	vperm.xlane v10, v6;
	v22 =	vld [tilespmem:s5+$0xFFFFFFC0]  }
0x2b7: {  	v12 =	vmul.f32 v12, v20;
	v13 =	vmul.f32 v13, v19  }
0x2b8: {  	v19 =	vperm.xlane v10, v5;
	v14 =	vmul.f32 v14, v21  }
0x2b9: {  	v10 =	vperm.xlane v10, v4;
	[tilespmem:s5+$0xFFFFFFB0] =	vst v12;
	v12 =	vmul.f32 v16, v23  }
0x2ba: {  	v11 =	vmul.f32 v11, v19;
	v15 =	vmul.f32 v18, v15;
	[tilespmem:s5+$0xFFFFFFA0] =	vst v13  }
0x2bb: {  	v9 =	vmul.f32 v9, v17;
	v10 =	vmul.f32 v22, v10;
	[tilespmem:s5+$0xFFFFFFE0] =	vst v12  }
0x2bc: {  	[tilespmem:s5+$0xFFFFFFD0] =	vst v11  }
0x2bd: {  	[tilespmem:s5+$0xFFFFFF90] =	vst v14  }
0x2be: {  	[tilespmem:s5+$0xFFFFFF80] =	vst v15  }
0x2bf: {  	[tilespmem:s5+$0xFFFFFFF0] =	vst v9  }
.Ltmp6:
0x2c0: {  	[tilespmem:s5+$0xFFFFFFC0] =	vst v10;
	(pc) =	sbr.rel @p1 .LBB2_14-.Ltmp6, $4  }
0x2c1: {  	v10 =	vld [tilespmem:s17+$0x5310]  }
0x2c2: {  	v9 =	vld [tilespmem:s5+$0x50]  }
0x2c3: {  	v12 =	vld [tilespmem:s5+$0x60]  }
0x2c4: {  	v11 =	vld [tilespmem:s5+$0x70]  }
0x2c5: {  	v13 =	vld [tilespmem:s16+$0x0]  }
0x2c6: {  	v14 =	vld [tilespmem:s16+$0x30];
	v15 =	vperm.xlane v10, v6  }
0x2c7: {  	v16 =	vperm.xlane v10, v1  }
0x2c8: {  	v18 =	vld [tilespmem:s16+$0x40];
	v17 =	vperm.xlane v10, v0;
	v12 =	vmul.f32 v12, v15  }
0x2c9: {  	v8 =	vmul.f32 v8, v16;
	v15 =	vperm.xlane v10, v3  }
0x2ca: {  	v16 =	vld [tilespmem:s16+$0x20];
	v13 =	vmul.f32 v13, v17;
	v17 =	vperm.xlane v10, v5;
	[tilespmem:s16+$0x60] =	vst v12  }
0x2cb: {  	v12 =	vperm.xlane v10, v4;
	[tilespmem:s16+$0x10] =	vst v8;
	v8 =	vmul.f32 v14, v15  }
0x2cc: {  	v14 =	vperm.xlane v10, v7;
	[tilespmem:s16+$0x0] =	vst v13;
	v9 =	vmul.f32 v9, v17  }
0x2cd: {  	v10 =	vperm.xlane v10, v2;
	v12 =	vmul.f32 v18, v12;
	[tilespmem:s16+$0x30] =	vst v8  }
0x2ce: {  	v8 =	vmul.f32 v11, v14;
	[tilespmem:s16+$0x50] =	vst v9  }
0x2cf: {  	v9 =	vmul.f32 v16, v10;
	[tilespmem:s16+$0x40] =	vst v12  }
0x2d0: {  	[tilespmem:s16+$0x70] =	vst v8  }
0x2d1: {  	[tilespmem:s16+$0x20] =	vst v9  }
0x2d2: {  	v8 =	vld [tilespmem:s17+$0x5320];
	_ =	sdelay $0x1  }
0x2d3: {  	v10 =	vld [tilespmem:s16+$0xB0]  }
0x2d4: {  	v11 =	vld [tilespmem:s16+$0xC0]  }
0x2d5: {  	v13 =	vld [tilespmem:s16+$0xE0]  }
0x2d6: {  	v12 =	vld [tilespmem:s16+$0xD0];
	v14 =	vperm.xlane v8, v3  }
0x2d7: {  	v9 =	vld [tilespmem:s16+$0xA0];
	v16 =	vperm.xlane v8, v4  }
0x2d8: {  	v15 =	vld [tilespmem:s16+$0x80];
	v19 =	vperm.xlane v8, v6;
	v10 =	vmul.f32 v10, v14  }
0x2d9: {  	v17 =	vld [tilespmem:s16+$0xF0];
	v18 =	vperm.xlane v8, v5;
	v11 =	vmul.f32 v11, v16  }
0x2da: {  	v14 =	vld [tilespmem:s16+$0x90];
	v16 =	vperm.xlane v8, v2;
	v13 =	vmul.f32 v13, v19;
	[tilespmem:s16+$0xB0] =	vst v10  }
0x2db: {  	v10 =	vmul.f32 v12, v18;
	v12 =	vperm.xlane v8, v0;
	[tilespmem:s16+$0xC0] =	vst v11  }
0x2dc: {  	v11 =	vperm.xlane v8, v7;
	v9 =	vmul.f32 v9, v16;
	[tilespmem:s16+$0xE0] =	vst v13  }
0x2dd: {  	v8 =	vperm.xlane v8, v1;
	[tilespmem:s16+$0xD0] =	vst v10;
	v10 =	vmul.f32 v15, v12  }
0x2de: {  	v11 =	vmul.f32 v17, v11;
	[tilespmem:s16+$0xA0] =	vst v9  }
0x2df: {  	v8 =	vmul.f32 v14, v8;
	[tilespmem:s16+$0x80] =	vst v10  }
0x2e0: {  	[tilespmem:s16+$0xF0] =	vst v11  }
0x2e1: {  	s5 =	simm.s32 $0x4DD0;
	[tilespmem:s16+$0x90] =	vst v8  }
0x2e2: {  	[spmem:s3] =	stream.indirect.scatter.add.f32 [tilespmem:s26], [sflag:$0x4], $0x80, s5, s25, $0xb8;
	[tilespmem:$0x1E4B0] =	vst v63  }
0x2e3: {  	_ = 	snop  }
0x2e4: {  	[spmem:s4] =	stream.indirect.scatter.add.f32 [tilespmem:s9], [sflag:$0x5], $0x10, s5, s25, $0xb8;
	[tilespmem:$0x1E4B0] =	vst v63  }
0x2e5: {  	_ =	swait.ge [sflag:s10], $0x280  }
0x2e6: {  	[sflag:s10] =	ssyncset.done $0x0  }
0x2e7: {  	[sflag:s10] =	ssyncadd.s32 $0xFFFFFD80  }
0x2e8: {  	_ =	swait.ge [sflag:s11], $0x280  }
0x2e9: {  	[sflag:s11] =	ssyncset.done $0x0  }
0x2ea: {  	s17 =	simm.s32 $0x0;
	[sflag:s11] =	ssyncadd.s32 $0xFFFFFD80  }
0x2eb: {  	v8 =	vld [tilespmem:s17+$0x69D0]  }
0x2ec: {  	v9 =	vld [tilespmem:s17+$0x6C50]  }
0x2ed: {  	v10 =	vld [tilespmem:s17+$0x69A0]  }
0x2ee: {  	v11 =	vld [tilespmem:s17+$0x6C20]  }
0x2ef: {  	v12 =	vld [tilespmem:s17+$0x69B0]  }
0x2f0: {  	v13 =	vld [tilespmem:s17+$0x6C30]  }
0x2f1: {  	v14 =	vld [tilespmem:s17+$0x69C0];
	v8 =	vadd.f32 v9, v8  }
0x2f2: {  	s5 =	simm.s32 $0x40;
	v9 =	vld [tilespmem:s17+$0x6C40]  }
0x2f3: {  	v15 =	vld [tilespmem:s5+$0x69D0];
	v10 =	vadd.f32 v11, v10;
	v11 =	vmul.f32 $2.000000030e-01, v8  }
0x2f4: {  	v16 =	vld [tilespmem:s5+$0x6C50]  }
0x2f5: {  	v17 =	vld [tilespmem:s5+$0x69A0];
	v12 =	vadd.f32 v13, v12;
	v18 =	vmul.f32 $2.000000030e-01, v10;
	v8 =	vmax.f32 v8, v11  }
0x2f6: {  	v11 =	vld [tilespmem:s5+$0x6C20];
	v8 =	vmul.f32 $1.442695020e+00, v8  }
0x2f7: {  	v13 =	vld [tilespmem:s5+$0x69B0];
	v10 =	vmax.f32 v10, v18;
	v18 =	vmul.f32 $2.000000030e-01, v12;
	v9 =	vadd.f32 v9, v14  }
0x2f8: {  	v14 =	vld [tilespmem:s5+$0x6C30];
	v10 =	vmul.f32 $1.442695020e+00, v10;
	(erf) = vpow2.f32 v8  }
0x2f9: {  	v19 =	vld [tilespmem:s5+$0x69C0];
	v12 =	vmax.f32 v12, v18;
	v8 =	vadd.f32 v16, v15;
	v15 =	vmul.f32 $2.000000030e-01, v9  }
0x2fa: {  	s16 =	simm.s32 $0x80;
	v16 =	vld [tilespmem:s5+$0x6C40];
	v12 =	vmul.f32 $1.442695020e+00, v12;
	(erf) = vpow2.f32 v10  }
0x2fb: {  	v10 =	vld [tilespmem:s16+$0x69D0];
	v11 =	vadd.f32 v11, v17;
	v17 =	vmul.f32 $2.000000030e-01, v8;
	v9 =	vmax.f32 v9, v15  }
0x2fc: {  	v15 =	vld [tilespmem:s16+$0x6C50];
	(erf) = vpow2.f32 v12;
	v9 =	vmul.f32 $1.442695020e+00, v9  }
0x2fd: {  	v18 =	vld [tilespmem:s16+$0x69A0];
	v14 =	vadd.f32 v14, v13;
	v12 =	vmul.f32 $2.000000030e-01, v11;
	v8 =	vmax.f32 v8, v17  }
0x2fe: {  	v17 =	vld [tilespmem:s16+$0x6C20];
	v13 =	vmul.f32 $1.442695020e+00, v8;
	(erf) = vpow2.f32 v9  }
0x2ff: {  	v8 =	vld [tilespmem:s16+$0x69B0];
	v19 =	vadd.f32 v16, v19;
	v9 =	vmax.f32 v11, v12;
	v12 =	vmul.f32 $2.000000030e-01, v14  }
0x300: {  	v11 =	vld [tilespmem:s16+$0x6C30];
	v16 =	vmul.f32 $1.442695020e+00, v9;
	(erf) = vpow2.f32 v13  }
0x301: {  	v9 =	vld [tilespmem:s16+$0x69C0];
	v13 =	vadd.f32 v15, v10;
	v20 =	vmul.f32 $2.000000030e-01, v19;
	v10 =	vmax.f32 v14, v12;
	v14 =	vpop (erf)  }
0x302: {  	s18 =	simm.s32 $0xC0;
	v12 =	vld [tilespmem:s16+$0x6C40];
	v15 =	vmul.f32 $1.442695020e+00, v10;
	(erf) = vpow2.f32 v16;
	[tilespmem:s17+$0x6ED0] =	vst v14  }
0x303: {  	s20 =	simm.s32 $0x400;
	v16 =	vmul.f32 $2.000000030e-01, v13;
	v14 =	vadd.f32 v17, v18;
	v17 =	vmax.f32 v19, v20;
	v18 =	vpop (erf);
	v10 =	vld [tilespmem:s18+$0x69D0]  }
.LBB2_16:
0x304: {  	p1 =	sne.s32 s20, $0x900;
	v19 =	vld [tilespmem:s18+$0x6C50];
	v17 =	vmul.f32 $1.442695020e+00, v17;
	(erf) = vpow2.f32 v15;
	[tilespmem:s17+$0x6EA0] =	vst v18  }
0x305: {  	v18 =	vld [tilespmem:s18+$0x69A0];
	v15 =	vmul.f32 $2.000000030e-01, v14;
	v20 =	vadd.f32 v11, v8;
	v8 =	vmax.f32 v13, v16;
	v11 =	vpop (erf)  }
0x306: {  	v16 =	vld [tilespmem:s18+$0x6C20];
	v13 =	vmul.f32 $1.442695020e+00, v8;
	(erf) = vpow2.f32 v17;
	[tilespmem:s17+$0x6EB0] =	vst v11  }
.Ltmp7:
0x307: {  	v8 =	vld [tilespmem:s18+$0x69B0];
	v14 =	vmax.f32 v14, v15;
	v15 =	vmul.f32 $2.000000030e-01, v20;
	v17 =	vadd.f32 v12, v9;
	v9 =	vpop (erf);
	(pc) =	sbr.rel @p1 .LBB2_16-.Ltmp7, $4  }
0x308: {  	v11 =	vld [tilespmem:s18+$0x6C30];
	v14 =	vmul.f32 $1.442695020e+00, v14;
	(erf) = vpow2.f32 v13;
	[tilespmem:s17+$0x6EC0] =	vst v9;
	s17 =	smov.u32 s5;
	s5 =	smov.u32 s16;
	s16 =	smov.u32 s18  }
0x309: {  	v9 =	vld [tilespmem:s16+$0x69C0];
	v13 =	vadd.f32 v19, v10;
	v10 =	vmax.f32 v20, v15;
	v19 =	vmul.f32 $2.000000030e-01, v17;
	v20 =	vpop (erf)  }
0x30a: {  	s18 =	sshra.s32 s20, $0x2;
	v12 =	vld [tilespmem:s16+$0x6C40];
	v15 =	vmul.f32 $1.442695020e+00, v10;
	(erf) = vpow2.f32 v14;
	[tilespmem:s17+$0x6ED0] =	vst v20  }
0x30b: {  	s20 =	sadd.s32 $0x100, s20;
	v10 =	vld [tilespmem:s18+$0x69D0];
	v14 =	vadd.f32 v16, v18;
	v16 =	vmul.f32 $2.000000030e-01, v13;
	v17 =	vmax.f32 v17, v19;
	v18 =	vpop (erf)  }
0x30c: {  	v19 =	vld [tilespmem:s18+$0x6C50];
	[tilespmem:s17+$0x6EA0] =	vst v18  }
0x30d: {  	v18 =	vld [tilespmem:s18+$0x69A0];
	v20 =	vpop (erf)  }
0x30e: {  	v21 =	vld [tilespmem:s18+$0x6C20];
	[tilespmem:s17+$0x6EB0] =	vst v20  }
0x30f: {  	v17 =	vmul.f32 $1.442695020e+00, v17;
	(erf) = vpow2.f32 v15;
	v20 =	vld [tilespmem:s18+$0x69B0];
	v15 =	vpop (erf)  }
0x310: {  	v23 =	vmul.f32 $2.000000030e-01, v14;
	v8 =	vadd.f32 v11, v8;
	v11 =	vmax.f32 v13, v16;
	v22 =	vld [tilespmem:s18+$0x6C30];
	[tilespmem:s17+$0x6EC0] =	vst v15  }
0x311: {  	v11 =	vmul.f32 $1.442695020e+00, v11;
	(erf) = vpow2.f32 v17;
	v13 =	vld [tilespmem:s18+$0x69C0]  }
0x312: {  	v14 =	vmax.f32 v14, v23;
	v9 =	vadd.f32 v12, v9;
	v15 =	vmul.f32 $2.000000030e-01, v8;
	v12 =	vld [tilespmem:s18+$0x6C40]  }
0x313: {  	v14 =	vmul.f32 $1.442695020e+00, v14;
	(erf) = vpow2.f32 v11  }
0x314: {  	v10 =	vadd.f32 v19, v10;
	v11 =	vmul.f32 $2.000000030e-01, v9;
	v8 =	vmax.f32 v8, v15  }
0x315: {  	(erf) = vpow2.f32 v14;
	v14 =	vadd.f32 v21, v18;
	v8 =	vmul.f32 $1.442695020e+00, v8  }
0x316: {  	v15 =	vmul.f32 $2.000000030e-01, v10;
	v9 =	vmax.f32 v9, v11;
	v11 =	vadd.f32 v22, v20  }
0x317: {  	v9 =	vmul.f32 $1.442695020e+00, v9;
	v53 =	vmul.f32 $2.000000030e-01, v14;
	v12 =	vadd.f32 v12, v13  }
0x318: {  	(erf) = vpow2.f32 v8;
	v8 =	vmax.f32 v10, v15;
	v10 =	vmul.f32 $2.000000030e-01, v11  }
0x319: {  	v8 =	vmul.f32 $1.442695020e+00, v8;
	v13 =	vmax.f32 v14, v53;
	v14 =	vmul.f32 $2.000000030e-01, v12  }
0x31a: {  	(erf) = vpow2.f32 v9;
	v9 =	vmul.f32 $1.442695020e+00, v13;
	v10 =	vmax.f32 v11, v10  }
0x31b: {  	(erf) = vpow2.f32 v8;
	v8 =	vmul.f32 $1.442695020e+00, v10;
	v10 =	vmax.f32 v12, v14  }
0x31c: {  	v11 =	vpop (erf);
	(erf) = vpow2.f32 v9;
	v9 =	vmul.f32 $1.442695020e+00, v10;
	_ =	sdelay $0x1  }
0x31d: {  	[tilespmem:s5+$0x6ED0] =	vst v11;
	v10 =	vpop (erf);
	(erf) = vpow2.f32 v8  }
0x31e: {  	[tilespmem:s5+$0x6EA0] =	vst v10;
	v8 =	vpop (erf);
	(erf) = vpow2.f32 v9  }
0x31f: {  	v9 =	vpop (erf);
	[tilespmem:s5+$0x6EB0] =	vst v8  }
0x320: {  	v8 =	vpop (erf);
	[tilespmem:s5+$0x6EC0] =	vst v9  }
0x321: {  	v9 =	vpop (erf);
	[tilespmem:s16+$0x6ED0] =	vst v8  }
0x322: {  	v8 =	vpop (erf);
	[tilespmem:s16+$0x6EA0] =	vst v9  }
0x323: {  	[tilespmem:s16+$0x6EB0] =	vst v8;
	v8 =	vpop (erf)  }
0x324: {  	[tilespmem:s16+$0x6EC0] =	vst v8;
	v8 =	vpop (erf)  }
0x325: {  	[tilespmem:s18+$0x6ED0] =	vst v8;
	v8 =	vpop (erf)  }
0x326: {  	[tilespmem:s18+$0x6EA0] =	vst v8;
	v8 =	vpop (erf)  }
0x327: {  	[tilespmem:s18+$0x6EB0] =	vst v8;
	v8 =	vpop (erf)  }
0x328: {  	[tilespmem:s18+$0x6EC0] =	vst v8  }
0x329: {  	_ =	swait.ge [sflag:s12], $0x1400  }
0x32a: {  	[sflag:s12] =	ssyncset.done $0x0  }
0x32b: {  	s17 =	simm.s32 $0x30;
	[sflag:s12] =	ssyncadd.s32 $0xFFFFEC00  }
0x32c: {  	v8 =	vld [tilespmem:s17+$0x6E70]  }
0x32d: {  	s16 =	simm.s32 $0x7220  }
0x32e: {  	v9 =	vld [tilespmem:s16+$0xFFFFFF00]  }
0x32f: {  	v10 =	vld [tilespmem:s16+$0xFFFFFF20]  }
0x330: {  	v11 =	vld [tilespmem:s16+$0xFFFFFF40]  }
0x331: {  	v12 =	vld [tilespmem:s16+$0xFFFFFF50];
	v13 =	vperm.xlane v8, v0  }
0x332: {  	v14 =	vld [tilespmem:s16+$0xFFFFFF70];
	v15 =	vperm.xlane v8, v2  }
0x333: {  	v54 =	vld [tilespmem:s16+$0xFFFFFF10];
	v55 =	vperm.xlane v8, v4;
	v9 =	vmul.f32 v9, v13  }
0x334: {  	v56 =	vperm.xlane v8, v5;
	v13 =	vld [tilespmem:s16+$0xFFFFFF30];
	v10 =	vmul.f32 v10, v15  }
0x335: {  	v57 =	vperm.xlane v8, v7;
	v15 =	vld [tilespmem:s16+$0xFFFFFF60];
	v11 =	vmul.f32 v11, v55;
	[tilespmem:s16+$0xFFFFFF00] =	vst v9  }
0x336: {  	v12 =	vmul.f32 v12, v56;
	v9 =	vperm.xlane v8, v1;
	[tilespmem:s16+$0xFFFFFF20] =	vst v10  }
0x337: {  	v10 =	vperm.xlane v8, v3;
	[tilespmem:s16+$0xFFFFFF40] =	vst v11;
	v11 =	vmul.f32 v14, v57  }
0x338: {  	v8 =	vperm.xlane v8, v6;
	[tilespmem:s16+$0xFFFFFF50] =	vst v12;
	v9 =	vmul.f32 v54, v9  }
0x339: {  	[tilespmem:s16+$0xFFFFFF70] =	vst v11;
	v10 =	vmul.f32 v13, v10  }
0x33a: {  	v8 =	vmul.f32 v15, v8;
	[tilespmem:s16+$0xFFFFFF10] =	vst v9  }
0x33b: {  	[tilespmem:s16+$0xFFFFFF30] =	vst v10  }
0x33c: {  	[tilespmem:s16+$0xFFFFFF60] =	vst v8  }
0x33d: {  	v9 =	vld [tilespmem:s17+$0x6E80];
	_ =	sdelay $0x1  }
0x33e: {  	v8 =	vld [tilespmem:s16+$0xFFFFFFB0]  }
0x33f: {  	v11 =	vld [tilespmem:s16+$0xFFFFFFA0]  }
0x340: {  	v12 =	vld [tilespmem:s16+$0xFFFFFFE0]  }
0x341: {  	v15 =	vld [tilespmem:s16+$0xFFFFFF90];
	v14 =	vperm.xlane v9, v3  }
0x342: {  	v13 =	vld [tilespmem:s16+$0xFFFFFFD0];
	v58 =	vperm.xlane v9, v2  }
0x343: {  	v59 =	vld [tilespmem:s16+$0xFFFFFF80];
	v60 =	vperm.xlane v9, v6;
	v8 =	vmul.f32 v8, v14  }
0x344: {  	v10 =	vld [tilespmem:s16+$0xFFFFFFF0];
	v62 =	vperm.xlane v9, v1;
	v11 =	vmul.f32 v11, v58  }
0x345: {  	v61 =	vperm.xlane v9, v5;
	v14 =	vld [tilespmem:s16+$0xFFFFFFC0];
	v12 =	vmul.f32 v12, v60;
	[tilespmem:s16+$0xFFFFFFB0] =	vst v8  }
0x346: {  	v63 =	vperm.xlane v9, v0;
	v15 =	vmul.f32 v15, v62;
	[tilespmem:s16+$0xFFFFFFA0] =	vst v11  }
0x347: {  	v11 =	vmul.f32 v13, v61;
	v13 =	vperm.xlane v9, v7;
	[tilespmem:s16+$0xFFFFFFE0] =	vst v12  }
0x348: {  	v9 =	vperm.xlane v9, v4;
	v12 =	vmul.f32 v59, v63;
	[tilespmem:s16+$0xFFFFFF90] =	vst v15  }
0x349: {  	[tilespmem:s16+$0xFFFFFFD0] =	vst v11;
	v10 =	vmul.f32 v10, v13  }
0x34a: {  	[tilespmem:s16+$0xFFFFFF80] =	vst v12;
	v9 =	vmul.f32 v14, v9  }
0x34b: {  	v8 =	vld [tilespmem:s16+$0x10];
	[tilespmem:s16+$0xFFFFFFF0] =	vst v10  }
0x34c: {  	v12 =	vld [tilespmem:s16+$0x60];
	[tilespmem:s16+$0xFFFFFFC0] =	vst v9  }
0x34d: {  	v10 =	vld [tilespmem:s17+$0x6E90]  }
0x34e: {  	v11 =	vld [tilespmem:s16+$0x70]  }
0x34f: {  	s5 =	simm.s32 $0x7220;
	s18 =	simm.s32 $0x1C0;
	v9 =	vld [tilespmem:s16+$0x50]  }
.LBB2_18:
0x350: {  	p1 =	sne.s32 s18, $0x9C0  }
0x351: {  	v13 =	vld [tilespmem:s16+$0x0];
	s5 =	sadd.s32 $0x200, s5;
	s20 =	smov.u32 s18;
	s18 =	sadd.s32 $0x100, s18  }
0x352: {  	v14 =	vperm.xlane v10, v2;
	v15 =	vld [tilespmem:s16+$0x30];
	v16 =	vperm.xlane v10, v7  }
0x353: {  	v17 =	vperm.xlane v10, v0;
	v19 =	vperm.xlane v10, v6;
	v18 =	vld [tilespmem:s16+$0x40]  }
0x354: {  	v20 =	vperm.xlane v10, v1;
	v22 =	vperm.xlane v10, v4;
	v21 =	vld [tilespmem:s16+$0x20]  }
0x355: {  	v12 =	vmul.f32 v12, v19;
	v11 =	vmul.f32 v11, v16  }
0x356: {  	v8 =	vmul.f32 v8, v20;
	v16 =	vperm.xlane v10, v3  }
0x357: {  	v10 =	vperm.xlane v10, v5;
	v13 =	vmul.f32 v13, v17;
	[tilespmem:s16+$0x60] =	vst v12  }
0x358: {  	v12 =	vmul.f32 v15, v16;
	[tilespmem:s16+$0x10] =	vst v8;
	v15 =	vmul.f32 v18, v22  }
0x359: {  	v9 =	vmul.f32 v9, v10;
	v8 =	vld [tilespmem:s5+$0x10];
	[tilespmem:s16+$0x0] =	vst v13;
	v13 =	vmul.f32 v21, v14  }
0x35a: {  	[tilespmem:s16+$0x30] =	vst v12  }
0x35b: {  	[tilespmem:s16+$0x50] =	vst v9  }
0x35c: {  	[tilespmem:s16+$0x40] =	vst v15  }
0x35d: {  	[tilespmem:s16+$0x70] =	vst v11  }
0x35e: {  	[tilespmem:s16+$0x20] =	vst v13;
	v9 =	vld [tilespmem:s16+$0xA0]  }
0x35f: {  	v10 =	vld [tilespmem:s17+$0x6EA0]  }
0x360: {  	v11 =	vld [tilespmem:s16+$0xE0]  }
0x361: {  	v12 =	vld [tilespmem:s16+$0xD0]  }
0x362: {  	v13 =	vld [tilespmem:s16+$0xB0]  }
0x363: {  	v14 =	vld [tilespmem:s16+$0xC0]  }
0x364: {  	v15 =	vperm.xlane v10, v0;
	v16 =	vld [tilespmem:s16+$0x80];
	v17 =	vperm.xlane v10, v1  }
0x365: {  	v18 =	vperm.xlane v10, v2;
	v19 =	vperm.xlane v10, v3;
	v20 =	vld [tilespmem:s16+$0xF0]  }
0x366: {  	v22 =	vperm.xlane v10, v4;
	v23 =	vperm.xlane v10, v5;
	v21 =	vld [tilespmem:s16+$0x90]  }
0x367: {  	v13 =	vmul.f32 v13, v19;
	v19 =	vperm.xlane v10, v6  }
0x368: {  	v10 =	vperm.xlane v10, v7;
	v14 =	vmul.f32 v14, v22  }
0x369: {  	v12 =	vmul.f32 v12, v23;
	[tilespmem:s16+$0xB0] =	vst v13;
	v11 =	vmul.f32 v11, v19  }
0x36a: {  	v13 =	vmul.f32 v16, v15;
	[tilespmem:s16+$0xC0] =	vst v14;
	v10 =	vmul.f32 v20, v10  }
0x36b: {  	v9 =	vmul.f32 v9, v18;
	v14 =	vmul.f32 v21, v17;
	[tilespmem:s16+$0xD0] =	vst v12  }
0x36c: {  	[tilespmem:s16+$0xE0] =	vst v11  }
0x36d: {  	[tilespmem:s16+$0xA0] =	vst v9  }
0x36e: {  	[tilespmem:s16+$0x80] =	vst v13  }
0x36f: {  	[tilespmem:s16+$0xF0] =	vst v10  }
0x370: {  	s17 =	sshra.s32 s20, $0x2;
	v9 =	vld [tilespmem:s5+$0xFFFFFF60];
	[tilespmem:s16+$0x90] =	vst v14;
	s16 =	smov.u32 s5  }
0x371: {  	v10 =	vld [tilespmem:s17+$0x6E70]  }
0x372: {  	v11 =	vld [tilespmem:s5+$0xFFFFFF40]  }
0x373: {  	v12 =	vld [tilespmem:s5+$0xFFFFFF00]  }
0x374: {  	v13 =	vld [tilespmem:s5+$0xFFFFFF20]  }
0x375: {  	v14 =	vld [tilespmem:s5+$0xFFFFFF50]  }
0x376: {  	v15 =	vperm.xlane v10, v0;
	v16 =	vperm.xlane v10, v7;
	v17 =	vld [tilespmem:s5+$0xFFFFFF70]  }
0x377: {  	v19 =	vperm.xlane v10, v2;
	v20 =	vperm.xlane v10, v4;
	v18 =	vld [tilespmem:s5+$0xFFFFFF10]  }
0x378: {  	v21 =	vperm.xlane v10, v5;
	v12 =	vmul.f32 v12, v15;
	v15 =	vld [tilespmem:s5+$0xFFFFFF30]  }
0x379: {  	v11 =	vmul.f32 v11, v20;
	v13 =	vmul.f32 v13, v19  }
0x37a: {  	[tilespmem:s5+$0xFFFFFF00] =	vst v12;
	v12 =	vperm.xlane v10, v1;
	v14 =	vmul.f32 v14, v21  }
0x37b: {  	[tilespmem:s5+$0xFFFFFF20] =	vst v13;
	v13 =	vperm.xlane v10, v3;
	v10 =	vperm.xlane v10, v6  }
0x37c: {  	v12 =	vmul.f32 v18, v12;
	[tilespmem:s5+$0xFFFFFF40] =	vst v11;
	v11 =	vmul.f32 v17, v16  }
0x37d: {  	v13 =	vmul.f32 v15, v13;
	[tilespmem:s5+$0xFFFFFF50] =	vst v14;
	v9 =	vmul.f32 v9, v10  }
0x37e: {  	[tilespmem:s5+$0xFFFFFF70] =	vst v11  }
0x37f: {  	[tilespmem:s5+$0xFFFFFF10] =	vst v12  }
0x380: {  	[tilespmem:s5+$0xFFFFFF30] =	vst v13  }
0x381: {  	[tilespmem:s5+$0xFFFFFF60] =	vst v9;
	v9 =	vld [tilespmem:s5+$0xFFFFFFF0]  }
0x382: {  	v10 =	vld [tilespmem:s17+$0x6E80]  }
0x383: {  	v11 =	vld [tilespmem:s5+$0xFFFFFFD0]  }
0x384: {  	v12 =	vld [tilespmem:s5+$0xFFFFFFB0]  }
0x385: {  	v13 =	vld [tilespmem:s5+$0xFFFFFFA0]  }
0x386: {  	v14 =	vld [tilespmem:s5+$0xFFFFFF90]  }
0x387: {  	v15 =	vperm.xlane v10, v0;
	v16 =	vld [tilespmem:s5+$0xFFFFFFE0];
	v17 =	vperm.xlane v10, v7  }
0x388: {  	v19 =	vperm.xlane v10, v2;
	v20 =	vperm.xlane v10, v3;
	v18 =	vld [tilespmem:s5+$0xFFFFFF80]  }
0x389: {  	v21 =	vperm.xlane v10, v1;
	v23 =	vperm.xlane v10, v6;
	v22 =	vld [tilespmem:s5+$0xFFFFFFC0]  }
0x38a: {  	v12 =	vmul.f32 v12, v20;
	v13 =	vmul.f32 v13, v19  }
0x38b: {  	v19 =	vperm.xlane v10, v5;
	v14 =	vmul.f32 v14, v21  }
0x38c: {  	v10 =	vperm.xlane v10, v4;
	[tilespmem:s5+$0xFFFFFFB0] =	vst v12;
	v12 =	vmul.f32 v16, v23  }
0x38d: {  	v11 =	vmul.f32 v11, v19;
	v15 =	vmul.f32 v18, v15;
	[tilespmem:s5+$0xFFFFFFA0] =	vst v13  }
0x38e: {  	v9 =	vmul.f32 v9, v17;
	v10 =	vmul.f32 v22, v10;
	[tilespmem:s5+$0xFFFFFFE0] =	vst v12  }
0x38f: {  	[tilespmem:s5+$0xFFFFFFD0] =	vst v11  }
0x390: {  	[tilespmem:s5+$0xFFFFFF90] =	vst v14  }
0x391: {  	[tilespmem:s5+$0xFFFFFF80] =	vst v15  }
0x392: {  	[tilespmem:s5+$0xFFFFFFF0] =	vst v9  }
.Ltmp8:
0x393: {  	[tilespmem:s5+$0xFFFFFFC0] =	vst v10;
	(pc) =	sbr.rel @p1 .LBB2_18-.Ltmp8, $4  }
0x394: {  	v10 =	vld [tilespmem:s17+$0x6E90]  }
0x395: {  	v9 =	vld [tilespmem:s5+$0x50]  }
0x396: {  	v12 =	vld [tilespmem:s5+$0x60]  }
0x397: {  	v11 =	vld [tilespmem:s5+$0x70]  }
0x398: {  	_ = 	snop  }
0x399: {  	v13 =	vld [tilespmem:s16+$0x0];
	v15 =	vperm.xlane v10, v6  }
0x39a: {  	v14 =	vld [tilespmem:s16+$0x30];
	v16 =	vperm.xlane v10, v1  }
0x39b: {  	v18 =	vld [tilespmem:s16+$0x40];
	v43 =	vperm.xlane v10, v5;
	v12 =	vmul.f32 v12, v15  }
0x39c: {  	v42 =	vld [tilespmem:s16+$0x20];
	v17 =	vperm.xlane v10, v0;
	v8 =	vmul.f32 v8, v16  }
0x39d: {  	v41 =	vperm.xlane v10, v3;
	v9 =	vmul.f32 v9, v43;
	[tilespmem:s16+$0x60] =	vst v12  }
0x39e: {  	v44 =	vperm.xlane v10, v4;
	v13 =	vmul.f32 v13, v17;
	[tilespmem:s16+$0x10] =	vst v8  }
0x39f: {  	v46 =	vperm.xlane v10, v2;
	v8 =	vmul.f32 v14, v41;
	[tilespmem:s16+$0x50] =	vst v9  }
0x3a0: {  	v45 =	vperm.xlane v10, v7;
	v12 =	vmul.f32 v18, v44;
	[tilespmem:s16+$0x0] =	vst v13  }
0x3a1: {  	v47 =	vmul.f32 v42, v46;
	[tilespmem:s16+$0x30] =	vst v8  }
0x3a2: {  	v8 =	vmul.f32 v11, v45;
	[tilespmem:s16+$0x40] =	vst v12  }
0x3a3: {  	[tilespmem:s16+$0x20] =	vst v47  }
0x3a4: {  	[tilespmem:s16+$0x70] =	vst v8  }
0x3a5: {  	v8 =	vld [tilespmem:s17+$0x6EA0];
	_ =	sdelay $0x1  }
0x3a6: {  	v49 =	vld [tilespmem:s16+$0xB0]  }
0x3a7: {  	v50 =	vld [tilespmem:s16+$0xC0]  }
0x3a8: {  	v51 =	vld [tilespmem:s16+$0xD0]  }
0x3a9: {  	v52 =	vld [tilespmem:s16+$0xE0];
	v53 =	vperm.xlane v8, v3  }
0x3aa: {  	v48 =	vld [tilespmem:s16+$0xA0];
	v55 =	vperm.xlane v8, v4;
	v57 =	vperm.xlane v8, v5  }
0x3ab: {  	v54 =	vld [tilespmem:s16+$0x80];
	v19 =	vperm.xlane v8, v6;
	v10 =	vmul.f32 v49, v53  }
0x3ac: {  	v58 =	vld [tilespmem:s16+$0x90];
	v59 =	vperm.xlane v8, v2;
	v11 =	vmul.f32 v50, v55  }
0x3ad: {  	v56 =	vld [tilespmem:s16+$0xF0];
	v61 =	vperm.xlane v8, v0;
	v60 =	vmul.f32 v51, v57;
	[tilespmem:s16+$0xB0] =	vst v10  }
0x3ae: {  	v62 =	vperm.xlane v8, v7;
	v13 =	vmul.f32 v52, v19;
	[tilespmem:s16+$0xC0] =	vst v11  }
0x3af: {  	v8 =	vperm.xlane v8, v1;
	v9 =	vmul.f32 v48, v59;
	[tilespmem:s16+$0xD0] =	vst v60  }
0x3b0: {  	v63 =	vmul.f32 v54, v61;
	[tilespmem:s16+$0xE0] =	vst v13  }
0x3b1: {  	v8 =	vmul.f32 v58, v8;
	[tilespmem:s16+$0xA0] =	vst v9  }
0x3b2: {  	v11 =	vmul.f32 v56, v62;
	[tilespmem:s16+$0x80] =	vst v63  }
0x3b3: {  	[tilespmem:s16+$0x90] =	vst v8  }
0x3b4: {  	[tilespmem:s16+$0xF0] =	vst v11  }
0x3b5: {  	[spmem:s3] =	stream.indirect.scatter.add.f32 [tilespmem:s30], [sflag:$0x9], $0x80, s23, s25, $0xb8;
	[tilespmem:$0x1E4B0] =	vst v63  }
0x3b6: {  	_ = 	snop  }
0x3b7: {  	[spmem:s4] =	stream.indirect.scatter.add.f32 [tilespmem:s13], [sflag:$0xA], $0x10, s23, s25, $0xb8;
	[tilespmem:$0x1E4B0] =	vst v63  }
0x3b8: {  	_ =	swait.ge [sflag:s14], $0x1400  }
0x3b9: {  	[sflag:s14] =	ssyncset.done $0x0  }
0x3ba: {  	[sflag:s14] =	ssyncadd.s32 $0xFFFFEC00  }
0x3bb: {  	_ =	swait.ge [sflag:s15], $0x280  }
0x3bc: {  	[sflag:s15] =	ssyncset.done $0x0  }
0x3bd: {  	[sflag:s15] =	ssyncadd.s32 $0xFFFFFD80  }
0x3be: {  	_ =	swait.ge [sflag:s21], $0x1400  }
0x3bf: {  	[sflag:s21] =	ssyncset.done $0x0  }
0x3c0: {  	[sflag:s21] =	ssyncadd.s32 $0xFFFFEC00  }
0x3c1: {  	_ =	swait.ge [sflag:s22], $0x280  }
0x3c2: {  	[sflag:s22] =	ssyncset.done $0x0  }
0x3c3: {  	[sflag:s22] =	ssyncadd.s32 $0xFFFFFD80  }
0x3c4: {  	[bflag:$0x0] =	sbarrier.arrive $0xFFFF  }
0x3c5: {  	s16 =	rddreg [dreg:$0x11]  }
0x3c6: {  	s5 =	simm.s32 @p0 $0x1FCB;
	s17 =	rddreg [dreg:$0x15]  }
0x3c7: {  	[hbm:s16], [sflag:s5] =	dma.local @p0 [spmem:s17], $0x2800  }
0x3c8: {  	s16 =	simm.s32 @p0 $0xB  }
0x3c9: {  	_ =	swait.ge @p0 [sflag:s16], $0x2800  }
0x3ca: {  	[sflag:s16] =	ssyncset.done @p0 $0x0;
	s17 =	rddreg [dreg:$0x12]  }
0x3cb: {  	s18 =	rddreg [dreg:$0x16];
	[sflag:s16] =	ssyncadd.s32 @p0 $0xFFFFD800  }
0x3cc: {  	[hbm:s17], [sflag:s5] =	dma.local @p0 [spmem:s18], $0x500  }
0x3cd: {  	_ =	swait.ge @p0 [sflag:s16], $0x500  }
0x3ce: {  	s5 =	rddreg [dreg:$0xf]  }
0x3cf: {  	[sflag:s16] =	ssyncset.done @p0 $0x0;
	s17 =	rddreg [dreg:$0x14]  }
0x3d0: {  	[sflag:s16] =	ssyncadd.s32 @p0 $0xFFFFFB00;
	s16 =	rddreg [dreg:$0x17]  }
0x3d1: {  	[hbm:s5], [sflag:s17] =	dma.local @!p0 [spmem:s16], $0x2700  }
0x3d2: {  	s5 =	simm.s32 @!p0 $0xB  }
0x3d3: {  	_ =	swait.ge @!p0 [sflag:s5], $0x2700  }
0x3d4: {  	[sflag:s5] =	ssyncset.done @!p0 $0x0;
	s16 =	rddreg [dreg:$0x10]  }
0x3d5: {  	s18 =	rddreg [dreg:$0x18];
	[sflag:s5] =	ssyncadd.s32 @!p0 $0xFFFFD900  }
0x3d6: {  	[hbm:s16], [sflag:s17] =	dma.local @!p0 [spmem:s18], $0x4E0  }
0x3d7: {  	_ =	swait.ge @!p0 [sflag:s5], $0x4E0  }
0x3d8: {  	s19 =	sadd.s32 $0x1, s19;
	s23 =	rddreg [dreg:$0x13]  }
0x3d9: {  	p1 =	sne.s32 s19, s23  }
.Ltmp9:
0x3da: {  	_ = 	snop;
	(pc) =	sbr.rel @p1 .LBB2_1-.Ltmp9, $3  }
0x3db: {  	_ =	sdelay $0x1  }
0x3dc: {  	[sflag:s5] =	ssyncset.done @!p0 $0x0  }
0x3dd: {  	[sflag:s5] =	ssyncadd.s32 @!p0 $0xFFFFFB20  }
0x3de: {  	_ =	sfence.sel $0x180000  }
0x3df: {  	[bflag:$0x0] =	sbarrier.arrive $0xFFFF  }
0x3e0: {  	_ =	strace $0x90000047  }
0x3e1: {  	s0 =	stileid.u32;
	[bflag:$0x2] =	sbarrier.arrive $0xFFFF  }
0x3e2: {  	p0 =	sne.s32 s0, $0x0;
	s0 =	rddreg [dreg:$0x4]  }
0x3e3: {  	s0 =	sadd.s32 @!p0 $0x100000, s0  }
0x3e4: {  	[sflag:s0] =	ssyncadd.tile.s32 @!p0 $0x1;
	_ =	shalt  }
.Lfunc_end2:
_tile_overlayer_lowered:
.L_overlay_start_2:
0x3e5: {  	(tag) =	ssettag $0x2  }
0x3e6: {  	s0 =	rddreg [dreg:$0x0];
	s2 =	stileid.u32  }
0x3e7: {  	s1 =	rddreg [dreg:$0x1];
	p0 =	sne.s32 s2, $0x0  }
0x3e8: {  	s3 =	rddreg [dreg:$0x2];
	[bflag:$0x3] =	sbarrier.arrive $0xFFFF;
	s2 =	simm.s32 @!p0 $0x1C0B  }
0x3e9: {  	[timem:s3], [sflag:s2] =	dma.local @!p0 [hbm:s0], s1  }
0x3ea: {  	s0 =	simm.s32 @!p0 $0xB  }
0x3eb: {  	_ =	swait.ge @!p0 [sflag:s0], s1  }
0x3ec: {  	s1 =	ssub.s32 @!p0 $0x0, s1;
	[sflag:s0] =	ssyncset.done @!p0 $0x0  }
0x3ed: {  	[sflag:s0] =	ssyncadd.s32 @!p0 s1  }
0x3ee: {  	[bflag:$0x3] =	sbarrier.arrive $0xFFFF  }
0x3ef: {  	_ =	shalt  }

</sc_bundles>
